<compile_context>
chip_gen: v7x
topology: tpu7x:2x2x1
jax: 0.10.2.dev20260603
libtpu: 0.0.44.dev20260713+nightly
codegen_flags: <defaults>
</compile_context>

<pallas_src>
import functools

import jax
import jax.numpy as jnp
from jax import lax
from jax.experimental import pallas as pl
from jax.experimental.pallas import tpu as pltpu
from jax.experimental.pallas import tpu_sc as plsc

B = 8
T = 2048
D = 1024
L = 16
NW = 32
QPB = NW // B
TW = T // QPB
NCHUNK = T // L
WCHUNK = TW // L
BLK = 32
ZROWS = 16
TH = T // 2
E0 = 512
NBLK_MAX = max(E0, TH - E0) // BLK


@functools.cache
def _build_sc_call():
    mesh = plsc.VectorSubcoreMesh(core_axis_name="c", subcore_axis_name="s")

    @functools.partial(
        pl.kernel,
        out_type=(
            jax.ShapeDtypeStruct((B * T, D), jnp.float32),
            jax.ShapeDtypeStruct((B, L), jnp.int32),
        ),
        mesh=mesh,
        compiler_params=pltpu.CompilerParams(needs_layout_passes=False),
        scratch_types=[
            pltpu.VMEM((T,), jnp.int32),
            pltpu.VMEM((NBLK_MAX, BLK), jnp.int32),
            pltpu.VMEM((BLK, D), jnp.float32),
            pltpu.VMEM((BLK, D), jnp.float32),
            pltpu.VMEM((BLK, D), jnp.float32),
            pltpu.VMEM((ZROWS, D), jnp.float32),
            pltpu.VMEM((L,), jnp.int32),
            pltpu.SemaphoreType.DMA,
            pltpu.SemaphoreType.DMA,
            pltpu.SemaphoreType.DMA,
            pltpu.SemaphoreType.DMA,
            pltpu.SemaphoreType.DMA,
            pltpu.SemaphoreType.DMA,
            pltpu.SemaphoreType.DMA,
            pltpu.SemaphoreType.DMA,
        ],
    )
    def sc_kernel(data_hbm, bs_hbm, out_hbm, len_hbm,
                  bs_v, idx_v, buf0, buf1, buf2, zero_v, len_v,
                  bssem, gsem0, gsem1, gsem2, ssem0, ssem1, ssem2, zsem):
        bufs = (buf0, buf1, buf2)
        gsems = (gsem0, gsem1, gsem2)
        ssems = (ssem0, ssem1, ssem2)

        cid = lax.axis_index("c")
        sid = lax.axis_index("s")
        wid = sid * 2 + cid
        b = wid // QPB
        qq = wid % QPB
        q = qq + (b % 2) * (1 - 2 * (qq % 2))
        t0 = (q // 2) * TH + (q % 2) * E0
        tw = jnp.where(q % 2 == 0, E0, TH - E0)
        row0 = b * T + t0

        pltpu.async_copy(bs_hbm, bs_v, bssem)

        lanes = lax.iota(jnp.int32, L)
        zeros_i = jnp.zeros((L,), jnp.int32)
        zeros_f = jnp.zeros((L,), jnp.float32)

        def zrow(r, _):
            def zcol(jc, _):
                zero_v[r, pl.ds(jc * L, L)] = zeros_f
                return 0
            return lax.fori_loop(0, D // L, zcol, 0)

        lax.fori_loop(0, ZROWS, zrow, 0)
        pltpu.make_async_copy(bs_hbm, bs_v, bssem).wait()

        def pass1(c, st):
            acc_c, acc_l = st
            bs_c = bs_v[pl.ds(c * L, L)]
            acc_l = acc_l + jnp.minimum(jnp.maximum(bs_c - b, 0), 1)
            gate = jnp.minimum(jnp.maximum(t0 // L - c, 0), 1)
            acc_c = acc_c + bs_c * gate
            return acc_c, acc_l

        acc_c, acc_l = lax.fori_loop(0, NCHUNK, pass1, (zeros_i, zeros_i))
        carry0 = jnp.sum(acc_c)
        len_b = jnp.sum(acc_l)

        nv_total = jnp.clip(len_b - t0, 0, tw)
        nd = (nv_total + (BLK - 1)) // BLK
        tw32 = tw // BLK

        ZWIN = 12

        def zstore(g, _):
            pltpu.async_copy(
                zero_v, out_hbm.at[pl.ds(row0 + g * BLK, ZROWS)], zsem)
            pltpu.async_copy(
                zero_v, out_hbm.at[pl.ds(row0 + g * BLK + ZROWS, ZROWS)], zsem)

            @pl.when(g - ZWIN >= nd)
            def _():
                gp = g - ZWIN
                pltpu.make_async_copy(
                    zero_v, out_hbm.at[pl.ds(row0 + gp * BLK, ZROWS)],
                    zsem).wait()
                pltpu.make_async_copy(
                    zero_v, out_hbm.at[pl.ds(row0 + gp * BLK + ZROWS, ZROWS)],
                    zsem).wait()

            return 0

        lax.fori_loop(nd, tw32, zstore, 0)

        def pass2(j, carry):
            c = t0 // L + j
            bs_c = bs_v[pl.ds(c * L, L)]
            incl = plsc.cumsum(bs_c)
            idx = carry + incl - bs_c + b
            tvec = c * L + lanes
            idx = idx * jnp.minimum(jnp.maximum(len_b - tvec, 0), 1)
            idx_v[j // 2, pl.ds((j % 2) * L, L)] = idx
            return carry + jnp.sum(bs_c)

        carry4 = lax.fori_loop(0, 4, pass2, carry0)

        @pl.when(nd > 0)
        def _():
            pltpu.async_copy(data_hbm.at[idx_v.at[0]], buf0, gsem0)

        @pl.when(nd > 1)
        def _():
            pltpu.async_copy(data_hbm.at[idx_v.at[1]], buf1, gsem1)

        lax.fori_loop(4, tw // L, pass2, carry4)

        @pl.when(q == 0)
        def _():
            len_v[...] = zeros_i + len_b
            pltpu.sync_copy(len_v, len_hbm.at[b])

        for g in range(NBLK_MAX):
            buf, gs, ss = bufs[g % 3], gsems[g % 3], ssems[g % 3]
            dst = out_hbm.at[pl.ds(row0 + g * BLK, BLK)]

            if g + 2 < NBLK_MAX:
                nbuf, ngs = bufs[(g + 2) % 3], gsems[(g + 2) % 3]

                @pl.when(g + 2 < nd)
                def _(nbuf=nbuf, ngs=ngs, g=g):
                    if g >= 1:
                        pbuf, pss = bufs[(g - 1) % 3], ssems[(g - 1) % 3]
                        pdst = out_hbm.at[pl.ds(row0 + (g - 1) * BLK, BLK)]
                        pltpu.make_async_copy(pbuf, pdst, pss).wait()
                    pltpu.async_copy(data_hbm.at[idx_v.at[g + 2]], nbuf, ngs)

            @pl.when(g < nd)
            def _(buf=buf, gs=gs, ss=ss, dst=dst, g=g):
                pltpu.make_async_copy(data_hbm.at[idx_v.at[g]], buf, gs).wait()
                nv_g = jnp.clip(nv_total - g * BLK, 0, BLK)

                def zr(r, _):
                    def zc(jc, _):
                        buf[r, pl.ds(jc * L, L)] = zeros_f
                        return 0
                    return lax.fori_loop(0, D // L, zc, 0)

                lax.fori_loop(nv_g, BLK, zr, 0)
                pltpu.async_copy(buf, dst, ss)

        for g in range(NBLK_MAX):
            @pl.when((g < nd) & (g >= nd - 3))
            def _(g=g):
                pltpu.make_async_copy(
                    bufs[g % 3],
                    out_hbm.at[pl.ds(row0 + g * BLK, BLK)],
                    ssems[g % 3]).wait()

        def zdrain(g, _):
            pltpu.make_async_copy(
                zero_v, out_hbm.at[pl.ds(row0 + g * BLK, ZROWS)], zsem).wait()
            pltpu.make_async_copy(
                zero_v, out_hbm.at[pl.ds(row0 + g * BLK + ZROWS, ZROWS)],
                zsem).wait()
            return 0

        lax.fori_loop(jnp.maximum(nd, tw32 - ZWIN), tw32, zdrain, 0)

    return sc_kernel


def kernel(data, batch_sizes):
    bs32 = batch_sizes.astype(jnp.int32)
    out_flat, len_grid = _build_sc_call()(data, bs32)
    padded = out_flat.reshape(B, T, D)
    lengths = len_grid[:, 0]
    return padded, lengths

# --- scband reference (transcript-rebuilt; emitter-appended) ---
"""Pipeline reference for scband-packed2-padded-28441273434518 (READ-ONLY COPY).

The authoritative reference and input builder live on the scoring server;
editing this copy changes nothing except your own understanding.
"""

import jax, jax.numpy as jnp
import numpy as np

B = 8
T = 2048
D = 1024
LENGTHS = np.array([2048, 1792, 1536, 1280, 1024, 768, 512, 256], dtype=np.int64)


def setup_inputs(seed: int = 0) -> dict:
    key = jax.random.key(seed)
    # PackedSequence layout: batch_sizes[t] = number of sequences still active at timestep t
    # (sequences sorted by decreasing length). Non-increasing by construction.
    batch_sizes = np.array([(LENGTHS > t).sum() for t in range(T)], dtype=np.int64)
    total = int(batch_sizes.sum())  # 9216
    data = jax.random.normal(key, (total, D), dtype=jnp.float32)
    return {"data": data, "batch_sizes": jnp.asarray(batch_sizes)}


def reference(data, batch_sizes):
    # Faithful jax translation of torch.nn.utils.rnn.pad_packed_sequence(batch_first=True).
    # data: float32[total, D] in packed (time-major, length-sorted) order.
    # batch_sizes: int64[T], non-increasing.
    T_ = batch_sizes.shape[0]
    total = data.shape[0]
    csum = jnp.cumsum(batch_sizes)
    offsets = csum - batch_sizes  # exclusive prefix sum
    idx = jnp.arange(total)
    # timestep of each packed element
    t = jnp.searchsorted(csum, idx, side='right')
    # batch index (position within the timestep block)
    b = idx - offsets[t]
    padded = jnp.zeros((B, T_, data.shape[1]), dtype=data.dtype).at[b, t].set(data)
    lengths = jnp.sum(batch_sizes[None, :] > jnp.arange(B)[:, None], axis=1)
    return padded, lengths

if __name__ == "__main__":
    import jax
    _d = setup_inputs()
    print(jax.jit(kernel)(*tuple(_d.values())))

</pallas_src>

<mosaic_0001>
#map = affine_map<(d0, d1) -> (0, 0)>
#map1 = affine_map<(d0, d1) -> (0)>
module attributes {stable_mosaic.version = 14 : i64} {
  func.func @sc_kernel(%arg0: i32, %arg1: i32, %arg2: memref<9216x1024xf32, #tpu.memory_space<hbm>>, %arg3: memref<2048xi32, #tpu.memory_space<hbm>>, %arg4: memref<16384x1024xf32, #tpu.memory_space<hbm>>, %arg5: memref<8x16xi32, #tpu.memory_space<hbm>>, %arg6: memref<2048xi32, #tpu.memory_space<vmem>>, %arg7: memref<16x32xi32, #tpu.memory_space<vmem>>, %arg8: memref<32x1024xf32, #tpu.memory_space<vmem>>, %arg9: memref<32x1024xf32, #tpu.memory_space<vmem>>, %arg10: memref<32x1024xf32, #tpu.memory_space<vmem>>, %arg11: memref<16x1024xf32, #tpu.memory_space<vmem>>, %arg12: memref<16xi32, #tpu.memory_space<vmem>>, %arg13: memref<!tpu.dma_semaphore, #tpu.memory_space<semaphore_mem>>, %arg14: memref<!tpu.dma_semaphore, #tpu.memory_space<semaphore_mem>>, %arg15: memref<!tpu.dma_semaphore, #tpu.memory_space<semaphore_mem>>, %arg16: memref<!tpu.dma_semaphore, #tpu.memory_space<semaphore_mem>>, %arg17: memref<!tpu.dma_semaphore, #tpu.memory_space<semaphore_mem>>, %arg18: memref<!tpu.dma_semaphore, #tpu.memory_space<semaphore_mem>>, %arg19: memref<!tpu.dma_semaphore, #tpu.memory_space<semaphore_mem>>, %arg20: memref<!tpu.dma_semaphore, #tpu.memory_space<semaphore_mem>>) attributes {dimension_semantics = [#tpu.dimension_semantics<core_parallel>, #tpu.dimension_semantics<subcore_parallel>], iteration_bounds = array<i64: 2, 16>, scalar_prefetch = 0 : i64, scratch_operands = 15 : i64, tpu.core_type = #tpu.core_type<sc_vector_subcore>, window_params = [{transform_indices = #map}, {transform_indices = #map1}, {transform_indices = #map}, {transform_indices = #map}]} {
    %mul3A = arith.constant 2 : i32
    %mul3A_0 = arith.muli %arg1, %mul3A : i32
    %add3A = arith.addi %mul3A_0, %arg0 : i32
    %jit3A = arith.constant 4 : i32
    %div3A = arith.divsi %add3A, %jit3A : i32
    %sign3A = arith.constant 0 : i32
    %sign3A_1 = arith.cmpi sgt, %add3A, %sign3A : i32
    %sign3A_2 = arith.extui %sign3A_1 : i1 to i32
    %sign3A_3 = arith.constant 0 : i32
    %sign3A_4 = arith.cmpi slt, %add3A, %sign3A_3 : i32
    %sign3A_5 = arith.extui %sign3A_4 : i1 to i32
    %sign3A_6 = arith.subi %sign3A_2, %sign3A_5 : i32
    %sign3A_7 = arith.constant 0 : i32
    %sign3A_8 = arith.cmpi sgt, %jit3A, %sign3A_7 : i32
    %sign3A_9 = arith.extui %sign3A_8 : i1 to i32
    %sign3A_10 = arith.constant 0 : i32
    %sign3A_11 = arith.cmpi slt, %jit3A, %sign3A_10 : i32
    %sign3A_12 = arith.extui %sign3A_11 : i1 to i32
    %sign3A_13 = arith.subi %sign3A_9, %sign3A_12 : i32
    %ne3A = arith.cmpi ne, %sign3A_6, %sign3A_13 : i32
    %rem3A = arith.remsi %add3A, %jit3A : i32
    %ne3A_14 = arith.constant 0 : i32
    %ne3A_15 = arith.cmpi ne, %rem3A, %ne3A_14 : i32
    %and3A = arith.andi %ne3A, %ne3A_15 : i1
    %sub3A = arith.constant 1 : i32
    %sub3A_16 = arith.subi %div3A, %sub3A : i32
    %select_n3A = arith.select %and3A, %sub3A_16, %div3A : i32
    %jit3A_17 = arith.constant 4 : i32
    %eq3A = arith.constant 0 : i32
    %eq3A_18 = arith.cmpi eq, %jit3A_17, %eq3A : i32
    %jit3A_19 = arith.constant 1 : i32
    %select_n3A_20 = arith.select %eq3A_18, %jit3A_19, %jit3A_17 : i32
    %rem3A_21 = arith.remsi %add3A, %select_n3A_20 : i32
    %ne3A_22 = arith.constant 0 : i32
    %ne3A_23 = arith.cmpi ne, %rem3A_21, %ne3A_22 : i32
    %lt3A = arith.constant 0 : i32
    %lt3A_24 = arith.cmpi slt, %rem3A_21, %lt3A : i32
    %lt3A_25 = arith.constant 0 : i32
    %lt3A_26 = arith.cmpi slt, %select_n3A_20, %lt3A_25 : i32
    %ne3A_27 = arith.xori %lt3A_24, %lt3A_26 : i1
    %and3A_28 = arith.andi %ne3A_27, %ne3A_23 : i1
    %add3A_29 = arith.addi %rem3A_21, %select_n3A_20 : i32
    %select_n3A_30 = arith.select %and3A_28, %add3A_29, %rem3A_21 : i32
    %jit3A_31 = arith.constant 2 : i32
    %eq3A_32 = arith.constant 0 : i32
    %eq3A_33 = arith.cmpi eq, %jit3A_31, %eq3A_32 : i32
    %jit3A_34 = arith.constant 1 : i32
    %select_n3A_35 = arith.select %eq3A_33, %jit3A_34, %jit3A_31 : i32
    %rem3A_36 = arith.remsi %select_n3A, %select_n3A_35 : i32
    %ne3A_37 = arith.constant 0 : i32
    %ne3A_38 = arith.cmpi ne, %rem3A_36, %ne3A_37 : i32
    %lt3A_39 = arith.constant 0 : i32
    %lt3A_40 = arith.cmpi slt, %rem3A_36, %lt3A_39 : i32
    %lt3A_41 = arith.constant 0 : i32
    %lt3A_42 = arith.cmpi slt, %select_n3A_35, %lt3A_41 : i32
    %ne3A_43 = arith.xori %lt3A_40, %lt3A_42 : i1
    %and3A_44 = arith.andi %ne3A_43, %ne3A_38 : i1
    %add3A_45 = arith.addi %rem3A_36, %select_n3A_35 : i32
    %select_n3A_46 = arith.select %and3A_44, %add3A_45, %rem3A_36 : i32
    %jit3A_47 = arith.constant 2 : i32
    %eq3A_48 = arith.constant 0 : i32
    %eq3A_49 = arith.cmpi eq, %jit3A_47, %eq3A_48 : i32
    %jit3A_50 = arith.constant 1 : i32
    %select_n3A_51 = arith.select %eq3A_49, %jit3A_50, %jit3A_47 : i32
    %rem3A_52 = arith.remsi %select_n3A_30, %select_n3A_51 : i32
    %ne3A_53 = arith.constant 0 : i32
    %ne3A_54 = arith.cmpi ne, %rem3A_52, %ne3A_53 : i32
    %lt3A_55 = arith.constant 0 : i32
    %lt3A_56 = arith.cmpi slt, %rem3A_52, %lt3A_55 : i32
    %lt3A_57 = arith.constant 0 : i32
    %lt3A_58 = arith.cmpi slt, %select_n3A_51, %lt3A_57 : i32
    %ne3A_59 = arith.xori %lt3A_56, %lt3A_58 : i1
    %and3A_60 = arith.andi %ne3A_59, %ne3A_54 : i1
    %add3A_61 = arith.addi %rem3A_52, %select_n3A_51 : i32
    %select_n3A_62 = arith.select %and3A_60, %add3A_61, %rem3A_52 : i32
    %mul3A_63 = arith.constant 2 : i32
    %mul3A_64 = arith.muli %mul3A_63, %select_n3A_62 : i32
    %sub3A_65 = arith.constant 1 : i32
    %sub3A_66 = arith.subi %sub3A_65, %mul3A_64 : i32
    %mul3A_67 = arith.muli %select_n3A_46, %sub3A_66 : i32
    %add3A_68 = arith.addi %select_n3A_30, %mul3A_67 : i32
    %jit3A_69 = arith.constant 2 : i32
    %div3A_70 = arith.divsi %add3A_68, %jit3A_69 : i32
    %sign3A_71 = arith.constant 0 : i32
    %sign3A_72 = arith.cmpi sgt, %add3A_68, %sign3A_71 : i32
    %sign3A_73 = arith.extui %sign3A_72 : i1 to i32
    %sign3A_74 = arith.constant 0 : i32
    %sign3A_75 = arith.cmpi slt, %add3A_68, %sign3A_74 : i32
    %sign3A_76 = arith.extui %sign3A_75 : i1 to i32
    %sign3A_77 = arith.subi %sign3A_73, %sign3A_76 : i32
    %sign3A_78 = arith.constant 0 : i32
    %sign3A_79 = arith.cmpi sgt, %jit3A_69, %sign3A_78 : i32
    %sign3A_80 = arith.extui %sign3A_79 : i1 to i32
    %sign3A_81 = arith.constant 0 : i32
    %sign3A_82 = arith.cmpi slt, %jit3A_69, %sign3A_81 : i32
    %sign3A_83 = arith.extui %sign3A_82 : i1 to i32
    %sign3A_84 = arith.subi %sign3A_80, %sign3A_83 : i32
    %ne3A_85 = arith.cmpi ne, %sign3A_77, %sign3A_84 : i32
    %rem3A_86 = arith.remsi %add3A_68, %jit3A_69 : i32
    %ne3A_87 = arith.constant 0 : i32
    %ne3A_88 = arith.cmpi ne, %rem3A_86, %ne3A_87 : i32
    %and3A_89 = arith.andi %ne3A_85, %ne3A_88 : i1
    %sub3A_90 = arith.constant 1 : i32
    %sub3A_91 = arith.subi %div3A_70, %sub3A_90 : i32
    %select_n3A_92 = arith.select %and3A_89, %sub3A_91, %div3A_70 : i32
    %mul3A_93 = arith.constant 1024 : i32
    %mul3A_94 = arith.muli %select_n3A_92, %mul3A_93 : i32
    %jit3A_95 = arith.constant 2 : i32
    %eq3A_96 = arith.constant 0 : i32
    %eq3A_97 = arith.cmpi eq, %jit3A_95, %eq3A_96 : i32
    %jit3A_98 = arith.constant 1 : i32
    %select_n3A_99 = arith.select %eq3A_97, %jit3A_98, %jit3A_95 : i32
    %rem3A_100 = arith.remsi %add3A_68, %select_n3A_99 : i32
    %ne3A_101 = arith.constant 0 : i32
    %ne3A_102 = arith.cmpi ne, %rem3A_100, %ne3A_101 : i32
    %lt3A_103 = arith.constant 0 : i32
    %lt3A_104 = arith.cmpi slt, %rem3A_100, %lt3A_103 : i32
    %lt3A_105 = arith.constant 0 : i32
    %lt3A_106 = arith.cmpi slt, %select_n3A_99, %lt3A_105 : i32
    %ne3A_107 = arith.xori %lt3A_104, %lt3A_106 : i1
    %and3A_108 = arith.andi %ne3A_107, %ne3A_102 : i1
    %add3A_109 = arith.addi %rem3A_100, %select_n3A_99 : i32
    %select_n3A_110 = arith.select %and3A_108, %add3A_109, %rem3A_100 : i32
    %mul3A_111 = arith.constant 512 : i32
    %mul3A_112 = arith.muli %select_n3A_110, %mul3A_111 : i32
    %add3A_113 = arith.addi %mul3A_94, %mul3A_112 : i32
    %jit3A_114 = arith.constant 2 : i32
    %eq3A_115 = arith.constant 0 : i32
    %eq3A_116 = arith.cmpi eq, %jit3A_114, %eq3A_115 : i32
    %jit3A_117 = arith.constant 1 : i32
    %select_n3A_118 = arith.select %eq3A_116, %jit3A_117, %jit3A_114 : i32
    %rem3A_119 = arith.remsi %add3A_68, %select_n3A_118 : i32
    %ne3A_120 = arith.constant 0 : i32
    %ne3A_121 = arith.cmpi ne, %rem3A_119, %ne3A_120 : i32
    %lt3A_122 = arith.constant 0 : i32
    %lt3A_123 = arith.cmpi slt, %rem3A_119, %lt3A_122 : i32
    %lt3A_124 = arith.constant 0 : i32
    %lt3A_125 = arith.cmpi slt, %select_n3A_118, %lt3A_124 : i32
    %ne3A_126 = arith.xori %lt3A_123, %lt3A_125 : i1
    %and3A_127 = arith.andi %ne3A_126, %ne3A_121 : i1
    %add3A_128 = arith.addi %rem3A_119, %select_n3A_118 : i32
    %select_n3A_129 = arith.select %and3A_127, %add3A_128, %rem3A_119 : i32
    %eq3A_130 = arith.constant 0 : i32
    %eq3A_131 = arith.cmpi eq, %select_n3A_129, %eq3A_130 : i32
    %jit3A_132 = arith.constant 512 : i32
    %jit3A_133 = arith.constant 512 : i32
    %select_n3A_134 = arith.select %eq3A_131, %jit3A_132, %jit3A_133 : i32
    %mul3A_135 = arith.constant 2048 : i32
    %mul3A_136 = arith.muli %select_n3A, %mul3A_135 : i32
    %add3A_137 = arith.addi %mul3A_136, %add3A_113 : i32
    tpu.enqueue_dma source(%arg3 : memref<2048xi32, #tpu.memory_space<hbm>>) target(%arg6 : memref<2048xi32, #tpu.memory_space<vmem>>) target_semaphore(%arg13 : memref<!tpu.dma_semaphore, #tpu.memory_space<semaphore_mem>>)
    %iota3A = tpu.iota {dimensions = array<i32: 0>} : vector<16xi32>
    %broadcast_in_dim3A = arith.constant 0 : i32
    %broadcast_in_dim3A_138 = vector.broadcast %broadcast_in_dim3A : i32 to vector<16xi32>
    %broadcast_in_dim3A_139 = arith.constant 0.000000e+00 : f32
    %broadcast_in_dim3A_140 = vector.broadcast %broadcast_in_dim3A_139 : f32 to vector<16xf32>
    %scan3A = arith.constant 0 : i32
    %scan3A_141 = arith.constant 0 : i32
    %scan3A_142 = arith.constant 16 : i32
    %scan3A_143 = arith.addi %scan3A_141, %scan3A_142 : i32
    %scan3A_144 = arith.constant 1 : i32
    %scan3A_145 = scf.for %scan3A_630 = %scan3A_141 to %scan3A_143 step %scan3A_144 iter_args(%scan3A_631 = %scan3A) -> (i32)  : i32 {
      %scan3A_632 = arith.constant 0 : i32
      %scan3A_633 = arith.constant 0 : i32
      %scan3A_634 = arith.constant 64 : i32
      %scan3A_635 = arith.addi %scan3A_633, %scan3A_634 : i32
      %scan3A_636 = arith.constant 1 : i32
      %scan3A_637 = scf.for %scan3A_639 = %scan3A_633 to %scan3A_635 step %scan3A_636 iter_args(%scan3A_640 = %scan3A_632) -> (i32)  : i32 {
        %mul3A_641 = arith.constant 16 : i32
        %mul3A_642 = arith.muli %scan3A_639, %mul3A_641 : i32
        %swap3A = arith.index_cast %scan3A_630 : i32 to index
        %swap3A_643 = arith.index_cast %mul3A_642 : i32 to index
        %swap3A_644 = tpu.vector_load %arg11[%swap3A, %swap3A_643] {strides = array<i32>} : memref<16x1024xf32, #tpu.memory_space<vmem>>, vector<16xf32>,
        tpu.vector_store %arg11[%swap3A, %swap3A_643], %broadcast_in_dim3A_140 {strides = array<i32>} : memref<16x1024xf32, #tpu.memory_space<vmem>>, vector<16xf32>,
        %scan3A_645 = arith.constant 0 : i32
        scf.yield %scan3A_645 : i32
      }
      %scan3A_638 = arith.constant 64 : i32
      scf.yield %scan3A_637 : i32
    }
    %scan3A_146 = arith.constant 16 : i32
    tpu.wait_dma2 semaphore(%arg13 : memref<!tpu.dma_semaphore, #tpu.memory_space<semaphore_mem>>) src(%arg3 : memref<2048xi32, #tpu.memory_space<hbm>>) dst(%arg6 : memref<2048xi32, #tpu.memory_space<vmem>>)
    %scan3A_147 = arith.constant 0 : i32
    %scan3A_148 = arith.constant 128 : i32
    %scan3A_149 = arith.addi %scan3A_147, %scan3A_148 : i32
    %scan3A_150 = arith.constant 1 : i32
    %scan3A_151:2 = scf.for %scan3A_630 = %scan3A_147 to %scan3A_149 step %scan3A_150 iter_args(%scan3A_631 = %broadcast_in_dim3A_138, %scan3A_632 = %broadcast_in_dim3A_138) -> (vector<16xi32>, vector<16xi32>)  : i32 {
      %mul3A_633 = arith.constant 16 : i32
      %mul3A_634 = arith.muli %scan3A_630, %mul3A_633 : i32
      %get3A = arith.index_cast %mul3A_634 : i32 to index
      %get3A_635 = tpu.vector_load %arg6[%get3A] {strides = array<i32>} : memref<2048xi32, #tpu.memory_space<vmem>>, vector<16xi32>,
      %sub3A_636 = vector.broadcast %select_n3A : i32 to vector<16xi32>
      %sub3A_637 = arith.subi %get3A_635, %sub3A_636 : vector<16xi32>
      %max3A_638 = arith.constant 0 : i32
      %max3A_639 = vector.broadcast %max3A_638 : i32 to vector<16xi32>
      %max3A_640 = arith.maxsi %sub3A_637, %max3A_639 : vector<16xi32>
      %min3A_641 = arith.constant 1 : i32
      %min3A_642 = vector.broadcast %min3A_641 : i32 to vector<16xi32>
      %min3A_643 = arith.minsi %max3A_640, %min3A_642 : vector<16xi32>
      %add3A_644 = arith.addi %scan3A_632, %min3A_643 : vector<16xi32>
      %jit3A_645 = arith.constant 16 : i32
      %div3A_646 = arith.divsi %add3A_113, %jit3A_645 : i32
      %sign3A_647 = arith.constant 0 : i32
      %sign3A_648 = arith.cmpi sgt, %add3A_113, %sign3A_647 : i32
      %sign3A_649 = arith.extui %sign3A_648 : i1 to i32
      %sign3A_650 = arith.constant 0 : i32
      %sign3A_651 = arith.cmpi slt, %add3A_113, %sign3A_650 : i32
      %sign3A_652 = arith.extui %sign3A_651 : i1 to i32
      %sign3A_653 = arith.subi %sign3A_649, %sign3A_652 : i32
      %sign3A_654 = arith.constant 0 : i32
      %sign3A_655 = arith.cmpi sgt, %jit3A_645, %sign3A_654 : i32
      %sign3A_656 = arith.extui %sign3A_655 : i1 to i32
      %sign3A_657 = arith.constant 0 : i32
      %sign3A_658 = arith.cmpi slt, %jit3A_645, %sign3A_657 : i32
      %sign3A_659 = arith.extui %sign3A_658 : i1 to i32
      %sign3A_660 = arith.subi %sign3A_656, %sign3A_659 : i32
      %ne3A_661 = arith.cmpi ne, %sign3A_653, %sign3A_660 : i32
      %rem3A_662 = arith.remsi %add3A_113, %jit3A_645 : i32
      %ne3A_663 = arith.constant 0 : i32
      %ne3A_664 = arith.cmpi ne, %rem3A_662, %ne3A_663 : i32
      %and3A_665 = arith.andi %ne3A_661, %ne3A_664 : i1
      %sub3A_666 = arith.constant 1 : i32
      %sub3A_667 = arith.subi %div3A_646, %sub3A_666 : i32
      %select_n3A_668 = arith.select %and3A_665, %sub3A_667, %div3A_646 : i32
      %sub3A_669 = arith.subi %select_n3A_668, %scan3A_630 : i32
      %max3A_670 = arith.constant 0 : i32
      %max3A_671 = arith.maxsi %sub3A_669, %max3A_670 : i32
      %min3A_672 = arith.constant 1 : i32
      %min3A_673 = arith.minsi %max3A_671, %min3A_672 : i32
      %mul3A_674 = vector.broadcast %min3A_673 : i32 to vector<16xi32>
      %mul3A_675 = arith.muli %get3A_635, %mul3A_674 : vector<16xi32>
      %add3A_676 = arith.addi %scan3A_631, %mul3A_675 : vector<16xi32>
      scf.yield %add3A_676, %add3A_644 : vector<16xi32>, vector<16xi32>
    }
    %scan3A_152 = arith.constant 128 : i32
    %reduce_sum3A = arith.constant true
    %reduce_sum3A_153 = vector.broadcast %reduce_sum3A : i1 to vector<16xi1>
    %reduce_sum3A_154 = tpu.scan <sum>, %scan3A_151#0 masked %reduce_sum3A_153 : vector<16xi32>, vector<16xi1> -> vector<16xi32>
    %reduce_sum3A_155 = vector.extract %reduce_sum3A_154[15] : i32 from vector<16xi32>
    %reduce_sum3A_156 = arith.constant true
    %reduce_sum3A_157 = vector.broadcast %reduce_sum3A_156 : i1 to vector<16xi1>
    %reduce_sum3A_158 = tpu.scan <sum>, %scan3A_151#1 masked %reduce_sum3A_157 : vector<16xi32>, vector<16xi1> -> vector<16xi32>
    %reduce_sum3A_159 = vector.extract %reduce_sum3A_158[15] : i32 from vector<16xi32>
    %sub3A_160 = arith.subi %reduce_sum3A_159, %add3A_113 : i32
    %jit3A_161 = arith.constant 0 : i32
    %max3A = arith.maxsi %jit3A_161, %sub3A_160 : i32
    %min3A = arith.minsi %select_n3A_134, %max3A : i32
    %add3A_162 = arith.constant 31 : i32
    %add3A_163 = arith.addi %min3A, %add3A_162 : i32
    %jit3A_164 = arith.constant 32 : i32
    %div3A_165 = arith.divsi %add3A_163, %jit3A_164 : i32
    %sign3A_166 = arith.constant 0 : i32
    %sign3A_167 = arith.cmpi sgt, %add3A_163, %sign3A_166 : i32
    %sign3A_168 = arith.extui %sign3A_167 : i1 to i32
    %sign3A_169 = arith.constant 0 : i32
    %sign3A_170 = arith.cmpi slt, %add3A_163, %sign3A_169 : i32
    %sign3A_171 = arith.extui %sign3A_170 : i1 to i32
    %sign3A_172 = arith.subi %sign3A_168, %sign3A_171 : i32
    %sign3A_173 = arith.constant 0 : i32
    %sign3A_174 = arith.cmpi sgt, %jit3A_164, %sign3A_173 : i32
    %sign3A_175 = arith.extui %sign3A_174 : i1 to i32
    %sign3A_176 = arith.constant 0 : i32
    %sign3A_177 = arith.cmpi slt, %jit3A_164, %sign3A_176 : i32
    %sign3A_178 = arith.extui %sign3A_177 : i1 to i32
    %sign3A_179 = arith.subi %sign3A_175, %sign3A_178 : i32
    %ne3A_180 = arith.cmpi ne, %sign3A_172, %sign3A_179 : i32
    %rem3A_181 = arith.remsi %add3A_163, %jit3A_164 : i32
    %ne3A_182 = arith.constant 0 : i32
    %ne3A_183 = arith.cmpi ne, %rem3A_181, %ne3A_182 : i32
    %and3A_184 = arith.andi %ne3A_180, %ne3A_183 : i1
    %sub3A_185 = arith.constant 1 : i32
    %sub3A_186 = arith.subi %div3A_165, %sub3A_185 : i32
    %select_n3A_187 = arith.select %and3A_184, %sub3A_186, %div3A_165 : i32
    %jit3A_188 = arith.constant 32 : i32
    %div3A_189 = arith.divsi %select_n3A_134, %jit3A_188 : i32
    %sign3A_190 = arith.constant 0 : i32
    %sign3A_191 = arith.cmpi sgt, %select_n3A_134, %sign3A_190 : i32
    %sign3A_192 = arith.extui %sign3A_191 : i1 to i32
    %sign3A_193 = arith.constant 0 : i32
    %sign3A_194 = arith.cmpi slt, %select_n3A_134, %sign3A_193 : i32
    %sign3A_195 = arith.extui %sign3A_194 : i1 to i32
    %sign3A_196 = arith.subi %sign3A_192, %sign3A_195 : i32
    %sign3A_197 = arith.constant 0 : i32
    %sign3A_198 = arith.cmpi sgt, %jit3A_188, %sign3A_197 : i32
    %sign3A_199 = arith.extui %sign3A_198 : i1 to i32
    %sign3A_200 = arith.constant 0 : i32
    %sign3A_201 = arith.cmpi slt, %jit3A_188, %sign3A_200 : i32
    %sign3A_202 = arith.extui %sign3A_201 : i1 to i32
    %sign3A_203 = arith.subi %sign3A_199, %sign3A_202 : i32
    %ne3A_204 = arith.cmpi ne, %sign3A_196, %sign3A_203 : i32
    %rem3A_205 = arith.remsi %select_n3A_134, %jit3A_188 : i32
    %ne3A_206 = arith.constant 0 : i32
    %ne3A_207 = arith.cmpi ne, %rem3A_205, %ne3A_206 : i32
    %and3A_208 = arith.andi %ne3A_204, %ne3A_207 : i1
    %sub3A_209 = arith.constant 1 : i32
    %sub3A_210 = arith.subi %div3A_189, %sub3A_209 : i32
    %select_n3A_211 = arith.select %and3A_208, %sub3A_210, %div3A_189 : i32
    %while3A = arith.constant 0 : i32
    %while3A_212 = arith.subi %select_n3A_211, %select_n3A_187 : i32
    %while3A_213 = arith.addi %select_n3A_187, %while3A_212 : i32
    %while3A_214 = arith.constant 1 : i32
    %while3A_215 = arith.divsi %while3A_212, %while3A_214 : i32
    %while3A_216 = arith.muli %while3A_215, %while3A_214 : i32
    %while3A_217 = arith.addi %select_n3A_187, %while3A_216 : i32
    %while3A_218 = arith.constant 1 : i32
    %while3A_219 = scf.for %while3A_630 = %select_n3A_187 to %while3A_217 step %while3A_218 iter_args(%while3A_631 = %while3A) -> (i32)  : i32 {
      %mul3A_632 = arith.constant 32 : i32
      %mul3A_633 = arith.muli %while3A_630, %mul3A_632 : i32
      %add3A_634 = arith.addi %add3A_137, %mul3A_633 : i32
      %dma_start3A = arith.constant 0 : i32
      %dma_start3A_635 = tpu.memref_slice %arg4[%add3A_634, %dma_start3A] : memref<16384x1024xf32, #tpu.memory_space<hbm>> -> memref<16x1024xf32, #tpu.memory_space<hbm>>
      %dma_start3A_636 = arith.constant 0 : i32
      %dma_start3A_637 = tpu.memref_slice %arg4[%add3A_634, %dma_start3A_636] : memref<16384x1024xf32, #tpu.memory_space<hbm>> -> memref<16x1024xf32, #tpu.memory_space<hbm>>
      tpu.enqueue_dma source(%arg11 : memref<16x1024xf32, #tpu.memory_space<vmem>>) target(%dma_start3A_637 : memref<16x1024xf32, #tpu.memory_space<hbm>>) target_semaphore(%arg20 : memref<!tpu.dma_semaphore, #tpu.memory_space<semaphore_mem>>)
      %mul3A_638 = arith.constant 32 : i32
      %mul3A_639 = arith.muli %while3A_630, %mul3A_638 : i32
      %add3A_640 = arith.addi %add3A_137, %mul3A_639 : i32
      %add3A_641 = arith.constant 16 : i32
      %add3A_642 = arith.addi %add3A_640, %add3A_641 : i32
      %dma_start3A_643 = arith.constant 0 : i32
      %dma_start3A_644 = tpu.memref_slice %arg4[%add3A_642, %dma_start3A_643] : memref<16384x1024xf32, #tpu.memory_space<hbm>> -> memref<16x1024xf32, #tpu.memory_space<hbm>>
      %dma_start3A_645 = arith.constant 0 : i32
      %dma_start3A_646 = tpu.memref_slice %arg4[%add3A_642, %dma_start3A_645] : memref<16384x1024xf32, #tpu.memory_space<hbm>> -> memref<16x1024xf32, #tpu.memory_space<hbm>>
      tpu.enqueue_dma source(%arg11 : memref<16x1024xf32, #tpu.memory_space<vmem>>) target(%dma_start3A_646 : memref<16x1024xf32, #tpu.memory_space<hbm>>) target_semaphore(%arg20 : memref<!tpu.dma_semaphore, #tpu.memory_space<semaphore_mem>>)
      %sub3A_647 = arith.constant 12 : i32
      %sub3A_648 = arith.subi %while3A_630, %sub3A_647 : i32
      %ge3A = arith.cmpi sge, %sub3A_648, %select_n3A_187 : i32
      %convert_element_type3A_649 = arith.extui %ge3A : i1 to i32
      %cond3A_650 = arith.constant 0 : i32
      %cond3A_651 = arith.cmpi ne, %convert_element_type3A_649, %cond3A_650 : i32
      scf.if %cond3A_651 {
        %sub3A_653 = arith.constant 12 : i32
        %sub3A_654 = arith.subi %while3A_630, %sub3A_653 : i32
        %mul3A_655 = arith.constant 32 : i32
        %mul3A_656 = arith.muli %sub3A_654, %mul3A_655 : i32
        %add3A_657 = arith.addi %add3A_137, %mul3A_656 : i32
        %dma_wait3A = arith.constant 0 : i32
        %dma_wait3A_658 = tpu.memref_slice %arg4[%add3A_657, %dma_wait3A] : memref<16384x1024xf32, #tpu.memory_space<hbm>> -> memref<16x1024xf32, #tpu.memory_space<hbm>>
        %dma_wait3A_659 = arith.constant 0 : i32
        %dma_wait3A_660 = tpu.memref_slice %arg4[%add3A_657, %dma_wait3A_659] : memref<16384x1024xf32, #tpu.memory_space<hbm>> -> memref<16x1024xf32, #tpu.memory_space<hbm>>
        tpu.wait_dma2 semaphore(%arg20 : memref<!tpu.dma_semaphore, #tpu.memory_space<semaphore_mem>>) src(%arg11 : memref<16x1024xf32, #tpu.memory_space<vmem>>) dst(%dma_wait3A_660 : memref<16x1024xf32, #tpu.memory_space<hbm>>)
        %mul3A_661 = arith.constant 32 : i32
        %mul3A_662 = arith.muli %sub3A_654, %mul3A_661 : i32
        %add3A_663 = arith.addi %add3A_137, %mul3A_662 : i32
        %add3A_664 = arith.constant 16 : i32
        %add3A_665 = arith.addi %add3A_663, %add3A_664 : i32
        %dma_wait3A_666 = arith.constant 0 : i32
        %dma_wait3A_667 = tpu.memref_slice %arg4[%add3A_665, %dma_wait3A_666] : memref<16384x1024xf32, #tpu.memory_space<hbm>> -> memref<16x1024xf32, #tpu.memory_space<hbm>>
        %dma_wait3A_668 = arith.constant 0 : i32
        %dma_wait3A_669 = tpu.memref_slice %arg4[%add3A_665, %dma_wait3A_668] : memref<16384x1024xf32, #tpu.memory_space<hbm>> -> memref<16x1024xf32, #tpu.memory_space<hbm>>
        tpu.wait_dma2 semaphore(%arg20 : memref<!tpu.dma_semaphore, #tpu.memory_space<semaphore_mem>>) src(%arg11 : memref<16x1024xf32, #tpu.memory_space<vmem>>) dst(%dma_wait3A_669 : memref<16x1024xf32, #tpu.memory_space<hbm>>)
      } else {
      }
      %while3A_652 = arith.constant 0 : i32
      scf.yield %while3A_652 : i32
    }
    %while3A_220 = arith.constant 1 : i32
    %while3A_221 = scf.for %while3A_630 = %while3A_217 to %while3A_213 step %while3A_220 iter_args(%while3A_631 = %while3A_219) -> (i32)  : i32 {
      %mul3A_632 = arith.constant 32 : i32
      %mul3A_633 = arith.muli %while3A_630, %mul3A_632 : i32
      %add3A_634 = arith.addi %add3A_137, %mul3A_633 : i32
      %dma_start3A = arith.constant 0 : i32
      %dma_start3A_635 = tpu.memref_slice %arg4[%add3A_634, %dma_start3A] : memref<16384x1024xf32, #tpu.memory_space<hbm>> -> memref<16x1024xf32, #tpu.memory_space<hbm>>
      %dma_start3A_636 = arith.constant 0 : i32
      %dma_start3A_637 = tpu.memref_slice %arg4[%add3A_634, %dma_start3A_636] : memref<16384x1024xf32, #tpu.memory_space<hbm>> -> memref<16x1024xf32, #tpu.memory_space<hbm>>
      tpu.enqueue_dma source(%arg11 : memref<16x1024xf32, #tpu.memory_space<vmem>>) target(%dma_start3A_637 : memref<16x1024xf32, #tpu.memory_space<hbm>>) target_semaphore(%arg20 : memref<!tpu.dma_semaphore, #tpu.memory_space<semaphore_mem>>)
      %mul3A_638 = arith.constant 32 : i32
      %mul3A_639 = arith.muli %while3A_630, %mul3A_638 : i32
      %add3A_640 = arith.addi %add3A_137, %mul3A_639 : i32
      %add3A_641 = arith.constant 16 : i32
      %add3A_642 = arith.addi %add3A_640, %add3A_641 : i32
      %dma_start3A_643 = arith.constant 0 : i32
      %dma_start3A_644 = tpu.memref_slice %arg4[%add3A_642, %dma_start3A_643] : memref<16384x1024xf32, #tpu.memory_space<hbm>> -> memref<16x1024xf32, #tpu.memory_space<hbm>>
      %dma_start3A_645 = arith.constant 0 : i32
      %dma_start3A_646 = tpu.memref_slice %arg4[%add3A_642, %dma_start3A_645] : memref<16384x1024xf32, #tpu.memory_space<hbm>> -> memref<16x1024xf32, #tpu.memory_space<hbm>>
      tpu.enqueue_dma source(%arg11 : memref<16x1024xf32, #tpu.memory_space<vmem>>) target(%dma_start3A_646 : memref<16x1024xf32, #tpu.memory_space<hbm>>) target_semaphore(%arg20 : memref<!tpu.dma_semaphore, #tpu.memory_space<semaphore_mem>>)
      %sub3A_647 = arith.constant 12 : i32
      %sub3A_648 = arith.subi %while3A_630, %sub3A_647 : i32
      %ge3A = arith.cmpi sge, %sub3A_648, %select_n3A_187 : i32
      %convert_element_type3A_649 = arith.extui %ge3A : i1 to i32
      %cond3A_650 = arith.constant 0 : i32
      %cond3A_651 = arith.cmpi ne, %convert_element_type3A_649, %cond3A_650 : i32
      scf.if %cond3A_651 {
        %sub3A_653 = arith.constant 12 : i32
        %sub3A_654 = arith.subi %while3A_630, %sub3A_653 : i32
        %mul3A_655 = arith.constant 32 : i32
        %mul3A_656 = arith.muli %sub3A_654, %mul3A_655 : i32
        %add3A_657 = arith.addi %add3A_137, %mul3A_656 : i32
        %dma_wait3A = arith.constant 0 : i32
        %dma_wait3A_658 = tpu.memref_slice %arg4[%add3A_657, %dma_wait3A] : memref<16384x1024xf32, #tpu.memory_space<hbm>> -> memref<16x1024xf32, #tpu.memory_space<hbm>>
        %dma_wait3A_659 = arith.constant 0 : i32
        %dma_wait3A_660 = tpu.memref_slice %arg4[%add3A_657, %dma_wait3A_659] : memref<16384x1024xf32, #tpu.memory_space<hbm>> -> memref<16x1024xf32, #tpu.memory_space<hbm>>
        tpu.wait_dma2 semaphore(%arg20 : memref<!tpu.dma_semaphore, #tpu.memory_space<semaphore_mem>>) src(%arg11 : memref<16x1024xf32, #tpu.memory_space<vmem>>) dst(%dma_wait3A_660 : memref<16x1024xf32, #tpu.memory_space<hbm>>)
        %mul3A_661 = arith.constant 32 : i32
        %mul3A_662 = arith.muli %sub3A_654, %mul3A_661 : i32
        %add3A_663 = arith.addi %add3A_137, %mul3A_662 : i32
        %add3A_664 = arith.constant 16 : i32
        %add3A_665 = arith.addi %add3A_663, %add3A_664 : i32
        %dma_wait3A_666 = arith.constant 0 : i32
        %dma_wait3A_667 = tpu.memref_slice %arg4[%add3A_665, %dma_wait3A_666] : memref<16384x1024xf32, #tpu.memory_space<hbm>> -> memref<16x1024xf32, #tpu.memory_space<hbm>>
        %dma_wait3A_668 = arith.constant 0 : i32
        %dma_wait3A_669 = tpu.memref_slice %arg4[%add3A_665, %dma_wait3A_668] : memref<16384x1024xf32, #tpu.memory_space<hbm>> -> memref<16x1024xf32, #tpu.memory_space<hbm>>
        tpu.wait_dma2 semaphore(%arg20 : memref<!tpu.dma_semaphore, #tpu.memory_space<semaphore_mem>>) src(%arg11 : memref<16x1024xf32, #tpu.memory_space<vmem>>) dst(%dma_wait3A_669 : memref<16x1024xf32, #tpu.memory_space<hbm>>)
      } else {
      }
      %while3A_652 = arith.constant 0 : i32
      scf.yield %while3A_652 : i32
    }
    %scan3A_222 = arith.constant 0 : i32
    %scan3A_223 = arith.constant 4 : i32
    %scan3A_224 = arith.addi %scan3A_222, %scan3A_223 : i32
    %scan3A_225 = arith.constant 1 : i32
    %scan3A_226 = scf.for %scan3A_630 = %scan3A_222 to %scan3A_224 step %scan3A_225 iter_args(%scan3A_631 = %reduce_sum3A_155) -> (i32)  : i32 {
      %jit3A_632 = arith.constant 16 : i32
      %div3A_633 = arith.divsi %add3A_113, %jit3A_632 : i32
      %sign3A_634 = arith.constant 0 : i32
      %sign3A_635 = arith.cmpi sgt, %add3A_113, %sign3A_634 : i32
      %sign3A_636 = arith.extui %sign3A_635 : i1 to i32
      %sign3A_637 = arith.constant 0 : i32
      %sign3A_638 = arith.cmpi slt, %add3A_113, %sign3A_637 : i32
      %sign3A_639 = arith.extui %sign3A_638 : i1 to i32
      %sign3A_640 = arith.subi %sign3A_636, %sign3A_639 : i32
      %sign3A_641 = arith.constant 0 : i32
      %sign3A_642 = arith.cmpi sgt, %jit3A_632, %sign3A_641 : i32
      %sign3A_643 = arith.extui %sign3A_642 : i1 to i32
      %sign3A_644 = arith.constant 0 : i32
      %sign3A_645 = arith.cmpi slt, %jit3A_632, %sign3A_644 : i32
      %sign3A_646 = arith.extui %sign3A_645 : i1 to i32
      %sign3A_647 = arith.subi %sign3A_643, %sign3A_646 : i32
      %ne3A_648 = arith.cmpi ne, %sign3A_640, %sign3A_647 : i32
      %rem3A_649 = arith.remsi %add3A_113, %jit3A_632 : i32
      %ne3A_650 = arith.constant 0 : i32
      %ne3A_651 = arith.cmpi ne, %rem3A_649, %ne3A_650 : i32
      %and3A_652 = arith.andi %ne3A_648, %ne3A_651 : i1
      %sub3A_653 = arith.constant 1 : i32
      %sub3A_654 = arith.subi %div3A_633, %sub3A_653 : i32
      %select_n3A_655 = arith.select %and3A_652, %sub3A_654, %div3A_633 : i32
      %add3A_656 = arith.addi %select_n3A_655, %scan3A_630 : i32
      %mul3A_657 = arith.constant 16 : i32
      %mul3A_658 = arith.muli %add3A_656, %mul3A_657 : i32
      %get3A = arith.index_cast %mul3A_658 : i32 to index
      %get3A_659 = tpu.vector_load %arg6[%get3A] {strides = array<i32>} : memref<2048xi32, #tpu.memory_space<vmem>>, vector<16xi32>,
      %broadcast_in_dim3A_660 = arith.constant true
      %broadcast_in_dim3A_661 = vector.broadcast %broadcast_in_dim3A_660 : i1 to vector<16xi1>
      %masked_cumsum3A = tpu.scan <sum>, %get3A_659 masked %broadcast_in_dim3A_661 : vector<16xi32>, vector<16xi1> -> vector<16xi32>
      %add3A_662 = vector.broadcast %scan3A_631 : i32 to vector<16xi32>
      %add3A_663 = arith.addi %add3A_662, %masked_cumsum3A : vector<16xi32>
      %sub3A_664 = arith.subi %add3A_663, %get3A_659 : vector<16xi32>
      %add3A_665 = vector.broadcast %select_n3A : i32 to vector<16xi32>
      %add3A_666 = arith.addi %sub3A_664, %add3A_665 : vector<16xi32>
      %mul3A_667 = arith.constant 16 : i32
      %mul3A_668 = arith.muli %add3A_656, %mul3A_667 : i32
      %add3A_669 = vector.broadcast %mul3A_668 : i32 to vector<16xi32>
      %add3A_670 = arith.addi %add3A_669, %iota3A : vector<16xi32>
      %sub3A_671 = vector.broadcast %reduce_sum3A_159 : i32 to vector<16xi32>
      %sub3A_672 = arith.subi %sub3A_671, %add3A_670 : vector<16xi32>
      %max3A_673 = arith.constant 0 : i32
      %max3A_674 = vector.broadcast %max3A_673 : i32 to vector<16xi32>
      %max3A_675 = arith.maxsi %sub3A_672, %max3A_674 : vector<16xi32>
      %min3A_676 = arith.constant 1 : i32
      %min3A_677 = vector.broadcast %min3A_676 : i32 to vector<16xi32>
      %min3A_678 = arith.minsi %max3A_675, %min3A_677 : vector<16xi32>
      %mul3A_679 = arith.muli %add3A_666, %min3A_678 : vector<16xi32>
      %jit3A_680 = arith.constant 2 : i32
      %div3A_681 = arith.divsi %scan3A_630, %jit3A_680 : i32
      %sign3A_682 = arith.constant 0 : i32
      %sign3A_683 = arith.cmpi sgt, %scan3A_630, %sign3A_682 : i32
      %sign3A_684 = arith.extui %sign3A_683 : i1 to i32
      %sign3A_685 = arith.constant 0 : i32
      %sign3A_686 = arith.cmpi slt, %scan3A_630, %sign3A_685 : i32
      %sign3A_687 = arith.extui %sign3A_686 : i1 to i32
      %sign3A_688 = arith.subi %sign3A_684, %sign3A_687 : i32
      %sign3A_689 = arith.constant 0 : i32
      %sign3A_690 = arith.cmpi sgt, %jit3A_680, %sign3A_689 : i32
      %sign3A_691 = arith.extui %sign3A_690 : i1 to i32
      %sign3A_692 = arith.constant 0 : i32
      %sign3A_693 = arith.cmpi slt, %jit3A_680, %sign3A_692 : i32
      %sign3A_694 = arith.extui %sign3A_693 : i1 to i32
      %sign3A_695 = arith.subi %sign3A_691, %sign3A_694 : i32
      %ne3A_696 = arith.cmpi ne, %sign3A_688, %sign3A_695 : i32
      %rem3A_697 = arith.remsi %scan3A_630, %jit3A_680 : i32
      %ne3A_698 = arith.constant 0 : i32
      %ne3A_699 = arith.cmpi ne, %rem3A_697, %ne3A_698 : i32
      %and3A_700 = arith.andi %ne3A_696, %ne3A_699 : i1
      %sub3A_701 = arith.constant 1 : i32
      %sub3A_702 = arith.subi %div3A_681, %sub3A_701 : i32
      %select_n3A_703 = arith.select %and3A_700, %sub3A_702, %div3A_681 : i32
      %jit3A_704 = arith.constant 2 : i32
      %eq3A_705 = arith.constant 0 : i32
      %eq3A_706 = arith.cmpi eq, %jit3A_704, %eq3A_705 : i32
      %jit3A_707 = arith.constant 1 : i32
      %select_n3A_708 = arith.select %eq3A_706, %jit3A_707, %jit3A_704 : i32
      %rem3A_709 = arith.remsi %scan3A_630, %select_n3A_708 : i32
      %ne3A_710 = arith.constant 0 : i32
      %ne3A_711 = arith.cmpi ne, %rem3A_709, %ne3A_710 : i32
      %lt3A_712 = arith.constant 0 : i32
      %lt3A_713 = arith.cmpi slt, %rem3A_709, %lt3A_712 : i32
      %lt3A_714 = arith.constant 0 : i32
      %lt3A_715 = arith.cmpi slt, %select_n3A_708, %lt3A_714 : i32
      %ne3A_716 = arith.xori %lt3A_713, %lt3A_715 : i1
      %and3A_717 = arith.andi %ne3A_716, %ne3A_711 : i1
      %add3A_718 = arith.addi %rem3A_709, %select_n3A_708 : i32
      %select_n3A_719 = arith.select %and3A_717, %add3A_718, %rem3A_709 : i32
      %mul3A_720 = arith.constant 16 : i32
      %mul3A_721 = arith.muli %select_n3A_719, %mul3A_720 : i32
      %swap3A = arith.index_cast %select_n3A_703 : i32 to index
      %swap3A_722 = arith.index_cast %mul3A_721 : i32 to index
      %swap3A_723 = tpu.vector_load %arg7[%swap3A, %swap3A_722] {strides = array<i32>} : memref<16x32xi32, #tpu.memory_space<vmem>>, vector<16xi32>,
      tpu.vector_store %arg7[%swap3A, %swap3A_722], %mul3A_679 {strides = array<i32>} : memref<16x32xi32, #tpu.memory_space<vmem>>, vector<16xi32>,
      %reduce_sum3A_724 = arith.constant true
      %reduce_sum3A_725 = vector.broadcast %reduce_sum3A_724 : i1 to vector<16xi1>
      %reduce_sum3A_726 = tpu.scan <sum>, %get3A_659 masked %reduce_sum3A_725 : vector<16xi32>, vector<16xi1> -> vector<16xi32>
      %reduce_sum3A_727 = vector.extract %reduce_sum3A_726[15] : i32 from vector<16xi32>
      %add3A_728 = arith.addi %scan3A_631, %reduce_sum3A_727 : i32
      scf.yield %add3A_728 : i32
    }
    %scan3A_227 = arith.constant 4 : i32
    %gt3A = arith.constant 0 : i32
    %gt3A_228 = arith.cmpi sgt, %select_n3A_187, %gt3A : i32
    %convert_element_type3A = arith.extui %gt3A_228 : i1 to i32
    %cond3A = arith.constant 0 : i32
    %cond3A_229 = arith.cmpi ne, %convert_element_type3A, %cond3A : i32
    scf.if %cond3A_229 {
      %dma_start3A = arith.constant 0 : i32
      %dma_start3A_630 = arith.constant 0 : i32
      %dma_start3A_631 = tpu.memref_slice %arg7[%dma_start3A, %dma_start3A_630] : memref<16x32xi32, #tpu.memory_space<vmem>> -> memref<1x32xi32, #tpu.memory_space<vmem>>
      %dma_start3A_632 = tpu.memref_squeeze %dma_start3A_631 : memref<1x32xi32, #tpu.memory_space<vmem>> -> memref<32xi32, #tpu.memory_space<vmem>>
      %dma_start3A_633 = arith.constant 0 : i32
      %dma_start3A_634 = arith.constant 0 : i32
      %dma_start3A_635 = tpu.memref_slice %arg2[%dma_start3A_633, %dma_start3A_634] : memref<9216x1024xf32, #tpu.memory_space<hbm>> -> memref<9216x1024xf32, #tpu.memory_space<hbm>>
      tpu.enqueue_indirect_dma source(%dma_start3A_635 : memref<9216x1024xf32, #tpu.memory_space<hbm>>) target(%arg8 : memref<32x1024xf32, #tpu.memory_space<vmem>>) offsets(%dma_start3A_632 : memref<32xi32, #tpu.memory_space<vmem>>) semaphore(%arg14 : memref<!tpu.dma_semaphore, #tpu.memory_space<semaphore_mem>>)
    } else {
    }
    %gt3A_230 = arith.constant 1 : i32
    %gt3A_231 = arith.cmpi sgt, %select_n3A_187, %gt3A_230 : i32
    %convert_element_type3A_232 = arith.extui %gt3A_231 : i1 to i32
    %cond3A_233 = arith.constant 0 : i32
    %cond3A_234 = arith.cmpi ne, %convert_element_type3A_232, %cond3A_233 : i32
    scf.if %cond3A_234 {
      %dma_start3A = arith.constant 1 : i32
      %dma_start3A_630 = arith.constant 0 : i32
      %dma_start3A_631 = tpu.memref_slice %arg7[%dma_start3A, %dma_start3A_630] : memref<16x32xi32, #tpu.memory_space<vmem>> -> memref<1x32xi32, #tpu.memory_space<vmem>>
      %dma_start3A_632 = tpu.memref_squeeze %dma_start3A_631 : memref<1x32xi32, #tpu.memory_space<vmem>> -> memref<32xi32, #tpu.memory_space<vmem>>
      %dma_start3A_633 = arith.constant 0 : i32
      %dma_start3A_634 = arith.constant 0 : i32
      %dma_start3A_635 = tpu.memref_slice %arg2[%dma_start3A_633, %dma_start3A_634] : memref<9216x1024xf32, #tpu.memory_space<hbm>> -> memref<9216x1024xf32, #tpu.memory_space<hbm>>
      tpu.enqueue_indirect_dma source(%dma_start3A_635 : memref<9216x1024xf32, #tpu.memory_space<hbm>>) target(%arg9 : memref<32x1024xf32, #tpu.memory_space<vmem>>) offsets(%dma_start3A_632 : memref<32xi32, #tpu.memory_space<vmem>>) semaphore(%arg15 : memref<!tpu.dma_semaphore, #tpu.memory_space<semaphore_mem>>)
    } else {
    }
    %jit3A_235 = arith.constant 16 : i32
    %div3A_236 = arith.divsi %select_n3A_134, %jit3A_235 : i32
    %sign3A_237 = arith.constant 0 : i32
    %sign3A_238 = arith.cmpi sgt, %select_n3A_134, %sign3A_237 : i32
    %sign3A_239 = arith.extui %sign3A_238 : i1 to i32
    %sign3A_240 = arith.constant 0 : i32
    %sign3A_241 = arith.cmpi slt, %select_n3A_134, %sign3A_240 : i32
    %sign3A_242 = arith.extui %sign3A_241 : i1 to i32
    %sign3A_243 = arith.subi %sign3A_239, %sign3A_242 : i32
    %sign3A_244 = arith.constant 0 : i32
    %sign3A_245 = arith.cmpi sgt, %jit3A_235, %sign3A_244 : i32
    %sign3A_246 = arith.extui %sign3A_245 : i1 to i32
    %sign3A_247 = arith.constant 0 : i32
    %sign3A_248 = arith.cmpi slt, %jit3A_235, %sign3A_247 : i32
    %sign3A_249 = arith.extui %sign3A_248 : i1 to i32
    %sign3A_250 = arith.subi %sign3A_246, %sign3A_249 : i32
    %ne3A_251 = arith.cmpi ne, %sign3A_243, %sign3A_250 : i32
    %rem3A_252 = arith.remsi %select_n3A_134, %jit3A_235 : i32
    %ne3A_253 = arith.constant 0 : i32
    %ne3A_254 = arith.cmpi ne, %rem3A_252, %ne3A_253 : i32
    %and3A_255 = arith.andi %ne3A_251, %ne3A_254 : i1
    %sub3A_256 = arith.constant 1 : i32
    %sub3A_257 = arith.subi %div3A_236, %sub3A_256 : i32
    %select_n3A_258 = arith.select %and3A_255, %sub3A_257, %div3A_236 : i32
    %while3A_259 = arith.constant 4 : i32
    %while3A_260 = arith.subi %select_n3A_258, %while3A_259 : i32
    %while3A_261 = arith.addi %while3A_259, %while3A_260 : i32
    %while3A_262 = arith.constant 1 : i32
    %while3A_263 = arith.divsi %while3A_260, %while3A_262 : i32
    %while3A_264 = arith.muli %while3A_263, %while3A_262 : i32
    %while3A_265 = arith.addi %while3A_259, %while3A_264 : i32
    %while3A_266 = arith.constant 1 : i32
    %while3A_267 = scf.for %while3A_630 = %while3A_259 to %while3A_265 step %while3A_266 iter_args(%while3A_631 = %scan3A_226) -> (i32)  : i32 {
      %jit3A_632 = arith.constant 16 : i32
      %div3A_633 = arith.divsi %add3A_113, %jit3A_632 : i32
      %sign3A_634 = arith.constant 0 : i32
      %sign3A_635 = arith.cmpi sgt, %add3A_113, %sign3A_634 : i32
      %sign3A_636 = arith.extui %sign3A_635 : i1 to i32
      %sign3A_637 = arith.constant 0 : i32
      %sign3A_638 = arith.cmpi slt, %add3A_113, %sign3A_637 : i32
      %sign3A_639 = arith.extui %sign3A_638 : i1 to i32
      %sign3A_640 = arith.subi %sign3A_636, %sign3A_639 : i32
      %sign3A_641 = arith.constant 0 : i32
      %sign3A_642 = arith.cmpi sgt, %jit3A_632, %sign3A_641 : i32
      %sign3A_643 = arith.extui %sign3A_642 : i1 to i32
      %sign3A_644 = arith.constant 0 : i32
      %sign3A_645 = arith.cmpi slt, %jit3A_632, %sign3A_644 : i32
      %sign3A_646 = arith.extui %sign3A_645 : i1 to i32
      %sign3A_647 = arith.subi %sign3A_643, %sign3A_646 : i32
      %ne3A_648 = arith.cmpi ne, %sign3A_640, %sign3A_647 : i32
      %rem3A_649 = arith.remsi %add3A_113, %jit3A_632 : i32
      %ne3A_650 = arith.constant 0 : i32
      %ne3A_651 = arith.cmpi ne, %rem3A_649, %ne3A_650 : i32
      %and3A_652 = arith.andi %ne3A_648, %ne3A_651 : i1
      %sub3A_653 = arith.constant 1 : i32
      %sub3A_654 = arith.subi %div3A_633, %sub3A_653 : i32
      %select_n3A_655 = arith.select %and3A_652, %sub3A_654, %div3A_633 : i32
      %add3A_656 = arith.addi %select_n3A_655, %while3A_630 : i32
      %mul3A_657 = arith.constant 16 : i32
      %mul3A_658 = arith.muli %add3A_656, %mul3A_657 : i32
      %get3A = arith.index_cast %mul3A_658 : i32 to index
      %get3A_659 = tpu.vector_load %arg6[%get3A] {strides = array<i32>} : memref<2048xi32, #tpu.memory_space<vmem>>, vector<16xi32>,
      %broadcast_in_dim3A_660 = arith.constant true
      %broadcast_in_dim3A_661 = vector.broadcast %broadcast_in_dim3A_660 : i1 to vector<16xi1>
      %masked_cumsum3A = tpu.scan <sum>, %get3A_659 masked %broadcast_in_dim3A_661 : vector<16xi32>, vector<16xi1> -> vector<16xi32>
      %add3A_662 = vector.broadcast %while3A_631 : i32 to vector<16xi32>
      %add3A_663 = arith.addi %add3A_662, %masked_cumsum3A : vector<16xi32>
      %sub3A_664 = arith.subi %add3A_663, %get3A_659 : vector<16xi32>
      %add3A_665 = vector.broadcast %select_n3A : i32 to vector<16xi32>
      %add3A_666 = arith.addi %sub3A_664, %add3A_665 : vector<16xi32>
      %mul3A_667 = arith.constant 16 : i32
      %mul3A_668 = arith.muli %add3A_656, %mul3A_667 : i32
      %add3A_669 = vector.broadcast %mul3A_668 : i32 to vector<16xi32>
      %add3A_670 = arith.addi %add3A_669, %iota3A : vector<16xi32>
      %sub3A_671 = vector.broadcast %reduce_sum3A_159 : i32 to vector<16xi32>
      %sub3A_672 = arith.subi %sub3A_671, %add3A_670 : vector<16xi32>
      %max3A_673 = arith.constant 0 : i32
      %max3A_674 = vector.broadcast %max3A_673 : i32 to vector<16xi32>
      %max3A_675 = arith.maxsi %sub3A_672, %max3A_674 : vector<16xi32>
      %min3A_676 = arith.constant 1 : i32
      %min3A_677 = vector.broadcast %min3A_676 : i32 to vector<16xi32>
      %min3A_678 = arith.minsi %max3A_675, %min3A_677 : vector<16xi32>
      %mul3A_679 = arith.muli %add3A_666, %min3A_678 : vector<16xi32>
      %jit3A_680 = arith.constant 2 : i32
      %div3A_681 = arith.divsi %while3A_630, %jit3A_680 : i32
      %sign3A_682 = arith.constant 0 : i32
      %sign3A_683 = arith.cmpi sgt, %while3A_630, %sign3A_682 : i32
      %sign3A_684 = arith.extui %sign3A_683 : i1 to i32
      %sign3A_685 = arith.constant 0 : i32
      %sign3A_686 = arith.cmpi slt, %while3A_630, %sign3A_685 : i32
      %sign3A_687 = arith.extui %sign3A_686 : i1 to i32
      %sign3A_688 = arith.subi %sign3A_684, %sign3A_687 : i32
      %sign3A_689 = arith.constant 0 : i32
      %sign3A_690 = arith.cmpi sgt, %jit3A_680, %sign3A_689 : i32
      %sign3A_691 = arith.extui %sign3A_690 : i1 to i32
      %sign3A_692 = arith.constant 0 : i32
      %sign3A_693 = arith.cmpi slt, %jit3A_680, %sign3A_692 : i32
      %sign3A_694 = arith.extui %sign3A_693 : i1 to i32
      %sign3A_695 = arith.subi %sign3A_691, %sign3A_694 : i32
      %ne3A_696 = arith.cmpi ne, %sign3A_688, %sign3A_695 : i32
      %rem3A_697 = arith.remsi %while3A_630, %jit3A_680 : i32
      %ne3A_698 = arith.constant 0 : i32
      %ne3A_699 = arith.cmpi ne, %rem3A_697, %ne3A_698 : i32
      %and3A_700 = arith.andi %ne3A_696, %ne3A_699 : i1
      %sub3A_701 = arith.constant 1 : i32
      %sub3A_702 = arith.subi %div3A_681, %sub3A_701 : i32
      %select_n3A_703 = arith.select %and3A_700, %sub3A_702, %div3A_681 : i32
      %jit3A_704 = arith.constant 2 : i32
      %eq3A_705 = arith.constant 0 : i32
      %eq3A_706 = arith.cmpi eq, %jit3A_704, %eq3A_705 : i32
      %jit3A_707 = arith.constant 1 : i32
      %select_n3A_708 = arith.select %eq3A_706, %jit3A_707, %jit3A_704 : i32
      %rem3A_709 = arith.remsi %while3A_630, %select_n3A_708 : i32
      %ne3A_710 = arith.constant 0 : i32
      %ne3A_711 = arith.cmpi ne, %rem3A_709, %ne3A_710 : i32
      %lt3A_712 = arith.constant 0 : i32
      %lt3A_713 = arith.cmpi slt, %rem3A_709, %lt3A_712 : i32
      %lt3A_714 = arith.constant 0 : i32
      %lt3A_715 = arith.cmpi slt, %select_n3A_708, %lt3A_714 : i32
      %ne3A_716 = arith.xori %lt3A_713, %lt3A_715 : i1
      %and3A_717 = arith.andi %ne3A_716, %ne3A_711 : i1
      %add3A_718 = arith.addi %rem3A_709, %select_n3A_708 : i32
      %select_n3A_719 = arith.select %and3A_717, %add3A_718, %rem3A_709 : i32
      %mul3A_720 = arith.constant 16 : i32
      %mul3A_721 = arith.muli %select_n3A_719, %mul3A_720 : i32
      %swap3A = arith.index_cast %select_n3A_703 : i32 to index
      %swap3A_722 = arith.index_cast %mul3A_721 : i32 to index
      %swap3A_723 = tpu.vector_load %arg7[%swap3A, %swap3A_722] {strides = array<i32>} : memref<16x32xi32, #tpu.memory_space<vmem>>, vector<16xi32>,
      tpu.vector_store %arg7[%swap3A, %swap3A_722], %mul3A_679 {strides = array<i32>} : memref<16x32xi32, #tpu.memory_space<vmem>>, vector<16xi32>,
      %reduce_sum3A_724 = arith.constant true
      %reduce_sum3A_725 = vector.broadcast %reduce_sum3A_724 : i1 to vector<16xi1>
      %reduce_sum3A_726 = tpu.scan <sum>, %get3A_659 masked %reduce_sum3A_725 : vector<16xi32>, vector<16xi1> -> vector<16xi32>
      %reduce_sum3A_727 = vector.extract %reduce_sum3A_726[15] : i32 from vector<16xi32>
      %add3A_728 = arith.addi %while3A_631, %reduce_sum3A_727 : i32
      scf.yield %add3A_728 : i32
    }
    %while3A_268 = arith.constant 1 : i32
    %while3A_269 = scf.for %while3A_630 = %while3A_265 to %while3A_261 step %while3A_268 iter_args(%while3A_631 = %while3A_267) -> (i32)  : i32 {
      %jit3A_632 = arith.constant 16 : i32
      %div3A_633 = arith.divsi %add3A_113, %jit3A_632 : i32
      %sign3A_634 = arith.constant 0 : i32
      %sign3A_635 = arith.cmpi sgt, %add3A_113, %sign3A_634 : i32
      %sign3A_636 = arith.extui %sign3A_635 : i1 to i32
      %sign3A_637 = arith.constant 0 : i32
      %sign3A_638 = arith.cmpi slt, %add3A_113, %sign3A_637 : i32
      %sign3A_639 = arith.extui %sign3A_638 : i1 to i32
      %sign3A_640 = arith.subi %sign3A_636, %sign3A_639 : i32
      %sign3A_641 = arith.constant 0 : i32
      %sign3A_642 = arith.cmpi sgt, %jit3A_632, %sign3A_641 : i32
      %sign3A_643 = arith.extui %sign3A_642 : i1 to i32
      %sign3A_644 = arith.constant 0 : i32
      %sign3A_645 = arith.cmpi slt, %jit3A_632, %sign3A_644 : i32
      %sign3A_646 = arith.extui %sign3A_645 : i1 to i32
      %sign3A_647 = arith.subi %sign3A_643, %sign3A_646 : i32
      %ne3A_648 = arith.cmpi ne, %sign3A_640, %sign3A_647 : i32
      %rem3A_649 = arith.remsi %add3A_113, %jit3A_632 : i32
      %ne3A_650 = arith.constant 0 : i32
      %ne3A_651 = arith.cmpi ne, %rem3A_649, %ne3A_650 : i32
      %and3A_652 = arith.andi %ne3A_648, %ne3A_651 : i1
      %sub3A_653 = arith.constant 1 : i32
      %sub3A_654 = arith.subi %div3A_633, %sub3A_653 : i32
      %select_n3A_655 = arith.select %and3A_652, %sub3A_654, %div3A_633 : i32
      %add3A_656 = arith.addi %select_n3A_655, %while3A_630 : i32
      %mul3A_657 = arith.constant 16 : i32
      %mul3A_658 = arith.muli %add3A_656, %mul3A_657 : i32
      %get3A = arith.index_cast %mul3A_658 : i32 to index
      %get3A_659 = tpu.vector_load %arg6[%get3A] {strides = array<i32>} : memref<2048xi32, #tpu.memory_space<vmem>>, vector<16xi32>,
      %broadcast_in_dim3A_660 = arith.constant true
      %broadcast_in_dim3A_661 = vector.broadcast %broadcast_in_dim3A_660 : i1 to vector<16xi1>
      %masked_cumsum3A = tpu.scan <sum>, %get3A_659 masked %broadcast_in_dim3A_661 : vector<16xi32>, vector<16xi1> -> vector<16xi32>
      %add3A_662 = vector.broadcast %while3A_631 : i32 to vector<16xi32>
      %add3A_663 = arith.addi %add3A_662, %masked_cumsum3A : vector<16xi32>
      %sub3A_664 = arith.subi %add3A_663, %get3A_659 : vector<16xi32>
      %add3A_665 = vector.broadcast %select_n3A : i32 to vector<16xi32>
      %add3A_666 = arith.addi %sub3A_664, %add3A_665 : vector<16xi32>
      %mul3A_667 = arith.constant 16 : i32
      %mul3A_668 = arith.muli %add3A_656, %mul3A_667 : i32
      %add3A_669 = vector.broadcast %mul3A_668 : i32 to vector<16xi32>
      %add3A_670 = arith.addi %add3A_669, %iota3A : vector<16xi32>
      %sub3A_671 = vector.broadcast %reduce_sum3A_159 : i32 to vector<16xi32>
      %sub3A_672 = arith.subi %sub3A_671, %add3A_670 : vector<16xi32>
      %max3A_673 = arith.constant 0 : i32
      %max3A_674 = vector.broadcast %max3A_673 : i32 to vector<16xi32>
      %max3A_675 = arith.maxsi %sub3A_672, %max3A_674 : vector<16xi32>
      %min3A_676 = arith.constant 1 : i32
      %min3A_677 = vector.broadcast %min3A_676 : i32 to vector<16xi32>
      %min3A_678 = arith.minsi %max3A_675, %min3A_677 : vector<16xi32>
      %mul3A_679 = arith.muli %add3A_666, %min3A_678 : vector<16xi32>
      %jit3A_680 = arith.constant 2 : i32
      %div3A_681 = arith.divsi %while3A_630, %jit3A_680 : i32
      %sign3A_682 = arith.constant 0 : i32
      %sign3A_683 = arith.cmpi sgt, %while3A_630, %sign3A_682 : i32
      %sign3A_684 = arith.extui %sign3A_683 : i1 to i32
      %sign3A_685 = arith.constant 0 : i32
      %sign3A_686 = arith.cmpi slt, %while3A_630, %sign3A_685 : i32
      %sign3A_687 = arith.extui %sign3A_686 : i1 to i32
      %sign3A_688 = arith.subi %sign3A_684, %sign3A_687 : i32
      %sign3A_689 = arith.constant 0 : i32
      %sign3A_690 = arith.cmpi sgt, %jit3A_680, %sign3A_689 : i32
      %sign3A_691 = arith.extui %sign3A_690 : i1 to i32
      %sign3A_692 = arith.constant 0 : i32
      %sign3A_693 = arith.cmpi slt, %jit3A_680, %sign3A_692 : i32
      %sign3A_694 = arith.extui %sign3A_693 : i1 to i32
      %sign3A_695 = arith.subi %sign3A_691, %sign3A_694 : i32
      %ne3A_696 = arith.cmpi ne, %sign3A_688, %sign3A_695 : i32
      %rem3A_697 = arith.remsi %while3A_630, %jit3A_680 : i32
      %ne3A_698 = arith.constant 0 : i32
      %ne3A_699 = arith.cmpi ne, %rem3A_697, %ne3A_698 : i32
      %and3A_700 = arith.andi %ne3A_696, %ne3A_699 : i1
      %sub3A_701 = arith.constant 1 : i32
      %sub3A_702 = arith.subi %div3A_681, %sub3A_701 : i32
      %select_n3A_703 = arith.select %and3A_700, %sub3A_702, %div3A_681 : i32
      %jit3A_704 = arith.constant 2 : i32
      %eq3A_705 = arith.constant 0 : i32
      %eq3A_706 = arith.cmpi eq, %jit3A_704, %eq3A_705 : i32
      %jit3A_707 = arith.constant 1 : i32
      %select_n3A_708 = arith.select %eq3A_706, %jit3A_707, %jit3A_704 : i32
      %rem3A_709 = arith.remsi %while3A_630, %select_n3A_708 : i32
      %ne3A_710 = arith.constant 0 : i32
      %ne3A_711 = arith.cmpi ne, %rem3A_709, %ne3A_710 : i32
      %lt3A_712 = arith.constant 0 : i32
      %lt3A_713 = arith.cmpi slt, %rem3A_709, %lt3A_712 : i32
      %lt3A_714 = arith.constant 0 : i32
      %lt3A_715 = arith.cmpi slt, %select_n3A_708, %lt3A_714 : i32
      %ne3A_716 = arith.xori %lt3A_713, %lt3A_715 : i1
      %and3A_717 = arith.andi %ne3A_716, %ne3A_711 : i1
      %add3A_718 = arith.addi %rem3A_709, %select_n3A_708 : i32
      %select_n3A_719 = arith.select %and3A_717, %add3A_718, %rem3A_709 : i32
      %mul3A_720 = arith.constant 16 : i32
      %mul3A_721 = arith.muli %select_n3A_719, %mul3A_720 : i32
      %swap3A = arith.index_cast %select_n3A_703 : i32 to index
      %swap3A_722 = arith.index_cast %mul3A_721 : i32 to index
      %swap3A_723 = tpu.vector_load %arg7[%swap3A, %swap3A_722] {strides = array<i32>} : memref<16x32xi32, #tpu.memory_space<vmem>>, vector<16xi32>,
      tpu.vector_store %arg7[%swap3A, %swap3A_722], %mul3A_679 {strides = array<i32>} : memref<16x32xi32, #tpu.memory_space<vmem>>, vector<16xi32>,
      %reduce_sum3A_724 = arith.constant true
      %reduce_sum3A_725 = vector.broadcast %reduce_sum3A_724 : i1 to vector<16xi1>
      %reduce_sum3A_726 = tpu.scan <sum>, %get3A_659 masked %reduce_sum3A_725 : vector<16xi32>, vector<16xi1> -> vector<16xi32>
      %reduce_sum3A_727 = vector.extract %reduce_sum3A_726[15] : i32 from vector<16xi32>
      %add3A_728 = arith.addi %while3A_631, %reduce_sum3A_727 : i32
      scf.yield %add3A_728 : i32
    }
    %eq3A_270 = arith.constant 0 : i32
    %eq3A_271 = arith.cmpi eq, %add3A_68, %eq3A_270 : i32
    %convert_element_type3A_272 = arith.extui %eq3A_271 : i1 to i32
    %cond3A_273 = arith.constant 0 : i32
    %cond3A_274 = arith.cmpi ne, %convert_element_type3A_272, %cond3A_273 : i32
    scf.if %cond3A_274 {
      %add3A_630 = vector.broadcast %reduce_sum3A_159 : i32 to vector<16xi32>
      %add3A_631 = arith.addi %broadcast_in_dim3A_138, %add3A_630 : vector<16xi32>
      %swap3A = arith.constant 0 : index
      %swap3A_632 = tpu.vector_load %arg12[%swap3A] {strides = array<i32>} : memref<16xi32, #tpu.memory_space<vmem>>, vector<16xi32>,
      tpu.vector_store %arg12[%swap3A], %add3A_631 {strides = array<i32>} : memref<16xi32, #tpu.memory_space<vmem>>, vector<16xi32>,
      "tpu.region"() ({
        %run_scoped3A = tpu.sem_alloc : memref<!tpu.dma_semaphore, #tpu.memory_space<semaphore_mem>>
        %dma_start3A = arith.constant 0 : i32
        %dma_start3A_633 = tpu.memref_slice %arg5[%select_n3A, %dma_start3A] : memref<8x16xi32, #tpu.memory_space<hbm>> -> memref<1x16xi32, #tpu.memory_space<hbm>>
        %dma_start3A_634 = tpu.memref_squeeze %dma_start3A_633 : memref<1x16xi32, #tpu.memory_space<hbm>> -> memref<16xi32, #tpu.memory_space<hbm>>
        %dma_start3A_635 = arith.constant 0 : i32
        %dma_start3A_636 = tpu.memref_slice %arg5[%select_n3A, %dma_start3A_635] : memref<8x16xi32, #tpu.memory_space<hbm>> -> memref<1x16xi32, #tpu.memory_space<hbm>>
        %dma_start3A_637 = tpu.memref_squeeze %dma_start3A_636 : memref<1x16xi32, #tpu.memory_space<hbm>> -> memref<16xi32, #tpu.memory_space<hbm>>
        tpu.enqueue_dma source(%arg12 : memref<16xi32, #tpu.memory_space<vmem>>) target(%dma_start3A_637 : memref<16xi32, #tpu.memory_space<hbm>>) target_semaphore(%run_scoped3A : memref<!tpu.dma_semaphore, #tpu.memory_space<semaphore_mem>>)
        %dma_wait3A = arith.constant 0 : i32
        %dma_wait3A_638 = tpu.memref_slice %arg5[%select_n3A, %dma_wait3A] : memref<8x16xi32, #tpu.memory_space<hbm>> -> memref<1x16xi32, #tpu.memory_space<hbm>>
        %dma_wait3A_639 = tpu.memref_squeeze %dma_wait3A_638 : memref<1x16xi32, #tpu.memory_space<hbm>> -> memref<16xi32, #tpu.memory_space<hbm>>
        %dma_wait3A_640 = arith.constant 0 : i32
        %dma_wait3A_641 = tpu.memref_slice %arg5[%select_n3A, %dma_wait3A_640] : memref<8x16xi32, #tpu.memory_space<hbm>> -> memref<1x16xi32, #tpu.memory_space<hbm>>
        %dma_wait3A_642 = tpu.memref_squeeze %dma_wait3A_641 : memref<1x16xi32, #tpu.memory_space<hbm>> -> memref<16xi32, #tpu.memory_space<hbm>>
        tpu.wait_dma2 semaphore(%run_scoped3A : memref<!tpu.dma_semaphore, #tpu.memory_space<semaphore_mem>>) src(%arg12 : memref<16xi32, #tpu.memory_space<vmem>>) dst(%dma_wait3A_642 : memref<16xi32, #tpu.memory_space<hbm>>)
        tpu.yield
      }) : () -> ()
    } else {
    }
    %add3A_275 = arith.constant 0 : i32
    %add3A_276 = arith.addi %add3A_137, %add3A_275 : i32
    %gt3A_277 = arith.constant 2 : i32
    %gt3A_278 = arith.cmpi sgt, %select_n3A_187, %gt3A_277 : i32
    %convert_element_type3A_279 = arith.extui %gt3A_278 : i1 to i32
    %cond3A_280 = arith.constant 0 : i32
    %cond3A_281 = arith.cmpi ne, %convert_element_type3A_279, %cond3A_280 : i32
    scf.if %cond3A_281 {
      %dma_start3A = arith.constant 2 : i32
      %dma_start3A_630 = arith.constant 0 : i32
      %dma_start3A_631 = tpu.memref_slice %arg7[%dma_start3A, %dma_start3A_630] : memref<16x32xi32, #tpu.memory_space<vmem>> -> memref<1x32xi32, #tpu.memory_space<vmem>>
      %dma_start3A_632 = tpu.memref_squeeze %dma_start3A_631 : memref<1x32xi32, #tpu.memory_space<vmem>> -> memref<32xi32, #tpu.memory_space<vmem>>
      %dma_start3A_633 = arith.constant 0 : i32
      %dma_start3A_634 = arith.constant 0 : i32
      %dma_start3A_635 = tpu.memref_slice %arg2[%dma_start3A_633, %dma_start3A_634] : memref<9216x1024xf32, #tpu.memory_space<hbm>> -> memref<9216x1024xf32, #tpu.memory_space<hbm>>
      tpu.enqueue_indirect_dma source(%dma_start3A_635 : memref<9216x1024xf32, #tpu.memory_space<hbm>>) target(%arg10 : memref<32x1024xf32, #tpu.memory_space<vmem>>) offsets(%dma_start3A_632 : memref<32xi32, #tpu.memory_space<vmem>>) semaphore(%arg16 : memref<!tpu.dma_semaphore, #tpu.memory_space<semaphore_mem>>)
    } else {
    }
    %gt3A_282 = arith.constant 0 : i32
    %gt3A_283 = arith.cmpi sgt, %select_n3A_187, %gt3A_282 : i32
    %convert_element_type3A_284 = arith.extui %gt3A_283 : i1 to i32
    %cond3A_285 = arith.constant 0 : i32
    %cond3A_286 = arith.cmpi ne, %convert_element_type3A_284, %cond3A_285 : i32
    scf.if %cond3A_286 {
      %dma_wait3A = arith.constant 0 : i32
      %dma_wait3A_630 = arith.constant 0 : i32
      %dma_wait3A_631 = tpu.memref_slice %arg7[%dma_wait3A, %dma_wait3A_630] : memref<16x32xi32, #tpu.memory_space<vmem>> -> memref<1x32xi32, #tpu.memory_space<vmem>>
      %dma_wait3A_632 = tpu.memref_squeeze %dma_wait3A_631 : memref<1x32xi32, #tpu.memory_space<vmem>> -> memref<32xi32, #tpu.memory_space<vmem>>
      %dma_wait3A_633 = arith.constant 0 : i32
      %dma_wait3A_634 = arith.constant 0 : i32
      %dma_wait3A_635 = tpu.memref_slice %arg2[%dma_wait3A_633, %dma_wait3A_634] : memref<9216x1024xf32, #tpu.memory_space<hbm>> -> memref<9216x1024xf32, #tpu.memory_space<hbm>>
      tpu.wait_indirect_dma semaphore(%arg14 : memref<!tpu.dma_semaphore, #tpu.memory_space<semaphore_mem>>) src(%dma_wait3A_635 : memref<9216x1024xf32, #tpu.memory_space<hbm>>) dst(%arg8 : memref<32x1024xf32, #tpu.memory_space<vmem>>)
      %sub3A_636 = arith.constant 0 : i32
      %sub3A_637 = arith.subi %min3A, %sub3A_636 : i32
      %jit3A_638 = arith.constant 0 : i32
      %jit3A_639 = arith.constant 32 : i32
      %max3A_640 = arith.maxsi %jit3A_638, %sub3A_637 : i32
      %min3A_641 = arith.minsi %jit3A_639, %max3A_640 : i32
      %while3A_642 = arith.constant 32 : i32
      %while3A_643 = arith.constant 0 : i32
      %while3A_644 = arith.subi %while3A_642, %min3A_641 : i32
      %while3A_645 = arith.addi %min3A_641, %while3A_644 : i32
      %while3A_646 = arith.constant 1 : i32
      %while3A_647 = arith.divsi %while3A_644, %while3A_646 : i32
      %while3A_648 = arith.muli %while3A_647, %while3A_646 : i32
      %while3A_649 = arith.addi %min3A_641, %while3A_648 : i32
      %while3A_650 = arith.constant 1 : i32
      %while3A_651 = scf.for %while3A_657 = %min3A_641 to %while3A_649 step %while3A_650 iter_args(%while3A_658 = %while3A_643) -> (i32)  : i32 {
        %scan3A_659 = arith.constant 0 : i32
        %scan3A_660 = arith.constant 0 : i32
        %scan3A_661 = arith.constant 64 : i32
        %scan3A_662 = arith.addi %scan3A_660, %scan3A_661 : i32
        %scan3A_663 = arith.constant 1 : i32
        %scan3A_664 = scf.for %scan3A_666 = %scan3A_660 to %scan3A_662 step %scan3A_663 iter_args(%scan3A_667 = %scan3A_659) -> (i32)  : i32 {
          %mul3A_668 = arith.constant 16 : i32
          %mul3A_669 = arith.muli %scan3A_666, %mul3A_668 : i32
          %swap3A = arith.index_cast %while3A_657 : i32 to index
          %swap3A_670 = arith.index_cast %mul3A_669 : i32 to index
          %swap3A_671 = tpu.vector_load %arg8[%swap3A, %swap3A_670] {strides = array<i32>} : memref<32x1024xf32, #tpu.memory_space<vmem>>, vector<16xf32>,
          tpu.vector_store %arg8[%swap3A, %swap3A_670], %broadcast_in_dim3A_140 {strides = array<i32>} : memref<32x1024xf32, #tpu.memory_space<vmem>>, vector<16xf32>,
          %scan3A_672 = arith.constant 0 : i32
          scf.yield %scan3A_672 : i32
        }
        %scan3A_665 = arith.constant 64 : i32
        scf.yield %scan3A_664 : i32
      }
      %while3A_652 = arith.constant 1 : i32
      %while3A_653 = scf.for %while3A_657 = %while3A_649 to %while3A_645 step %while3A_652 iter_args(%while3A_658 = %while3A_651) -> (i32)  : i32 {
        %scan3A_659 = arith.constant 0 : i32
        %scan3A_660 = arith.constant 0 : i32
        %scan3A_661 = arith.constant 64 : i32
        %scan3A_662 = arith.addi %scan3A_660, %scan3A_661 : i32
        %scan3A_663 = arith.constant 1 : i32
        %scan3A_664 = scf.for %scan3A_666 = %scan3A_660 to %scan3A_662 step %scan3A_663 iter_args(%scan3A_667 = %scan3A_659) -> (i32)  : i32 {
          %mul3A_668 = arith.constant 16 : i32
          %mul3A_669 = arith.muli %scan3A_666, %mul3A_668 : i32
          %swap3A = arith.index_cast %while3A_657 : i32 to index
          %swap3A_670 = arith.index_cast %mul3A_669 : i32 to index
          %swap3A_671 = tpu.vector_load %arg8[%swap3A, %swap3A_670] {strides = array<i32>} : memref<32x1024xf32, #tpu.memory_space<vmem>>, vector<16xf32>,
          tpu.vector_store %arg8[%swap3A, %swap3A_670], %broadcast_in_dim3A_140 {strides = array<i32>} : memref<32x1024xf32, #tpu.memory_space<vmem>>, vector<16xf32>,
          %scan3A_672 = arith.constant 0 : i32
          scf.yield %scan3A_672 : i32
        }
        %scan3A_665 = arith.constant 64 : i32
        scf.yield %scan3A_664 : i32
      }
      %dma_start3A = arith.constant 0 : i32
      %dma_start3A_654 = tpu.memref_slice %arg4[%add3A_276, %dma_start3A] : memref<16384x1024xf32, #tpu.memory_space<hbm>> -> memref<32x1024xf32, #tpu.memory_space<hbm>>
      %dma_start3A_655 = arith.constant 0 : i32
      %dma_start3A_656 = tpu.memref_slice %arg4[%add3A_276, %dma_start3A_655] : memref<16384x1024xf32, #tpu.memory_space<hbm>> -> memref<32x1024xf32, #tpu.memory_space<hbm>>
      tpu.enqueue_dma source(%arg8 : memref<32x1024xf32, #tpu.memory_space<vmem>>) target(%dma_start3A_656 : memref<32x1024xf32, #tpu.memory_space<hbm>>) target_semaphore(%arg17 : memref<!tpu.dma_semaphore, #tpu.memory_space<semaphore_mem>>)
    } else {
    }
    %add3A_287 = arith.constant 32 : i32
    %add3A_288 = arith.addi %add3A_137, %add3A_287 : i32
    %gt3A_289 = arith.constant 3 : i32
    %gt3A_290 = arith.cmpi sgt, %select_n3A_187, %gt3A_289 : i32
    %convert_element_type3A_291 = arith.extui %gt3A_290 : i1 to i32
    %cond3A_292 = arith.constant 0 : i32
    %cond3A_293 = arith.cmpi ne, %convert_element_type3A_291, %cond3A_292 : i32
    scf.if %cond3A_293 {
      %add3A_630 = arith.constant 0 : i32
      %add3A_631 = arith.addi %add3A_137, %add3A_630 : i32
      %dma_wait3A = arith.constant 0 : i32
      %dma_wait3A_632 = tpu.memref_slice %arg4[%add3A_631, %dma_wait3A] : memref<16384x1024xf32, #tpu.memory_space<hbm>> -> memref<32x1024xf32, #tpu.memory_space<hbm>>
      %dma_wait3A_633 = arith.constant 0 : i32
      %dma_wait3A_634 = tpu.memref_slice %arg4[%add3A_631, %dma_wait3A_633] : memref<16384x1024xf32, #tpu.memory_space<hbm>> -> memref<32x1024xf32, #tpu.memory_space<hbm>>
      tpu.wait_dma2 semaphore(%arg17 : memref<!tpu.dma_semaphore, #tpu.memory_space<semaphore_mem>>) src(%arg8 : memref<32x1024xf32, #tpu.memory_space<vmem>>) dst(%dma_wait3A_634 : memref<32x1024xf32, #tpu.memory_space<hbm>>)
      %dma_start3A = arith.constant 3 : i32
      %dma_start3A_635 = arith.constant 0 : i32
      %dma_start3A_636 = tpu.memref_slice %arg7[%dma_start3A, %dma_start3A_635] : memref<16x32xi32, #tpu.memory_space<vmem>> -> memref<1x32xi32, #tpu.memory_space<vmem>>
      %dma_start3A_637 = tpu.memref_squeeze %dma_start3A_636 : memref<1x32xi32, #tpu.memory_space<vmem>> -> memref<32xi32, #tpu.memory_space<vmem>>
      %dma_start3A_638 = arith.constant 0 : i32
      %dma_start3A_639 = arith.constant 0 : i32
      %dma_start3A_640 = tpu.memref_slice %arg2[%dma_start3A_638, %dma_start3A_639] : memref<9216x1024xf32, #tpu.memory_space<hbm>> -> memref<9216x1024xf32, #tpu.memory_space<hbm>>
      tpu.enqueue_indirect_dma source(%dma_start3A_640 : memref<9216x1024xf32, #tpu.memory_space<hbm>>) target(%arg8 : memref<32x1024xf32, #tpu.memory_space<vmem>>) offsets(%dma_start3A_637 : memref<32xi32, #tpu.memory_space<vmem>>) semaphore(%arg14 : memref<!tpu.dma_semaphore, #tpu.memory_space<semaphore_mem>>)
    } else {
    }
    %gt3A_294 = arith.constant 1 : i32
    %gt3A_295 = arith.cmpi sgt, %select_n3A_187, %gt3A_294 : i32
    %convert_element_type3A_296 = arith.extui %gt3A_295 : i1 to i32
    %cond3A_297 = arith.constant 0 : i32
    %cond3A_298 = arith.cmpi ne, %convert_element_type3A_296, %cond3A_297 : i32
    scf.if %cond3A_298 {
      %dma_wait3A = arith.constant 1 : i32
      %dma_wait3A_630 = arith.constant 0 : i32
      %dma_wait3A_631 = tpu.memref_slice %arg7[%dma_wait3A, %dma_wait3A_630] : memref<16x32xi32, #tpu.memory_space<vmem>> -> memref<1x32xi32, #tpu.memory_space<vmem>>
      %dma_wait3A_632 = tpu.memref_squeeze %dma_wait3A_631 : memref<1x32xi32, #tpu.memory_space<vmem>> -> memref<32xi32, #tpu.memory_space<vmem>>
      %dma_wait3A_633 = arith.constant 0 : i32
      %dma_wait3A_634 = arith.constant 0 : i32
      %dma_wait3A_635 = tpu.memref_slice %arg2[%dma_wait3A_633, %dma_wait3A_634] : memref<9216x1024xf32, #tpu.memory_space<hbm>> -> memref<9216x1024xf32, #tpu.memory_space<hbm>>
      tpu.wait_indirect_dma semaphore(%arg15 : memref<!tpu.dma_semaphore, #tpu.memory_space<semaphore_mem>>) src(%dma_wait3A_635 : memref<9216x1024xf32, #tpu.memory_space<hbm>>) dst(%arg9 : memref<32x1024xf32, #tpu.memory_space<vmem>>)
      %sub3A_636 = arith.constant 32 : i32
      %sub3A_637 = arith.subi %min3A, %sub3A_636 : i32
      %jit3A_638 = arith.constant 0 : i32
      %jit3A_639 = arith.constant 32 : i32
      %max3A_640 = arith.maxsi %jit3A_638, %sub3A_637 : i32
      %min3A_641 = arith.minsi %jit3A_639, %max3A_640 : i32
      %while3A_642 = arith.constant 32 : i32
      %while3A_643 = arith.constant 0 : i32
      %while3A_644 = arith.subi %while3A_642, %min3A_641 : i32
      %while3A_645 = arith.addi %min3A_641, %while3A_644 : i32
      %while3A_646 = arith.constant 1 : i32
      %while3A_647 = arith.divsi %while3A_644, %while3A_646 : i32
      %while3A_648 = arith.muli %while3A_647, %while3A_646 : i32
      %while3A_649 = arith.addi %min3A_641, %while3A_648 : i32
      %while3A_650 = arith.constant 1 : i32
      %while3A_651 = scf.for %while3A_657 = %min3A_641 to %while3A_649 step %while3A_650 iter_args(%while3A_658 = %while3A_643) -> (i32)  : i32 {
        %scan3A_659 = arith.constant 0 : i32
        %scan3A_660 = arith.constant 0 : i32
        %scan3A_661 = arith.constant 64 : i32
        %scan3A_662 = arith.addi %scan3A_660, %scan3A_661 : i32
        %scan3A_663 = arith.constant 1 : i32
        %scan3A_664 = scf.for %scan3A_666 = %scan3A_660 to %scan3A_662 step %scan3A_663 iter_args(%scan3A_667 = %scan3A_659) -> (i32)  : i32 {
          %mul3A_668 = arith.constant 16 : i32
          %mul3A_669 = arith.muli %scan3A_666, %mul3A_668 : i32
          %swap3A = arith.index_cast %while3A_657 : i32 to index
          %swap3A_670 = arith.index_cast %mul3A_669 : i32 to index
          %swap3A_671 = tpu.vector_load %arg9[%swap3A, %swap3A_670] {strides = array<i32>} : memref<32x1024xf32, #tpu.memory_space<vmem>>, vector<16xf32>,
          tpu.vector_store %arg9[%swap3A, %swap3A_670], %broadcast_in_dim3A_140 {strides = array<i32>} : memref<32x1024xf32, #tpu.memory_space<vmem>>, vector<16xf32>,
          %scan3A_672 = arith.constant 0 : i32
          scf.yield %scan3A_672 : i32
        }
        %scan3A_665 = arith.constant 64 : i32
        scf.yield %scan3A_664 : i32
      }
      %while3A_652 = arith.constant 1 : i32
      %while3A_653 = scf.for %while3A_657 = %while3A_649 to %while3A_645 step %while3A_652 iter_args(%while3A_658 = %while3A_651) -> (i32)  : i32 {
        %scan3A_659 = arith.constant 0 : i32
        %scan3A_660 = arith.constant 0 : i32
        %scan3A_661 = arith.constant 64 : i32
        %scan3A_662 = arith.addi %scan3A_660, %scan3A_661 : i32
        %scan3A_663 = arith.constant 1 : i32
        %scan3A_664 = scf.for %scan3A_666 = %scan3A_660 to %scan3A_662 step %scan3A_663 iter_args(%scan3A_667 = %scan3A_659) -> (i32)  : i32 {
          %mul3A_668 = arith.constant 16 : i32
          %mul3A_669 = arith.muli %scan3A_666, %mul3A_668 : i32
          %swap3A = arith.index_cast %while3A_657 : i32 to index
          %swap3A_670 = arith.index_cast %mul3A_669 : i32 to index
          %swap3A_671 = tpu.vector_load %arg9[%swap3A, %swap3A_670] {strides = array<i32>} : memref<32x1024xf32, #tpu.memory_space<vmem>>, vector<16xf32>,
          tpu.vector_store %arg9[%swap3A, %swap3A_670], %broadcast_in_dim3A_140 {strides = array<i32>} : memref<32x1024xf32, #tpu.memory_space<vmem>>, vector<16xf32>,
          %scan3A_672 = arith.constant 0 : i32
          scf.yield %scan3A_672 : i32
        }
        %scan3A_665 = arith.constant 64 : i32
        scf.yield %scan3A_664 : i32
      }
      %dma_start3A = arith.constant 0 : i32
      %dma_start3A_654 = tpu.memref_slice %arg4[%add3A_288, %dma_start3A] : memref<16384x1024xf32, #tpu.memory_space<hbm>> -> memref<32x1024xf32, #tpu.memory_space<hbm>>
      %dma_start3A_655 = arith.constant 0 : i32
      %dma_start3A_656 = tpu.memref_slice %arg4[%add3A_288, %dma_start3A_655] : memref<16384x1024xf32, #tpu.memory_space<hbm>> -> memref<32x1024xf32, #tpu.memory_space<hbm>>
      tpu.enqueue_dma source(%arg9 : memref<32x1024xf32, #tpu.memory_space<vmem>>) target(%dma_start3A_656 : memref<32x1024xf32, #tpu.memory_space<hbm>>) target_semaphore(%arg18 : memref<!tpu.dma_semaphore, #tpu.memory_space<semaphore_mem>>)
    } else {
    }
    %add3A_299 = arith.constant 64 : i32
    %add3A_300 = arith.addi %add3A_137, %add3A_299 : i32
    %gt3A_301 = arith.constant 4 : i32
    %gt3A_302 = arith.cmpi sgt, %select_n3A_187, %gt3A_301 : i32
    %convert_element_type3A_303 = arith.extui %gt3A_302 : i1 to i32
    %cond3A_304 = arith.constant 0 : i32
    %cond3A_305 = arith.cmpi ne, %convert_element_type3A_303, %cond3A_304 : i32
    scf.if %cond3A_305 {
      %add3A_630 = arith.constant 32 : i32
      %add3A_631 = arith.addi %add3A_137, %add3A_630 : i32
      %dma_wait3A = arith.constant 0 : i32
      %dma_wait3A_632 = tpu.memref_slice %arg4[%add3A_631, %dma_wait3A] : memref<16384x1024xf32, #tpu.memory_space<hbm>> -> memref<32x1024xf32, #tpu.memory_space<hbm>>
      %dma_wait3A_633 = arith.constant 0 : i32
      %dma_wait3A_634 = tpu.memref_slice %arg4[%add3A_631, %dma_wait3A_633] : memref<16384x1024xf32, #tpu.memory_space<hbm>> -> memref<32x1024xf32, #tpu.memory_space<hbm>>
      tpu.wait_dma2 semaphore(%arg18 : memref<!tpu.dma_semaphore, #tpu.memory_space<semaphore_mem>>) src(%arg9 : memref<32x1024xf32, #tpu.memory_space<vmem>>) dst(%dma_wait3A_634 : memref<32x1024xf32, #tpu.memory_space<hbm>>)
      %dma_start3A = arith.constant 4 : i32
      %dma_start3A_635 = arith.constant 0 : i32
      %dma_start3A_636 = tpu.memref_slice %arg7[%dma_start3A, %dma_start3A_635] : memref<16x32xi32, #tpu.memory_space<vmem>> -> memref<1x32xi32, #tpu.memory_space<vmem>>
      %dma_start3A_637 = tpu.memref_squeeze %dma_start3A_636 : memref<1x32xi32, #tpu.memory_space<vmem>> -> memref<32xi32, #tpu.memory_space<vmem>>
      %dma_start3A_638 = arith.constant 0 : i32
      %dma_start3A_639 = arith.constant 0 : i32
      %dma_start3A_640 = tpu.memref_slice %arg2[%dma_start3A_638, %dma_start3A_639] : memref<9216x1024xf32, #tpu.memory_space<hbm>> -> memref<9216x1024xf32, #tpu.memory_space<hbm>>
      tpu.enqueue_indirect_dma source(%dma_start3A_640 : memref<9216x1024xf32, #tpu.memory_space<hbm>>) target(%arg9 : memref<32x1024xf32, #tpu.memory_space<vmem>>) offsets(%dma_start3A_637 : memref<32xi32, #tpu.memory_space<vmem>>) semaphore(%arg15 : memref<!tpu.dma_semaphore, #tpu.memory_space<semaphore_mem>>)
    } else {
    }
    %gt3A_306 = arith.constant 2 : i32
    %gt3A_307 = arith.cmpi sgt, %select_n3A_187, %gt3A_306 : i32
    %convert_element_type3A_308 = arith.extui %gt3A_307 : i1 to i32
    %cond3A_309 = arith.constant 0 : i32
    %cond3A_310 = arith.cmpi ne, %convert_element_type3A_308, %cond3A_309 : i32
    scf.if %cond3A_310 {
      %dma_wait3A = arith.constant 2 : i32
      %dma_wait3A_630 = arith.constant 0 : i32
      %dma_wait3A_631 = tpu.memref_slice %arg7[%dma_wait3A, %dma_wait3A_630] : memref<16x32xi32, #tpu.memory_space<vmem>> -> memref<1x32xi32, #tpu.memory_space<vmem>>
      %dma_wait3A_632 = tpu.memref_squeeze %dma_wait3A_631 : memref<1x32xi32, #tpu.memory_space<vmem>> -> memref<32xi32, #tpu.memory_space<vmem>>
      %dma_wait3A_633 = arith.constant 0 : i32
      %dma_wait3A_634 = arith.constant 0 : i32
      %dma_wait3A_635 = tpu.memref_slice %arg2[%dma_wait3A_633, %dma_wait3A_634] : memref<9216x1024xf32, #tpu.memory_space<hbm>> -> memref<9216x1024xf32, #tpu.memory_space<hbm>>
      tpu.wait_indirect_dma semaphore(%arg16 : memref<!tpu.dma_semaphore, #tpu.memory_space<semaphore_mem>>) src(%dma_wait3A_635 : memref<9216x1024xf32, #tpu.memory_space<hbm>>) dst(%arg10 : memref<32x1024xf32, #tpu.memory_space<vmem>>)
      %sub3A_636 = arith.constant 64 : i32
      %sub3A_637 = arith.subi %min3A, %sub3A_636 : i32
      %jit3A_638 = arith.constant 0 : i32
      %jit3A_639 = arith.constant 32 : i32
      %max3A_640 = arith.maxsi %jit3A_638, %sub3A_637 : i32
      %min3A_641 = arith.minsi %jit3A_639, %max3A_640 : i32
      %while3A_642 = arith.constant 32 : i32
      %while3A_643 = arith.constant 0 : i32
      %while3A_644 = arith.subi %while3A_642, %min3A_641 : i32
      %while3A_645 = arith.addi %min3A_641, %while3A_644 : i32
      %while3A_646 = arith.constant 1 : i32
      %while3A_647 = arith.divsi %while3A_644, %while3A_646 : i32
      %while3A_648 = arith.muli %while3A_647, %while3A_646 : i32
      %while3A_649 = arith.addi %min3A_641, %while3A_648 : i32
      %while3A_650 = arith.constant 1 : i32
      %while3A_651 = scf.for %while3A_657 = %min3A_641 to %while3A_649 step %while3A_650 iter_args(%while3A_658 = %while3A_643) -> (i32)  : i32 {
        %scan3A_659 = arith.constant 0 : i32
        %scan3A_660 = arith.constant 0 : i32
        %scan3A_661 = arith.constant 64 : i32
        %scan3A_662 = arith.addi %scan3A_660, %scan3A_661 : i32
        %scan3A_663 = arith.constant 1 : i32
        %scan3A_664 = scf.for %scan3A_666 = %scan3A_660 to %scan3A_662 step %scan3A_663 iter_args(%scan3A_667 = %scan3A_659) -> (i32)  : i32 {
          %mul3A_668 = arith.constant 16 : i32
          %mul3A_669 = arith.muli %scan3A_666, %mul3A_668 : i32
          %swap3A = arith.index_cast %while3A_657 : i32 to index
          %swap3A_670 = arith.index_cast %mul3A_669 : i32 to index
          %swap3A_671 = tpu.vector_load %arg10[%swap3A, %swap3A_670] {strides = array<i32>} : memref<32x1024xf32, #tpu.memory_space<vmem>>, vector<16xf32>,
          tpu.vector_store %arg10[%swap3A, %swap3A_670], %broadcast_in_dim3A_140 {strides = array<i32>} : memref<32x1024xf32, #tpu.memory_space<vmem>>, vector<16xf32>,
          %scan3A_672 = arith.constant 0 : i32
          scf.yield %scan3A_672 : i32
        }
        %scan3A_665 = arith.constant 64 : i32
        scf.yield %scan3A_664 : i32
      }
      %while3A_652 = arith.constant 1 : i32
      %while3A_653 = scf.for %while3A_657 = %while3A_649 to %while3A_645 step %while3A_652 iter_args(%while3A_658 = %while3A_651) -> (i32)  : i32 {
        %scan3A_659 = arith.constant 0 : i32
        %scan3A_660 = arith.constant 0 : i32
        %scan3A_661 = arith.constant 64 : i32
        %scan3A_662 = arith.addi %scan3A_660, %scan3A_661 : i32
        %scan3A_663 = arith.constant 1 : i32
        %scan3A_664 = scf.for %scan3A_666 = %scan3A_660 to %scan3A_662 step %scan3A_663 iter_args(%scan3A_667 = %scan3A_659) -> (i32)  : i32 {
          %mul3A_668 = arith.constant 16 : i32
          %mul3A_669 = arith.muli %scan3A_666, %mul3A_668 : i32
          %swap3A = arith.index_cast %while3A_657 : i32 to index
          %swap3A_670 = arith.index_cast %mul3A_669 : i32 to index
          %swap3A_671 = tpu.vector_load %arg10[%swap3A, %swap3A_670] {strides = array<i32>} : memref<32x1024xf32, #tpu.memory_space<vmem>>, vector<16xf32>,
          tpu.vector_store %arg10[%swap3A, %swap3A_670], %broadcast_in_dim3A_140 {strides = array<i32>} : memref<32x1024xf32, #tpu.memory_space<vmem>>, vector<16xf32>,
          %scan3A_672 = arith.constant 0 : i32
          scf.yield %scan3A_672 : i32
        }
        %scan3A_665 = arith.constant 64 : i32
        scf.yield %scan3A_664 : i32
      }
      %dma_start3A = arith.constant 0 : i32
      %dma_start3A_654 = tpu.memref_slice %arg4[%add3A_300, %dma_start3A] : memref<16384x1024xf32, #tpu.memory_space<hbm>> -> memref<32x1024xf32, #tpu.memory_space<hbm>>
      %dma_start3A_655 = arith.constant 0 : i32
      %dma_start3A_656 = tpu.memref_slice %arg4[%add3A_300, %dma_start3A_655] : memref<16384x1024xf32, #tpu.memory_space<hbm>> -> memref<32x1024xf32, #tpu.memory_space<hbm>>
      tpu.enqueue_dma source(%arg10 : memref<32x1024xf32, #tpu.memory_space<vmem>>) target(%dma_start3A_656 : memref<32x1024xf32, #tpu.memory_space<hbm>>) target_semaphore(%arg19 : memref<!tpu.dma_semaphore, #tpu.memory_space<semaphore_mem>>)
    } else {
    }
    %add3A_311 = arith.constant 96 : i32
    %add3A_312 = arith.addi %add3A_137, %add3A_311 : i32
    %gt3A_313 = arith.constant 5 : i32
    %gt3A_314 = arith.cmpi sgt, %select_n3A_187, %gt3A_313 : i32
    %convert_element_type3A_315 = arith.extui %gt3A_314 : i1 to i32
    %cond3A_316 = arith.constant 0 : i32
    %cond3A_317 = arith.cmpi ne, %convert_element_type3A_315, %cond3A_316 : i32
    scf.if %cond3A_317 {
      %add3A_630 = arith.constant 64 : i32
      %add3A_631 = arith.addi %add3A_137, %add3A_630 : i32
      %dma_wait3A = arith.constant 0 : i32
      %dma_wait3A_632 = tpu.memref_slice %arg4[%add3A_631, %dma_wait3A] : memref<16384x1024xf32, #tpu.memory_space<hbm>> -> memref<32x1024xf32, #tpu.memory_space<hbm>>
      %dma_wait3A_633 = arith.constant 0 : i32
      %dma_wait3A_634 = tpu.memref_slice %arg4[%add3A_631, %dma_wait3A_633] : memref<16384x1024xf32, #tpu.memory_space<hbm>> -> memref<32x1024xf32, #tpu.memory_space<hbm>>
      tpu.wait_dma2 semaphore(%arg19 : memref<!tpu.dma_semaphore, #tpu.memory_space<semaphore_mem>>) src(%arg10 : memref<32x1024xf32, #tpu.memory_space<vmem>>) dst(%dma_wait3A_634 : memref<32x1024xf32, #tpu.memory_space<hbm>>)
      %dma_start3A = arith.constant 5 : i32
      %dma_start3A_635 = arith.constant 0 : i32
      %dma_start3A_636 = tpu.memref_slice %arg7[%dma_start3A, %dma_start3A_635] : memref<16x32xi32, #tpu.memory_space<vmem>> -> memref<1x32xi32, #tpu.memory_space<vmem>>
      %dma_start3A_637 = tpu.memref_squeeze %dma_start3A_636 : memref<1x32xi32, #tpu.memory_space<vmem>> -> memref<32xi32, #tpu.memory_space<vmem>>
      %dma_start3A_638 = arith.constant 0 : i32
      %dma_start3A_639 = arith.constant 0 : i32
      %dma_start3A_640 = tpu.memref_slice %arg2[%dma_start3A_638, %dma_start3A_639] : memref<9216x1024xf32, #tpu.memory_space<hbm>> -> memref<9216x1024xf32, #tpu.memory_space<hbm>>
      tpu.enqueue_indirect_dma source(%dma_start3A_640 : memref<9216x1024xf32, #tpu.memory_space<hbm>>) target(%arg10 : memref<32x1024xf32, #tpu.memory_space<vmem>>) offsets(%dma_start3A_637 : memref<32xi32, #tpu.memory_space<vmem>>) semaphore(%arg16 : memref<!tpu.dma_semaphore, #tpu.memory_space<semaphore_mem>>)
    } else {
    }
    %gt3A_318 = arith.constant 3 : i32
    %gt3A_319 = arith.cmpi sgt, %select_n3A_187, %gt3A_318 : i32
    %convert_element_type3A_320 = arith.extui %gt3A_319 : i1 to i32
    %cond3A_321 = arith.constant 0 : i32
    %cond3A_322 = arith.cmpi ne, %convert_element_type3A_320, %cond3A_321 : i32
    scf.if %cond3A_322 {
      %dma_wait3A = arith.constant 3 : i32
      %dma_wait3A_630 = arith.constant 0 : i32
      %dma_wait3A_631 = tpu.memref_slice %arg7[%dma_wait3A, %dma_wait3A_630] : memref<16x32xi32, #tpu.memory_space<vmem>> -> memref<1x32xi32, #tpu.memory_space<vmem>>
      %dma_wait3A_632 = tpu.memref_squeeze %dma_wait3A_631 : memref<1x32xi32, #tpu.memory_space<vmem>> -> memref<32xi32, #tpu.memory_space<vmem>>
      %dma_wait3A_633 = arith.constant 0 : i32
      %dma_wait3A_634 = arith.constant 0 : i32
      %dma_wait3A_635 = tpu.memref_slice %arg2[%dma_wait3A_633, %dma_wait3A_634] : memref<9216x1024xf32, #tpu.memory_space<hbm>> -> memref<9216x1024xf32, #tpu.memory_space<hbm>>
      tpu.wait_indirect_dma semaphore(%arg14 : memref<!tpu.dma_semaphore, #tpu.memory_space<semaphore_mem>>) src(%dma_wait3A_635 : memref<9216x1024xf32, #tpu.memory_space<hbm>>) dst(%arg8 : memref<32x1024xf32, #tpu.memory_space<vmem>>)
      %sub3A_636 = arith.constant 96 : i32
      %sub3A_637 = arith.subi %min3A, %sub3A_636 : i32
      %jit3A_638 = arith.constant 0 : i32
      %jit3A_639 = arith.constant 32 : i32
      %max3A_640 = arith.maxsi %jit3A_638, %sub3A_637 : i32
      %min3A_641 = arith.minsi %jit3A_639, %max3A_640 : i32
      %while3A_642 = arith.constant 32 : i32
      %while3A_643 = arith.constant 0 : i32
      %while3A_644 = arith.subi %while3A_642, %min3A_641 : i32
      %while3A_645 = arith.addi %min3A_641, %while3A_644 : i32
      %while3A_646 = arith.constant 1 : i32
      %while3A_647 = arith.divsi %while3A_644, %while3A_646 : i32
      %while3A_648 = arith.muli %while3A_647, %while3A_646 : i32
      %while3A_649 = arith.addi %min3A_641, %while3A_648 : i32
      %while3A_650 = arith.constant 1 : i32
      %while3A_651 = scf.for %while3A_657 = %min3A_641 to %while3A_649 step %while3A_650 iter_args(%while3A_658 = %while3A_643) -> (i32)  : i32 {
        %scan3A_659 = arith.constant 0 : i32
        %scan3A_660 = arith.constant 0 : i32
        %scan3A_661 = arith.constant 64 : i32
        %scan3A_662 = arith.addi %scan3A_660, %scan3A_661 : i32
        %scan3A_663 = arith.constant 1 : i32
        %scan3A_664 = scf.for %scan3A_666 = %scan3A_660 to %scan3A_662 step %scan3A_663 iter_args(%scan3A_667 = %scan3A_659) -> (i32)  : i32 {
          %mul3A_668 = arith.constant 16 : i32
          %mul3A_669 = arith.muli %scan3A_666, %mul3A_668 : i32
          %swap3A = arith.index_cast %while3A_657 : i32 to index
          %swap3A_670 = arith.index_cast %mul3A_669 : i32 to index
          %swap3A_671 = tpu.vector_load %arg8[%swap3A, %swap3A_670] {strides = array<i32>} : memref<32x1024xf32, #tpu.memory_space<vmem>>, vector<16xf32>,
          tpu.vector_store %arg8[%swap3A, %swap3A_670], %broadcast_in_dim3A_140 {strides = array<i32>} : memref<32x1024xf32, #tpu.memory_space<vmem>>, vector<16xf32>,
          %scan3A_672 = arith.constant 0 : i32
          scf.yield %scan3A_672 : i32
        }
        %scan3A_665 = arith.constant 64 : i32
        scf.yield %scan3A_664 : i32
      }
      %while3A_652 = arith.constant 1 : i32
      %while3A_653 = scf.for %while3A_657 = %while3A_649 to %while3A_645 step %while3A_652 iter_args(%while3A_658 = %while3A_651) -> (i32)  : i32 {
        %scan3A_659 = arith.constant 0 : i32
        %scan3A_660 = arith.constant 0 : i32
        %scan3A_661 = arith.constant 64 : i32
        %scan3A_662 = arith.addi %scan3A_660, %scan3A_661 : i32
        %scan3A_663 = arith.constant 1 : i32
        %scan3A_664 = scf.for %scan3A_666 = %scan3A_660 to %scan3A_662 step %scan3A_663 iter_args(%scan3A_667 = %scan3A_659) -> (i32)  : i32 {
          %mul3A_668 = arith.constant 16 : i32
          %mul3A_669 = arith.muli %scan3A_666, %mul3A_668 : i32
          %swap3A = arith.index_cast %while3A_657 : i32 to index
          %swap3A_670 = arith.index_cast %mul3A_669 : i32 to index
          %swap3A_671 = tpu.vector_load %arg8[%swap3A, %swap3A_670] {strides = array<i32>} : memref<32x1024xf32, #tpu.memory_space<vmem>>, vector<16xf32>,
          tpu.vector_store %arg8[%swap3A, %swap3A_670], %broadcast_in_dim3A_140 {strides = array<i32>} : memref<32x1024xf32, #tpu.memory_space<vmem>>, vector<16xf32>,
          %scan3A_672 = arith.constant 0 : i32
          scf.yield %scan3A_672 : i32
        }
        %scan3A_665 = arith.constant 64 : i32
        scf.yield %scan3A_664 : i32
      }
      %dma_start3A = arith.constant 0 : i32
      %dma_start3A_654 = tpu.memref_slice %arg4[%add3A_312, %dma_start3A] : memref<16384x1024xf32, #tpu.memory_space<hbm>> -> memref<32x1024xf32, #tpu.memory_space<hbm>>
      %dma_start3A_655 = arith.constant 0 : i32
      %dma_start3A_656 = tpu.memref_slice %arg4[%add3A_312, %dma_start3A_655] : memref<16384x1024xf32, #tpu.memory_space<hbm>> -> memref<32x1024xf32, #tpu.memory_space<hbm>>
      tpu.enqueue_dma source(%arg8 : memref<32x1024xf32, #tpu.memory_space<vmem>>) target(%dma_start3A_656 : memref<32x1024xf32, #tpu.memory_space<hbm>>) target_semaphore(%arg17 : memref<!tpu.dma_semaphore, #tpu.memory_space<semaphore_mem>>)
    } else {
    }
    %add3A_323 = arith.constant 128 : i32
    %add3A_324 = arith.addi %add3A_137, %add3A_323 : i32
    %gt3A_325 = arith.constant 6 : i32
    %gt3A_326 = arith.cmpi sgt, %select_n3A_187, %gt3A_325 : i32
    %convert_element_type3A_327 = arith.extui %gt3A_326 : i1 to i32
    %cond3A_328 = arith.constant 0 : i32
    %cond3A_329 = arith.cmpi ne, %convert_element_type3A_327, %cond3A_328 : i32
    scf.if %cond3A_329 {
      %add3A_630 = arith.constant 96 : i32
      %add3A_631 = arith.addi %add3A_137, %add3A_630 : i32
      %dma_wait3A = arith.constant 0 : i32
      %dma_wait3A_632 = tpu.memref_slice %arg4[%add3A_631, %dma_wait3A] : memref<16384x1024xf32, #tpu.memory_space<hbm>> -> memref<32x1024xf32, #tpu.memory_space<hbm>>
      %dma_wait3A_633 = arith.constant 0 : i32
      %dma_wait3A_634 = tpu.memref_slice %arg4[%add3A_631, %dma_wait3A_633] : memref<16384x1024xf32, #tpu.memory_space<hbm>> -> memref<32x1024xf32, #tpu.memory_space<hbm>>
      tpu.wait_dma2 semaphore(%arg17 : memref<!tpu.dma_semaphore, #tpu.memory_space<semaphore_mem>>) src(%arg8 : memref<32x1024xf32, #tpu.memory_space<vmem>>) dst(%dma_wait3A_634 : memref<32x1024xf32, #tpu.memory_space<hbm>>)
      %dma_start3A = arith.constant 6 : i32
      %dma_start3A_635 = arith.constant 0 : i32
      %dma_start3A_636 = tpu.memref_slice %arg7[%dma_start3A, %dma_start3A_635] : memref<16x32xi32, #tpu.memory_space<vmem>> -> memref<1x32xi32, #tpu.memory_space<vmem>>
      %dma_start3A_637 = tpu.memref_squeeze %dma_start3A_636 : memref<1x32xi32, #tpu.memory_space<vmem>> -> memref<32xi32, #tpu.memory_space<vmem>>
      %dma_start3A_638 = arith.constant 0 : i32
      %dma_start3A_639 = arith.constant 0 : i32
      %dma_start3A_640 = tpu.memref_slice %arg2[%dma_start3A_638, %dma_start3A_639] : memref<9216x1024xf32, #tpu.memory_space<hbm>> -> memref<9216x1024xf32, #tpu.memory_space<hbm>>
      tpu.enqueue_indirect_dma source(%dma_start3A_640 : memref<9216x1024xf32, #tpu.memory_space<hbm>>) target(%arg8 : memref<32x1024xf32, #tpu.memory_space<vmem>>) offsets(%dma_start3A_637 : memref<32xi32, #tpu.memory_space<vmem>>) semaphore(%arg14 : memref<!tpu.dma_semaphore, #tpu.memory_space<semaphore_mem>>)
    } else {
    }
    %gt3A_330 = arith.constant 4 : i32
    %gt3A_331 = arith.cmpi sgt, %select_n3A_187, %gt3A_330 : i32
    %convert_element_type3A_332 = arith.extui %gt3A_331 : i1 to i32
    %cond3A_333 = arith.constant 0 : i32
    %cond3A_334 = arith.cmpi ne, %convert_element_type3A_332, %cond3A_333 : i32
    scf.if %cond3A_334 {
      %dma_wait3A = arith.constant 4 : i32
      %dma_wait3A_630 = arith.constant 0 : i32
      %dma_wait3A_631 = tpu.memref_slice %arg7[%dma_wait3A, %dma_wait3A_630] : memref<16x32xi32, #tpu.memory_space<vmem>> -> memref<1x32xi32, #tpu.memory_space<vmem>>
      %dma_wait3A_632 = tpu.memref_squeeze %dma_wait3A_631 : memref<1x32xi32, #tpu.memory_space<vmem>> -> memref<32xi32, #tpu.memory_space<vmem>>
      %dma_wait3A_633 = arith.constant 0 : i32
      %dma_wait3A_634 = arith.constant 0 : i32
      %dma_wait3A_635 = tpu.memref_slice %arg2[%dma_wait3A_633, %dma_wait3A_634] : memref<9216x1024xf32, #tpu.memory_space<hbm>> -> memref<9216x1024xf32, #tpu.memory_space<hbm>>
      tpu.wait_indirect_dma semaphore(%arg15 : memref<!tpu.dma_semaphore, #tpu.memory_space<semaphore_mem>>) src(%dma_wait3A_635 : memref<9216x1024xf32, #tpu.memory_space<hbm>>) dst(%arg9 : memref<32x1024xf32, #tpu.memory_space<vmem>>)
      %sub3A_636 = arith.constant 128 : i32
      %sub3A_637 = arith.subi %min3A, %sub3A_636 : i32
      %jit3A_638 = arith.constant 0 : i32
      %jit3A_639 = arith.constant 32 : i32
      %max3A_640 = arith.maxsi %jit3A_638, %sub3A_637 : i32
      %min3A_641 = arith.minsi %jit3A_639, %max3A_640 : i32
      %while3A_642 = arith.constant 32 : i32
      %while3A_643 = arith.constant 0 : i32
      %while3A_644 = arith.subi %while3A_642, %min3A_641 : i32
      %while3A_645 = arith.addi %min3A_641, %while3A_644 : i32
      %while3A_646 = arith.constant 1 : i32
      %while3A_647 = arith.divsi %while3A_644, %while3A_646 : i32
      %while3A_648 = arith.muli %while3A_647, %while3A_646 : i32
      %while3A_649 = arith.addi %min3A_641, %while3A_648 : i32
      %while3A_650 = arith.constant 1 : i32
      %while3A_651 = scf.for %while3A_657 = %min3A_641 to %while3A_649 step %while3A_650 iter_args(%while3A_658 = %while3A_643) -> (i32)  : i32 {
        %scan3A_659 = arith.constant 0 : i32
        %scan3A_660 = arith.constant 0 : i32
        %scan3A_661 = arith.constant 64 : i32
        %scan3A_662 = arith.addi %scan3A_660, %scan3A_661 : i32
        %scan3A_663 = arith.constant 1 : i32
        %scan3A_664 = scf.for %scan3A_666 = %scan3A_660 to %scan3A_662 step %scan3A_663 iter_args(%scan3A_667 = %scan3A_659) -> (i32)  : i32 {
          %mul3A_668 = arith.constant 16 : i32
          %mul3A_669 = arith.muli %scan3A_666, %mul3A_668 : i32
          %swap3A = arith.index_cast %while3A_657 : i32 to index
          %swap3A_670 = arith.index_cast %mul3A_669 : i32 to index
          %swap3A_671 = tpu.vector_load %arg9[%swap3A, %swap3A_670] {strides = array<i32>} : memref<32x1024xf32, #tpu.memory_space<vmem>>, vector<16xf32>,
          tpu.vector_store %arg9[%swap3A, %swap3A_670], %broadcast_in_dim3A_140 {strides = array<i32>} : memref<32x1024xf32, #tpu.memory_space<vmem>>, vector<16xf32>,
          %scan3A_672 = arith.constant 0 : i32
          scf.yield %scan3A_672 : i32
        }
        %scan3A_665 = arith.constant 64 : i32
        scf.yield %scan3A_664 : i32
      }
      %while3A_652 = arith.constant 1 : i32
      %while3A_653 = scf.for %while3A_657 = %while3A_649 to %while3A_645 step %while3A_652 iter_args(%while3A_658 = %while3A_651) -> (i32)  : i32 {
        %scan3A_659 = arith.constant 0 : i32
        %scan3A_660 = arith.constant 0 : i32
        %scan3A_661 = arith.constant 64 : i32
        %scan3A_662 = arith.addi %scan3A_660, %scan3A_661 : i32
        %scan3A_663 = arith.constant 1 : i32
        %scan3A_664 = scf.for %scan3A_666 = %scan3A_660 to %scan3A_662 step %scan3A_663 iter_args(%scan3A_667 = %scan3A_659) -> (i32)  : i32 {
          %mul3A_668 = arith.constant 16 : i32
          %mul3A_669 = arith.muli %scan3A_666, %mul3A_668 : i32
          %swap3A = arith.index_cast %while3A_657 : i32 to index
          %swap3A_670 = arith.index_cast %mul3A_669 : i32 to index
          %swap3A_671 = tpu.vector_load %arg9[%swap3A, %swap3A_670] {strides = array<i32>} : memref<32x1024xf32, #tpu.memory_space<vmem>>, vector<16xf32>,
          tpu.vector_store %arg9[%swap3A, %swap3A_670], %broadcast_in_dim3A_140 {strides = array<i32>} : memref<32x1024xf32, #tpu.memory_space<vmem>>, vector<16xf32>,
          %scan3A_672 = arith.constant 0 : i32
          scf.yield %scan3A_672 : i32
        }
        %scan3A_665 = arith.constant 64 : i32
        scf.yield %scan3A_664 : i32
      }
      %dma_start3A = arith.constant 0 : i32
      %dma_start3A_654 = tpu.memref_slice %arg4[%add3A_324, %dma_start3A] : memref<16384x1024xf32, #tpu.memory_space<hbm>> -> memref<32x1024xf32, #tpu.memory_space<hbm>>
      %dma_start3A_655 = arith.constant 0 : i32
      %dma_start3A_656 = tpu.memref_slice %arg4[%add3A_324, %dma_start3A_655] : memref<16384x1024xf32, #tpu.memory_space<hbm>> -> memref<32x1024xf32, #tpu.memory_space<hbm>>
      tpu.enqueue_dma source(%arg9 : memref<32x1024xf32, #tpu.memory_space<vmem>>) target(%dma_start3A_656 : memref<32x1024xf32, #tpu.memory_space<hbm>>) target_semaphore(%arg18 : memref<!tpu.dma_semaphore, #tpu.memory_space<semaphore_mem>>)
    } else {
    }
    %add3A_335 = arith.constant 160 : i32
    %add3A_336 = arith.addi %add3A_137, %add3A_335 : i32
    %gt3A_337 = arith.constant 7 : i32
    %gt3A_338 = arith.cmpi sgt, %select_n3A_187, %gt3A_337 : i32
    %convert_element_type3A_339 = arith.extui %gt3A_338 : i1 to i32
    %cond3A_340 = arith.constant 0 : i32
    %cond3A_341 = arith.cmpi ne, %convert_element_type3A_339, %cond3A_340 : i32
    scf.if %cond3A_341 {
      %add3A_630 = arith.constant 128 : i32
      %add3A_631 = arith.addi %add3A_137, %add3A_630 : i32
      %dma_wait3A = arith.constant 0 : i32
      %dma_wait3A_632 = tpu.memref_slice %arg4[%add3A_631, %dma_wait3A] : memref<16384x1024xf32, #tpu.memory_space<hbm>> -> memref<32x1024xf32, #tpu.memory_space<hbm>>
      %dma_wait3A_633 = arith.constant 0 : i32
      %dma_wait3A_634 = tpu.memref_slice %arg4[%add3A_631, %dma_wait3A_633] : memref<16384x1024xf32, #tpu.memory_space<hbm>> -> memref<32x1024xf32, #tpu.memory_space<hbm>>
      tpu.wait_dma2 semaphore(%arg18 : memref<!tpu.dma_semaphore, #tpu.memory_space<semaphore_mem>>) src(%arg9 : memref<32x1024xf32, #tpu.memory_space<vmem>>) dst(%dma_wait3A_634 : memref<32x1024xf32, #tpu.memory_space<hbm>>)
      %dma_start3A = arith.constant 7 : i32
      %dma_start3A_635 = arith.constant 0 : i32
      %dma_start3A_636 = tpu.memref_slice %arg7[%dma_start3A, %dma_start3A_635] : memref<16x32xi32, #tpu.memory_space<vmem>> -> memref<1x32xi32, #tpu.memory_space<vmem>>
      %dma_start3A_637 = tpu.memref_squeeze %dma_start3A_636 : memref<1x32xi32, #tpu.memory_space<vmem>> -> memref<32xi32, #tpu.memory_space<vmem>>
      %dma_start3A_638 = arith.constant 0 : i32
      %dma_start3A_639 = arith.constant 0 : i32
      %dma_start3A_640 = tpu.memref_slice %arg2[%dma_start3A_638, %dma_start3A_639] : memref<9216x1024xf32, #tpu.memory_space<hbm>> -> memref<9216x1024xf32, #tpu.memory_space<hbm>>
      tpu.enqueue_indirect_dma source(%dma_start3A_640 : memref<9216x1024xf32, #tpu.memory_space<hbm>>) target(%arg9 : memref<32x1024xf32, #tpu.memory_space<vmem>>) offsets(%dma_start3A_637 : memref<32xi32, #tpu.memory_space<vmem>>) semaphore(%arg15 : memref<!tpu.dma_semaphore, #tpu.memory_space<semaphore_mem>>)
    } else {
    }
    %gt3A_342 = arith.constant 5 : i32
    %gt3A_343 = arith.cmpi sgt, %select_n3A_187, %gt3A_342 : i32
    %convert_element_type3A_344 = arith.extui %gt3A_343 : i1 to i32
    %cond3A_345 = arith.constant 0 : i32
    %cond3A_346 = arith.cmpi ne, %convert_element_type3A_344, %cond3A_345 : i32
    scf.if %cond3A_346 {
      %dma_wait3A = arith.constant 5 : i32
      %dma_wait3A_630 = arith.constant 0 : i32
      %dma_wait3A_631 = tpu.memref_slice %arg7[%dma_wait3A, %dma_wait3A_630] : memref<16x32xi32, #tpu.memory_space<vmem>> -> memref<1x32xi32, #tpu.memory_space<vmem>>
      %dma_wait3A_632 = tpu.memref_squeeze %dma_wait3A_631 : memref<1x32xi32, #tpu.memory_space<vmem>> -> memref<32xi32, #tpu.memory_space<vmem>>
      %dma_wait3A_633 = arith.constant 0 : i32
      %dma_wait3A_634 = arith.constant 0 : i32
      %dma_wait3A_635 = tpu.memref_slice %arg2[%dma_wait3A_633, %dma_wait3A_634] : memref<9216x1024xf32, #tpu.memory_space<hbm>> -> memref<9216x1024xf32, #tpu.memory_space<hbm>>
      tpu.wait_indirect_dma semaphore(%arg16 : memref<!tpu.dma_semaphore, #tpu.memory_space<semaphore_mem>>) src(%dma_wait3A_635 : memref<9216x1024xf32, #tpu.memory_space<hbm>>) dst(%arg10 : memref<32x1024xf32, #tpu.memory_space<vmem>>)
      %sub3A_636 = arith.constant 160 : i32
      %sub3A_637 = arith.subi %min3A, %sub3A_636 : i32
      %jit3A_638 = arith.constant 0 : i32
      %jit3A_639 = arith.constant 32 : i32
      %max3A_640 = arith.maxsi %jit3A_638, %sub3A_637 : i32
      %min3A_641 = arith.minsi %jit3A_639, %max3A_640 : i32
      %while3A_642 = arith.constant 32 : i32
      %while3A_643 = arith.constant 0 : i32
      %while3A_644 = arith.subi %while3A_642, %min3A_641 : i32
      %while3A_645 = arith.addi %min3A_641, %while3A_644 : i32
      %while3A_646 = arith.constant 1 : i32
      %while3A_647 = arith.divsi %while3A_644, %while3A_646 : i32
      %while3A_648 = arith.muli %while3A_647, %while3A_646 : i32
      %while3A_649 = arith.addi %min3A_641, %while3A_648 : i32
      %while3A_650 = arith.constant 1 : i32
      %while3A_651 = scf.for %while3A_657 = %min3A_641 to %while3A_649 step %while3A_650 iter_args(%while3A_658 = %while3A_643) -> (i32)  : i32 {
        %scan3A_659 = arith.constant 0 : i32
        %scan3A_660 = arith.constant 0 : i32
        %scan3A_661 = arith.constant 64 : i32
        %scan3A_662 = arith.addi %scan3A_660, %scan3A_661 : i32
        %scan3A_663 = arith.constant 1 : i32
        %scan3A_664 = scf.for %scan3A_666 = %scan3A_660 to %scan3A_662 step %scan3A_663 iter_args(%scan3A_667 = %scan3A_659) -> (i32)  : i32 {
          %mul3A_668 = arith.constant 16 : i32
          %mul3A_669 = arith.muli %scan3A_666, %mul3A_668 : i32
          %swap3A = arith.index_cast %while3A_657 : i32 to index
          %swap3A_670 = arith.index_cast %mul3A_669 : i32 to index
          %swap3A_671 = tpu.vector_load %arg10[%swap3A, %swap3A_670] {strides = array<i32>} : memref<32x1024xf32, #tpu.memory_space<vmem>>, vector<16xf32>,
          tpu.vector_store %arg10[%swap3A, %swap3A_670], %broadcast_in_dim3A_140 {strides = array<i32>} : memref<32x1024xf32, #tpu.memory_space<vmem>>, vector<16xf32>,
          %scan3A_672 = arith.constant 0 : i32
          scf.yield %scan3A_672 : i32
        }
        %scan3A_665 = arith.constant 64 : i32
        scf.yield %scan3A_664 : i32
      }
      %while3A_652 = arith.constant 1 : i32
      %while3A_653 = scf.for %while3A_657 = %while3A_649 to %while3A_645 step %while3A_652 iter_args(%while3A_658 = %while3A_651) -> (i32)  : i32 {
        %scan3A_659 = arith.constant 0 : i32
        %scan3A_660 = arith.constant 0 : i32
        %scan3A_661 = arith.constant 64 : i32
        %scan3A_662 = arith.addi %scan3A_660, %scan3A_661 : i32
        %scan3A_663 = arith.constant 1 : i32
        %scan3A_664 = scf.for %scan3A_666 = %scan3A_660 to %scan3A_662 step %scan3A_663 iter_args(%scan3A_667 = %scan3A_659) -> (i32)  : i32 {
          %mul3A_668 = arith.constant 16 : i32
          %mul3A_669 = arith.muli %scan3A_666, %mul3A_668 : i32
          %swap3A = arith.index_cast %while3A_657 : i32 to index
          %swap3A_670 = arith.index_cast %mul3A_669 : i32 to index
          %swap3A_671 = tpu.vector_load %arg10[%swap3A, %swap3A_670] {strides = array<i32>} : memref<32x1024xf32, #tpu.memory_space<vmem>>, vector<16xf32>,
          tpu.vector_store %arg10[%swap3A, %swap3A_670], %broadcast_in_dim3A_140 {strides = array<i32>} : memref<32x1024xf32, #tpu.memory_space<vmem>>, vector<16xf32>,
          %scan3A_672 = arith.constant 0 : i32
          scf.yield %scan3A_672 : i32
        }
        %scan3A_665 = arith.constant 64 : i32
        scf.yield %scan3A_664 : i32
      }
      %dma_start3A = arith.constant 0 : i32
      %dma_start3A_654 = tpu.memref_slice %arg4[%add3A_336, %dma_start3A] : memref<16384x1024xf32, #tpu.memory_space<hbm>> -> memref<32x1024xf32, #tpu.memory_space<hbm>>
      %dma_start3A_655 = arith.constant 0 : i32
      %dma_start3A_656 = tpu.memref_slice %arg4[%add3A_336, %dma_start3A_655] : memref<16384x1024xf32, #tpu.memory_space<hbm>> -> memref<32x1024xf32, #tpu.memory_space<hbm>>
      tpu.enqueue_dma source(%arg10 : memref<32x1024xf32, #tpu.memory_space<vmem>>) target(%dma_start3A_656 : memref<32x1024xf32, #tpu.memory_space<hbm>>) target_semaphore(%arg19 : memref<!tpu.dma_semaphore, #tpu.memory_space<semaphore_mem>>)
    } else {
    }
    %add3A_347 = arith.constant 192 : i32
    %add3A_348 = arith.addi %add3A_137, %add3A_347 : i32
    %gt3A_349 = arith.constant 8 : i32
    %gt3A_350 = arith.cmpi sgt, %select_n3A_187, %gt3A_349 : i32
    %convert_element_type3A_351 = arith.extui %gt3A_350 : i1 to i32
    %cond3A_352 = arith.constant 0 : i32
    %cond3A_353 = arith.cmpi ne, %convert_element_type3A_351, %cond3A_352 : i32
    scf.if %cond3A_353 {
      %add3A_630 = arith.constant 160 : i32
      %add3A_631 = arith.addi %add3A_137, %add3A_630 : i32
      %dma_wait3A = arith.constant 0 : i32
      %dma_wait3A_632 = tpu.memref_slice %arg4[%add3A_631, %dma_wait3A] : memref<16384x1024xf32, #tpu.memory_space<hbm>> -> memref<32x1024xf32, #tpu.memory_space<hbm>>
      %dma_wait3A_633 = arith.constant 0 : i32
      %dma_wait3A_634 = tpu.memref_slice %arg4[%add3A_631, %dma_wait3A_633] : memref<16384x1024xf32, #tpu.memory_space<hbm>> -> memref<32x1024xf32, #tpu.memory_space<hbm>>
      tpu.wait_dma2 semaphore(%arg19 : memref<!tpu.dma_semaphore, #tpu.memory_space<semaphore_mem>>) src(%arg10 : memref<32x1024xf32, #tpu.memory_space<vmem>>) dst(%dma_wait3A_634 : memref<32x1024xf32, #tpu.memory_space<hbm>>)
      %dma_start3A = arith.constant 8 : i32
      %dma_start3A_635 = arith.constant 0 : i32
      %dma_start3A_636 = tpu.memref_slice %arg7[%dma_start3A, %dma_start3A_635] : memref<16x32xi32, #tpu.memory_space<vmem>> -> memref<1x32xi32, #tpu.memory_space<vmem>>
      %dma_start3A_637 = tpu.memref_squeeze %dma_start3A_636 : memref<1x32xi32, #tpu.memory_space<vmem>> -> memref<32xi32, #tpu.memory_space<vmem>>
      %dma_start3A_638 = arith.constant 0 : i32
      %dma_start3A_639 = arith.constant 0 : i32
      %dma_start3A_640 = tpu.memref_slice %arg2[%dma_start3A_638, %dma_start3A_639] : memref<9216x1024xf32, #tpu.memory_space<hbm>> -> memref<9216x1024xf32, #tpu.memory_space<hbm>>
      tpu.enqueue_indirect_dma source(%dma_start3A_640 : memref<9216x1024xf32, #tpu.memory_space<hbm>>) target(%arg10 : memref<32x1024xf32, #tpu.memory_space<vmem>>) offsets(%dma_start3A_637 : memref<32xi32, #tpu.memory_space<vmem>>) semaphore(%arg16 : memref<!tpu.dma_semaphore, #tpu.memory_space<semaphore_mem>>)
    } else {
    }
    %gt3A_354 = arith.constant 6 : i32
    %gt3A_355 = arith.cmpi sgt, %select_n3A_187, %gt3A_354 : i32
    %convert_element_type3A_356 = arith.extui %gt3A_355 : i1 to i32
    %cond3A_357 = arith.constant 0 : i32
    %cond3A_358 = arith.cmpi ne, %convert_element_type3A_356, %cond3A_357 : i32
    scf.if %cond3A_358 {
      %dma_wait3A = arith.constant 6 : i32
      %dma_wait3A_630 = arith.constant 0 : i32
      %dma_wait3A_631 = tpu.memref_slice %arg7[%dma_wait3A, %dma_wait3A_630] : memref<16x32xi32, #tpu.memory_space<vmem>> -> memref<1x32xi32, #tpu.memory_space<vmem>>
      %dma_wait3A_632 = tpu.memref_squeeze %dma_wait3A_631 : memref<1x32xi32, #tpu.memory_space<vmem>> -> memref<32xi32, #tpu.memory_space<vmem>>
      %dma_wait3A_633 = arith.constant 0 : i32
      %dma_wait3A_634 = arith.constant 0 : i32
      %dma_wait3A_635 = tpu.memref_slice %arg2[%dma_wait3A_633, %dma_wait3A_634] : memref<9216x1024xf32, #tpu.memory_space<hbm>> -> memref<9216x1024xf32, #tpu.memory_space<hbm>>
      tpu.wait_indirect_dma semaphore(%arg14 : memref<!tpu.dma_semaphore, #tpu.memory_space<semaphore_mem>>) src(%dma_wait3A_635 : memref<9216x1024xf32, #tpu.memory_space<hbm>>) dst(%arg8 : memref<32x1024xf32, #tpu.memory_space<vmem>>)
      %sub3A_636 = arith.constant 192 : i32
      %sub3A_637 = arith.subi %min3A, %sub3A_636 : i32
      %jit3A_638 = arith.constant 0 : i32
      %jit3A_639 = arith.constant 32 : i32
      %max3A_640 = arith.maxsi %jit3A_638, %sub3A_637 : i32
      %min3A_641 = arith.minsi %jit3A_639, %max3A_640 : i32
      %while3A_642 = arith.constant 32 : i32
      %while3A_643 = arith.constant 0 : i32
      %while3A_644 = arith.subi %while3A_642, %min3A_641 : i32
      %while3A_645 = arith.addi %min3A_641, %while3A_644 : i32
      %while3A_646 = arith.constant 1 : i32
      %while3A_647 = arith.divsi %while3A_644, %while3A_646 : i32
      %while3A_648 = arith.muli %while3A_647, %while3A_646 : i32
      %while3A_649 = arith.addi %min3A_641, %while3A_648 : i32
      %while3A_650 = arith.constant 1 : i32
      %while3A_651 = scf.for %while3A_657 = %min3A_641 to %while3A_649 step %while3A_650 iter_args(%while3A_658 = %while3A_643) -> (i32)  : i32 {
        %scan3A_659 = arith.constant 0 : i32
        %scan3A_660 = arith.constant 0 : i32
        %scan3A_661 = arith.constant 64 : i32
        %scan3A_662 = arith.addi %scan3A_660, %scan3A_661 : i32
        %scan3A_663 = arith.constant 1 : i32
        %scan3A_664 = scf.for %scan3A_666 = %scan3A_660 to %scan3A_662 step %scan3A_663 iter_args(%scan3A_667 = %scan3A_659) -> (i32)  : i32 {
          %mul3A_668 = arith.constant 16 : i32
          %mul3A_669 = arith.muli %scan3A_666, %mul3A_668 : i32
          %swap3A = arith.index_cast %while3A_657 : i32 to index
          %swap3A_670 = arith.index_cast %mul3A_669 : i32 to index
          %swap3A_671 = tpu.vector_load %arg8[%swap3A, %swap3A_670] {strides = array<i32>} : memref<32x1024xf32, #tpu.memory_space<vmem>>, vector<16xf32>,
          tpu.vector_store %arg8[%swap3A, %swap3A_670], %broadcast_in_dim3A_140 {strides = array<i32>} : memref<32x1024xf32, #tpu.memory_space<vmem>>, vector<16xf32>,
          %scan3A_672 = arith.constant 0 : i32
          scf.yield %scan3A_672 : i32
        }
        %scan3A_665 = arith.constant 64 : i32
        scf.yield %scan3A_664 : i32
      }
      %while3A_652 = arith.constant 1 : i32
      %while3A_653 = scf.for %while3A_657 = %while3A_649 to %while3A_645 step %while3A_652 iter_args(%while3A_658 = %while3A_651) -> (i32)  : i32 {
        %scan3A_659 = arith.constant 0 : i32
        %scan3A_660 = arith.constant 0 : i32
        %scan3A_661 = arith.constant 64 : i32
        %scan3A_662 = arith.addi %scan3A_660, %scan3A_661 : i32
        %scan3A_663 = arith.constant 1 : i32
        %scan3A_664 = scf.for %scan3A_666 = %scan3A_660 to %scan3A_662 step %scan3A_663 iter_args(%scan3A_667 = %scan3A_659) -> (i32)  : i32 {
          %mul3A_668 = arith.constant 16 : i32
          %mul3A_669 = arith.muli %scan3A_666, %mul3A_668 : i32
          %swap3A = arith.index_cast %while3A_657 : i32 to index
          %swap3A_670 = arith.index_cast %mul3A_669 : i32 to index
          %swap3A_671 = tpu.vector_load %arg8[%swap3A, %swap3A_670] {strides = array<i32>} : memref<32x1024xf32, #tpu.memory_space<vmem>>, vector<16xf32>,
          tpu.vector_store %arg8[%swap3A, %swap3A_670], %broadcast_in_dim3A_140 {strides = array<i32>} : memref<32x1024xf32, #tpu.memory_space<vmem>>, vector<16xf32>,
          %scan3A_672 = arith.constant 0 : i32
          scf.yield %scan3A_672 : i32
        }
        %scan3A_665 = arith.constant 64 : i32
        scf.yield %scan3A_664 : i32
      }
      %dma_start3A = arith.constant 0 : i32
      %dma_start3A_654 = tpu.memref_slice %arg4[%add3A_348, %dma_start3A] : memref<16384x1024xf32, #tpu.memory_space<hbm>> -> memref<32x1024xf32, #tpu.memory_space<hbm>>
      %dma_start3A_655 = arith.constant 0 : i32
      %dma_start3A_656 = tpu.memref_slice %arg4[%add3A_348, %dma_start3A_655] : memref<16384x1024xf32, #tpu.memory_space<hbm>> -> memref<32x1024xf32, #tpu.memory_space<hbm>>
      tpu.enqueue_dma source(%arg8 : memref<32x1024xf32, #tpu.memory_space<vmem>>) target(%dma_start3A_656 : memref<32x1024xf32, #tpu.memory_space<hbm>>) target_semaphore(%arg17 : memref<!tpu.dma_semaphore, #tpu.memory_space<semaphore_mem>>)
    } else {
    }
    %add3A_359 = arith.constant 224 : i32
    %add3A_360 = arith.addi %add3A_137, %add3A_359 : i32
    %gt3A_361 = arith.constant 9 : i32
    %gt3A_362 = arith.cmpi sgt, %select_n3A_187, %gt3A_361 : i32
    %convert_element_type3A_363 = arith.extui %gt3A_362 : i1 to i32
    %cond3A_364 = arith.constant 0 : i32
    %cond3A_365 = arith.cmpi ne, %convert_element_type3A_363, %cond3A_364 : i32
    scf.if %cond3A_365 {
      %add3A_630 = arith.constant 192 : i32
      %add3A_631 = arith.addi %add3A_137, %add3A_630 : i32
      %dma_wait3A = arith.constant 0 : i32
      %dma_wait3A_632 = tpu.memref_slice %arg4[%add3A_631, %dma_wait3A] : memref<16384x1024xf32, #tpu.memory_space<hbm>> -> memref<32x1024xf32, #tpu.memory_space<hbm>>
      %dma_wait3A_633 = arith.constant 0 : i32
      %dma_wait3A_634 = tpu.memref_slice %arg4[%add3A_631, %dma_wait3A_633] : memref<16384x1024xf32, #tpu.memory_space<hbm>> -> memref<32x1024xf32, #tpu.memory_space<hbm>>
      tpu.wait_dma2 semaphore(%arg17 : memref<!tpu.dma_semaphore, #tpu.memory_space<semaphore_mem>>) src(%arg8 : memref<32x1024xf32, #tpu.memory_space<vmem>>) dst(%dma_wait3A_634 : memref<32x1024xf32, #tpu.memory_space<hbm>>)
      %dma_start3A = arith.constant 9 : i32
      %dma_start3A_635 = arith.constant 0 : i32
      %dma_start3A_636 = tpu.memref_slice %arg7[%dma_start3A, %dma_start3A_635] : memref<16x32xi32, #tpu.memory_space<vmem>> -> memref<1x32xi32, #tpu.memory_space<vmem>>
      %dma_start3A_637 = tpu.memref_squeeze %dma_start3A_636 : memref<1x32xi32, #tpu.memory_space<vmem>> -> memref<32xi32, #tpu.memory_space<vmem>>
      %dma_start3A_638 = arith.constant 0 : i32
      %dma_start3A_639 = arith.constant 0 : i32
      %dma_start3A_640 = tpu.memref_slice %arg2[%dma_start3A_638, %dma_start3A_639] : memref<9216x1024xf32, #tpu.memory_space<hbm>> -> memref<9216x1024xf32, #tpu.memory_space<hbm>>
      tpu.enqueue_indirect_dma source(%dma_start3A_640 : memref<9216x1024xf32, #tpu.memory_space<hbm>>) target(%arg8 : memref<32x1024xf32, #tpu.memory_space<vmem>>) offsets(%dma_start3A_637 : memref<32xi32, #tpu.memory_space<vmem>>) semaphore(%arg14 : memref<!tpu.dma_semaphore, #tpu.memory_space<semaphore_mem>>)
    } else {
    }
    %gt3A_366 = arith.constant 7 : i32
    %gt3A_367 = arith.cmpi sgt, %select_n3A_187, %gt3A_366 : i32
    %convert_element_type3A_368 = arith.extui %gt3A_367 : i1 to i32
    %cond3A_369 = arith.constant 0 : i32
    %cond3A_370 = arith.cmpi ne, %convert_element_type3A_368, %cond3A_369 : i32
    scf.if %cond3A_370 {
      %dma_wait3A = arith.constant 7 : i32
      %dma_wait3A_630 = arith.constant 0 : i32
      %dma_wait3A_631 = tpu.memref_slice %arg7[%dma_wait3A, %dma_wait3A_630] : memref<16x32xi32, #tpu.memory_space<vmem>> -> memref<1x32xi32, #tpu.memory_space<vmem>>
      %dma_wait3A_632 = tpu.memref_squeeze %dma_wait3A_631 : memref<1x32xi32, #tpu.memory_space<vmem>> -> memref<32xi32, #tpu.memory_space<vmem>>
      %dma_wait3A_633 = arith.constant 0 : i32
      %dma_wait3A_634 = arith.constant 0 : i32
      %dma_wait3A_635 = tpu.memref_slice %arg2[%dma_wait3A_633, %dma_wait3A_634] : memref<9216x1024xf32, #tpu.memory_space<hbm>> -> memref<9216x1024xf32, #tpu.memory_space<hbm>>
      tpu.wait_indirect_dma semaphore(%arg15 : memref<!tpu.dma_semaphore, #tpu.memory_space<semaphore_mem>>) src(%dma_wait3A_635 : memref<9216x1024xf32, #tpu.memory_space<hbm>>) dst(%arg9 : memref<32x1024xf32, #tpu.memory_space<vmem>>)
      %sub3A_636 = arith.constant 224 : i32
      %sub3A_637 = arith.subi %min3A, %sub3A_636 : i32
      %jit3A_638 = arith.constant 0 : i32
      %jit3A_639 = arith.constant 32 : i32
      %max3A_640 = arith.maxsi %jit3A_638, %sub3A_637 : i32
      %min3A_641 = arith.minsi %jit3A_639, %max3A_640 : i32
      %while3A_642 = arith.constant 32 : i32
      %while3A_643 = arith.constant 0 : i32
      %while3A_644 = arith.subi %while3A_642, %min3A_641 : i32
      %while3A_645 = arith.addi %min3A_641, %while3A_644 : i32
      %while3A_646 = arith.constant 1 : i32
      %while3A_647 = arith.divsi %while3A_644, %while3A_646 : i32
      %while3A_648 = arith.muli %while3A_647, %while3A_646 : i32
      %while3A_649 = arith.addi %min3A_641, %while3A_648 : i32
      %while3A_650 = arith.constant 1 : i32
      %while3A_651 = scf.for %while3A_657 = %min3A_641 to %while3A_649 step %while3A_650 iter_args(%while3A_658 = %while3A_643) -> (i32)  : i32 {
        %scan3A_659 = arith.constant 0 : i32
        %scan3A_660 = arith.constant 0 : i32
        %scan3A_661 = arith.constant 64 : i32
        %scan3A_662 = arith.addi %scan3A_660, %scan3A_661 : i32
        %scan3A_663 = arith.constant 1 : i32
        %scan3A_664 = scf.for %scan3A_666 = %scan3A_660 to %scan3A_662 step %scan3A_663 iter_args(%scan3A_667 = %scan3A_659) -> (i32)  : i32 {
          %mul3A_668 = arith.constant 16 : i32
          %mul3A_669 = arith.muli %scan3A_666, %mul3A_668 : i32
          %swap3A = arith.index_cast %while3A_657 : i32 to index
          %swap3A_670 = arith.index_cast %mul3A_669 : i32 to index
          %swap3A_671 = tpu.vector_load %arg9[%swap3A, %swap3A_670] {strides = array<i32>} : memref<32x1024xf32, #tpu.memory_space<vmem>>, vector<16xf32>,
          tpu.vector_store %arg9[%swap3A, %swap3A_670], %broadcast_in_dim3A_140 {strides = array<i32>} : memref<32x1024xf32, #tpu.memory_space<vmem>>, vector<16xf32>,
          %scan3A_672 = arith.constant 0 : i32
          scf.yield %scan3A_672 : i32
        }
        %scan3A_665 = arith.constant 64 : i32
        scf.yield %scan3A_664 : i32
      }
      %while3A_652 = arith.constant 1 : i32
      %while3A_653 = scf.for %while3A_657 = %while3A_649 to %while3A_645 step %while3A_652 iter_args(%while3A_658 = %while3A_651) -> (i32)  : i32 {
        %scan3A_659 = arith.constant 0 : i32
        %scan3A_660 = arith.constant 0 : i32
        %scan3A_661 = arith.constant 64 : i32
        %scan3A_662 = arith.addi %scan3A_660, %scan3A_661 : i32
        %scan3A_663 = arith.constant 1 : i32
        %scan3A_664 = scf.for %scan3A_666 = %scan3A_660 to %scan3A_662 step %scan3A_663 iter_args(%scan3A_667 = %scan3A_659) -> (i32)  : i32 {
          %mul3A_668 = arith.constant 16 : i32
          %mul3A_669 = arith.muli %scan3A_666, %mul3A_668 : i32
          %swap3A = arith.index_cast %while3A_657 : i32 to index
          %swap3A_670 = arith.index_cast %mul3A_669 : i32 to index
          %swap3A_671 = tpu.vector_load %arg9[%swap3A, %swap3A_670] {strides = array<i32>} : memref<32x1024xf32, #tpu.memory_space<vmem>>, vector<16xf32>,
          tpu.vector_store %arg9[%swap3A, %swap3A_670], %broadcast_in_dim3A_140 {strides = array<i32>} : memref<32x1024xf32, #tpu.memory_space<vmem>>, vector<16xf32>,
          %scan3A_672 = arith.constant 0 : i32
          scf.yield %scan3A_672 : i32
        }
        %scan3A_665 = arith.constant 64 : i32
        scf.yield %scan3A_664 : i32
      }
      %dma_start3A = arith.constant 0 : i32
      %dma_start3A_654 = tpu.memref_slice %arg4[%add3A_360, %dma_start3A] : memref<16384x1024xf32, #tpu.memory_space<hbm>> -> memref<32x1024xf32, #tpu.memory_space<hbm>>
      %dma_start3A_655 = arith.constant 0 : i32
      %dma_start3A_656 = tpu.memref_slice %arg4[%add3A_360, %dma_start3A_655] : memref<16384x1024xf32, #tpu.memory_space<hbm>> -> memref<32x1024xf32, #tpu.memory_space<hbm>>
      tpu.enqueue_dma source(%arg9 : memref<32x1024xf32, #tpu.memory_space<vmem>>) target(%dma_start3A_656 : memref<32x1024xf32, #tpu.memory_space<hbm>>) target_semaphore(%arg18 : memref<!tpu.dma_semaphore, #tpu.memory_space<semaphore_mem>>)
    } else {
    }
    %add3A_371 = arith.constant 256 : i32
    %add3A_372 = arith.addi %add3A_137, %add3A_371 : i32
    %gt3A_373 = arith.constant 10 : i32
    %gt3A_374 = arith.cmpi sgt, %select_n3A_187, %gt3A_373 : i32
    %convert_element_type3A_375 = arith.extui %gt3A_374 : i1 to i32
    %cond3A_376 = arith.constant 0 : i32
    %cond3A_377 = arith.cmpi ne, %convert_element_type3A_375, %cond3A_376 : i32
    scf.if %cond3A_377 {
      %add3A_630 = arith.constant 224 : i32
      %add3A_631 = arith.addi %add3A_137, %add3A_630 : i32
      %dma_wait3A = arith.constant 0 : i32
      %dma_wait3A_632 = tpu.memref_slice %arg4[%add3A_631, %dma_wait3A] : memref<16384x1024xf32, #tpu.memory_space<hbm>> -> memref<32x1024xf32, #tpu.memory_space<hbm>>
      %dma_wait3A_633 = arith.constant 0 : i32
      %dma_wait3A_634 = tpu.memref_slice %arg4[%add3A_631, %dma_wait3A_633] : memref<16384x1024xf32, #tpu.memory_space<hbm>> -> memref<32x1024xf32, #tpu.memory_space<hbm>>
      tpu.wait_dma2 semaphore(%arg18 : memref<!tpu.dma_semaphore, #tpu.memory_space<semaphore_mem>>) src(%arg9 : memref<32x1024xf32, #tpu.memory_space<vmem>>) dst(%dma_wait3A_634 : memref<32x1024xf32, #tpu.memory_space<hbm>>)
      %dma_start3A = arith.constant 10 : i32
      %dma_start3A_635 = arith.constant 0 : i32
      %dma_start3A_636 = tpu.memref_slice %arg7[%dma_start3A, %dma_start3A_635] : memref<16x32xi32, #tpu.memory_space<vmem>> -> memref<1x32xi32, #tpu.memory_space<vmem>>
      %dma_start3A_637 = tpu.memref_squeeze %dma_start3A_636 : memref<1x32xi32, #tpu.memory_space<vmem>> -> memref<32xi32, #tpu.memory_space<vmem>>
      %dma_start3A_638 = arith.constant 0 : i32
      %dma_start3A_639 = arith.constant 0 : i32
      %dma_start3A_640 = tpu.memref_slice %arg2[%dma_start3A_638, %dma_start3A_639] : memref<9216x1024xf32, #tpu.memory_space<hbm>> -> memref<9216x1024xf32, #tpu.memory_space<hbm>>
      tpu.enqueue_indirect_dma source(%dma_start3A_640 : memref<9216x1024xf32, #tpu.memory_space<hbm>>) target(%arg9 : memref<32x1024xf32, #tpu.memory_space<vmem>>) offsets(%dma_start3A_637 : memref<32xi32, #tpu.memory_space<vmem>>) semaphore(%arg15 : memref<!tpu.dma_semaphore, #tpu.memory_space<semaphore_mem>>)
    } else {
    }
    %gt3A_378 = arith.constant 8 : i32
    %gt3A_379 = arith.cmpi sgt, %select_n3A_187, %gt3A_378 : i32
    %convert_element_type3A_380 = arith.extui %gt3A_379 : i1 to i32
    %cond3A_381 = arith.constant 0 : i32
    %cond3A_382 = arith.cmpi ne, %convert_element_type3A_380, %cond3A_381 : i32
    scf.if %cond3A_382 {
      %dma_wait3A = arith.constant 8 : i32
      %dma_wait3A_630 = arith.constant 0 : i32
      %dma_wait3A_631 = tpu.memref_slice %arg7[%dma_wait3A, %dma_wait3A_630] : memref<16x32xi32, #tpu.memory_space<vmem>> -> memref<1x32xi32, #tpu.memory_space<vmem>>
      %dma_wait3A_632 = tpu.memref_squeeze %dma_wait3A_631 : memref<1x32xi32, #tpu.memory_space<vmem>> -> memref<32xi32, #tpu.memory_space<vmem>>
      %dma_wait3A_633 = arith.constant 0 : i32
      %dma_wait3A_634 = arith.constant 0 : i32
      %dma_wait3A_635 = tpu.memref_slice %arg2[%dma_wait3A_633, %dma_wait3A_634] : memref<9216x1024xf32, #tpu.memory_space<hbm>> -> memref<9216x1024xf32, #tpu.memory_space<hbm>>
      tpu.wait_indirect_dma semaphore(%arg16 : memref<!tpu.dma_semaphore, #tpu.memory_space<semaphore_mem>>) src(%dma_wait3A_635 : memref<9216x1024xf32, #tpu.memory_space<hbm>>) dst(%arg10 : memref<32x1024xf32, #tpu.memory_space<vmem>>)
      %sub3A_636 = arith.constant 256 : i32
      %sub3A_637 = arith.subi %min3A, %sub3A_636 : i32
      %jit3A_638 = arith.constant 0 : i32
      %jit3A_639 = arith.constant 32 : i32
      %max3A_640 = arith.maxsi %jit3A_638, %sub3A_637 : i32
      %min3A_641 = arith.minsi %jit3A_639, %max3A_640 : i32
      %while3A_642 = arith.constant 32 : i32
      %while3A_643 = arith.constant 0 : i32
      %while3A_644 = arith.subi %while3A_642, %min3A_641 : i32
      %while3A_645 = arith.addi %min3A_641, %while3A_644 : i32
      %while3A_646 = arith.constant 1 : i32
      %while3A_647 = arith.divsi %while3A_644, %while3A_646 : i32
      %while3A_648 = arith.muli %while3A_647, %while3A_646 : i32
      %while3A_649 = arith.addi %min3A_641, %while3A_648 : i32
      %while3A_650 = arith.constant 1 : i32
      %while3A_651 = scf.for %while3A_657 = %min3A_641 to %while3A_649 step %while3A_650 iter_args(%while3A_658 = %while3A_643) -> (i32)  : i32 {
        %scan3A_659 = arith.constant 0 : i32
        %scan3A_660 = arith.constant 0 : i32
        %scan3A_661 = arith.constant 64 : i32
        %scan3A_662 = arith.addi %scan3A_660, %scan3A_661 : i32
        %scan3A_663 = arith.constant 1 : i32
        %scan3A_664 = scf.for %scan3A_666 = %scan3A_660 to %scan3A_662 step %scan3A_663 iter_args(%scan3A_667 = %scan3A_659) -> (i32)  : i32 {
          %mul3A_668 = arith.constant 16 : i32
          %mul3A_669 = arith.muli %scan3A_666, %mul3A_668 : i32
          %swap3A = arith.index_cast %while3A_657 : i32 to index
          %swap3A_670 = arith.index_cast %mul3A_669 : i32 to index
          %swap3A_671 = tpu.vector_load %arg10[%swap3A, %swap3A_670] {strides = array<i32>} : memref<32x1024xf32, #tpu.memory_space<vmem>>, vector<16xf32>,
          tpu.vector_store %arg10[%swap3A, %swap3A_670], %broadcast_in_dim3A_140 {strides = array<i32>} : memref<32x1024xf32, #tpu.memory_space<vmem>>, vector<16xf32>,
          %scan3A_672 = arith.constant 0 : i32
          scf.yield %scan3A_672 : i32
        }
        %scan3A_665 = arith.constant 64 : i32
        scf.yield %scan3A_664 : i32
      }
      %while3A_652 = arith.constant 1 : i32
      %while3A_653 = scf.for %while3A_657 = %while3A_649 to %while3A_645 step %while3A_652 iter_args(%while3A_658 = %while3A_651) -> (i32)  : i32 {
        %scan3A_659 = arith.constant 0 : i32
        %scan3A_660 = arith.constant 0 : i32
        %scan3A_661 = arith.constant 64 : i32
        %scan3A_662 = arith.addi %scan3A_660, %scan3A_661 : i32
        %scan3A_663 = arith.constant 1 : i32
        %scan3A_664 = scf.for %scan3A_666 = %scan3A_660 to %scan3A_662 step %scan3A_663 iter_args(%scan3A_667 = %scan3A_659) -> (i32)  : i32 {
          %mul3A_668 = arith.constant 16 : i32
          %mul3A_669 = arith.muli %scan3A_666, %mul3A_668 : i32
          %swap3A = arith.index_cast %while3A_657 : i32 to index
          %swap3A_670 = arith.index_cast %mul3A_669 : i32 to index
          %swap3A_671 = tpu.vector_load %arg10[%swap3A, %swap3A_670] {strides = array<i32>} : memref<32x1024xf32, #tpu.memory_space<vmem>>, vector<16xf32>,
          tpu.vector_store %arg10[%swap3A, %swap3A_670], %broadcast_in_dim3A_140 {strides = array<i32>} : memref<32x1024xf32, #tpu.memory_space<vmem>>, vector<16xf32>,
          %scan3A_672 = arith.constant 0 : i32
          scf.yield %scan3A_672 : i32
        }
        %scan3A_665 = arith.constant 64 : i32
        scf.yield %scan3A_664 : i32
      }
      %dma_start3A = arith.constant 0 : i32
      %dma_start3A_654 = tpu.memref_slice %arg4[%add3A_372, %dma_start3A] : memref<16384x1024xf32, #tpu.memory_space<hbm>> -> memref<32x1024xf32, #tpu.memory_space<hbm>>
      %dma_start3A_655 = arith.constant 0 : i32
      %dma_start3A_656 = tpu.memref_slice %arg4[%add3A_372, %dma_start3A_655] : memref<16384x1024xf32, #tpu.memory_space<hbm>> -> memref<32x1024xf32, #tpu.memory_space<hbm>>
      tpu.enqueue_dma source(%arg10 : memref<32x1024xf32, #tpu.memory_space<vmem>>) target(%dma_start3A_656 : memref<32x1024xf32, #tpu.memory_space<hbm>>) target_semaphore(%arg19 : memref<!tpu.dma_semaphore, #tpu.memory_space<semaphore_mem>>)
    } else {
    }
    %add3A_383 = arith.constant 288 : i32
    %add3A_384 = arith.addi %add3A_137, %add3A_383 : i32
    %gt3A_385 = arith.constant 11 : i32
    %gt3A_386 = arith.cmpi sgt, %select_n3A_187, %gt3A_385 : i32
    %convert_element_type3A_387 = arith.extui %gt3A_386 : i1 to i32
    %cond3A_388 = arith.constant 0 : i32
    %cond3A_389 = arith.cmpi ne, %convert_element_type3A_387, %cond3A_388 : i32
    scf.if %cond3A_389 {
      %add3A_630 = arith.constant 256 : i32
      %add3A_631 = arith.addi %add3A_137, %add3A_630 : i32
      %dma_wait3A = arith.constant 0 : i32
      %dma_wait3A_632 = tpu.memref_slice %arg4[%add3A_631, %dma_wait3A] : memref<16384x1024xf32, #tpu.memory_space<hbm>> -> memref<32x1024xf32, #tpu.memory_space<hbm>>
      %dma_wait3A_633 = arith.constant 0 : i32
      %dma_wait3A_634 = tpu.memref_slice %arg4[%add3A_631, %dma_wait3A_633] : memref<16384x1024xf32, #tpu.memory_space<hbm>> -> memref<32x1024xf32, #tpu.memory_space<hbm>>
      tpu.wait_dma2 semaphore(%arg19 : memref<!tpu.dma_semaphore, #tpu.memory_space<semaphore_mem>>) src(%arg10 : memref<32x1024xf32, #tpu.memory_space<vmem>>) dst(%dma_wait3A_634 : memref<32x1024xf32, #tpu.memory_space<hbm>>)
      %dma_start3A = arith.constant 11 : i32
      %dma_start3A_635 = arith.constant 0 : i32
      %dma_start3A_636 = tpu.memref_slice %arg7[%dma_start3A, %dma_start3A_635] : memref<16x32xi32, #tpu.memory_space<vmem>> -> memref<1x32xi32, #tpu.memory_space<vmem>>
      %dma_start3A_637 = tpu.memref_squeeze %dma_start3A_636 : memref<1x32xi32, #tpu.memory_space<vmem>> -> memref<32xi32, #tpu.memory_space<vmem>>
      %dma_start3A_638 = arith.constant 0 : i32
      %dma_start3A_639 = arith.constant 0 : i32
      %dma_start3A_640 = tpu.memref_slice %arg2[%dma_start3A_638, %dma_start3A_639] : memref<9216x1024xf32, #tpu.memory_space<hbm>> -> memref<9216x1024xf32, #tpu.memory_space<hbm>>
      tpu.enqueue_indirect_dma source(%dma_start3A_640 : memref<9216x1024xf32, #tpu.memory_space<hbm>>) target(%arg10 : memref<32x1024xf32, #tpu.memory_space<vmem>>) offsets(%dma_start3A_637 : memref<32xi32, #tpu.memory_space<vmem>>) semaphore(%arg16 : memref<!tpu.dma_semaphore, #tpu.memory_space<semaphore_mem>>)
    } else {
    }
    %gt3A_390 = arith.constant 9 : i32
    %gt3A_391 = arith.cmpi sgt, %select_n3A_187, %gt3A_390 : i32
    %convert_element_type3A_392 = arith.extui %gt3A_391 : i1 to i32
    %cond3A_393 = arith.constant 0 : i32
    %cond3A_394 = arith.cmpi ne, %convert_element_type3A_392, %cond3A_393 : i32
    scf.if %cond3A_394 {
      %dma_wait3A = arith.constant 9 : i32
      %dma_wait3A_630 = arith.constant 0 : i32
      %dma_wait3A_631 = tpu.memref_slice %arg7[%dma_wait3A, %dma_wait3A_630] : memref<16x32xi32, #tpu.memory_space<vmem>> -> memref<1x32xi32, #tpu.memory_space<vmem>>
      %dma_wait3A_632 = tpu.memref_squeeze %dma_wait3A_631 : memref<1x32xi32, #tpu.memory_space<vmem>> -> memref<32xi32, #tpu.memory_space<vmem>>
      %dma_wait3A_633 = arith.constant 0 : i32
      %dma_wait3A_634 = arith.constant 0 : i32
      %dma_wait3A_635 = tpu.memref_slice %arg2[%dma_wait3A_633, %dma_wait3A_634] : memref<9216x1024xf32, #tpu.memory_space<hbm>> -> memref<9216x1024xf32, #tpu.memory_space<hbm>>
      tpu.wait_indirect_dma semaphore(%arg14 : memref<!tpu.dma_semaphore, #tpu.memory_space<semaphore_mem>>) src(%dma_wait3A_635 : memref<9216x1024xf32, #tpu.memory_space<hbm>>) dst(%arg8 : memref<32x1024xf32, #tpu.memory_space<vmem>>)
      %sub3A_636 = arith.constant 288 : i32
      %sub3A_637 = arith.subi %min3A, %sub3A_636 : i32
      %jit3A_638 = arith.constant 0 : i32
      %jit3A_639 = arith.constant 32 : i32
      %max3A_640 = arith.maxsi %jit3A_638, %sub3A_637 : i32
      %min3A_641 = arith.minsi %jit3A_639, %max3A_640 : i32
      %while3A_642 = arith.constant 32 : i32
      %while3A_643 = arith.constant 0 : i32
      %while3A_644 = arith.subi %while3A_642, %min3A_641 : i32
      %while3A_645 = arith.addi %min3A_641, %while3A_644 : i32
      %while3A_646 = arith.constant 1 : i32
      %while3A_647 = arith.divsi %while3A_644, %while3A_646 : i32
      %while3A_648 = arith.muli %while3A_647, %while3A_646 : i32
      %while3A_649 = arith.addi %min3A_641, %while3A_648 : i32
      %while3A_650 = arith.constant 1 : i32
      %while3A_651 = scf.for %while3A_657 = %min3A_641 to %while3A_649 step %while3A_650 iter_args(%while3A_658 = %while3A_643) -> (i32)  : i32 {
        %scan3A_659 = arith.constant 0 : i32
        %scan3A_660 = arith.constant 0 : i32
        %scan3A_661 = arith.constant 64 : i32
        %scan3A_662 = arith.addi %scan3A_660, %scan3A_661 : i32
        %scan3A_663 = arith.constant 1 : i32
        %scan3A_664 = scf.for %scan3A_666 = %scan3A_660 to %scan3A_662 step %scan3A_663 iter_args(%scan3A_667 = %scan3A_659) -> (i32)  : i32 {
          %mul3A_668 = arith.constant 16 : i32
          %mul3A_669 = arith.muli %scan3A_666, %mul3A_668 : i32
          %swap3A = arith.index_cast %while3A_657 : i32 to index
          %swap3A_670 = arith.index_cast %mul3A_669 : i32 to index
          %swap3A_671 = tpu.vector_load %arg8[%swap3A, %swap3A_670] {strides = array<i32>} : memref<32x1024xf32, #tpu.memory_space<vmem>>, vector<16xf32>,
          tpu.vector_store %arg8[%swap3A, %swap3A_670], %broadcast_in_dim3A_140 {strides = array<i32>} : memref<32x1024xf32, #tpu.memory_space<vmem>>, vector<16xf32>,
          %scan3A_672 = arith.constant 0 : i32
          scf.yield %scan3A_672 : i32
        }
        %scan3A_665 = arith.constant 64 : i32
        scf.yield %scan3A_664 : i32
      }
      %while3A_652 = arith.constant 1 : i32
      %while3A_653 = scf.for %while3A_657 = %while3A_649 to %while3A_645 step %while3A_652 iter_args(%while3A_658 = %while3A_651) -> (i32)  : i32 {
        %scan3A_659 = arith.constant 0 : i32
        %scan3A_660 = arith.constant 0 : i32
        %scan3A_661 = arith.constant 64 : i32
        %scan3A_662 = arith.addi %scan3A_660, %scan3A_661 : i32
        %scan3A_663 = arith.constant 1 : i32
        %scan3A_664 = scf.for %scan3A_666 = %scan3A_660 to %scan3A_662 step %scan3A_663 iter_args(%scan3A_667 = %scan3A_659) -> (i32)  : i32 {
          %mul3A_668 = arith.constant 16 : i32
          %mul3A_669 = arith.muli %scan3A_666, %mul3A_668 : i32
          %swap3A = arith.index_cast %while3A_657 : i32 to index
          %swap3A_670 = arith.index_cast %mul3A_669 : i32 to index
          %swap3A_671 = tpu.vector_load %arg8[%swap3A, %swap3A_670] {strides = array<i32>} : memref<32x1024xf32, #tpu.memory_space<vmem>>, vector<16xf32>,
          tpu.vector_store %arg8[%swap3A, %swap3A_670], %broadcast_in_dim3A_140 {strides = array<i32>} : memref<32x1024xf32, #tpu.memory_space<vmem>>, vector<16xf32>,
          %scan3A_672 = arith.constant 0 : i32
          scf.yield %scan3A_672 : i32
        }
        %scan3A_665 = arith.constant 64 : i32
        scf.yield %scan3A_664 : i32
      }
      %dma_start3A = arith.constant 0 : i32
      %dma_start3A_654 = tpu.memref_slice %arg4[%add3A_384, %dma_start3A] : memref<16384x1024xf32, #tpu.memory_space<hbm>> -> memref<32x1024xf32, #tpu.memory_space<hbm>>
      %dma_start3A_655 = arith.constant 0 : i32
      %dma_start3A_656 = tpu.memref_slice %arg4[%add3A_384, %dma_start3A_655] : memref<16384x1024xf32, #tpu.memory_space<hbm>> -> memref<32x1024xf32, #tpu.memory_space<hbm>>
      tpu.enqueue_dma source(%arg8 : memref<32x1024xf32, #tpu.memory_space<vmem>>) target(%dma_start3A_656 : memref<32x1024xf32, #tpu.memory_space<hbm>>) target_semaphore(%arg17 : memref<!tpu.dma_semaphore, #tpu.memory_space<semaphore_mem>>)
    } else {
    }
    %add3A_395 = arith.constant 320 : i32
    %add3A_396 = arith.addi %add3A_137, %add3A_395 : i32
    %gt3A_397 = arith.constant 12 : i32
    %gt3A_398 = arith.cmpi sgt, %select_n3A_187, %gt3A_397 : i32
    %convert_element_type3A_399 = arith.extui %gt3A_398 : i1 to i32
    %cond3A_400 = arith.constant 0 : i32
    %cond3A_401 = arith.cmpi ne, %convert_element_type3A_399, %cond3A_400 : i32
    scf.if %cond3A_401 {
      %add3A_630 = arith.constant 288 : i32
      %add3A_631 = arith.addi %add3A_137, %add3A_630 : i32
      %dma_wait3A = arith.constant 0 : i32
      %dma_wait3A_632 = tpu.memref_slice %arg4[%add3A_631, %dma_wait3A] : memref<16384x1024xf32, #tpu.memory_space<hbm>> -> memref<32x1024xf32, #tpu.memory_space<hbm>>
      %dma_wait3A_633 = arith.constant 0 : i32
      %dma_wait3A_634 = tpu.memref_slice %arg4[%add3A_631, %dma_wait3A_633] : memref<16384x1024xf32, #tpu.memory_space<hbm>> -> memref<32x1024xf32, #tpu.memory_space<hbm>>
      tpu.wait_dma2 semaphore(%arg17 : memref<!tpu.dma_semaphore, #tpu.memory_space<semaphore_mem>>) src(%arg8 : memref<32x1024xf32, #tpu.memory_space<vmem>>) dst(%dma_wait3A_634 : memref<32x1024xf32, #tpu.memory_space<hbm>>)
      %dma_start3A = arith.constant 12 : i32
      %dma_start3A_635 = arith.constant 0 : i32
      %dma_start3A_636 = tpu.memref_slice %arg7[%dma_start3A, %dma_start3A_635] : memref<16x32xi32, #tpu.memory_space<vmem>> -> memref<1x32xi32, #tpu.memory_space<vmem>>
      %dma_start3A_637 = tpu.memref_squeeze %dma_start3A_636 : memref<1x32xi32, #tpu.memory_space<vmem>> -> memref<32xi32, #tpu.memory_space<vmem>>
      %dma_start3A_638 = arith.constant 0 : i32
      %dma_start3A_639 = arith.constant 0 : i32
      %dma_start3A_640 = tpu.memref_slice %arg2[%dma_start3A_638, %dma_start3A_639] : memref<9216x1024xf32, #tpu.memory_space<hbm>> -> memref<9216x1024xf32, #tpu.memory_space<hbm>>
      tpu.enqueue_indirect_dma source(%dma_start3A_640 : memref<9216x1024xf32, #tpu.memory_space<hbm>>) target(%arg8 : memref<32x1024xf32, #tpu.memory_space<vmem>>) offsets(%dma_start3A_637 : memref<32xi32, #tpu.memory_space<vmem>>) semaphore(%arg14 : memref<!tpu.dma_semaphore, #tpu.memory_space<semaphore_mem>>)
    } else {
    }
    %gt3A_402 = arith.constant 10 : i32
    %gt3A_403 = arith.cmpi sgt, %select_n3A_187, %gt3A_402 : i32
    %convert_element_type3A_404 = arith.extui %gt3A_403 : i1 to i32
    %cond3A_405 = arith.constant 0 : i32
    %cond3A_406 = arith.cmpi ne, %convert_element_type3A_404, %cond3A_405 : i32
    scf.if %cond3A_406 {
      %dma_wait3A = arith.constant 10 : i32
      %dma_wait3A_630 = arith.constant 0 : i32
      %dma_wait3A_631 = tpu.memref_slice %arg7[%dma_wait3A, %dma_wait3A_630] : memref<16x32xi32, #tpu.memory_space<vmem>> -> memref<1x32xi32, #tpu.memory_space<vmem>>
      %dma_wait3A_632 = tpu.memref_squeeze %dma_wait3A_631 : memref<1x32xi32, #tpu.memory_space<vmem>> -> memref<32xi32, #tpu.memory_space<vmem>>
      %dma_wait3A_633 = arith.constant 0 : i32
      %dma_wait3A_634 = arith.constant 0 : i32
      %dma_wait3A_635 = tpu.memref_slice %arg2[%dma_wait3A_633, %dma_wait3A_634] : memref<9216x1024xf32, #tpu.memory_space<hbm>> -> memref<9216x1024xf32, #tpu.memory_space<hbm>>
      tpu.wait_indirect_dma semaphore(%arg15 : memref<!tpu.dma_semaphore, #tpu.memory_space<semaphore_mem>>) src(%dma_wait3A_635 : memref<9216x1024xf32, #tpu.memory_space<hbm>>) dst(%arg9 : memref<32x1024xf32, #tpu.memory_space<vmem>>)
      %sub3A_636 = arith.constant 320 : i32
      %sub3A_637 = arith.subi %min3A, %sub3A_636 : i32
      %jit3A_638 = arith.constant 0 : i32
      %jit3A_639 = arith.constant 32 : i32
      %max3A_640 = arith.maxsi %jit3A_638, %sub3A_637 : i32
      %min3A_641 = arith.minsi %jit3A_639, %max3A_640 : i32
      %while3A_642 = arith.constant 32 : i32
      %while3A_643 = arith.constant 0 : i32
      %while3A_644 = arith.subi %while3A_642, %min3A_641 : i32
      %while3A_645 = arith.addi %min3A_641, %while3A_644 : i32
      %while3A_646 = arith.constant 1 : i32
      %while3A_647 = arith.divsi %while3A_644, %while3A_646 : i32
      %while3A_648 = arith.muli %while3A_647, %while3A_646 : i32
      %while3A_649 = arith.addi %min3A_641, %while3A_648 : i32
      %while3A_650 = arith.constant 1 : i32
      %while3A_651 = scf.for %while3A_657 = %min3A_641 to %while3A_649 step %while3A_650 iter_args(%while3A_658 = %while3A_643) -> (i32)  : i32 {
        %scan3A_659 = arith.constant 0 : i32
        %scan3A_660 = arith.constant 0 : i32
        %scan3A_661 = arith.constant 64 : i32
        %scan3A_662 = arith.addi %scan3A_660, %scan3A_661 : i32
        %scan3A_663 = arith.constant 1 : i32
        %scan3A_664 = scf.for %scan3A_666 = %scan3A_660 to %scan3A_662 step %scan3A_663 iter_args(%scan3A_667 = %scan3A_659) -> (i32)  : i32 {
          %mul3A_668 = arith.constant 16 : i32
          %mul3A_669 = arith.muli %scan3A_666, %mul3A_668 : i32
          %swap3A = arith.index_cast %while3A_657 : i32 to index
          %swap3A_670 = arith.index_cast %mul3A_669 : i32 to index
          %swap3A_671 = tpu.vector_load %arg9[%swap3A, %swap3A_670] {strides = array<i32>} : memref<32x1024xf32, #tpu.memory_space<vmem>>, vector<16xf32>,
          tpu.vector_store %arg9[%swap3A, %swap3A_670], %broadcast_in_dim3A_140 {strides = array<i32>} : memref<32x1024xf32, #tpu.memory_space<vmem>>, vector<16xf32>,
          %scan3A_672 = arith.constant 0 : i32
          scf.yield %scan3A_672 : i32
        }
        %scan3A_665 = arith.constant 64 : i32
        scf.yield %scan3A_664 : i32
      }
      %while3A_652 = arith.constant 1 : i32
      %while3A_653 = scf.for %while3A_657 = %while3A_649 to %while3A_645 step %while3A_652 iter_args(%while3A_658 = %while3A_651) -> (i32)  : i32 {
        %scan3A_659 = arith.constant 0 : i32
        %scan3A_660 = arith.constant 0 : i32
        %scan3A_661 = arith.constant 64 : i32
        %scan3A_662 = arith.addi %scan3A_660, %scan3A_661 : i32
        %scan3A_663 = arith.constant 1 : i32
        %scan3A_664 = scf.for %scan3A_666 = %scan3A_660 to %scan3A_662 step %scan3A_663 iter_args(%scan3A_667 = %scan3A_659) -> (i32)  : i32 {
          %mul3A_668 = arith.constant 16 : i32
          %mul3A_669 = arith.muli %scan3A_666, %mul3A_668 : i32
          %swap3A = arith.index_cast %while3A_657 : i32 to index
          %swap3A_670 = arith.index_cast %mul3A_669 : i32 to index
          %swap3A_671 = tpu.vector_load %arg9[%swap3A, %swap3A_670] {strides = array<i32>} : memref<32x1024xf32, #tpu.memory_space<vmem>>, vector<16xf32>,
          tpu.vector_store %arg9[%swap3A, %swap3A_670], %broadcast_in_dim3A_140 {strides = array<i32>} : memref<32x1024xf32, #tpu.memory_space<vmem>>, vector<16xf32>,
          %scan3A_672 = arith.constant 0 : i32
          scf.yield %scan3A_672 : i32
        }
        %scan3A_665 = arith.constant 64 : i32
        scf.yield %scan3A_664 : i32
      }
      %dma_start3A = arith.constant 0 : i32
      %dma_start3A_654 = tpu.memref_slice %arg4[%add3A_396, %dma_start3A] : memref<16384x1024xf32, #tpu.memory_space<hbm>> -> memref<32x1024xf32, #tpu.memory_space<hbm>>
      %dma_start3A_655 = arith.constant 0 : i32
      %dma_start3A_656 = tpu.memref_slice %arg4[%add3A_396, %dma_start3A_655] : memref<16384x1024xf32, #tpu.memory_space<hbm>> -> memref<32x1024xf32, #tpu.memory_space<hbm>>
      tpu.enqueue_dma source(%arg9 : memref<32x1024xf32, #tpu.memory_space<vmem>>) target(%dma_start3A_656 : memref<32x1024xf32, #tpu.memory_space<hbm>>) target_semaphore(%arg18 : memref<!tpu.dma_semaphore, #tpu.memory_space<semaphore_mem>>)
    } else {
    }
    %add3A_407 = arith.constant 352 : i32
    %add3A_408 = arith.addi %add3A_137, %add3A_407 : i32
    %gt3A_409 = arith.constant 13 : i32
    %gt3A_410 = arith.cmpi sgt, %select_n3A_187, %gt3A_409 : i32
    %convert_element_type3A_411 = arith.extui %gt3A_410 : i1 to i32
    %cond3A_412 = arith.constant 0 : i32
    %cond3A_413 = arith.cmpi ne, %convert_element_type3A_411, %cond3A_412 : i32
    scf.if %cond3A_413 {
      %add3A_630 = arith.constant 320 : i32
      %add3A_631 = arith.addi %add3A_137, %add3A_630 : i32
      %dma_wait3A = arith.constant 0 : i32
      %dma_wait3A_632 = tpu.memref_slice %arg4[%add3A_631, %dma_wait3A] : memref<16384x1024xf32, #tpu.memory_space<hbm>> -> memref<32x1024xf32, #tpu.memory_space<hbm>>
      %dma_wait3A_633 = arith.constant 0 : i32
      %dma_wait3A_634 = tpu.memref_slice %arg4[%add3A_631, %dma_wait3A_633] : memref<16384x1024xf32, #tpu.memory_space<hbm>> -> memref<32x1024xf32, #tpu.memory_space<hbm>>
      tpu.wait_dma2 semaphore(%arg18 : memref<!tpu.dma_semaphore, #tpu.memory_space<semaphore_mem>>) src(%arg9 : memref<32x1024xf32, #tpu.memory_space<vmem>>) dst(%dma_wait3A_634 : memref<32x1024xf32, #tpu.memory_space<hbm>>)
      %dma_start3A = arith.constant 13 : i32
      %dma_start3A_635 = arith.constant 0 : i32
      %dma_start3A_636 = tpu.memref_slice %arg7[%dma_start3A, %dma_start3A_635] : memref<16x32xi32, #tpu.memory_space<vmem>> -> memref<1x32xi32, #tpu.memory_space<vmem>>
      %dma_start3A_637 = tpu.memref_squeeze %dma_start3A_636 : memref<1x32xi32, #tpu.memory_space<vmem>> -> memref<32xi32, #tpu.memory_space<vmem>>
      %dma_start3A_638 = arith.constant 0 : i32
      %dma_start3A_639 = arith.constant 0 : i32
      %dma_start3A_640 = tpu.memref_slice %arg2[%dma_start3A_638, %dma_start3A_639] : memref<9216x1024xf32, #tpu.memory_space<hbm>> -> memref<9216x1024xf32, #tpu.memory_space<hbm>>
      tpu.enqueue_indirect_dma source(%dma_start3A_640 : memref<9216x1024xf32, #tpu.memory_space<hbm>>) target(%arg9 : memref<32x1024xf32, #tpu.memory_space<vmem>>) offsets(%dma_start3A_637 : memref<32xi32, #tpu.memory_space<vmem>>) semaphore(%arg15 : memref<!tpu.dma_semaphore, #tpu.memory_space<semaphore_mem>>)
    } else {
    }
    %gt3A_414 = arith.constant 11 : i32
    %gt3A_415 = arith.cmpi sgt, %select_n3A_187, %gt3A_414 : i32
    %convert_element_type3A_416 = arith.extui %gt3A_415 : i1 to i32
    %cond3A_417 = arith.constant 0 : i32
    %cond3A_418 = arith.cmpi ne, %convert_element_type3A_416, %cond3A_417 : i32
    scf.if %cond3A_418 {
      %dma_wait3A = arith.constant 11 : i32
      %dma_wait3A_630 = arith.constant 0 : i32
      %dma_wait3A_631 = tpu.memref_slice %arg7[%dma_wait3A, %dma_wait3A_630] : memref<16x32xi32, #tpu.memory_space<vmem>> -> memref<1x32xi32, #tpu.memory_space<vmem>>
      %dma_wait3A_632 = tpu.memref_squeeze %dma_wait3A_631 : memref<1x32xi32, #tpu.memory_space<vmem>> -> memref<32xi32, #tpu.memory_space<vmem>>
      %dma_wait3A_633 = arith.constant 0 : i32
      %dma_wait3A_634 = arith.constant 0 : i32
      %dma_wait3A_635 = tpu.memref_slice %arg2[%dma_wait3A_633, %dma_wait3A_634] : memref<9216x1024xf32, #tpu.memory_space<hbm>> -> memref<9216x1024xf32, #tpu.memory_space<hbm>>
      tpu.wait_indirect_dma semaphore(%arg16 : memref<!tpu.dma_semaphore, #tpu.memory_space<semaphore_mem>>) src(%dma_wait3A_635 : memref<9216x1024xf32, #tpu.memory_space<hbm>>) dst(%arg10 : memref<32x1024xf32, #tpu.memory_space<vmem>>)
      %sub3A_636 = arith.constant 352 : i32
      %sub3A_637 = arith.subi %min3A, %sub3A_636 : i32
      %jit3A_638 = arith.constant 0 : i32
      %jit3A_639 = arith.constant 32 : i32
      %max3A_640 = arith.maxsi %jit3A_638, %sub3A_637 : i32
      %min3A_641 = arith.minsi %jit3A_639, %max3A_640 : i32
      %while3A_642 = arith.constant 32 : i32
      %while3A_643 = arith.constant 0 : i32
      %while3A_644 = arith.subi %while3A_642, %min3A_641 : i32
      %while3A_645 = arith.addi %min3A_641, %while3A_644 : i32
      %while3A_646 = arith.constant 1 : i32
      %while3A_647 = arith.divsi %while3A_644, %while3A_646 : i32
      %while3A_648 = arith.muli %while3A_647, %while3A_646 : i32
      %while3A_649 = arith.addi %min3A_641, %while3A_648 : i32
      %while3A_650 = arith.constant 1 : i32
      %while3A_651 = scf.for %while3A_657 = %min3A_641 to %while3A_649 step %while3A_650 iter_args(%while3A_658 = %while3A_643) -> (i32)  : i32 {
        %scan3A_659 = arith.constant 0 : i32
        %scan3A_660 = arith.constant 0 : i32
        %scan3A_661 = arith.constant 64 : i32
        %scan3A_662 = arith.addi %scan3A_660, %scan3A_661 : i32
        %scan3A_663 = arith.constant 1 : i32
        %scan3A_664 = scf.for %scan3A_666 = %scan3A_660 to %scan3A_662 step %scan3A_663 iter_args(%scan3A_667 = %scan3A_659) -> (i32)  : i32 {
          %mul3A_668 = arith.constant 16 : i32
          %mul3A_669 = arith.muli %scan3A_666, %mul3A_668 : i32
          %swap3A = arith.index_cast %while3A_657 : i32 to index
          %swap3A_670 = arith.index_cast %mul3A_669 : i32 to index
          %swap3A_671 = tpu.vector_load %arg10[%swap3A, %swap3A_670] {strides = array<i32>} : memref<32x1024xf32, #tpu.memory_space<vmem>>, vector<16xf32>,
          tpu.vector_store %arg10[%swap3A, %swap3A_670], %broadcast_in_dim3A_140 {strides = array<i32>} : memref<32x1024xf32, #tpu.memory_space<vmem>>, vector<16xf32>,
          %scan3A_672 = arith.constant 0 : i32
          scf.yield %scan3A_672 : i32
        }
        %scan3A_665 = arith.constant 64 : i32
        scf.yield %scan3A_664 : i32
      }
      %while3A_652 = arith.constant 1 : i32
      %while3A_653 = scf.for %while3A_657 = %while3A_649 to %while3A_645 step %while3A_652 iter_args(%while3A_658 = %while3A_651) -> (i32)  : i32 {
        %scan3A_659 = arith.constant 0 : i32
        %scan3A_660 = arith.constant 0 : i32
        %scan3A_661 = arith.constant 64 : i32
        %scan3A_662 = arith.addi %scan3A_660, %scan3A_661 : i32
        %scan3A_663 = arith.constant 1 : i32
        %scan3A_664 = scf.for %scan3A_666 = %scan3A_660 to %scan3A_662 step %scan3A_663 iter_args(%scan3A_667 = %scan3A_659) -> (i32)  : i32 {
          %mul3A_668 = arith.constant 16 : i32
          %mul3A_669 = arith.muli %scan3A_666, %mul3A_668 : i32
          %swap3A = arith.index_cast %while3A_657 : i32 to index
          %swap3A_670 = arith.index_cast %mul3A_669 : i32 to index
          %swap3A_671 = tpu.vector_load %arg10[%swap3A, %swap3A_670] {strides = array<i32>} : memref<32x1024xf32, #tpu.memory_space<vmem>>, vector<16xf32>,
          tpu.vector_store %arg10[%swap3A, %swap3A_670], %broadcast_in_dim3A_140 {strides = array<i32>} : memref<32x1024xf32, #tpu.memory_space<vmem>>, vector<16xf32>,
          %scan3A_672 = arith.constant 0 : i32
          scf.yield %scan3A_672 : i32
        }
        %scan3A_665 = arith.constant 64 : i32
        scf.yield %scan3A_664 : i32
      }
      %dma_start3A = arith.constant 0 : i32
      %dma_start3A_654 = tpu.memref_slice %arg4[%add3A_408, %dma_start3A] : memref<16384x1024xf32, #tpu.memory_space<hbm>> -> memref<32x1024xf32, #tpu.memory_space<hbm>>
      %dma_start3A_655 = arith.constant 0 : i32
      %dma_start3A_656 = tpu.memref_slice %arg4[%add3A_408, %dma_start3A_655] : memref<16384x1024xf32, #tpu.memory_space<hbm>> -> memref<32x1024xf32, #tpu.memory_space<hbm>>
      tpu.enqueue_dma source(%arg10 : memref<32x1024xf32, #tpu.memory_space<vmem>>) target(%dma_start3A_656 : memref<32x1024xf32, #tpu.memory_space<hbm>>) target_semaphore(%arg19 : memref<!tpu.dma_semaphore, #tpu.memory_space<semaphore_mem>>)
    } else {
    }
    %add3A_419 = arith.constant 384 : i32
    %add3A_420 = arith.addi %add3A_137, %add3A_419 : i32
    %gt3A_421 = arith.constant 14 : i32
    %gt3A_422 = arith.cmpi sgt, %select_n3A_187, %gt3A_421 : i32
    %convert_element_type3A_423 = arith.extui %gt3A_422 : i1 to i32
    %cond3A_424 = arith.constant 0 : i32
    %cond3A_425 = arith.cmpi ne, %convert_element_type3A_423, %cond3A_424 : i32
    scf.if %cond3A_425 {
      %add3A_630 = arith.constant 352 : i32
      %add3A_631 = arith.addi %add3A_137, %add3A_630 : i32
      %dma_wait3A = arith.constant 0 : i32
      %dma_wait3A_632 = tpu.memref_slice %arg4[%add3A_631, %dma_wait3A] : memref<16384x1024xf32, #tpu.memory_space<hbm>> -> memref<32x1024xf32, #tpu.memory_space<hbm>>
      %dma_wait3A_633 = arith.constant 0 : i32
      %dma_wait3A_634 = tpu.memref_slice %arg4[%add3A_631, %dma_wait3A_633] : memref<16384x1024xf32, #tpu.memory_space<hbm>> -> memref<32x1024xf32, #tpu.memory_space<hbm>>
      tpu.wait_dma2 semaphore(%arg19 : memref<!tpu.dma_semaphore, #tpu.memory_space<semaphore_mem>>) src(%arg10 : memref<32x1024xf32, #tpu.memory_space<vmem>>) dst(%dma_wait3A_634 : memref<32x1024xf32, #tpu.memory_space<hbm>>)
      %dma_start3A = arith.constant 14 : i32
      %dma_start3A_635 = arith.constant 0 : i32
      %dma_start3A_636 = tpu.memref_slice %arg7[%dma_start3A, %dma_start3A_635] : memref<16x32xi32, #tpu.memory_space<vmem>> -> memref<1x32xi32, #tpu.memory_space<vmem>>
      %dma_start3A_637 = tpu.memref_squeeze %dma_start3A_636 : memref<1x32xi32, #tpu.memory_space<vmem>> -> memref<32xi32, #tpu.memory_space<vmem>>
      %dma_start3A_638 = arith.constant 0 : i32
      %dma_start3A_639 = arith.constant 0 : i32
      %dma_start3A_640 = tpu.memref_slice %arg2[%dma_start3A_638, %dma_start3A_639] : memref<9216x1024xf32, #tpu.memory_space<hbm>> -> memref<9216x1024xf32, #tpu.memory_space<hbm>>
      tpu.enqueue_indirect_dma source(%dma_start3A_640 : memref<9216x1024xf32, #tpu.memory_space<hbm>>) target(%arg10 : memref<32x1024xf32, #tpu.memory_space<vmem>>) offsets(%dma_start3A_637 : memref<32xi32, #tpu.memory_space<vmem>>) semaphore(%arg16 : memref<!tpu.dma_semaphore, #tpu.memory_space<semaphore_mem>>)
    } else {
    }
    %gt3A_426 = arith.constant 12 : i32
    %gt3A_427 = arith.cmpi sgt, %select_n3A_187, %gt3A_426 : i32
    %convert_element_type3A_428 = arith.extui %gt3A_427 : i1 to i32
    %cond3A_429 = arith.constant 0 : i32
    %cond3A_430 = arith.cmpi ne, %convert_element_type3A_428, %cond3A_429 : i32
    scf.if %cond3A_430 {
      %dma_wait3A = arith.constant 12 : i32
      %dma_wait3A_630 = arith.constant 0 : i32
      %dma_wait3A_631 = tpu.memref_slice %arg7[%dma_wait3A, %dma_wait3A_630] : memref<16x32xi32, #tpu.memory_space<vmem>> -> memref<1x32xi32, #tpu.memory_space<vmem>>
      %dma_wait3A_632 = tpu.memref_squeeze %dma_wait3A_631 : memref<1x32xi32, #tpu.memory_space<vmem>> -> memref<32xi32, #tpu.memory_space<vmem>>
      %dma_wait3A_633 = arith.constant 0 : i32
      %dma_wait3A_634 = arith.constant 0 : i32
      %dma_wait3A_635 = tpu.memref_slice %arg2[%dma_wait3A_633, %dma_wait3A_634] : memref<9216x1024xf32, #tpu.memory_space<hbm>> -> memref<9216x1024xf32, #tpu.memory_space<hbm>>
      tpu.wait_indirect_dma semaphore(%arg14 : memref<!tpu.dma_semaphore, #tpu.memory_space<semaphore_mem>>) src(%dma_wait3A_635 : memref<9216x1024xf32, #tpu.memory_space<hbm>>) dst(%arg8 : memref<32x1024xf32, #tpu.memory_space<vmem>>)
      %sub3A_636 = arith.constant 384 : i32
      %sub3A_637 = arith.subi %min3A, %sub3A_636 : i32
      %jit3A_638 = arith.constant 0 : i32
      %jit3A_639 = arith.constant 32 : i32
      %max3A_640 = arith.maxsi %jit3A_638, %sub3A_637 : i32
      %min3A_641 = arith.minsi %jit3A_639, %max3A_640 : i32
      %while3A_642 = arith.constant 32 : i32
      %while3A_643 = arith.constant 0 : i32
      %while3A_644 = arith.subi %while3A_642, %min3A_641 : i32
      %while3A_645 = arith.addi %min3A_641, %while3A_644 : i32
      %while3A_646 = arith.constant 1 : i32
      %while3A_647 = arith.divsi %while3A_644, %while3A_646 : i32
      %while3A_648 = arith.muli %while3A_647, %while3A_646 : i32
      %while3A_649 = arith.addi %min3A_641, %while3A_648 : i32
      %while3A_650 = arith.constant 1 : i32
      %while3A_651 = scf.for %while3A_657 = %min3A_641 to %while3A_649 step %while3A_650 iter_args(%while3A_658 = %while3A_643) -> (i32)  : i32 {
        %scan3A_659 = arith.constant 0 : i32
        %scan3A_660 = arith.constant 0 : i32
        %scan3A_661 = arith.constant 64 : i32
        %scan3A_662 = arith.addi %scan3A_660, %scan3A_661 : i32
        %scan3A_663 = arith.constant 1 : i32
        %scan3A_664 = scf.for %scan3A_666 = %scan3A_660 to %scan3A_662 step %scan3A_663 iter_args(%scan3A_667 = %scan3A_659) -> (i32)  : i32 {
          %mul3A_668 = arith.constant 16 : i32
          %mul3A_669 = arith.muli %scan3A_666, %mul3A_668 : i32
          %swap3A = arith.index_cast %while3A_657 : i32 to index
          %swap3A_670 = arith.index_cast %mul3A_669 : i32 to index
          %swap3A_671 = tpu.vector_load %arg8[%swap3A, %swap3A_670] {strides = array<i32>} : memref<32x1024xf32, #tpu.memory_space<vmem>>, vector<16xf32>,
          tpu.vector_store %arg8[%swap3A, %swap3A_670], %broadcast_in_dim3A_140 {strides = array<i32>} : memref<32x1024xf32, #tpu.memory_space<vmem>>, vector<16xf32>,
          %scan3A_672 = arith.constant 0 : i32
          scf.yield %scan3A_672 : i32
        }
        %scan3A_665 = arith.constant 64 : i32
        scf.yield %scan3A_664 : i32
      }
      %while3A_652 = arith.constant 1 : i32
      %while3A_653 = scf.for %while3A_657 = %while3A_649 to %while3A_645 step %while3A_652 iter_args(%while3A_658 = %while3A_651) -> (i32)  : i32 {
        %scan3A_659 = arith.constant 0 : i32
        %scan3A_660 = arith.constant 0 : i32
        %scan3A_661 = arith.constant 64 : i32
        %scan3A_662 = arith.addi %scan3A_660, %scan3A_661 : i32
        %scan3A_663 = arith.constant 1 : i32
        %scan3A_664 = scf.for %scan3A_666 = %scan3A_660 to %scan3A_662 step %scan3A_663 iter_args(%scan3A_667 = %scan3A_659) -> (i32)  : i32 {
          %mul3A_668 = arith.constant 16 : i32
          %mul3A_669 = arith.muli %scan3A_666, %mul3A_668 : i32
          %swap3A = arith.index_cast %while3A_657 : i32 to index
          %swap3A_670 = arith.index_cast %mul3A_669 : i32 to index
          %swap3A_671 = tpu.vector_load %arg8[%swap3A, %swap3A_670] {strides = array<i32>} : memref<32x1024xf32, #tpu.memory_space<vmem>>, vector<16xf32>,
          tpu.vector_store %arg8[%swap3A, %swap3A_670], %broadcast_in_dim3A_140 {strides = array<i32>} : memref<32x1024xf32, #tpu.memory_space<vmem>>, vector<16xf32>,
          %scan3A_672 = arith.constant 0 : i32
          scf.yield %scan3A_672 : i32
        }
        %scan3A_665 = arith.constant 64 : i32
        scf.yield %scan3A_664 : i32
      }
      %dma_start3A = arith.constant 0 : i32
      %dma_start3A_654 = tpu.memref_slice %arg4[%add3A_420, %dma_start3A] : memref<16384x1024xf32, #tpu.memory_space<hbm>> -> memref<32x1024xf32, #tpu.memory_space<hbm>>
      %dma_start3A_655 = arith.constant 0 : i32
      %dma_start3A_656 = tpu.memref_slice %arg4[%add3A_420, %dma_start3A_655] : memref<16384x1024xf32, #tpu.memory_space<hbm>> -> memref<32x1024xf32, #tpu.memory_space<hbm>>
      tpu.enqueue_dma source(%arg8 : memref<32x1024xf32, #tpu.memory_space<vmem>>) target(%dma_start3A_656 : memref<32x1024xf32, #tpu.memory_space<hbm>>) target_semaphore(%arg17 : memref<!tpu.dma_semaphore, #tpu.memory_space<semaphore_mem>>)
    } else {
    }
    %add3A_431 = arith.constant 416 : i32
    %add3A_432 = arith.addi %add3A_137, %add3A_431 : i32
    %gt3A_433 = arith.constant 15 : i32
    %gt3A_434 = arith.cmpi sgt, %select_n3A_187, %gt3A_433 : i32
    %convert_element_type3A_435 = arith.extui %gt3A_434 : i1 to i32
    %cond3A_436 = arith.constant 0 : i32
    %cond3A_437 = arith.cmpi ne, %convert_element_type3A_435, %cond3A_436 : i32
    scf.if %cond3A_437 {
      %add3A_630 = arith.constant 384 : i32
      %add3A_631 = arith.addi %add3A_137, %add3A_630 : i32
      %dma_wait3A = arith.constant 0 : i32
      %dma_wait3A_632 = tpu.memref_slice %arg4[%add3A_631, %dma_wait3A] : memref<16384x1024xf32, #tpu.memory_space<hbm>> -> memref<32x1024xf32, #tpu.memory_space<hbm>>
      %dma_wait3A_633 = arith.constant 0 : i32
      %dma_wait3A_634 = tpu.memref_slice %arg4[%add3A_631, %dma_wait3A_633] : memref<16384x1024xf32, #tpu.memory_space<hbm>> -> memref<32x1024xf32, #tpu.memory_space<hbm>>
      tpu.wait_dma2 semaphore(%arg17 : memref<!tpu.dma_semaphore, #tpu.memory_space<semaphore_mem>>) src(%arg8 : memref<32x1024xf32, #tpu.memory_space<vmem>>) dst(%dma_wait3A_634 : memref<32x1024xf32, #tpu.memory_space<hbm>>)
      %dma_start3A = arith.constant 15 : i32
      %dma_start3A_635 = arith.constant 0 : i32
      %dma_start3A_636 = tpu.memref_slice %arg7[%dma_start3A, %dma_start3A_635] : memref<16x32xi32, #tpu.memory_space<vmem>> -> memref<1x32xi32, #tpu.memory_space<vmem>>
      %dma_start3A_637 = tpu.memref_squeeze %dma_start3A_636 : memref<1x32xi32, #tpu.memory_space<vmem>> -> memref<32xi32, #tpu.memory_space<vmem>>
      %dma_start3A_638 = arith.constant 0 : i32
      %dma_start3A_639 = arith.constant 0 : i32
      %dma_start3A_640 = tpu.memref_slice %arg2[%dma_start3A_638, %dma_start3A_639] : memref<9216x1024xf32, #tpu.memory_space<hbm>> -> memref<9216x1024xf32, #tpu.memory_space<hbm>>
      tpu.enqueue_indirect_dma source(%dma_start3A_640 : memref<9216x1024xf32, #tpu.memory_space<hbm>>) target(%arg8 : memref<32x1024xf32, #tpu.memory_space<vmem>>) offsets(%dma_start3A_637 : memref<32xi32, #tpu.memory_space<vmem>>) semaphore(%arg14 : memref<!tpu.dma_semaphore, #tpu.memory_space<semaphore_mem>>)
    } else {
    }
    %gt3A_438 = arith.constant 13 : i32
    %gt3A_439 = arith.cmpi sgt, %select_n3A_187, %gt3A_438 : i32
    %convert_element_type3A_440 = arith.extui %gt3A_439 : i1 to i32
    %cond3A_441 = arith.constant 0 : i32
    %cond3A_442 = arith.cmpi ne, %convert_element_type3A_440, %cond3A_441 : i32
    scf.if %cond3A_442 {
      %dma_wait3A = arith.constant 13 : i32
      %dma_wait3A_630 = arith.constant 0 : i32
      %dma_wait3A_631 = tpu.memref_slice %arg7[%dma_wait3A, %dma_wait3A_630] : memref<16x32xi32, #tpu.memory_space<vmem>> -> memref<1x32xi32, #tpu.memory_space<vmem>>
      %dma_wait3A_632 = tpu.memref_squeeze %dma_wait3A_631 : memref<1x32xi32, #tpu.memory_space<vmem>> -> memref<32xi32, #tpu.memory_space<vmem>>
      %dma_wait3A_633 = arith.constant 0 : i32
      %dma_wait3A_634 = arith.constant 0 : i32
      %dma_wait3A_635 = tpu.memref_slice %arg2[%dma_wait3A_633, %dma_wait3A_634] : memref<9216x1024xf32, #tpu.memory_space<hbm>> -> memref<9216x1024xf32, #tpu.memory_space<hbm>>
      tpu.wait_indirect_dma semaphore(%arg15 : memref<!tpu.dma_semaphore, #tpu.memory_space<semaphore_mem>>) src(%dma_wait3A_635 : memref<9216x1024xf32, #tpu.memory_space<hbm>>) dst(%arg9 : memref<32x1024xf32, #tpu.memory_space<vmem>>)
      %sub3A_636 = arith.constant 416 : i32
      %sub3A_637 = arith.subi %min3A, %sub3A_636 : i32
      %jit3A_638 = arith.constant 0 : i32
      %jit3A_639 = arith.constant 32 : i32
      %max3A_640 = arith.maxsi %jit3A_638, %sub3A_637 : i32
      %min3A_641 = arith.minsi %jit3A_639, %max3A_640 : i32
      %while3A_642 = arith.constant 32 : i32
      %while3A_643 = arith.constant 0 : i32
      %while3A_644 = arith.subi %while3A_642, %min3A_641 : i32
      %while3A_645 = arith.addi %min3A_641, %while3A_644 : i32
      %while3A_646 = arith.constant 1 : i32
      %while3A_647 = arith.divsi %while3A_644, %while3A_646 : i32
      %while3A_648 = arith.muli %while3A_647, %while3A_646 : i32
      %while3A_649 = arith.addi %min3A_641, %while3A_648 : i32
      %while3A_650 = arith.constant 1 : i32
      %while3A_651 = scf.for %while3A_657 = %min3A_641 to %while3A_649 step %while3A_650 iter_args(%while3A_658 = %while3A_643) -> (i32)  : i32 {
        %scan3A_659 = arith.constant 0 : i32
        %scan3A_660 = arith.constant 0 : i32
        %scan3A_661 = arith.constant 64 : i32
        %scan3A_662 = arith.addi %scan3A_660, %scan3A_661 : i32
        %scan3A_663 = arith.constant 1 : i32
        %scan3A_664 = scf.for %scan3A_666 = %scan3A_660 to %scan3A_662 step %scan3A_663 iter_args(%scan3A_667 = %scan3A_659) -> (i32)  : i32 {
          %mul3A_668 = arith.constant 16 : i32
          %mul3A_669 = arith.muli %scan3A_666, %mul3A_668 : i32
          %swap3A = arith.index_cast %while3A_657 : i32 to index
          %swap3A_670 = arith.index_cast %mul3A_669 : i32 to index
          %swap3A_671 = tpu.vector_load %arg9[%swap3A, %swap3A_670] {strides = array<i32>} : memref<32x1024xf32, #tpu.memory_space<vmem>>, vector<16xf32>,
          tpu.vector_store %arg9[%swap3A, %swap3A_670], %broadcast_in_dim3A_140 {strides = array<i32>} : memref<32x1024xf32, #tpu.memory_space<vmem>>, vector<16xf32>,
          %scan3A_672 = arith.constant 0 : i32
          scf.yield %scan3A_672 : i32
        }
        %scan3A_665 = arith.constant 64 : i32
        scf.yield %scan3A_664 : i32
      }
      %while3A_652 = arith.constant 1 : i32
      %while3A_653 = scf.for %while3A_657 = %while3A_649 to %while3A_645 step %while3A_652 iter_args(%while3A_658 = %while3A_651) -> (i32)  : i32 {
        %scan3A_659 = arith.constant 0 : i32
        %scan3A_660 = arith.constant 0 : i32
        %scan3A_661 = arith.constant 64 : i32
        %scan3A_662 = arith.addi %scan3A_660, %scan3A_661 : i32
        %scan3A_663 = arith.constant 1 : i32
        %scan3A_664 = scf.for %scan3A_666 = %scan3A_660 to %scan3A_662 step %scan3A_663 iter_args(%scan3A_667 = %scan3A_659) -> (i32)  : i32 {
          %mul3A_668 = arith.constant 16 : i32
          %mul3A_669 = arith.muli %scan3A_666, %mul3A_668 : i32
          %swap3A = arith.index_cast %while3A_657 : i32 to index
          %swap3A_670 = arith.index_cast %mul3A_669 : i32 to index
          %swap3A_671 = tpu.vector_load %arg9[%swap3A, %swap3A_670] {strides = array<i32>} : memref<32x1024xf32, #tpu.memory_space<vmem>>, vector<16xf32>,
          tpu.vector_store %arg9[%swap3A, %swap3A_670], %broadcast_in_dim3A_140 {strides = array<i32>} : memref<32x1024xf32, #tpu.memory_space<vmem>>, vector<16xf32>,
          %scan3A_672 = arith.constant 0 : i32
          scf.yield %scan3A_672 : i32
        }
        %scan3A_665 = arith.constant 64 : i32
        scf.yield %scan3A_664 : i32
      }
      %dma_start3A = arith.constant 0 : i32
      %dma_start3A_654 = tpu.memref_slice %arg4[%add3A_432, %dma_start3A] : memref<16384x1024xf32, #tpu.memory_space<hbm>> -> memref<32x1024xf32, #tpu.memory_space<hbm>>
      %dma_start3A_655 = arith.constant 0 : i32
      %dma_start3A_656 = tpu.memref_slice %arg4[%add3A_432, %dma_start3A_655] : memref<16384x1024xf32, #tpu.memory_space<hbm>> -> memref<32x1024xf32, #tpu.memory_space<hbm>>
      tpu.enqueue_dma source(%arg9 : memref<32x1024xf32, #tpu.memory_space<vmem>>) target(%dma_start3A_656 : memref<32x1024xf32, #tpu.memory_space<hbm>>) target_semaphore(%arg18 : memref<!tpu.dma_semaphore, #tpu.memory_space<semaphore_mem>>)
    } else {
    }
    %add3A_443 = arith.constant 448 : i32
    %add3A_444 = arith.addi %add3A_137, %add3A_443 : i32
    %gt3A_445 = arith.constant 14 : i32
    %gt3A_446 = arith.cmpi sgt, %select_n3A_187, %gt3A_445 : i32
    %convert_element_type3A_447 = arith.extui %gt3A_446 : i1 to i32
    %cond3A_448 = arith.constant 0 : i32
    %cond3A_449 = arith.cmpi ne, %convert_element_type3A_447, %cond3A_448 : i32
    scf.if %cond3A_449 {
      %dma_wait3A = arith.constant 14 : i32
      %dma_wait3A_630 = arith.constant 0 : i32
      %dma_wait3A_631 = tpu.memref_slice %arg7[%dma_wait3A, %dma_wait3A_630] : memref<16x32xi32, #tpu.memory_space<vmem>> -> memref<1x32xi32, #tpu.memory_space<vmem>>
      %dma_wait3A_632 = tpu.memref_squeeze %dma_wait3A_631 : memref<1x32xi32, #tpu.memory_space<vmem>> -> memref<32xi32, #tpu.memory_space<vmem>>
      %dma_wait3A_633 = arith.constant 0 : i32
      %dma_wait3A_634 = arith.constant 0 : i32
      %dma_wait3A_635 = tpu.memref_slice %arg2[%dma_wait3A_633, %dma_wait3A_634] : memref<9216x1024xf32, #tpu.memory_space<hbm>> -> memref<9216x1024xf32, #tpu.memory_space<hbm>>
      tpu.wait_indirect_dma semaphore(%arg16 : memref<!tpu.dma_semaphore, #tpu.memory_space<semaphore_mem>>) src(%dma_wait3A_635 : memref<9216x1024xf32, #tpu.memory_space<hbm>>) dst(%arg10 : memref<32x1024xf32, #tpu.memory_space<vmem>>)
      %sub3A_636 = arith.constant 448 : i32
      %sub3A_637 = arith.subi %min3A, %sub3A_636 : i32
      %jit3A_638 = arith.constant 0 : i32
      %jit3A_639 = arith.constant 32 : i32
      %max3A_640 = arith.maxsi %jit3A_638, %sub3A_637 : i32
      %min3A_641 = arith.minsi %jit3A_639, %max3A_640 : i32
      %while3A_642 = arith.constant 32 : i32
      %while3A_643 = arith.constant 0 : i32
      %while3A_644 = arith.subi %while3A_642, %min3A_641 : i32
      %while3A_645 = arith.addi %min3A_641, %while3A_644 : i32
      %while3A_646 = arith.constant 1 : i32
      %while3A_647 = arith.divsi %while3A_644, %while3A_646 : i32
      %while3A_648 = arith.muli %while3A_647, %while3A_646 : i32
      %while3A_649 = arith.addi %min3A_641, %while3A_648 : i32
      %while3A_650 = arith.constant 1 : i32
      %while3A_651 = scf.for %while3A_657 = %min3A_641 to %while3A_649 step %while3A_650 iter_args(%while3A_658 = %while3A_643) -> (i32)  : i32 {
        %scan3A_659 = arith.constant 0 : i32
        %scan3A_660 = arith.constant 0 : i32
        %scan3A_661 = arith.constant 64 : i32
        %scan3A_662 = arith.addi %scan3A_660, %scan3A_661 : i32
        %scan3A_663 = arith.constant 1 : i32
        %scan3A_664 = scf.for %scan3A_666 = %scan3A_660 to %scan3A_662 step %scan3A_663 iter_args(%scan3A_667 = %scan3A_659) -> (i32)  : i32 {
          %mul3A_668 = arith.constant 16 : i32
          %mul3A_669 = arith.muli %scan3A_666, %mul3A_668 : i32
          %swap3A = arith.index_cast %while3A_657 : i32 to index
          %swap3A_670 = arith.index_cast %mul3A_669 : i32 to index
          %swap3A_671 = tpu.vector_load %arg10[%swap3A, %swap3A_670] {strides = array<i32>} : memref<32x1024xf32, #tpu.memory_space<vmem>>, vector<16xf32>,
          tpu.vector_store %arg10[%swap3A, %swap3A_670], %broadcast_in_dim3A_140 {strides = array<i32>} : memref<32x1024xf32, #tpu.memory_space<vmem>>, vector<16xf32>,
          %scan3A_672 = arith.constant 0 : i32
          scf.yield %scan3A_672 : i32
        }
        %scan3A_665 = arith.constant 64 : i32
        scf.yield %scan3A_664 : i32
      }
      %while3A_652 = arith.constant 1 : i32
      %while3A_653 = scf.for %while3A_657 = %while3A_649 to %while3A_645 step %while3A_652 iter_args(%while3A_658 = %while3A_651) -> (i32)  : i32 {
        %scan3A_659 = arith.constant 0 : i32
        %scan3A_660 = arith.constant 0 : i32
        %scan3A_661 = arith.constant 64 : i32
        %scan3A_662 = arith.addi %scan3A_660, %scan3A_661 : i32
        %scan3A_663 = arith.constant 1 : i32
        %scan3A_664 = scf.for %scan3A_666 = %scan3A_660 to %scan3A_662 step %scan3A_663 iter_args(%scan3A_667 = %scan3A_659) -> (i32)  : i32 {
          %mul3A_668 = arith.constant 16 : i32
          %mul3A_669 = arith.muli %scan3A_666, %mul3A_668 : i32
          %swap3A = arith.index_cast %while3A_657 : i32 to index
          %swap3A_670 = arith.index_cast %mul3A_669 : i32 to index
          %swap3A_671 = tpu.vector_load %arg10[%swap3A, %swap3A_670] {strides = array<i32>} : memref<32x1024xf32, #tpu.memory_space<vmem>>, vector<16xf32>,
          tpu.vector_store %arg10[%swap3A, %swap3A_670], %broadcast_in_dim3A_140 {strides = array<i32>} : memref<32x1024xf32, #tpu.memory_space<vmem>>, vector<16xf32>,
          %scan3A_672 = arith.constant 0 : i32
          scf.yield %scan3A_672 : i32
        }
        %scan3A_665 = arith.constant 64 : i32
        scf.yield %scan3A_664 : i32
      }
      %dma_start3A = arith.constant 0 : i32
      %dma_start3A_654 = tpu.memref_slice %arg4[%add3A_444, %dma_start3A] : memref<16384x1024xf32, #tpu.memory_space<hbm>> -> memref<32x1024xf32, #tpu.memory_space<hbm>>
      %dma_start3A_655 = arith.constant 0 : i32
      %dma_start3A_656 = tpu.memref_slice %arg4[%add3A_444, %dma_start3A_655] : memref<16384x1024xf32, #tpu.memory_space<hbm>> -> memref<32x1024xf32, #tpu.memory_space<hbm>>
      tpu.enqueue_dma source(%arg10 : memref<32x1024xf32, #tpu.memory_space<vmem>>) target(%dma_start3A_656 : memref<32x1024xf32, #tpu.memory_space<hbm>>) target_semaphore(%arg19 : memref<!tpu.dma_semaphore, #tpu.memory_space<semaphore_mem>>)
    } else {
    }
    %add3A_450 = arith.constant 480 : i32
    %add3A_451 = arith.addi %add3A_137, %add3A_450 : i32
    %gt3A_452 = arith.constant 15 : i32
    %gt3A_453 = arith.cmpi sgt, %select_n3A_187, %gt3A_452 : i32
    %convert_element_type3A_454 = arith.extui %gt3A_453 : i1 to i32
    %cond3A_455 = arith.constant 0 : i32
    %cond3A_456 = arith.cmpi ne, %convert_element_type3A_454, %cond3A_455 : i32
    scf.if %cond3A_456 {
      %dma_wait3A = arith.constant 15 : i32
      %dma_wait3A_630 = arith.constant 0 : i32
      %dma_wait3A_631 = tpu.memref_slice %arg7[%dma_wait3A, %dma_wait3A_630] : memref<16x32xi32, #tpu.memory_space<vmem>> -> memref<1x32xi32, #tpu.memory_space<vmem>>
      %dma_wait3A_632 = tpu.memref_squeeze %dma_wait3A_631 : memref<1x32xi32, #tpu.memory_space<vmem>> -> memref<32xi32, #tpu.memory_space<vmem>>
      %dma_wait3A_633 = arith.constant 0 : i32
      %dma_wait3A_634 = arith.constant 0 : i32
      %dma_wait3A_635 = tpu.memref_slice %arg2[%dma_wait3A_633, %dma_wait3A_634] : memref<9216x1024xf32, #tpu.memory_space<hbm>> -> memref<9216x1024xf32, #tpu.memory_space<hbm>>
      tpu.wait_indirect_dma semaphore(%arg14 : memref<!tpu.dma_semaphore, #tpu.memory_space<semaphore_mem>>) src(%dma_wait3A_635 : memref<9216x1024xf32, #tpu.memory_space<hbm>>) dst(%arg8 : memref<32x1024xf32, #tpu.memory_space<vmem>>)
      %sub3A_636 = arith.constant 480 : i32
      %sub3A_637 = arith.subi %min3A, %sub3A_636 : i32
      %jit3A_638 = arith.constant 0 : i32
      %jit3A_639 = arith.constant 32 : i32
      %max3A_640 = arith.maxsi %jit3A_638, %sub3A_637 : i32
      %min3A_641 = arith.minsi %jit3A_639, %max3A_640 : i32
      %while3A_642 = arith.constant 32 : i32
      %while3A_643 = arith.constant 0 : i32
      %while3A_644 = arith.subi %while3A_642, %min3A_641 : i32
      %while3A_645 = arith.addi %min3A_641, %while3A_644 : i32
      %while3A_646 = arith.constant 1 : i32
      %while3A_647 = arith.divsi %while3A_644, %while3A_646 : i32
      %while3A_648 = arith.muli %while3A_647, %while3A_646 : i32
      %while3A_649 = arith.addi %min3A_641, %while3A_648 : i32
      %while3A_650 = arith.constant 1 : i32
      %while3A_651 = scf.for %while3A_657 = %min3A_641 to %while3A_649 step %while3A_650 iter_args(%while3A_658 = %while3A_643) -> (i32)  : i32 {
        %scan3A_659 = arith.constant 0 : i32
        %scan3A_660 = arith.constant 0 : i32
        %scan3A_661 = arith.constant 64 : i32
        %scan3A_662 = arith.addi %scan3A_660, %scan3A_661 : i32
        %scan3A_663 = arith.constant 1 : i32
        %scan3A_664 = scf.for %scan3A_666 = %scan3A_660 to %scan3A_662 step %scan3A_663 iter_args(%scan3A_667 = %scan3A_659) -> (i32)  : i32 {
          %mul3A_668 = arith.constant 16 : i32
          %mul3A_669 = arith.muli %scan3A_666, %mul3A_668 : i32
          %swap3A = arith.index_cast %while3A_657 : i32 to index
          %swap3A_670 = arith.index_cast %mul3A_669 : i32 to index
          %swap3A_671 = tpu.vector_load %arg8[%swap3A, %swap3A_670] {strides = array<i32>} : memref<32x1024xf32, #tpu.memory_space<vmem>>, vector<16xf32>,
          tpu.vector_store %arg8[%swap3A, %swap3A_670], %broadcast_in_dim3A_140 {strides = array<i32>} : memref<32x1024xf32, #tpu.memory_space<vmem>>, vector<16xf32>,
          %scan3A_672 = arith.constant 0 : i32
          scf.yield %scan3A_672 : i32
        }
        %scan3A_665 = arith.constant 64 : i32
        scf.yield %scan3A_664 : i32
      }
      %while3A_652 = arith.constant 1 : i32
      %while3A_653 = scf.for %while3A_657 = %while3A_649 to %while3A_645 step %while3A_652 iter_args(%while3A_658 = %while3A_651) -> (i32)  : i32 {
        %scan3A_659 = arith.constant 0 : i32
        %scan3A_660 = arith.constant 0 : i32
        %scan3A_661 = arith.constant 64 : i32
        %scan3A_662 = arith.addi %scan3A_660, %scan3A_661 : i32
        %scan3A_663 = arith.constant 1 : i32
        %scan3A_664 = scf.for %scan3A_666 = %scan3A_660 to %scan3A_662 step %scan3A_663 iter_args(%scan3A_667 = %scan3A_659) -> (i32)  : i32 {
          %mul3A_668 = arith.constant 16 : i32
          %mul3A_669 = arith.muli %scan3A_666, %mul3A_668 : i32
          %swap3A = arith.index_cast %while3A_657 : i32 to index
          %swap3A_670 = arith.index_cast %mul3A_669 : i32 to index
          %swap3A_671 = tpu.vector_load %arg8[%swap3A, %swap3A_670] {strides = array<i32>} : memref<32x1024xf32, #tpu.memory_space<vmem>>, vector<16xf32>,
          tpu.vector_store %arg8[%swap3A, %swap3A_670], %broadcast_in_dim3A_140 {strides = array<i32>} : memref<32x1024xf32, #tpu.memory_space<vmem>>, vector<16xf32>,
          %scan3A_672 = arith.constant 0 : i32
          scf.yield %scan3A_672 : i32
        }
        %scan3A_665 = arith.constant 64 : i32
        scf.yield %scan3A_664 : i32
      }
      %dma_start3A = arith.constant 0 : i32
      %dma_start3A_654 = tpu.memref_slice %arg4[%add3A_451, %dma_start3A] : memref<16384x1024xf32, #tpu.memory_space<hbm>> -> memref<32x1024xf32, #tpu.memory_space<hbm>>
      %dma_start3A_655 = arith.constant 0 : i32
      %dma_start3A_656 = tpu.memref_slice %arg4[%add3A_451, %dma_start3A_655] : memref<16384x1024xf32, #tpu.memory_space<hbm>> -> memref<32x1024xf32, #tpu.memory_space<hbm>>
      tpu.enqueue_dma source(%arg8 : memref<32x1024xf32, #tpu.memory_space<vmem>>) target(%dma_start3A_656 : memref<32x1024xf32, #tpu.memory_space<hbm>>) target_semaphore(%arg17 : memref<!tpu.dma_semaphore, #tpu.memory_space<semaphore_mem>>)
    } else {
    }
    %gt3A_457 = arith.constant 0 : i32
    %gt3A_458 = arith.cmpi sgt, %select_n3A_187, %gt3A_457 : i32
    %sub3A_459 = arith.constant 3 : i32
    %sub3A_460 = arith.subi %select_n3A_187, %sub3A_459 : i32
    %le3A = arith.constant 0 : i32
    %le3A_461 = arith.cmpi sle, %sub3A_460, %le3A : i32
    %and3A_462 = arith.andi %gt3A_458, %le3A_461 : i1
    %convert_element_type3A_463 = arith.extui %and3A_462 : i1 to i32
    %cond3A_464 = arith.constant 0 : i32
    %cond3A_465 = arith.cmpi ne, %convert_element_type3A_463, %cond3A_464 : i32
    scf.if %cond3A_465 {
      %add3A_630 = arith.constant 0 : i32
      %add3A_631 = arith.addi %add3A_137, %add3A_630 : i32
      %dma_wait3A = arith.constant 0 : i32
      %dma_wait3A_632 = tpu.memref_slice %arg4[%add3A_631, %dma_wait3A] : memref<16384x1024xf32, #tpu.memory_space<hbm>> -> memref<32x1024xf32, #tpu.memory_space<hbm>>
      %dma_wait3A_633 = arith.constant 0 : i32
      %dma_wait3A_634 = tpu.memref_slice %arg4[%add3A_631, %dma_wait3A_633] : memref<16384x1024xf32, #tpu.memory_space<hbm>> -> memref<32x1024xf32, #tpu.memory_space<hbm>>
      tpu.wait_dma2 semaphore(%arg17 : memref<!tpu.dma_semaphore, #tpu.memory_space<semaphore_mem>>) src(%arg8 : memref<32x1024xf32, #tpu.memory_space<vmem>>) dst(%dma_wait3A_634 : memref<32x1024xf32, #tpu.memory_space<hbm>>)
    } else {
    }
    %gt3A_466 = arith.constant 1 : i32
    %gt3A_467 = arith.cmpi sgt, %select_n3A_187, %gt3A_466 : i32
    %sub3A_468 = arith.constant 3 : i32
    %sub3A_469 = arith.subi %select_n3A_187, %sub3A_468 : i32
    %le3A_470 = arith.constant 1 : i32
    %le3A_471 = arith.cmpi sle, %sub3A_469, %le3A_470 : i32
    %and3A_472 = arith.andi %gt3A_467, %le3A_471 : i1
    %convert_element_type3A_473 = arith.extui %and3A_472 : i1 to i32
    %cond3A_474 = arith.constant 0 : i32
    %cond3A_475 = arith.cmpi ne, %convert_element_type3A_473, %cond3A_474 : i32
    scf.if %cond3A_475 {
      %add3A_630 = arith.constant 32 : i32
      %add3A_631 = arith.addi %add3A_137, %add3A_630 : i32
      %dma_wait3A = arith.constant 0 : i32
      %dma_wait3A_632 = tpu.memref_slice %arg4[%add3A_631, %dma_wait3A] : memref<16384x1024xf32, #tpu.memory_space<hbm>> -> memref<32x1024xf32, #tpu.memory_space<hbm>>
      %dma_wait3A_633 = arith.constant 0 : i32
      %dma_wait3A_634 = tpu.memref_slice %arg4[%add3A_631, %dma_wait3A_633] : memref<16384x1024xf32, #tpu.memory_space<hbm>> -> memref<32x1024xf32, #tpu.memory_space<hbm>>
      tpu.wait_dma2 semaphore(%arg18 : memref<!tpu.dma_semaphore, #tpu.memory_space<semaphore_mem>>) src(%arg9 : memref<32x1024xf32, #tpu.memory_space<vmem>>) dst(%dma_wait3A_634 : memref<32x1024xf32, #tpu.memory_space<hbm>>)
    } else {
    }
    %gt3A_476 = arith.constant 2 : i32
    %gt3A_477 = arith.cmpi sgt, %select_n3A_187, %gt3A_476 : i32
    %sub3A_478 = arith.constant 3 : i32
    %sub3A_479 = arith.subi %select_n3A_187, %sub3A_478 : i32
    %le3A_480 = arith.constant 2 : i32
    %le3A_481 = arith.cmpi sle, %sub3A_479, %le3A_480 : i32
    %and3A_482 = arith.andi %gt3A_477, %le3A_481 : i1
    %convert_element_type3A_483 = arith.extui %and3A_482 : i1 to i32
    %cond3A_484 = arith.constant 0 : i32
    %cond3A_485 = arith.cmpi ne, %convert_element_type3A_483, %cond3A_484 : i32
    scf.if %cond3A_485 {
      %add3A_630 = arith.constant 64 : i32
      %add3A_631 = arith.addi %add3A_137, %add3A_630 : i32
      %dma_wait3A = arith.constant 0 : i32
      %dma_wait3A_632 = tpu.memref_slice %arg4[%add3A_631, %dma_wait3A] : memref<16384x1024xf32, #tpu.memory_space<hbm>> -> memref<32x1024xf32, #tpu.memory_space<hbm>>
      %dma_wait3A_633 = arith.constant 0 : i32
      %dma_wait3A_634 = tpu.memref_slice %arg4[%add3A_631, %dma_wait3A_633] : memref<16384x1024xf32, #tpu.memory_space<hbm>> -> memref<32x1024xf32, #tpu.memory_space<hbm>>
      tpu.wait_dma2 semaphore(%arg19 : memref<!tpu.dma_semaphore, #tpu.memory_space<semaphore_mem>>) src(%arg10 : memref<32x1024xf32, #tpu.memory_space<vmem>>) dst(%dma_wait3A_634 : memref<32x1024xf32, #tpu.memory_space<hbm>>)
    } else {
    }
    %gt3A_486 = arith.constant 3 : i32
    %gt3A_487 = arith.cmpi sgt, %select_n3A_187, %gt3A_486 : i32
    %sub3A_488 = arith.constant 3 : i32
    %sub3A_489 = arith.subi %select_n3A_187, %sub3A_488 : i32
    %le3A_490 = arith.constant 3 : i32
    %le3A_491 = arith.cmpi sle, %sub3A_489, %le3A_490 : i32
    %and3A_492 = arith.andi %gt3A_487, %le3A_491 : i1
    %convert_element_type3A_493 = arith.extui %and3A_492 : i1 to i32
    %cond3A_494 = arith.constant 0 : i32
    %cond3A_495 = arith.cmpi ne, %convert_element_type3A_493, %cond3A_494 : i32
    scf.if %cond3A_495 {
      %add3A_630 = arith.constant 96 : i32
      %add3A_631 = arith.addi %add3A_137, %add3A_630 : i32
      %dma_wait3A = arith.constant 0 : i32
      %dma_wait3A_632 = tpu.memref_slice %arg4[%add3A_631, %dma_wait3A] : memref<16384x1024xf32, #tpu.memory_space<hbm>> -> memref<32x1024xf32, #tpu.memory_space<hbm>>
      %dma_wait3A_633 = arith.constant 0 : i32
      %dma_wait3A_634 = tpu.memref_slice %arg4[%add3A_631, %dma_wait3A_633] : memref<16384x1024xf32, #tpu.memory_space<hbm>> -> memref<32x1024xf32, #tpu.memory_space<hbm>>
      tpu.wait_dma2 semaphore(%arg17 : memref<!tpu.dma_semaphore, #tpu.memory_space<semaphore_mem>>) src(%arg8 : memref<32x1024xf32, #tpu.memory_space<vmem>>) dst(%dma_wait3A_634 : memref<32x1024xf32, #tpu.memory_space<hbm>>)
    } else {
    }
    %gt3A_496 = arith.constant 4 : i32
    %gt3A_497 = arith.cmpi sgt, %select_n3A_187, %gt3A_496 : i32
    %sub3A_498 = arith.constant 3 : i32
    %sub3A_499 = arith.subi %select_n3A_187, %sub3A_498 : i32
    %le3A_500 = arith.constant 4 : i32
    %le3A_501 = arith.cmpi sle, %sub3A_499, %le3A_500 : i32
    %and3A_502 = arith.andi %gt3A_497, %le3A_501 : i1
    %convert_element_type3A_503 = arith.extui %and3A_502 : i1 to i32
    %cond3A_504 = arith.constant 0 : i32
    %cond3A_505 = arith.cmpi ne, %convert_element_type3A_503, %cond3A_504 : i32
    scf.if %cond3A_505 {
      %add3A_630 = arith.constant 128 : i32
      %add3A_631 = arith.addi %add3A_137, %add3A_630 : i32
      %dma_wait3A = arith.constant 0 : i32
      %dma_wait3A_632 = tpu.memref_slice %arg4[%add3A_631, %dma_wait3A] : memref<16384x1024xf32, #tpu.memory_space<hbm>> -> memref<32x1024xf32, #tpu.memory_space<hbm>>
      %dma_wait3A_633 = arith.constant 0 : i32
      %dma_wait3A_634 = tpu.memref_slice %arg4[%add3A_631, %dma_wait3A_633] : memref<16384x1024xf32, #tpu.memory_space<hbm>> -> memref<32x1024xf32, #tpu.memory_space<hbm>>
      tpu.wait_dma2 semaphore(%arg18 : memref<!tpu.dma_semaphore, #tpu.memory_space<semaphore_mem>>) src(%arg9 : memref<32x1024xf32, #tpu.memory_space<vmem>>) dst(%dma_wait3A_634 : memref<32x1024xf32, #tpu.memory_space<hbm>>)
    } else {
    }
    %gt3A_506 = arith.constant 5 : i32
    %gt3A_507 = arith.cmpi sgt, %select_n3A_187, %gt3A_506 : i32
    %sub3A_508 = arith.constant 3 : i32
    %sub3A_509 = arith.subi %select_n3A_187, %sub3A_508 : i32
    %le3A_510 = arith.constant 5 : i32
    %le3A_511 = arith.cmpi sle, %sub3A_509, %le3A_510 : i32
    %and3A_512 = arith.andi %gt3A_507, %le3A_511 : i1
    %convert_element_type3A_513 = arith.extui %and3A_512 : i1 to i32
    %cond3A_514 = arith.constant 0 : i32
    %cond3A_515 = arith.cmpi ne, %convert_element_type3A_513, %cond3A_514 : i32
    scf.if %cond3A_515 {
      %add3A_630 = arith.constant 160 : i32
      %add3A_631 = arith.addi %add3A_137, %add3A_630 : i32
      %dma_wait3A = arith.constant 0 : i32
      %dma_wait3A_632 = tpu.memref_slice %arg4[%add3A_631, %dma_wait3A] : memref<16384x1024xf32, #tpu.memory_space<hbm>> -> memref<32x1024xf32, #tpu.memory_space<hbm>>
      %dma_wait3A_633 = arith.constant 0 : i32
      %dma_wait3A_634 = tpu.memref_slice %arg4[%add3A_631, %dma_wait3A_633] : memref<16384x1024xf32, #tpu.memory_space<hbm>> -> memref<32x1024xf32, #tpu.memory_space<hbm>>
      tpu.wait_dma2 semaphore(%arg19 : memref<!tpu.dma_semaphore, #tpu.memory_space<semaphore_mem>>) src(%arg10 : memref<32x1024xf32, #tpu.memory_space<vmem>>) dst(%dma_wait3A_634 : memref<32x1024xf32, #tpu.memory_space<hbm>>)
    } else {
    }
    %gt3A_516 = arith.constant 6 : i32
    %gt3A_517 = arith.cmpi sgt, %select_n3A_187, %gt3A_516 : i32
    %sub3A_518 = arith.constant 3 : i32
    %sub3A_519 = arith.subi %select_n3A_187, %sub3A_518 : i32
    %le3A_520 = arith.constant 6 : i32
    %le3A_521 = arith.cmpi sle, %sub3A_519, %le3A_520 : i32
    %and3A_522 = arith.andi %gt3A_517, %le3A_521 : i1
    %convert_element_type3A_523 = arith.extui %and3A_522 : i1 to i32
    %cond3A_524 = arith.constant 0 : i32
    %cond3A_525 = arith.cmpi ne, %convert_element_type3A_523, %cond3A_524 : i32
    scf.if %cond3A_525 {
      %add3A_630 = arith.constant 192 : i32
      %add3A_631 = arith.addi %add3A_137, %add3A_630 : i32
      %dma_wait3A = arith.constant 0 : i32
      %dma_wait3A_632 = tpu.memref_slice %arg4[%add3A_631, %dma_wait3A] : memref<16384x1024xf32, #tpu.memory_space<hbm>> -> memref<32x1024xf32, #tpu.memory_space<hbm>>
      %dma_wait3A_633 = arith.constant 0 : i32
      %dma_wait3A_634 = tpu.memref_slice %arg4[%add3A_631, %dma_wait3A_633] : memref<16384x1024xf32, #tpu.memory_space<hbm>> -> memref<32x1024xf32, #tpu.memory_space<hbm>>
      tpu.wait_dma2 semaphore(%arg17 : memref<!tpu.dma_semaphore, #tpu.memory_space<semaphore_mem>>) src(%arg8 : memref<32x1024xf32, #tpu.memory_space<vmem>>) dst(%dma_wait3A_634 : memref<32x1024xf32, #tpu.memory_space<hbm>>)
    } else {
    }
    %gt3A_526 = arith.constant 7 : i32
    %gt3A_527 = arith.cmpi sgt, %select_n3A_187, %gt3A_526 : i32
    %sub3A_528 = arith.constant 3 : i32
    %sub3A_529 = arith.subi %select_n3A_187, %sub3A_528 : i32
    %le3A_530 = arith.constant 7 : i32
    %le3A_531 = arith.cmpi sle, %sub3A_529, %le3A_530 : i32
    %and3A_532 = arith.andi %gt3A_527, %le3A_531 : i1
    %convert_element_type3A_533 = arith.extui %and3A_532 : i1 to i32
    %cond3A_534 = arith.constant 0 : i32
    %cond3A_535 = arith.cmpi ne, %convert_element_type3A_533, %cond3A_534 : i32
    scf.if %cond3A_535 {
      %add3A_630 = arith.constant 224 : i32
      %add3A_631 = arith.addi %add3A_137, %add3A_630 : i32
      %dma_wait3A = arith.constant 0 : i32
      %dma_wait3A_632 = tpu.memref_slice %arg4[%add3A_631, %dma_wait3A] : memref<16384x1024xf32, #tpu.memory_space<hbm>> -> memref<32x1024xf32, #tpu.memory_space<hbm>>
      %dma_wait3A_633 = arith.constant 0 : i32
      %dma_wait3A_634 = tpu.memref_slice %arg4[%add3A_631, %dma_wait3A_633] : memref<16384x1024xf32, #tpu.memory_space<hbm>> -> memref<32x1024xf32, #tpu.memory_space<hbm>>
      tpu.wait_dma2 semaphore(%arg18 : memref<!tpu.dma_semaphore, #tpu.memory_space<semaphore_mem>>) src(%arg9 : memref<32x1024xf32, #tpu.memory_space<vmem>>) dst(%dma_wait3A_634 : memref<32x1024xf32, #tpu.memory_space<hbm>>)
    } else {
    }
    %gt3A_536 = arith.constant 8 : i32
    %gt3A_537 = arith.cmpi sgt, %select_n3A_187, %gt3A_536 : i32
    %sub3A_538 = arith.constant 3 : i32
    %sub3A_539 = arith.subi %select_n3A_187, %sub3A_538 : i32
    %le3A_540 = arith.constant 8 : i32
    %le3A_541 = arith.cmpi sle, %sub3A_539, %le3A_540 : i32
    %and3A_542 = arith.andi %gt3A_537, %le3A_541 : i1
    %convert_element_type3A_543 = arith.extui %and3A_542 : i1 to i32
    %cond3A_544 = arith.constant 0 : i32
    %cond3A_545 = arith.cmpi ne, %convert_element_type3A_543, %cond3A_544 : i32
    scf.if %cond3A_545 {
      %add3A_630 = arith.constant 256 : i32
      %add3A_631 = arith.addi %add3A_137, %add3A_630 : i32
      %dma_wait3A = arith.constant 0 : i32
      %dma_wait3A_632 = tpu.memref_slice %arg4[%add3A_631, %dma_wait3A] : memref<16384x1024xf32, #tpu.memory_space<hbm>> -> memref<32x1024xf32, #tpu.memory_space<hbm>>
      %dma_wait3A_633 = arith.constant 0 : i32
      %dma_wait3A_634 = tpu.memref_slice %arg4[%add3A_631, %dma_wait3A_633] : memref<16384x1024xf32, #tpu.memory_space<hbm>> -> memref<32x1024xf32, #tpu.memory_space<hbm>>
      tpu.wait_dma2 semaphore(%arg19 : memref<!tpu.dma_semaphore, #tpu.memory_space<semaphore_mem>>) src(%arg10 : memref<32x1024xf32, #tpu.memory_space<vmem>>) dst(%dma_wait3A_634 : memref<32x1024xf32, #tpu.memory_space<hbm>>)
    } else {
    }
    %gt3A_546 = arith.constant 9 : i32
    %gt3A_547 = arith.cmpi sgt, %select_n3A_187, %gt3A_546 : i32
    %sub3A_548 = arith.constant 3 : i32
    %sub3A_549 = arith.subi %select_n3A_187, %sub3A_548 : i32
    %le3A_550 = arith.constant 9 : i32
    %le3A_551 = arith.cmpi sle, %sub3A_549, %le3A_550 : i32
    %and3A_552 = arith.andi %gt3A_547, %le3A_551 : i1
    %convert_element_type3A_553 = arith.extui %and3A_552 : i1 to i32
    %cond3A_554 = arith.constant 0 : i32
    %cond3A_555 = arith.cmpi ne, %convert_element_type3A_553, %cond3A_554 : i32
    scf.if %cond3A_555 {
      %add3A_630 = arith.constant 288 : i32
      %add3A_631 = arith.addi %add3A_137, %add3A_630 : i32
      %dma_wait3A = arith.constant 0 : i32
      %dma_wait3A_632 = tpu.memref_slice %arg4[%add3A_631, %dma_wait3A] : memref<16384x1024xf32, #tpu.memory_space<hbm>> -> memref<32x1024xf32, #tpu.memory_space<hbm>>
      %dma_wait3A_633 = arith.constant 0 : i32
      %dma_wait3A_634 = tpu.memref_slice %arg4[%add3A_631, %dma_wait3A_633] : memref<16384x1024xf32, #tpu.memory_space<hbm>> -> memref<32x1024xf32, #tpu.memory_space<hbm>>
      tpu.wait_dma2 semaphore(%arg17 : memref<!tpu.dma_semaphore, #tpu.memory_space<semaphore_mem>>) src(%arg8 : memref<32x1024xf32, #tpu.memory_space<vmem>>) dst(%dma_wait3A_634 : memref<32x1024xf32, #tpu.memory_space<hbm>>)
    } else {
    }
    %gt3A_556 = arith.constant 10 : i32
    %gt3A_557 = arith.cmpi sgt, %select_n3A_187, %gt3A_556 : i32
    %sub3A_558 = arith.constant 3 : i32
    %sub3A_559 = arith.subi %select_n3A_187, %sub3A_558 : i32
    %le3A_560 = arith.constant 10 : i32
    %le3A_561 = arith.cmpi sle, %sub3A_559, %le3A_560 : i32
    %and3A_562 = arith.andi %gt3A_557, %le3A_561 : i1
    %convert_element_type3A_563 = arith.extui %and3A_562 : i1 to i32
    %cond3A_564 = arith.constant 0 : i32
    %cond3A_565 = arith.cmpi ne, %convert_element_type3A_563, %cond3A_564 : i32
    scf.if %cond3A_565 {
      %add3A_630 = arith.constant 320 : i32
      %add3A_631 = arith.addi %add3A_137, %add3A_630 : i32
      %dma_wait3A = arith.constant 0 : i32
      %dma_wait3A_632 = tpu.memref_slice %arg4[%add3A_631, %dma_wait3A] : memref<16384x1024xf32, #tpu.memory_space<hbm>> -> memref<32x1024xf32, #tpu.memory_space<hbm>>
      %dma_wait3A_633 = arith.constant 0 : i32
      %dma_wait3A_634 = tpu.memref_slice %arg4[%add3A_631, %dma_wait3A_633] : memref<16384x1024xf32, #tpu.memory_space<hbm>> -> memref<32x1024xf32, #tpu.memory_space<hbm>>
      tpu.wait_dma2 semaphore(%arg18 : memref<!tpu.dma_semaphore, #tpu.memory_space<semaphore_mem>>) src(%arg9 : memref<32x1024xf32, #tpu.memory_space<vmem>>) dst(%dma_wait3A_634 : memref<32x1024xf32, #tpu.memory_space<hbm>>)
    } else {
    }
    %gt3A_566 = arith.constant 11 : i32
    %gt3A_567 = arith.cmpi sgt, %select_n3A_187, %gt3A_566 : i32
    %sub3A_568 = arith.constant 3 : i32
    %sub3A_569 = arith.subi %select_n3A_187, %sub3A_568 : i32
    %le3A_570 = arith.constant 11 : i32
    %le3A_571 = arith.cmpi sle, %sub3A_569, %le3A_570 : i32
    %and3A_572 = arith.andi %gt3A_567, %le3A_571 : i1
    %convert_element_type3A_573 = arith.extui %and3A_572 : i1 to i32
    %cond3A_574 = arith.constant 0 : i32
    %cond3A_575 = arith.cmpi ne, %convert_element_type3A_573, %cond3A_574 : i32
    scf.if %cond3A_575 {
      %add3A_630 = arith.constant 352 : i32
      %add3A_631 = arith.addi %add3A_137, %add3A_630 : i32
      %dma_wait3A = arith.constant 0 : i32
      %dma_wait3A_632 = tpu.memref_slice %arg4[%add3A_631, %dma_wait3A] : memref<16384x1024xf32, #tpu.memory_space<hbm>> -> memref<32x1024xf32, #tpu.memory_space<hbm>>
      %dma_wait3A_633 = arith.constant 0 : i32
      %dma_wait3A_634 = tpu.memref_slice %arg4[%add3A_631, %dma_wait3A_633] : memref<16384x1024xf32, #tpu.memory_space<hbm>> -> memref<32x1024xf32, #tpu.memory_space<hbm>>
      tpu.wait_dma2 semaphore(%arg19 : memref<!tpu.dma_semaphore, #tpu.memory_space<semaphore_mem>>) src(%arg10 : memref<32x1024xf32, #tpu.memory_space<vmem>>) dst(%dma_wait3A_634 : memref<32x1024xf32, #tpu.memory_space<hbm>>)
    } else {
    }
    %gt3A_576 = arith.constant 12 : i32
    %gt3A_577 = arith.cmpi sgt, %select_n3A_187, %gt3A_576 : i32
    %sub3A_578 = arith.constant 3 : i32
    %sub3A_579 = arith.subi %select_n3A_187, %sub3A_578 : i32
    %le3A_580 = arith.constant 12 : i32
    %le3A_581 = arith.cmpi sle, %sub3A_579, %le3A_580 : i32
    %and3A_582 = arith.andi %gt3A_577, %le3A_581 : i1
    %convert_element_type3A_583 = arith.extui %and3A_582 : i1 to i32
    %cond3A_584 = arith.constant 0 : i32
    %cond3A_585 = arith.cmpi ne, %convert_element_type3A_583, %cond3A_584 : i32
    scf.if %cond3A_585 {
      %add3A_630 = arith.constant 384 : i32
      %add3A_631 = arith.addi %add3A_137, %add3A_630 : i32
      %dma_wait3A = arith.constant 0 : i32
      %dma_wait3A_632 = tpu.memref_slice %arg4[%add3A_631, %dma_wait3A] : memref<16384x1024xf32, #tpu.memory_space<hbm>> -> memref<32x1024xf32, #tpu.memory_space<hbm>>
      %dma_wait3A_633 = arith.constant 0 : i32
      %dma_wait3A_634 = tpu.memref_slice %arg4[%add3A_631, %dma_wait3A_633] : memref<16384x1024xf32, #tpu.memory_space<hbm>> -> memref<32x1024xf32, #tpu.memory_space<hbm>>
      tpu.wait_dma2 semaphore(%arg17 : memref<!tpu.dma_semaphore, #tpu.memory_space<semaphore_mem>>) src(%arg8 : memref<32x1024xf32, #tpu.memory_space<vmem>>) dst(%dma_wait3A_634 : memref<32x1024xf32, #tpu.memory_space<hbm>>)
    } else {
    }
    %gt3A_586 = arith.constant 13 : i32
    %gt3A_587 = arith.cmpi sgt, %select_n3A_187, %gt3A_586 : i32
    %sub3A_588 = arith.constant 3 : i32
    %sub3A_589 = arith.subi %select_n3A_187, %sub3A_588 : i32
    %le3A_590 = arith.constant 13 : i32
    %le3A_591 = arith.cmpi sle, %sub3A_589, %le3A_590 : i32
    %and3A_592 = arith.andi %gt3A_587, %le3A_591 : i1
    %convert_element_type3A_593 = arith.extui %and3A_592 : i1 to i32
    %cond3A_594 = arith.constant 0 : i32
    %cond3A_595 = arith.cmpi ne, %convert_element_type3A_593, %cond3A_594 : i32
    scf.if %cond3A_595 {
      %add3A_630 = arith.constant 416 : i32
      %add3A_631 = arith.addi %add3A_137, %add3A_630 : i32
      %dma_wait3A = arith.constant 0 : i32
      %dma_wait3A_632 = tpu.memref_slice %arg4[%add3A_631, %dma_wait3A] : memref<16384x1024xf32, #tpu.memory_space<hbm>> -> memref<32x1024xf32, #tpu.memory_space<hbm>>
      %dma_wait3A_633 = arith.constant 0 : i32
      %dma_wait3A_634 = tpu.memref_slice %arg4[%add3A_631, %dma_wait3A_633] : memref<16384x1024xf32, #tpu.memory_space<hbm>> -> memref<32x1024xf32, #tpu.memory_space<hbm>>
      tpu.wait_dma2 semaphore(%arg18 : memref<!tpu.dma_semaphore, #tpu.memory_space<semaphore_mem>>) src(%arg9 : memref<32x1024xf32, #tpu.memory_space<vmem>>) dst(%dma_wait3A_634 : memref<32x1024xf32, #tpu.memory_space<hbm>>)
    } else {
    }
    %gt3A_596 = arith.constant 14 : i32
    %gt3A_597 = arith.cmpi sgt, %select_n3A_187, %gt3A_596 : i32
    %sub3A_598 = arith.constant 3 : i32
    %sub3A_599 = arith.subi %select_n3A_187, %sub3A_598 : i32
    %le3A_600 = arith.constant 14 : i32
    %le3A_601 = arith.cmpi sle, %sub3A_599, %le3A_600 : i32
    %and3A_602 = arith.andi %gt3A_597, %le3A_601 : i1
    %convert_element_type3A_603 = arith.extui %and3A_602 : i1 to i32
    %cond3A_604 = arith.constant 0 : i32
    %cond3A_605 = arith.cmpi ne, %convert_element_type3A_603, %cond3A_604 : i32
    scf.if %cond3A_605 {
      %add3A_630 = arith.constant 448 : i32
      %add3A_631 = arith.addi %add3A_137, %add3A_630 : i32
      %dma_wait3A = arith.constant 0 : i32
      %dma_wait3A_632 = tpu.memref_slice %arg4[%add3A_631, %dma_wait3A] : memref<16384x1024xf32, #tpu.memory_space<hbm>> -> memref<32x1024xf32, #tpu.memory_space<hbm>>
      %dma_wait3A_633 = arith.constant 0 : i32
      %dma_wait3A_634 = tpu.memref_slice %arg4[%add3A_631, %dma_wait3A_633] : memref<16384x1024xf32, #tpu.memory_space<hbm>> -> memref<32x1024xf32, #tpu.memory_space<hbm>>
      tpu.wait_dma2 semaphore(%arg19 : memref<!tpu.dma_semaphore, #tpu.memory_space<semaphore_mem>>) src(%arg10 : memref<32x1024xf32, #tpu.memory_space<vmem>>) dst(%dma_wait3A_634 : memref<32x1024xf32, #tpu.memory_space<hbm>>)
    } else {
    }
    %gt3A_606 = arith.constant 15 : i32
    %gt3A_607 = arith.cmpi sgt, %select_n3A_187, %gt3A_606 : i32
    %sub3A_608 = arith.constant 3 : i32
    %sub3A_609 = arith.subi %select_n3A_187, %sub3A_608 : i32
    %le3A_610 = arith.constant 15 : i32
    %le3A_611 = arith.cmpi sle, %sub3A_609, %le3A_610 : i32
    %and3A_612 = arith.andi %gt3A_607, %le3A_611 : i1
    %convert_element_type3A_613 = arith.extui %and3A_612 : i1 to i32
    %cond3A_614 = arith.constant 0 : i32
    %cond3A_615 = arith.cmpi ne, %convert_element_type3A_613, %cond3A_614 : i32
    scf.if %cond3A_615 {
      %add3A_630 = arith.constant 480 : i32
      %add3A_631 = arith.addi %add3A_137, %add3A_630 : i32
      %dma_wait3A = arith.constant 0 : i32
      %dma_wait3A_632 = tpu.memref_slice %arg4[%add3A_631, %dma_wait3A] : memref<16384x1024xf32, #tpu.memory_space<hbm>> -> memref<32x1024xf32, #tpu.memory_space<hbm>>
      %dma_wait3A_633 = arith.constant 0 : i32
      %dma_wait3A_634 = tpu.memref_slice %arg4[%add3A_631, %dma_wait3A_633] : memref<16384x1024xf32, #tpu.memory_space<hbm>> -> memref<32x1024xf32, #tpu.memory_space<hbm>>
      tpu.wait_dma2 semaphore(%arg17 : memref<!tpu.dma_semaphore, #tpu.memory_space<semaphore_mem>>) src(%arg8 : memref<32x1024xf32, #tpu.memory_space<vmem>>) dst(%dma_wait3A_634 : memref<32x1024xf32, #tpu.memory_space<hbm>>)
    } else {
    }
    %sub3A_616 = arith.constant 12 : i32
    %sub3A_617 = arith.subi %select_n3A_211, %sub3A_616 : i32
    %max3A_618 = arith.maxsi %select_n3A_187, %sub3A_617 : i32
    %while3A_619 = arith.constant 0 : i32
    %while3A_620 = arith.subi %select_n3A_211, %max3A_618 : i32
    %while3A_621 = arith.addi %max3A_618, %while3A_620 : i32
    %while3A_622 = arith.constant 1 : i32
    %while3A_623 = arith.divsi %while3A_620, %while3A_622 : i32
    %while3A_624 = arith.muli %while3A_623, %while3A_622 : i32
    %while3A_625 = arith.addi %max3A_618, %while3A_624 : i32
    %while3A_626 = arith.constant 1 : i32
    %while3A_627 = scf.for %while3A_630 = %max3A_618 to %while3A_625 step %while3A_626 iter_args(%while3A_631 = %while3A_619) -> (i32)  : i32 {
      %mul3A_632 = arith.constant 32 : i32
      %mul3A_633 = arith.muli %while3A_630, %mul3A_632 : i32
      %add3A_634 = arith.addi %add3A_137, %mul3A_633 : i32
      %dma_wait3A = arith.constant 0 : i32
      %dma_wait3A_635 = tpu.memref_slice %arg4[%add3A_634, %dma_wait3A] : memref<16384x1024xf32, #tpu.memory_space<hbm>> -> memref<16x1024xf32, #tpu.memory_space<hbm>>
      %dma_wait3A_636 = arith.constant 0 : i32
      %dma_wait3A_637 = tpu.memref_slice %arg4[%add3A_634, %dma_wait3A_636] : memref<16384x1024xf32, #tpu.memory_space<hbm>> -> memref<16x1024xf32, #tpu.memory_space<hbm>>
      tpu.wait_dma2 semaphore(%arg20 : memref<!tpu.dma_semaphore, #tpu.memory_space<semaphore_mem>>) src(%arg11 : memref<16x1024xf32, #tpu.memory_space<vmem>>) dst(%dma_wait3A_637 : memref<16x1024xf32, #tpu.memory_space<hbm>>)
      %mul3A_638 = arith.constant 32 : i32
      %mul3A_639 = arith.muli %while3A_630, %mul3A_638 : i32
      %add3A_640 = arith.addi %add3A_137, %mul3A_639 : i32
      %add3A_641 = arith.constant 16 : i32
      %add3A_642 = arith.addi %add3A_640, %add3A_641 : i32
      %dma_wait3A_643 = arith.constant 0 : i32
      %dma_wait3A_644 = tpu.memref_slice %arg4[%add3A_642, %dma_wait3A_643] : memref<16384x1024xf32, #tpu.memory_space<hbm>> -> memref<16x1024xf32, #tpu.memory_space<hbm>>
      %dma_wait3A_645 = arith.constant 0 : i32
      %dma_wait3A_646 = tpu.memref_slice %arg4[%add3A_642, %dma_wait3A_645] : memref<16384x1024xf32, #tpu.memory_space<hbm>> -> memref<16x1024xf32, #tpu.memory_space<hbm>>
      tpu.wait_dma2 semaphore(%arg20 : memref<!tpu.dma_semaphore, #tpu.memory_space<semaphore_mem>>) src(%arg11 : memref<16x1024xf32, #tpu.memory_space<vmem>>) dst(%dma_wait3A_646 : memref<16x1024xf32, #tpu.memory_space<hbm>>)
      %while3A_647 = arith.constant 0 : i32
      scf.yield %while3A_647 : i32
    }
    %while3A_628 = arith.constant 1 : i32
    %while3A_629 = scf.for %while3A_630 = %while3A_625 to %while3A_621 step %while3A_628 iter_args(%while3A_631 = %while3A_627) -> (i32)  : i32 {
      %mul3A_632 = arith.constant 32 : i32
      %mul3A_633 = arith.muli %while3A_630, %mul3A_632 : i32
      %add3A_634 = arith.addi %add3A_137, %mul3A_633 : i32
      %dma_wait3A = arith.constant 0 : i32
      %dma_wait3A_635 = tpu.memref_slice %arg4[%add3A_634, %dma_wait3A] : memref<16384x1024xf32, #tpu.memory_space<hbm>> -> memref<16x1024xf32, #tpu.memory_space<hbm>>
      %dma_wait3A_636 = arith.constant 0 : i32
      %dma_wait3A_637 = tpu.memref_slice %arg4[%add3A_634, %dma_wait3A_636] : memref<16384x1024xf32, #tpu.memory_space<hbm>> -> memref<16x1024xf32, #tpu.memory_space<hbm>>
      tpu.wait_dma2 semaphore(%arg20 : memref<!tpu.dma_semaphore, #tpu.memory_space<semaphore_mem>>) src(%arg11 : memref<16x1024xf32, #tpu.memory_space<vmem>>) dst(%dma_wait3A_637 : memref<16x1024xf32, #tpu.memory_space<hbm>>)
      %mul3A_638 = arith.constant 32 : i32
      %mul3A_639 = arith.muli %while3A_630, %mul3A_638 : i32
      %add3A_640 = arith.addi %add3A_137, %mul3A_639 : i32
      %add3A_641 = arith.constant 16 : i32
      %add3A_642 = arith.addi %add3A_640, %add3A_641 : i32
      %dma_wait3A_643 = arith.constant 0 : i32
      %dma_wait3A_644 = tpu.memref_slice %arg4[%add3A_642, %dma_wait3A_643] : memref<16384x1024xf32, #tpu.memory_space<hbm>> -> memref<16x1024xf32, #tpu.memory_space<hbm>>
      %dma_wait3A_645 = arith.constant 0 : i32
      %dma_wait3A_646 = tpu.memref_slice %arg4[%add3A_642, %dma_wait3A_645] : memref<16384x1024xf32, #tpu.memory_space<hbm>> -> memref<16x1024xf32, #tpu.memory_space<hbm>>
      tpu.wait_dma2 semaphore(%arg20 : memref<!tpu.dma_semaphore, #tpu.memory_space<semaphore_mem>>) src(%arg11 : memref<16x1024xf32, #tpu.memory_space<vmem>>) dst(%dma_wait3A_646 : memref<16x1024xf32, #tpu.memory_space<hbm>>)
      %while3A_647 = arith.constant 0 : i32
      scf.yield %while3A_647 : i32
    }
    return
  }
}

</mosaic_0001>

<sc_bundles>
// kernel: kernel.3.cloned.1.call-start
scs
__scs_entry_jumppad:
0x0: {  	(pc) =	sbr.rel $0x88, $3  }
0x1: {  	(tag) =	ssettag $0x0;
	lr =	simm.s32 $0x1  }
0x2: {  	[smem:$0x3F9F] =	sst lr;
	_ =	strace $0xD0000000  }
0x3: {  	_ = 	snop  }
0x4: {  	_ = 	snop  }
0x5: {  	_ = 	snop  }
0x6: {  	_ = 	snop  }
0x7: {  	_ = 	snop  }
__scs_overlays_trampoline_lowered:
0x8: {  	[smem:$0x3FAE] =	sst s0  }
0x9: {  	[smem:$0x3FAF] =	sst s1  }
0xa: {  	[smem:$0x3FB0] =	sst s2  }
0xb: {  	[smem:$0x3FB1] =	sst s3  }
0xc: {  	[smem:$0x3FB2] =	sst s4  }
0xd: {  	[smem:$0x3FB3] =	sst s5  }
0xe: {  	[smem:$0x3FB4] =	sst s6  }
0xf: {  	[smem:$0x3FB5] =	sst s7  }
0x10: {  	[smem:$0x3FB6] =	sst s8  }
0x11: {  	[smem:$0x3FB7] =	sst s9;
	s0 =	simm.s32 @!p0 $0x0  }
0x12: {  	s1 =	sld [smem:$0x3F9D];
	s0 =	simm.s32 @p0 $0x1  }
0x13: {  	[smem:$0x3FB8] =	sst s0;
	s0 =	simm.s32 @!p1 $0x0  }
0x14: {  	s2 =	sld [smem:$0x3F9C];
	s0 =	simm.s32 @p1 $0x1  }
0x15: {  	[smem:$0x3FB9] =	sst s0;
	s0 =	simm.s32 @!p2 $0x0  }
0x16: {  	s3 =	sld [smem:$0x3FDB];
	s0 =	simm.s32 @p2 $0x1  }
0x17: {  	s4 =	simm.s32 $0x1BF5;
	[smem:$0x3FBB] =	sst s0  }
0x18: {  	s0 =	sld [smem:$0x3F9E];
	_ =	swait.ge [sflag:s4], $0x0  }
0x19: {  	s7 =	sld [smem:$0x3F9F]  }
0x1a: {  	s8 =	sadd.s32 $0xFFFFE003, lr  }
0x1b: {  	s9 =	sadd.s32 $0xFFFFFEF7, lr;
	s5 =	simm.s32 $0xFFFFFFFF;
	p2 =	slt.u32 s8, $0xFFFFF086  }
0x1c: {  	p1 =	slt.u32 s9, $0xF7A;
	s5 =	simm.s32 @!p2 $0x0  }
0x1d: {  	s5 =	simm.s32 @p1 $0x1;
	p0 =	seq.s32 s7, s2  }
0x1e: {  	s7 =	smul.u32 @!p0 $0xF7A, s2;
	p2 =	seq.s32 @!p0 s5, $0x0  }
0x1f: {  	s9 =	smul.u32 $0xF7A, s1;
	s8 =	simm.s32 @!p0 $0x1BF5;
	p2 =	por !p2, p0  }
0x20: {  	[sflag:s8] =	ssyncset.s32 @!p0 $0xFFFFF086;
	s6 =	sadd.s32 @!p0 s3, s7;
	s7 =	simm.s32 @!p0 $0x108  }
0x21: {  	s3 =	sadd.s32 s3, s9;
	s6 =	sadd.s32 @!p0 $0x88, s6;
	s7 =	simm.s32 @p2 $0x1082  }
0x22: {  	[simem:s7], [sflag:s8] =	dma.local @!p0 [hbm:s6], $0xF7A  }
0x23: {  	s9 =	sor.u32 $0xD0000000, s2;
	s6 =	simm.s32 $0x108;
	_ =	swait.ge @!p0 [sflag:s8], $0x0  }
0x24: {  	s3 =	sadd.s32 $0x88, s3;
	s6 =	simm.s32 @!p1 $0x1082;
	[sflag:s4] =	ssyncset.s32 $0xFFFFF086  }
0x25: {  	[simem:s6], [sflag:s4] =	dma.local [hbm:s3], $0xF7A  }
0x26: {  	[smem:$0x3F9F] =	sst s1;
	(tag) =	ssettag s2;
	_ =	strace s9  }
0x27: {  	s1 =	sld [smem:$0x3FAF]  }
0x28: {  	s2 =	sld [smem:$0x3FB0]  }
0x29: {  	s4 =	sld [smem:$0x3FB2]  }
0x2a: {  	p0 =	seq.s32 s5, $0x0;
	s5 =	sld [smem:$0x3FB3]  }
0x2b: {  	s6 =	sld [smem:$0x3FB4]  }
0x2c: {  	s7 =	sld [smem:$0x3FB5]  }
0x2d: {  	s3 =	simm.s32 $0x108;
	s8 =	sld [smem:$0x3FB6]  }
0x2e: {  	s3 =	simm.s32 @!p0 $0x1082;
	s9 =	sld [smem:$0x3FB7]  }
0x2f: {  	lr =	sadd.s32 s0, s3;
	s0 =	sld [smem:$0x3FAE]  }
0x30: {  	s3 =	sld [smem:$0x3FB1]  }
0x31: {  	[smem:$0x3FBA] =	sst s10  }
0x32: {  	s10 =	sld [smem:$0x3FB8];
	_ =	sdelay $0x3  }
0x33: {  	p0 =	seq.s32 s10, $0x1;
	s10 =	sld [smem:$0x3FBA];
	_ =	sdelay $0x3  }
0x34: {  	[smem:$0x3FBA] =	sst s10  }
0x35: {  	s10 =	sld [smem:$0x3FB9];
	_ =	sdelay $0x3  }
0x36: {  	p1 =	seq.s32 s10, $0x1;
	s10 =	sld [smem:$0x3FBA];
	_ =	sdelay $0x3  }
0x37: {  	[smem:$0x3FBA] =	sst s10  }
0x38: {  	s10 =	sld [smem:$0x3FBB]  }
0x39: {  	_ = 	snop;
	(pc) =	sbr.ind lr, $3  }
0x3a: {  	_ = 	snop  }
0x3b: {  	_ = 	snop  }
0x3c: {  	p2 =	seq.s32 s10, $0x1;
	s10 =	sld [smem:$0x3FBA]  }
0x3d: {  	_ =	shalt  }
0x3e: {  	_ =	shalt  }
0x3f: {  	_ =	shalt  }
0x40: {  	_ =	shalt  }
0x41: {  	_ =	shalt  }
0x42: {  	_ =	shalt  }
0x43: {  	_ =	shalt  }
0x44: {  	_ =	shalt  }
0x45: {  	_ =	shalt  }
0x46: {  	_ =	shalt  }
0x47: {  	_ =	shalt  }
0x48: {  	_ =	shalt  }
0x49: {  	_ =	shalt  }
0x4a: {  	_ =	shalt  }
0x4b: {  	_ =	shalt  }
0x4c: {  	_ =	shalt  }
0x4d: {  	_ =	shalt  }
0x4e: {  	_ =	shalt  }
0x4f: {  	_ =	shalt  }
0x50: {  	_ =	shalt  }
0x51: {  	_ =	shalt  }
0x52: {  	_ =	shalt  }
0x53: {  	_ =	shalt  }
0x54: {  	_ =	shalt  }
0x55: {  	_ =	shalt  }
0x56: {  	_ =	shalt  }
0x57: {  	_ =	shalt  }
0x58: {  	_ =	shalt  }
0x59: {  	_ =	shalt  }
0x5a: {  	_ =	shalt  }
0x5b: {  	_ =	shalt  }
0x5c: {  	_ =	shalt  }
0x5d: {  	_ =	shalt  }
0x5e: {  	_ =	shalt  }
0x5f: {  	_ =	shalt  }
0x60: {  	_ =	shalt  }
0x61: {  	_ =	shalt  }
0x62: {  	_ =	shalt  }
0x63: {  	_ =	shalt  }
0x64: {  	_ =	shalt  }
0x65: {  	_ =	shalt  }
0x66: {  	_ =	shalt  }
0x67: {  	_ =	shalt  }
0x68: {  	_ =	shalt  }
0x69: {  	_ =	shalt  }
0x6a: {  	_ =	shalt  }
0x6b: {  	_ =	shalt  }
0x6c: {  	_ =	shalt  }
0x6d: {  	_ =	shalt  }
0x6e: {  	_ =	shalt  }
0x6f: {  	_ =	shalt  }
0x70: {  	_ =	shalt  }
0x71: {  	_ =	shalt  }
0x72: {  	_ =	shalt  }
0x73: {  	_ =	shalt  }
0x74: {  	_ =	shalt  }
0x75: {  	_ =	shalt  }
0x76: {  	_ =	shalt  }
0x77: {  	_ =	shalt  }
0x78: {  	_ =	shalt  }
0x79: {  	_ =	shalt  }
0x7a: {  	_ =	shalt  }
0x7b: {  	_ =	shalt  }
0x7c: {  	_ =	shalt  }
0x7d: {  	_ =	shalt  }
0x7e: {  	_ =	shalt  }
0x7f: {  	_ =	shalt  }
0x80: {  	_ =	shalt  }
0x81: {  	_ =	shalt  }
0x82: {  	_ =	shalt  }
0x83: {  	_ =	shalt  }
0x84: {  	_ =	shalt  }
0x85: {  	_ =	shalt  }
0x86: {  	_ =	shalt  }
0x87: {  	_ =	shalt  }
.Lfunc_end0:
.L_simem_size_0:
called_computation_lowered:
.L_overlay_start_0:
0x88: {  	s2 =	sld [smem:$0x3FD9]  }
0x89: {  	s3 =	sld [smem:$0x3FFE];
	_ =	sdelay $0x1  }
0x8a: {  	s1 =	srdreg.scid  }
0x8b: {  	s0 =	sand.u32 $0x1, s1  }
0x8c: {  	s14 =	sshll.u32 s0, $0xA;
	s2 =	sadd.s32 s3, s2  }
0x8d: {  	s2 =	sadd.s32 s2, s14  }
0x8e: {  	[smem:$0x3FC6] =	sst s2  }
0x8f: {  	_ = 	snop  }
0x90: {  	s2 =	sld [smem:$0x3FD0];
	_ =	sdelay $0x1  }
0x91: {  	s15 =	sld [smem:$0x3FC9]  }
0x92: {  	s5 =	simm.s32 $0xA;
	s6 =	simm.s32 $0x10;
	s4 =	sld [smem:$0x3FC8]  }
0x93: {  	[smem:s6], [sflag:s5] =	dma.local [hbm:s2], $0x1  }
0x94: {  	_ =	swait.eq [sflag:s5], $0x1  }
0x95: {  	[sflag:s5] =	ssyncset.done $0x0  }
0x96: {  	[sflag:s5] =	ssyncadd.s32 $0xFFFFFFFF  }
0x97: {  	s16 =	sld [smem:$0x10];
	(tm) =	ssettm $0x1  }
0x98: {  	s17 =	sld [smem:$0x3FFB];
	_ =	sdelay $0x3  }
0x99: {  	_ =	strace s17  }
0x9a: {  	s5 =	sld [smem:$0x3FFC];
	_ =	sdelay $0x3  }
0x9b: {  	_ =	strace s5  }
0x9c: {  	s5 =	sld [smem:$0x3FFD];
	_ =	sdelay $0x3  }
0x9d: {  	_ =	strace s5  }
0x9e: {  	_ =	strace $0x8FFFFFFF  }
0x9f: {  	s18 =	sld [smem:$0x3FDB];
	_ =	sdelay $0x1  }
0xa0: {  	s19 =	simm.s32 $_scs_section_size  }
0xa1: {  	s7 =	simm.s32 $_size__tile_overlayer_lowered;
	s8 =	simm.s32 $_tile_overlayer_lowered  }
0xa2: {  	s22 =	simm.s32 $0x1BFF;
	s21 =	sshll.u32 s8, $0x1;
	s5 =	sadd.s32 s19, s18  }
0xa3: {  	s9 =	simm.s32 $0x0;
	s20 =	sshll.u32 s7, $0x1;
	s7 =	sadd.s32 s21, s5  }
0xa4: {  	[timem:s9], [sflag:s22] =	dma.local [hbm:s7], s20  }
0xa5: {  	_ =	swait.ge [sflag:s22], s20  }
0xa6: {  	s6 =	ssub.s32 $0x0, s20;
	[sflag:s22] =	ssyncset.done $0x0  }
0xa7: {  	[sflag:s22] =	ssyncadd.s32 s6;
	_ =	sdelay $0x1  }
0xa8: {  	s23 =	simm.s32 $0x1B8B  }
0xa9: {  	_ =	swait.ge [sflag:s23], $0x1  }
0xaa: {  	[sflag:s23] =	ssyncset.done $0x0  }
0xab: {  	s25 =	simm.s32 $0x1B8E;
	s24 =	sld [smem:$0x3FFE];
	[sflag:s23] =	ssyncadd.s32 $0xFFFFFFFF  }
0xac: {  	s26 =	simm.s32 $execute0_lowered;
	[smem:$0x3FD2] =	sst s25  }
0xad: {  	s7 =	sshll.u32 s26, $0x1;
	_ =	strace $0x80000046;
	[dreg:$0x1] =	wrdreg $0xFFFFFFFF  }
0xae: {  	s28 =	simm.s32 $_size_execute0_lowered;
	s5 =	sadd.s32 s5, s7;
	[dreg:$0x0] =	wrdreg $0x0  }
0xaf: {  	s7 =	sshll.u32 s28, $0x1;
	[dreg:$0x2] =	wrdreg s5  }
0xb0: {  	[dreg:$0x3] =	wrdreg s7  }
0xb1: {  	[dreg:$0x4] =	wrdreg $0xC0  }
0xb2: {  	_ =	task [dreg:s9], $0x5FFFF  }
0xb3: {  	[dreg:$0x1] =	wrdreg $0xFFFFFFFF  }
0xb4: {  	[dreg:$0x0] =	wrdreg $0x60  }
0xb5: {  	[dreg:$0x2] =	wrdreg s15  }
0xb6: {  	[dreg:$0x3] =	wrdreg s4  }
0xb7: {  	[dreg:$0x4] =	wrdreg s16  }
0xb8: {  	[dreg:$0x5] =	wrdreg s24  }
0xb9: {  	[dreg:$0x6] =	wrdreg $0x9  }
0xba: {  	_ =	task.clear_ibuf [dreg:s9], $0x7FFFF;
	_ =	strace $0x90000046  }
0xbb: {  	s29 =	simm.s32 $0x9;
	_ =	strace $0x80000048  }
0xbc: {  	_ =	swait.ge [sflag:s29], $0x1  }
0xbd: {  	[sflag:s29] =	ssyncadd.s32 $0xFFFFFFFF  }
0xbe: {  	_ =	strace $0x90000048  }
0xbf: {  	_ =	sfence  }
0xc0: {  	s30 =	sld [smem:$0x0];
	_ =	sdelay $0x2  }
0xc1: {  	s31 =	sshll.u32 s1, $0xD;
	s1 =	sshrl.u32 s1, $0x2  }
0xc2: {  	s3 =	sand.u32 $0x4000, s31;
	s1 =	sadd.s32 s1, s30  }
0xc3: {  	s0 =	sor.u32 s3, s0;
	s1 =	sshll.u32 s1, $0x11  }
0xc4: {  	s0 =	sor.u32 s1, s0  }
0xc5: {  	s0 =	sadd.s32 $0x8F2B, s0  }
0xc6: {  	[sflag:s0] =	ssyncadd.remote.s32 $0x1  }
0xc7: {  	_ =	sfence.sel $0xFFFF  }
0xc8: {  	[dreg:$0x0] =	wrdreg $0xFFFFFFFF;
	(pc) =	sbr.abs _section_cstart, $3  }
0xc9: {  	[dreg:$0x1] =	wrdreg $0xFFFFFFFF  }
0xca: {  	_ =	task.clear_ibuf [dreg:s9], $0x2FFFF;
	_ =	strace $0x9FFFFFFF  }
0xcb: {  	(tm) =	ssettm $0x7FFFFFFF  }
tec
execute0_lowered:
.L_overlay_start_1:
0x0: {  	(tag) =	ssettag $0x1  }
0x1: {  	s2 =	stileid.u32;
	s0 =	srdreg.scid  }
0x2: {  	s1 =	sshrl.u32 s2, $0x1;
	s3 =	sand.u32 $0x1, s0  }
0x3: {  	s16 =	sshll.u32 s2, $0x1;
	s17 =	sshll.u32 s3, $0x1;
	s4 =	sand.u32 $0x1, s1  }
0x4: {  	s0 =	sand.u32 $0x2, s16;
	s2 =	ssub.s32 $0x1, s17;
	p0 =	seq.s32 s4, $0x1  }
0x5: {  	s0 =	sor.u32 s3, s0;
	s2 =	simm.s32 @!p0 $0x0  }
0x6: {  	s8 =	rddreg [dreg:$0x3];
	s0 =	sadd.s32 s2, s0  }
0x7: {  	s9 =	simm.s32 $0x1;
	s14 =	simm.s32 $0xFFFFFFFF;
	s2 =	sand.u32 $0x80, s0  }
0x8: {  	s11 =	sshll.u32 s1, $0x4;
	s19 =	sshll.u32 s1, $0x12;
	s2 =	sshrl.u32 s2, $0x7  }
0x9: {  	s8 =	sadd.s32 s11, s8;
	s3 =	ssub.s32 $0x2, s3;
	s18 =	sadd.s32 s2, s0  }
0xa: {  	s13 =	sshrl.u32 s3, $0x1;
	s8 =	sadd.s32 $0x400, s8;
	s5 =	sand.u32 $0xFFFFFFFE, s18  }
0xb: {  	s3 =	ssub.s32 s3, s13;
	p6 =	slt.s32 s0, $0x1;
	s7 =	ssub.s32 s0, s5  }
0xc: {  	s2 =	rddreg [dreg:$0x0];
	s4 =	sshra.s32 s18, $0x1;
	s6 =	sand.u32 $0xFF, s7  }
0xd: {  	s5 =	rddreg [dreg:$0x2];
	s10 =	sshll.u32 s7, $0x9;
	p1 =	sne.s32 s6, $0x0  }
0xe: {  	s7 =	sand.u32 $0x1, s7;
	s6 =	simm.s32 $0x0;
	p0 =	por !p6, !p1  }
0xf: {  	s10 =	sand.u32 $0x200, s10;
	[smem:$0x7FF] =	sst s6;
	p0 =	por !p0, !p0  }
0x10: {  	_ =	strace $0x80000047;
	[dreg:$0x6] =	wrdreg s8;
	s9 =	simm.s32 @!p0 $0x0  }
0x11: {  	s14 =	simm.s32 @!p0 $0x0;
	p0 =	sne.s32 s0, $0x0;
	s9 =	ssub.s32 s4, s9  }
0x12: {  	s0 =	simm.s32 @!p0 $0x0;
	s12 =	sshll.u32 s9, $0xA;
	s28 =	sshll.u32 s9, $0x11  }
0x13: {  	s0 =	simm.s32 @p0 $0x1;
	s15 =	sor.u32 s10, s12;
	s11 =	sadd.s32 s28, s19  }
0x14: {  	[smem:$0x7FD] =	sst s0;
	s28 =	smax.u32 s3, $0x1;
	s12 =	sshll.u32 s15, $0x7  }
0x15: {  	s16 =	sshll.u32 s7, $0x10;
	[dreg:$0x18] =	wrdreg s28;
	s12 =	sadd.s32 s12, s19  }
0x16: {  	s11 =	sor.u32 s16, s11;
	[dreg:$0x5] =	wrdreg s15;
	s20 =	sand.u32 $0x1FFF0000, s12  }
0x17: {  	[dreg:$0xe] =	wrdreg s11;
	s21 =	sadd.s32 s5, s12;
	s8 =	sadd.s32 s20, s5  }
0x18: {  	s30 =	simm.s32 $0x1;
	[dreg:$0x7] =	wrdreg s21;
	s22 =	sadd.s32 $0x1000, s8  }
0x19: {  	s7 =	sshll.u32 s7, $0xB;
	s23 =	sadd.s32 $0x2000, s8;
	[dreg:$0x8] =	wrdreg s22  }
0x1a: {  	s4 =	sshll.u32 s4, $0xA;
	s24 =	sadd.s32 $0x3000, s8;
	[dreg:$0x9] =	wrdreg s23  }
0x1b: {  	s17 =	sshll.u32 s14, $0xA;
	s25 =	sadd.s32 $0x4000, s8;
	[dreg:$0xa] =	wrdreg s24  }
0x1c: {  	s4 =	sadd.s32 s17, s4;
	s26 =	sadd.s32 $0x5000, s8;
	[dreg:$0xb] =	wrdreg s25  }
0x1d: {  	s9 =	sshll.u32 s9, $0xC;
	s13 =	sadd.s32 $0x6000, s8;
	[dreg:$0xc] =	wrdreg s26  }
0x1e: {  	s7 =	sor.u32 s7, s9;
	s18 =	sadd.s32 $0x7000, s8;
	[dreg:$0xd] =	wrdreg s13  }
0x1f: {  	s0 =	simm.s32 $0x19000;
	s19 =	sadd.s32 $0x8000, s8;
	[dreg:$0xf] =	wrdreg s18  }
0x20: {  	s3 =	simm.s32 $0x0;
	s20 =	sadd.s32 $0x9000, s8;
	[dreg:$0x10] =	wrdreg s19  }
0x21: {  	s29 =	sshra.s32 s7, $0x2;
	s21 =	sadd.s32 $0xA000, s8;
	[dreg:$0x11] =	wrdreg s20  }
0x22: {  	s31 =	sshra.s32 s15, $0x4;
	[dreg:$0x12] =	wrdreg s21;
	s22 =	sadd.s32 $0xB000, s8  }
0x23: {  	s15 =	simm.s32 $0x3;
	s23 =	sadd.s32 $0xC000, s8;
	[dreg:$0x13] =	wrdreg s22  }
.Ltmp0:
0x24: {  	s24 =	sadd.s32 $0xD000, s8;
	[dreg:$0x14] =	wrdreg s23;
	(pc) =	sbr.rel .LBB2_1-.Ltmp0, $4  }
0x25: {  	v1 =	vimm.f32 $0.0e+00;
	s12 =	simm.s32 $0x8;
	s25 =	sadd.s32 $0xE000, s8;
	[dreg:$0x15] =	wrdreg s24  }
0x26: {  	v2 =	vimm.s32 $0x0;
	v6 =	vlaneseq.u32;
	vm0 =	vmmov $0xffff;
	s20 =	sor.u32 s10, s4;
	s26 =	sadd.s32 $0xF000, s8;
	[dreg:$0x16] =	wrdreg s25  }
0x27: {  	v3 =	vmul.u32 $0xFFFFFFFF, v6;
	v4 =	vand.u32 $0x7, v6;
	v5 =	vshrl.u32 v6, $0x3;
	s4 =	sadd.s32 $0x800, s5;
	[dreg:$0x17] =	wrdreg s26;
	s25 =	sadd.s32 $0x100, s2  }
0x28: {  	v6 =	vor.u32 $0x8, v6;
	v0 =	vmov s1;
	v5 =	vmul.u32 $0x8, v5;
	s26 =	sadd.s32 $0x200, s2;
	s24 =	sadd.s32 $0x300, s2;
	s23 =	simm.s32 $0x2  }
.LBB2_144:
0x29: {  	[sflag:s12] =	ssyncadd.s32 $0xFFFFC000  }
.LBB2_145:
0x2a: {  	s3 =	sadd.s32 $0x1, s3;
	s7 =	rddreg [dreg:$0x18]  }
0x2b: {  	p0 =	sne.s32 s3, s7  }
.Ltmp1:
0x2c: {  	_ = 	snop;
	(pc) =	sbr.rel @!p0 .LBB2_146-.Ltmp1, $1  }
0x2d: {  	_ =	sdelay $0x3  }
.LBB2_1:
0x2e: {  	s7 =	rddreg [dreg:$0x1];
	s8 =	simm.s32 $0x0  }
0x2f: {  	[tilespmem:s6], [sflag:$0x1] =	stream.linear.gather [hbm4b:s7+s6], $0x800, $0x38;
	[tilespmem:$0x1D080] =	vst v63  }
.LBB2_2:
0x30: {  	s7 =	sshll.u32 s8, $0xA;
	s9 =	sshll.u32 s8, $0x7  }
0x31: {  	s7 =	sand.u32 $0x2000, s7;
	s9 =	sand.u32 $0x380, s9  }
0x32: {  	s9 =	sor.u32 s9, s7;
	s7 =	simm.s32 $0x0  }
0x33: {  	s9 =	sor.u32 $0x19000, s9;
	s10 =	sand.u32 $0x1C00, s7  }
0x34: {  	s11 =	sand.u32 $0x70, s7;
	s13 =	sadd.s32 s10, s9  }
0x35: {  	s10 =	simm.s32 $0x10;
	s11 =	sadd.s32 s11, s13  }
.LBB2_3:
0x36: {  	p0 =	sne.s32 s10, $0x3F0  }
0x37: {  	[tilespmem:s11+$0x0] =	vst v1;
	s7 =	sadd.s32 $0x80, s7;
	s11 =	smov.u32 s10;
	s10 =	sadd.s32 $0x10, s10  }
.Ltmp2:
0x38: {  	(pc) =	sbr.rel @p0 .LBB2_3-.Ltmp2, $4  }
0x39: {  	_ = 	snop  }
0x3a: {  	s13 =	sand.u32 $0x1C00, s7  }
0x3b: {  	s11 =	sand.u32 $0x70, s11;
	s13 =	sadd.s32 s13, s9  }
0x3c: {  	s11 =	sadd.s32 s11, s13  }
0x3d: {  	s8 =	sadd.s32 $0x1, s8  }
0x3e: {  	p0 =	sne.s32 s8, $0x10  }
.Ltmp3:
0x3f: {  	_ = 	snop;
	(pc) =	sbr.rel @p0 .LBB2_2-.Ltmp3, $2  }
0x40: {  	_ =	sdelay $0x2  }
0x41: {  	[tilespmem:s11+$0x0] =	vst v1  }
0x42: {  	_ =	swait.ge [sflag:s30], $0x800  }
0x43: {  	[sflag:s30] =	ssyncset.done $0x0  }
0x44: {  	s7 =	simm.s32 $0x0;
	[sflag:s30] =	ssyncadd.s32 $0xFFFFF800  }
0x45: {  	v8 =	vld [tilespmem:s7+$0x0];
	_ =	sdelay $0x2  }
0x46: {  	p0 =	sgt.s32 s31, $0x0;
	s8 =	simm.s32 $0x1  }
0x47: {  	v7 =	vimm.s32 $0x0;
	s8 =	simm.s32 @!p0 $0x0  }
0x48: {  	s7 =	simm.s32 $0x1;
	v10 =	vsub.s32 v8, v0;
	v9 =	vmul.u32 s8, v8;
	s8 =	simm.s32 $0x10;
	v8 =	vimm.s32 $0x0  }
.LBB2_6:
0x49: {  	v11 =	vld [tilespmem:s8+$0x0];
	p0 =	sne.s32 s7, $0x7F;
	vm1 =	vgt.s32 v10, $0x0;
	s9 =	smov.u32 s7;
	s7 =	sadd.s32 $0x1, s7  }
.Ltmp4:
0x4a: {  	v10 =	vsel vm1, $0x1, v2;
	v7 =	vadd.s32 v7, v9;
	(pc) =	sbr.rel @p0 .LBB2_6-.Ltmp4, $4  }
0x4b: {  	v8 =	vadd.s32 v10, v8  }
0x4c: {  	p1 =	sgt.s32 s31, s9;
	s9 =	simm.s32 $0x1  }
0x4d: {  	s9 =	simm.s32 @!p1 $0x0  }
0x4e: {  	s8 =	sadd.s32 $0x10, s8;
	v10 =	vsub.s32 v11, v0;
	v9 =	vmul.u32 s9, v11  }
0x4f: {  	vm1 =	vgt.s32 v10, $0x0  }
0x50: {  	v10 =	vsel vm1, $0x1, v2;
	v7 =	vadd.s32 v7, v9  }
0x51: {  	v8 =	vadd.s32 v10, v8;
	(xrf0) =	vadd.scan.msk.s32 $0xffff, v7  }
0x52: {  	(xrf0) =	vadd.scan.msk.s32 $0xffff, v8;
	_ =	sdelay $0x4  }
0x53: {  	v7, _, _ =	vpop (xrf0)  }
0x54: {  	(v2sf) =	vpush v7, $0xF;
	v7, _, _ =	vpop (xrf0)  }
0x55: {  	(v2sf) =	vpush v7, $0xF;
	_ =	sdelay $0xd  }
0x56: {  	s10 =	spop (v2sf)  }
0x57: {  	s8 =	rddreg [dreg:$0x5];
	s7 =	spop (v2sf)  }
0x58: {  	s18 =	ssub.s32 s7, s8  }
0x59: {  	p0 =	sgt.s32 s18, $0x0;
	s9 =	smov.u32 s18  }
0x5a: {  	s9 =	simm.s32 @!p0 $0x0;
	p0 =	sgt.s32 s18, $0x1E0  }
.Ltmp5:
0x5b: {  	_ = 	snop;
	(pc) =	sbr.rel @p0 .LBB2_11-.Ltmp5, $4  }
0x5c: {  	s17 =	smin.u32 s9, $0x200  }
0x5d: {  	s7 =	simm.s32 @!p0 $0x0;
	s28 =	sadd.s32 $0x1F, s17  }
0x5e: {  	s7 =	simm.s32 @p0 $0x1;
	s16 =	sshrl.u32 s28, $0x5  }
0x5f: {  	[smem:$0x7FC] =	sst s7;
	s11 =	smax.u32 s16, $0xF  }
0x60: {  	s7 =	sshll.u32 s16, $0xC;
	s14 =	rddreg [dreg:$0xe]  }
0x61: {  	s8 =	sadd.s32 $0xC, s16;
	s13 =	sadd.s32 $0x1, s11;
	s14 =	sadd.s32 s7, s14  }
0x62: {  	s28 =	sadd.s32 $0x1, s16;
	s7 =	sadd.s32 s14, s5;
	s21 =	sand.u32 $0x1FFFF000, s14  }
0x63: {  	[hbm4b:s7+s6] =	stream.linear.scatter [tilespmem:s0], [sflag:$0x8], $0x4000, $0x38;
	[tilespmem:$0x1D080] =	vst v63  }
0x64: {  	p0 =	slt.u32 s16, s8;
	p1 =	seq.s32 s13, s28;
	s22 =	sadd.s32 s21, s4  }
0x65: {  	[hbm4b:s22+s6] =	stream.linear.scatter [tilespmem:s0], [sflag:$0x8], $0x4000, $0x38;
	[tilespmem:$0x1D080] =	vst v63  }
.Ltmp6:
0x66: {  	s7 =	simm.s32 @!p0 $0x8;
	(pc) =	sbr.rel @p1 .LBB2_10-.Ltmp6, $4  }
0x67: {  	_ =	swait.ge @!p0 [sflag:s7], $0x4000  }
0x68: {  	[sflag:s7] =	ssyncset.done @!p0 $0x0  }
0x69: {  	[sflag:s7] =	ssyncadd.s32 @!p0 $0xFFFFC000  }
0x6a: {  	_ =	swait.ge @!p0 [sflag:s7], $0x4000  }
.LBB2_9:
0x6b: {  	[sflag:s7] =	ssyncset.done @!p0 $0x0  }
0x6c: {  	s14 =	sadd.s32 $0x1000, s14;
	s21 =	smov.u32 s28;
	s28 =	sadd.s32 $0x1, s28  }
0x6d: {  	s22 =	sadd.s32 s14, s5;
	s19 =	sand.u32 $0x1FFFF000, s14;
	[sflag:s7] =	ssyncadd.s32 @!p0 $0xFFFFC000  }
0x6e: {  	[hbm4b:s22+s6] =	stream.linear.scatter [tilespmem:s0], [sflag:$0x8], $0x4000, $0x38;
	[tilespmem:$0x1D080] =	vst v63  }
0x6f: {  	p0 =	slt.u32 s21, s8;
	p1 =	seq.s32 s13, s28;
	s7 =	sadd.s32 s19, s4  }
0x70: {  	[hbm4b:s7+s6] =	stream.linear.scatter [tilespmem:s0], [sflag:$0x8], $0x4000, $0x38;
	[tilespmem:$0x1D080] =	vst v63  }
.Ltmp7:
0x71: {  	s7 =	simm.s32 @!p0 $0x8;
	(pc) =	sbr.rel @!p1 .LBB2_9-.Ltmp7, $4  }
0x72: {  	_ =	swait.ge @!p0 [sflag:s7], $0x4000  }
0x73: {  	[sflag:s7] =	ssyncset.done @!p0 $0x0  }
0x74: {  	[sflag:s7] =	ssyncadd.s32 @!p0 $0xFFFFC000  }
0x75: {  	_ =	swait.ge @!p0 [sflag:s7], $0x4000  }
.LBB2_10:
0x76: {  	[sflag:s7] =	ssyncset.done @!p0 $0x0  }
0x77: {  	[sflag:s7] =	ssyncadd.s32 @!p0 $0xFFFFC000  }
.LBB2_11:
0x78: {  	v9 =	vld [tilespmem:s29+$0x0];
	_ =	sdelay $0x4  }
0x79: {  	(xrf0) =	vadd.scan.msk.s32 $0xffff, v9;
	_ =	sdelay $0x2  }
0x7a: {  	s7 =	sadd.s32 $0x0, s20  }
0x7b: {  	v10 =	vmov s7  }
0x7c: {  	v7 =	vbroadcast v7, $0xF;
	v10 =	vsub.s32 $0x0, v10  }
0x7d: {  	v10 =	vbroadcast v10, $0x0;
	v11, _, _ =	vpop (xrf0)  }
0x7e: {  	s13 =	simm.s32 $0x0;
	s21 =	sadd.s32 s1, s10;
	v8 =	vadd.s32 v3, v7;
	(v2sf) =	vpush v11, $0xF  }
0x7f: {  	s22 =	sand.u32 $0x200, s13;
	v9 =	vsub.s32 s21, v9;
	v10 =	vadd.s32 v10, v8  }
0x80: {  	s8 =	sand.u32 $0x10, s13;
	s7 =	sshrl.u32 s22, $0x2;
	vm1 =	vgt.s32 v10, $0x0;
	v9 =	vadd.s32 v11, v9  }
0x81: {  	s7 =	sor.u32 s8, s7;
	v9 =	vnsel vm1, $0x0, v9  }
0x82: {  	s8 =	sadd.s32 $0x10, s29;
	[tilespmem:s7+$0x800] =	vst v9  }
0x83: {  	s14 =	simm.s32 $0x100;
	s28 =	simm.s32 $0x200;
	v9 =	vld [tilespmem:s8+$0x0]  }
.LBB2_12:
0x84: {  	p0 =	sne.s32 s28, $0x300;
	_ =	sdelay $0x3  }
0x85: {  	(xrf0) =	vadd.scan.msk.s32 $0xffff, v9;
	_ =	sdelay $0x1  }
0x86: {  	s13 =	sadd.s32 $0x10, s13  }
0x87: {  	s7 =	sadd.s32 s13, s20  }
0x88: {  	v10 =	vmov s7  }
0x89: {  	v10 =	vsub.s32 $0x0, v10;
	s7 =	spop (v2sf)  }
0x8a: {  	v10 =	vbroadcast v10, $0x0;
	v11, _, _ =	vpop (xrf0);
	s10 =	sadd.s32 s10, s7  }
0x8b: {  	s7 =	sadd.s32 s1, s10;
	(v2sf) =	vpush v11, $0xF  }
.Ltmp8:
0x8c: {  	v10 =	vadd.s32 v10, v8;
	v9 =	vsub.s32 s7, v9;
	s7 =	sand.u32 $0x200, s14;
	s14 =	smov.u32 s28;
	(pc) =	sbr.rel @p0 .LBB2_12-.Ltmp8, $4  }
0x8d: {  	s19 =	sand.u32 $0x10, s13;
	vm1 =	vgt.s32 v10, $0x0;
	v9 =	vadd.s32 v11, v9;
	s7 =	sshrl.u32 s7, $0x2  }
0x8e: {  	v9 =	vnsel vm1, $0x0, v9;
	s7 =	sor.u32 s19, s7  }
0x8f: {  	s8 =	sadd.s32 $0x10, s8;
	[tilespmem:s7+$0x800] =	vst v9  }
0x90: {  	s28 =	sadd.s32 $0x100, s28;
	v9 =	vld [tilespmem:s8+$0x0]  }
0x91: {  	_ =	sdelay $0x5  }
0x92: {  	s7 =	sadd.s32 $0x10, s13;
	(xrf0) =	vadd.scan.msk.s32 $0xffff, v9  }
0x93: {  	s8 =	sadd.s32 s7, s20  }
0x94: {  	v10 =	vmov s8  }
0x95: {  	v10 =	vsub.s32 $0x0, v10;
	s13 =	spop (v2sf)  }
0x96: {  	v10 =	vbroadcast v10, $0x0;
	s10 =	sadd.s32 s10, s13  }
0x97: {  	s8 =	sadd.s32 s1, s10  }
0x98: {  	s14 =	sand.u32 $0x200, s14;
	v10 =	vadd.s32 v10, v8;
	v11, _, _ =	vpop (xrf0);
	v9 =	vsub.s32 s8, v9  }
0x99: {  	s7 =	sand.u32 $0x10, s7;
	vm1 =	vgt.s32 v10, $0x0;
	s8 =	sshrl.u32 s14, $0x2;
	v9 =	vadd.s32 v11, v9  }
0x9a: {  	s7 =	sor.u32 s7, s8;
	v9 =	vnsel vm1, $0x0, v9  }
0x9b: {  	p2 =	seq.s32 s16, $0x0;
	[tilespmem:s7+$0x800] =	vst v9  }
0x9c: {  	v9 =	vld @!p2 [tilespmem:$0x800];
	_ =	sdelay $0x4  }
0x9d: {  	v10 =	vshll.u32 @!p2 v9, $0x3  }
0x9e: {  	v12 =	vlaneseq.u32 @!p2;
	v9 =	vand.u32 @!p2 $0x7, v9;
	v10 =	vand.u32 @!p2 $0xFFFFFFC0, v10  }
0x9f: {  	v13 =	vshrl.u32 @!p2 v12, $0x3;
	v9 =	vor.u32 @!p2 v9, v10;
	v10 =	vand.u32 @!p2 $0x7, v12  }
0xa0: {  	v13 =	vmul.u32 @!p2 $0x8, v13;
	v14 =	vperm.xlane @!p2 v9, v10;
	_ =	sdelay $0x1  }
0xa1: {  	v14 =	vadd.s32 @!p2 v13, v14;
	_ =	sdelay $0x3  }
0xa2: {  	s8 =	simm.s32 @!p2 $0x1000;
	vm1 =	vmmov @!p2 $0xffff;
	s7 =	simm.s32 @!p2 $0x0  }
0xa3: {  	v12 =	vor.u32 @!p2 $0x8, v12;
	[tilespmem:s8], [sflag:$0x2] =	stream.indirect_vreg.gather @!p2 [hbm4b:s2+s7], $0x80, v14, vm1, $0xb8;
	[tilespmem:$0x1D080] =	vst v63  }
0xa4: {  	v9 =	vperm.xlane @!p2 v9, v12;
	s8 =	simm.s32 @!p2 $0x1800  }
0xa5: {  	[tilespmem:s8], [sflag:$0x2] =	stream.indirect_vreg.gather @!p2 [hbm4b:s25+s7], $0x80, v14, vm1, $0xb8;
	[tilespmem:$0x1D080] =	vst v63  }
0xa6: {  	v9 =	vadd.s32 @!p2 v13, v9;
	s8 =	simm.s32 @!p2 $0x2000  }
0xa7: {  	[tilespmem:s8], [sflag:$0x2] =	stream.indirect_vreg.gather @!p2 [hbm4b:s26+s7], $0x80, v14, vm1, $0xb8;
	[tilespmem:$0x1D080] =	vst v63  }
0xa8: {  	s8 =	simm.s32 @!p2 $0x2800  }
0xa9: {  	[tilespmem:s8], [sflag:$0x2] =	stream.indirect_vreg.gather @!p2 [hbm4b:s24+s7], $0x80, v14, vm1, $0xb8;
	[tilespmem:$0x1D080] =	vst v63  }
0xaa: {  	s8 =	simm.s32 @!p2 $0x3000  }
0xab: {  	[tilespmem:s8], [sflag:$0x2] =	stream.indirect_vreg.gather @!p2 [hbm4b:s2+s7], $0x80, v9, vm1, $0xb8;
	[tilespmem:$0x1D080] =	vst v63  }
0xac: {  	s8 =	simm.s32 @!p2 $0x3800  }
0xad: {  	[tilespmem:s8], [sflag:$0x2] =	stream.indirect_vreg.gather @!p2 [hbm4b:s25+s7], $0x80, v9, vm1, $0xb8;
	[tilespmem:$0x1D080] =	vst v63  }
0xae: {  	s8 =	simm.s32 @!p2 $0x4000  }
0xaf: {  	[tilespmem:s8], [sflag:$0x2] =	stream.indirect_vreg.gather @!p2 [hbm4b:s26+s7], $0x80, v9, vm1, $0xb8;
	[tilespmem:$0x1D080] =	vst v63  }
0xb0: {  	s8 =	simm.s32 @!p2 $0x4800  }
0xb1: {  	[tilespmem:s8], [sflag:$0x2] =	stream.indirect_vreg.gather @!p2 [hbm4b:s24+s7], $0x80, v9, vm1, $0xb8;
	[tilespmem:$0x1D080] =	vst v63  }
0xb2: {  	v9 =	vld @!p2 [tilespmem:$0x810];
	_ =	sdelay $0x4  }
0xb3: {  	v14 =	vshll.u32 @!p2 v9, $0x3  }
0xb4: {  	v9 =	vand.u32 @!p2 $0x7, v9;
	v14 =	vand.u32 @!p2 $0xFFFFFFC0, v14  }
0xb5: {  	v9 =	vor.u32 @!p2 v9, v14  }
0xb6: {  	v10 =	vperm.xlane @!p2 v9, v10;
	_ =	sdelay $0x1  }
0xb7: {  	v10 =	vadd.s32 @!p2 v13, v10;
	_ =	sdelay $0x3  }
0xb8: {  	s8 =	simm.s32 @!p2 $0x5000  }
0xb9: {  	[tilespmem:s8], [sflag:$0x2] =	stream.indirect_vreg.gather @!p2 [hbm4b:s2+s7], $0x80, v10, vm1, $0xb8;
	[tilespmem:$0x1D080] =	vst v63  }
0xba: {  	v9 =	vperm.xlane @!p2 v9, v12;
	s8 =	simm.s32 @!p2 $0x5800  }
0xbb: {  	[tilespmem:s8], [sflag:$0x2] =	stream.indirect_vreg.gather @!p2 [hbm4b:s25+s7], $0x80, v10, vm1, $0xb8;
	[tilespmem:$0x1D080] =	vst v63  }
0xbc: {  	v9 =	vadd.s32 @!p2 v13, v9;
	s8 =	simm.s32 @!p2 $0x6000  }
0xbd: {  	[tilespmem:s8], [sflag:$0x2] =	stream.indirect_vreg.gather @!p2 [hbm4b:s26+s7], $0x80, v10, vm1, $0xb8;
	[tilespmem:$0x1D080] =	vst v63  }
0xbe: {  	s8 =	simm.s32 @!p2 $0x6800  }
0xbf: {  	[tilespmem:s8], [sflag:$0x2] =	stream.indirect_vreg.gather @!p2 [hbm4b:s24+s7], $0x80, v10, vm1, $0xb8;
	[tilespmem:$0x1D080] =	vst v63  }
0xc0: {  	s8 =	simm.s32 @!p2 $0x7000  }
0xc1: {  	[tilespmem:s8], [sflag:$0x2] =	stream.indirect_vreg.gather @!p2 [hbm4b:s2+s7], $0x80, v9, vm1, $0xb8;
	[tilespmem:$0x1D080] =	vst v63  }
0xc2: {  	s8 =	simm.s32 @!p2 $0x7800  }
0xc3: {  	[tilespmem:s8], [sflag:$0x2] =	stream.indirect_vreg.gather @!p2 [hbm4b:s25+s7], $0x80, v9, vm1, $0xb8;
	[tilespmem:$0x1D080] =	vst v63  }
0xc4: {  	s8 =	simm.s32 @!p2 $0x8000  }
0xc5: {  	[tilespmem:s8], [sflag:$0x2] =	stream.indirect_vreg.gather @!p2 [hbm4b:s26+s7], $0x80, v9, vm1, $0xb8;
	[tilespmem:$0x1D080] =	vst v63  }
0xc6: {  	p3 =	slt.s32 s18, $0x21;
	s8 =	simm.s32 @!p2 $0x8800  }
0xc7: {  	[tilespmem:s8], [sflag:$0x2] =	stream.indirect_vreg.gather @!p2 [hbm4b:s24+s7], $0x80, v9, vm1, $0xb8;
	[tilespmem:$0x1D080] =	vst v63  }
0xc8: {  	v9 =	vld @!p3 [tilespmem:$0x880];
	_ =	sdelay $0x4  }
0xc9: {  	v10 =	vshll.u32 @!p3 v9, $0x3  }
0xca: {  	v12 =	vlaneseq.u32 @!p3;
	v9 =	vand.u32 @!p3 $0x7, v9;
	v10 =	vand.u32 @!p3 $0xFFFFFFC0, v10  }
0xcb: {  	v13 =	vshrl.u32 @!p3 v12, $0x3;
	v9 =	vor.u32 @!p3 v9, v10;
	v10 =	vand.u32 @!p3 $0x7, v12  }
0xcc: {  	v13 =	vmul.u32 @!p3 $0x8, v13;
	v14 =	vperm.xlane @!p3 v9, v10;
	_ =	sdelay $0x1  }
0xcd: {  	v14 =	vadd.s32 @!p3 v13, v14;
	_ =	sdelay $0x3  }
0xce: {  	vm1 =	vmmov @!p3 $0xffff;
	s7 =	simm.s32 @!p3 $0x0;
	s8 =	simm.s32 @!p3 $0x9000  }
0xcf: {  	v12 =	vor.u32 @!p3 $0x8, v12;
	[tilespmem:s8], [sflag:$0x3] =	stream.indirect_vreg.gather @!p3 [hbm4b:s2+s7], $0x80, v14, vm1, $0xb8;
	[tilespmem:$0x1D080] =	vst v63  }
0xd0: {  	v9 =	vperm.xlane @!p3 v9, v12;
	s8 =	simm.s32 @!p3 $0x9800  }
0xd1: {  	[tilespmem:s8], [sflag:$0x3] =	stream.indirect_vreg.gather @!p3 [hbm4b:s25+s7], $0x80, v14, vm1, $0xb8;
	[tilespmem:$0x1D080] =	vst v63  }
0xd2: {  	v9 =	vadd.s32 @!p3 v13, v9;
	s8 =	simm.s32 @!p3 $0xA000  }
0xd3: {  	[tilespmem:s8], [sflag:$0x3] =	stream.indirect_vreg.gather @!p3 [hbm4b:s26+s7], $0x80, v14, vm1, $0xb8;
	[tilespmem:$0x1D080] =	vst v63  }
0xd4: {  	s8 =	simm.s32 @!p3 $0xA800  }
0xd5: {  	[tilespmem:s8], [sflag:$0x3] =	stream.indirect_vreg.gather @!p3 [hbm4b:s24+s7], $0x80, v14, vm1, $0xb8;
	[tilespmem:$0x1D080] =	vst v63  }
0xd6: {  	s8 =	simm.s32 @!p3 $0xB000  }
0xd7: {  	[tilespmem:s8], [sflag:$0x3] =	stream.indirect_vreg.gather @!p3 [hbm4b:s2+s7], $0x80, v9, vm1, $0xb8;
	[tilespmem:$0x1D080] =	vst v63  }
0xd8: {  	s8 =	simm.s32 @!p3 $0xB800  }
0xd9: {  	[tilespmem:s8], [sflag:$0x3] =	stream.indirect_vreg.gather @!p3 [hbm4b:s25+s7], $0x80, v9, vm1, $0xb8;
	[tilespmem:$0x1D080] =	vst v63  }
0xda: {  	s8 =	simm.s32 @!p3 $0xC000  }
0xdb: {  	[tilespmem:s8], [sflag:$0x3] =	stream.indirect_vreg.gather @!p3 [hbm4b:s26+s7], $0x80, v9, vm1, $0xb8;
	[tilespmem:$0x1D080] =	vst v63  }
0xdc: {  	s8 =	simm.s32 @!p3 $0xC800  }
0xdd: {  	[tilespmem:s8], [sflag:$0x3] =	stream.indirect_vreg.gather @!p3 [hbm4b:s24+s7], $0x80, v9, vm1, $0xb8;
	[tilespmem:$0x1D080] =	vst v63  }
0xde: {  	v9 =	vld @!p3 [tilespmem:$0x890];
	_ =	sdelay $0x4  }
0xdf: {  	v14 =	vshll.u32 @!p3 v9, $0x3  }
0xe0: {  	v9 =	vand.u32 @!p3 $0x7, v9;
	v14 =	vand.u32 @!p3 $0xFFFFFFC0, v14  }
0xe1: {  	v9 =	vor.u32 @!p3 v9, v14  }
0xe2: {  	v10 =	vperm.xlane @!p3 v9, v10;
	_ =	sdelay $0x1  }
0xe3: {  	v10 =	vadd.s32 @!p3 v13, v10;
	_ =	sdelay $0x3  }
0xe4: {  	s8 =	simm.s32 @!p3 $0xD000  }
0xe5: {  	[tilespmem:s8], [sflag:$0x3] =	stream.indirect_vreg.gather @!p3 [hbm4b:s2+s7], $0x80, v10, vm1, $0xb8;
	[tilespmem:$0x1D080] =	vst v63  }
0xe6: {  	v9 =	vperm.xlane @!p3 v9, v12;
	s8 =	simm.s32 @!p3 $0xD800  }
0xe7: {  	[tilespmem:s8], [sflag:$0x3] =	stream.indirect_vreg.gather @!p3 [hbm4b:s25+s7], $0x80, v10, vm1, $0xb8;
	[tilespmem:$0x1D080] =	vst v63  }
0xe8: {  	v9 =	vadd.s32 @!p3 v13, v9;
	s8 =	simm.s32 @!p3 $0xE000  }
0xe9: {  	[tilespmem:s8], [sflag:$0x3] =	stream.indirect_vreg.gather @!p3 [hbm4b:s26+s7], $0x80, v10, vm1, $0xb8;
	[tilespmem:$0x1D080] =	vst v63  }
0xea: {  	s8 =	simm.s32 @!p3 $0xE800  }
0xeb: {  	[tilespmem:s8], [sflag:$0x3] =	stream.indirect_vreg.gather @!p3 [hbm4b:s24+s7], $0x80, v10, vm1, $0xb8;
	[tilespmem:$0x1D080] =	vst v63  }
0xec: {  	s8 =	simm.s32 @!p3 $0xF000  }
0xed: {  	[tilespmem:s8], [sflag:$0x3] =	stream.indirect_vreg.gather @!p3 [hbm4b:s2+s7], $0x80, v9, vm1, $0xb8;
	[tilespmem:$0x1D080] =	vst v63  }
0xee: {  	s8 =	simm.s32 @!p3 $0xF800  }
0xef: {  	[tilespmem:s8], [sflag:$0x3] =	stream.indirect_vreg.gather @!p3 [hbm4b:s25+s7], $0x80, v9, vm1, $0xb8;
	[tilespmem:$0x1D080] =	vst v63  }
0xf0: {  	s8 =	simm.s32 @!p3 $0x10000  }
0xf1: {  	[tilespmem:s8], [sflag:$0x3] =	stream.indirect_vreg.gather @!p3 [hbm4b:s26+s7], $0x80, v9, vm1, $0xb8;
	[tilespmem:$0x1D080] =	vst v63  }
0xf2: {  	(v2sf) =	vpush v11, $0xF;
	s8 =	simm.s32 @!p3 $0x10800  }
0xf3: {  	[tilespmem:s8], [sflag:$0x3] =	stream.indirect_vreg.gather @!p3 [hbm4b:s24+s7], $0x80, v9, vm1, $0xb8;
	[tilespmem:$0x1D080] =	vst v63  }
0xf4: {  	s19 =	sadd.s32 $0x40, s20;
	s7 =	simm.s32 $0x40  }
0xf5: {  	s22 =	sand.u32 $0xFFFFFF80, s19;
	s21 =	sand.u32 $0x70, s7  }
0xf6: {  	s13 =	sor.u32 s21, s22  }
0xf7: {  	v9 =	vld [tilespmem:s13+$0x0];
	_ =	sdelay $0x4  }
0xf8: {  	(xrf0) =	vadd.scan.msk.s32 $0xffff, v9;
	_ =	sdelay $0x3  }
0xf9: {  	v10 =	vmov s19  }
0xfa: {  	s19 =	spop (v2sf);
	v10 =	vsub.s32 $0x0, v10  }
0xfb: {  	s28 =	sadd.s32 $0x50, s20;
	s10 =	sadd.s32 s10, s19;
	v10 =	vbroadcast v10, $0x0;
	v11, _, _ =	vpop (xrf0)  }
0xfc: {  	s14 =	simm.s32 $0x50;
	s21 =	simm.s32 $0x400;
	s22 =	sadd.s32 s1, s10;
	(v2sf) =	vpush v11, $0xF  }
0xfd: {  	v10 =	vadd.s32 v10, v8;
	s7 =	sand.u32 $0x10, s7;
	s13 =	simm.s32 $0x500;
	s8 =	sand.u32 $0x1E00, s21;
	v9 =	vsub.s32 s22, v9  }
0xfe: {  	vm1 =	vgt.s32 v10, $0x0;
	s21 =	sand.u32 $0x70, s14;
	s22 =	sshrl.u32 s8, $0x2;
	s8 =	simm.s32 $0x600;
	v9 =	vadd.s32 v11, v9  }
.LBB2_14:
0xff: {  	p0 =	sne.s32 s8, $0x1F00;
	s19 =	sand.u32 $0xFFFFFF80, s28;
	v9 =	vnsel vm1, $0x0, v9;
	s7 =	sor.u32 s7, s22  }
0x100: {  	s19 =	sor.u32 s21, s19;
	[tilespmem:s7+$0x800] =	vst v9  }
0x101: {  	v9 =	vld [tilespmem:s19+$0x0];
	_ =	sdelay $0x4  }
0x102: {  	(xrf0) =	vadd.scan.msk.s32 $0xffff, v9;
	_ =	sdelay $0x3  }
0x103: {  	v10 =	vmov s28  }
.Ltmp9:
0x104: {  	v10 =	vsub.s32 $0x0, v10;
	s7 =	spop (v2sf);
	(pc) =	sbr.rel @p0 .LBB2_14-.Ltmp9, $4  }
0x105: {  	v10 =	vbroadcast v10, $0x0;
	v11, _, _ =	vpop (xrf0);
	s10 =	sadd.s32 s10, s7  }
0x106: {  	s19 =	sand.u32 $0x1E00, s13;
	s13 =	smov.u32 s8;
	s7 =	sadd.s32 s1, s10;
	(v2sf) =	vpush v11, $0xF  }
0x107: {  	s22 =	sshrl.u32 s19, $0x2;
	v10 =	vadd.s32 v10, v8;
	v9 =	vsub.s32 s7, v9;
	s7 =	sand.u32 $0x10, s14;
	s14 =	sadd.s32 $0x10, s14  }
0x108: {  	s8 =	sadd.s32 $0x100, s8;
	vm1 =	vgt.s32 v10, $0x0;
	s28 =	sadd.s32 s14, s20;
	s21 =	sand.u32 $0x70, s14;
	v9 =	vadd.s32 v11, v9  }
0x109: {  	s8 =	sand.u32 $0xFFFFFF80, s28;
	v9 =	vnsel vm1, $0x0, v9;
	s7 =	sor.u32 s7, s22  }
0x10a: {  	s8 =	sor.u32 s21, s8;
	[tilespmem:s7+$0x800] =	vst v9  }
0x10b: {  	v9 =	vld [tilespmem:s8+$0x0];
	_ =	sdelay $0x4  }
0x10c: {  	(xrf0) =	vadd.scan.msk.s32 $0xffff, v9;
	_ =	sdelay $0x5  }
0x10d: {  	v10, _, _ =	vpop (xrf0)  }
0x10e: {  	(v2sf) =	vpush v10, $0xF;
	_ =	sdelay $0x4  }
0x10f: {  	v11 =	vmov s28  }
0x110: {  	v11 =	vsub.s32 $0x0, v11;
	s8 =	spop (v2sf)  }
0x111: {  	v11 =	vbroadcast v11, $0x0;
	s7 =	sadd.s32 s10, s8  }
0x112: {  	s7 =	sadd.s32 s1, s7  }
0x113: {  	s19 =	sand.u32 $0x1E00, s13;
	s22 =	sld [smem:$0x7FD];
	v8 =	vadd.s32 v11, v8;
	v9 =	vsub.s32 s7, v9  }
0x114: {  	s21 =	sand.u32 $0x10, s14;
	vm1 =	vgt.s32 v8, $0x0;
	s8 =	sshrl.u32 s19, $0x2;
	v9 =	vadd.s32 v10, v9  }
0x115: {  	s7 =	sor.u32 s21, s8;
	v8 =	vnsel vm1, $0x0, v9  }
0x116: {  	p0 =	seq.s32 s22, $0x1;
	[tilespmem:s7+$0x800] =	vst v8  }
0x117: {  	s10 =	rddreg [dreg:$0x6];
	s8 =	simm.s32 @!p0 $0x1D000;
	s7 =	simm.s32 @!p0 $0x0;
	[tilespmem:$0x1D000] =	vst @!p0 v7  }
0x118: {  	[hbm4b:s10+s7] =	stream.linear.scatter @!p0 [tilespmem:s8], [sflag:$0x9], $0x80, $0x38;
	[tilespmem:$0x1D080] =	vst v63  }
0x119: {  	s7 =	simm.s32 @!p0 $0x9;
	s28 =	spop (v2sf)  }
0x11a: {  	_ =	swait.ge @!p0 [sflag:s7], $0x80  }
0x11b: {  	[sflag:s7] =	ssyncset.done @!p0 $0x0  }
0x11c: {  	p5 =	slt.s32 s18, $0x41;
	[sflag:s7] =	ssyncadd.s32 @!p0 $0xFFFFFF80  }
0x11d: {  	v7 =	vld @!p5 [tilespmem:$0x900];
	_ =	sdelay $0x4  }
0x11e: {  	v8 =	vshll.u32 @!p5 v7, $0x3  }
0x11f: {  	v9 =	vlaneseq.u32 @!p5;
	v7 =	vand.u32 @!p5 $0x7, v7;
	v8 =	vand.u32 @!p5 $0xFFFFFFC0, v8  }
0x120: {  	v10 =	vshrl.u32 @!p5 v9, $0x3;
	v7 =	vor.u32 @!p5 v7, v8;
	v8 =	vand.u32 @!p5 $0x7, v9  }
0x121: {  	v10 =	vmul.u32 @!p5 $0x8, v10;
	v11 =	vperm.xlane @!p5 v7, v8;
	_ =	sdelay $0x1  }
0x122: {  	v11 =	vadd.s32 @!p5 v10, v11;
	_ =	sdelay $0x3  }
0x123: {  	vm1 =	vmmov @!p5 $0xffff;
	s8 =	simm.s32 @!p5 $0x11000;
	s7 =	simm.s32 @!p5 $0x0  }
0x124: {  	v9 =	vor.u32 @!p5 $0x8, v9;
	[tilespmem:s8], [sflag:$0x4] =	stream.indirect_vreg.gather @!p5 [hbm4b:s2+s7], $0x80, v11, vm1, $0xb8;
	[tilespmem:$0x1D080] =	vst v63  }
0x125: {  	v7 =	vperm.xlane @!p5 v7, v9;
	s8 =	simm.s32 @!p5 $0x11800  }
0x126: {  	[tilespmem:s8], [sflag:$0x4] =	stream.indirect_vreg.gather @!p5 [hbm4b:s25+s7], $0x80, v11, vm1, $0xb8;
	[tilespmem:$0x1D080] =	vst v63  }
0x127: {  	v7 =	vadd.s32 @!p5 v10, v7;
	s8 =	simm.s32 @!p5 $0x12000  }
0x128: {  	[tilespmem:s8], [sflag:$0x4] =	stream.indirect_vreg.gather @!p5 [hbm4b:s26+s7], $0x80, v11, vm1, $0xb8;
	[tilespmem:$0x1D080] =	vst v63  }
0x129: {  	s8 =	simm.s32 @!p5 $0x12800  }
0x12a: {  	[tilespmem:s8], [sflag:$0x4] =	stream.indirect_vreg.gather @!p5 [hbm4b:s24+s7], $0x80, v11, vm1, $0xb8;
	[tilespmem:$0x1D080] =	vst v63  }
0x12b: {  	s8 =	simm.s32 @!p5 $0x13000  }
0x12c: {  	[tilespmem:s8], [sflag:$0x4] =	stream.indirect_vreg.gather @!p5 [hbm4b:s2+s7], $0x80, v7, vm1, $0xb8;
	[tilespmem:$0x1D080] =	vst v63  }
0x12d: {  	s8 =	simm.s32 @!p5 $0x13800  }
0x12e: {  	[tilespmem:s8], [sflag:$0x4] =	stream.indirect_vreg.gather @!p5 [hbm4b:s25+s7], $0x80, v7, vm1, $0xb8;
	[tilespmem:$0x1D080] =	vst v63  }
0x12f: {  	s8 =	simm.s32 @!p5 $0x14000  }
0x130: {  	[tilespmem:s8], [sflag:$0x4] =	stream.indirect_vreg.gather @!p5 [hbm4b:s26+s7], $0x80, v7, vm1, $0xb8;
	[tilespmem:$0x1D080] =	vst v63  }
0x131: {  	s8 =	simm.s32 @!p5 $0x14800  }
0x132: {  	[tilespmem:s8], [sflag:$0x4] =	stream.indirect_vreg.gather @!p5 [hbm4b:s24+s7], $0x80, v7, vm1, $0xb8;
	[tilespmem:$0x1D080] =	vst v63  }
0x133: {  	v7 =	vld @!p5 [tilespmem:$0x910];
	_ =	sdelay $0x4  }
0x134: {  	v11 =	vshll.u32 @!p5 v7, $0x3  }
0x135: {  	v7 =	vand.u32 @!p5 $0x7, v7;
	v11 =	vand.u32 @!p5 $0xFFFFFFC0, v11  }
0x136: {  	v7 =	vor.u32 @!p5 v7, v11  }
0x137: {  	v8 =	vperm.xlane @!p5 v7, v8;
	_ =	sdelay $0x1  }
0x138: {  	v8 =	vadd.s32 @!p5 v10, v8;
	_ =	sdelay $0x3  }
0x139: {  	s8 =	simm.s32 @!p5 $0x15000  }
0x13a: {  	[tilespmem:s8], [sflag:$0x4] =	stream.indirect_vreg.gather @!p5 [hbm4b:s2+s7], $0x80, v8, vm1, $0xb8;
	[tilespmem:$0x1D080] =	vst v63  }
0x13b: {  	v7 =	vperm.xlane @!p5 v7, v9;
	s8 =	simm.s32 @!p5 $0x15800  }
0x13c: {  	[tilespmem:s8], [sflag:$0x4] =	stream.indirect_vreg.gather @!p5 [hbm4b:s25+s7], $0x80, v8, vm1, $0xb8;
	[tilespmem:$0x1D080] =	vst v63  }
0x13d: {  	v7 =	vadd.s32 @!p5 v10, v7;
	s8 =	simm.s32 @!p5 $0x16000  }
0x13e: {  	[tilespmem:s8], [sflag:$0x4] =	stream.indirect_vreg.gather @!p5 [hbm4b:s26+s7], $0x80, v8, vm1, $0xb8;
	[tilespmem:$0x1D080] =	vst v63  }
0x13f: {  	s8 =	simm.s32 @!p5 $0x16800  }
0x140: {  	[tilespmem:s8], [sflag:$0x4] =	stream.indirect_vreg.gather @!p5 [hbm4b:s24+s7], $0x80, v8, vm1, $0xb8;
	[tilespmem:$0x1D080] =	vst v63  }
0x141: {  	s8 =	simm.s32 @!p5 $0x17000  }
0x142: {  	[tilespmem:s8], [sflag:$0x4] =	stream.indirect_vreg.gather @!p5 [hbm4b:s2+s7], $0x80, v7, vm1, $0xb8;
	[tilespmem:$0x1D080] =	vst v63  }
0x143: {  	s8 =	simm.s32 @!p5 $0x17800  }
0x144: {  	[tilespmem:s8], [sflag:$0x4] =	stream.indirect_vreg.gather @!p5 [hbm4b:s25+s7], $0x80, v7, vm1, $0xb8;
	[tilespmem:$0x1D080] =	vst v63  }
.Ltmp10:
0x145: {  	_ = 	snop;
	(pc) =	sbr.rel @p2 .LBB2_22-.Ltmp10, $4  }
0x146: {  	s8 =	simm.s32 @!p5 $0x18000  }
0x147: {  	[tilespmem:s8], [sflag:$0x4] =	stream.indirect_vreg.gather @!p5 [hbm4b:s26+s7], $0x80, v7, vm1, $0xb8;
	[tilespmem:$0x1D080] =	vst v63  }
0x148: {  	s21 =	simm.s32 $0x1000;
	s8 =	simm.s32 @!p5 $0x18800  }
0x149: {  	[tilespmem:s8], [sflag:$0x4] =	stream.indirect_vreg.gather @!p5 [hbm4b:s24+s7], $0x80, v7, vm1, $0xb8;
	[tilespmem:$0x1D080] =	vst v63  }
0x14a: {  	p0 =	sgt.s32 s18, $0x1F  }
.Ltmp11:
0x14b: {  	_ = 	snop;
	(pc) =	sbr.rel @p0 .LBB2_21-.Ltmp11, $4  }
0x14c: {  	_ = 	snop  }
0x14d: {  	_ =	swait.ge [sflag:s23], $0x8000  }
0x14e: {  	[sflag:s23] =	ssyncset.done $0x0  }
0x14f: {  	[sflag:s23] =	ssyncadd.s32 $0xFFFF8000  }
0x150: {  	p0 =	slt.s32 s9, $0x20  }
0x151: {  	s9 =	simm.s32 @!p0 $0x20  }
0x152: {  	s8 =	smax.u32 s9, $0x1F  }
.LBB2_18:
0x153: {  	s7 =	sshll.u32 s9, $0xA;
	s10 =	sshll.u32 s9, $0x7  }
0x154: {  	s7 =	sand.u32 $0x6000, s7;
	s10 =	sand.u32 $0x380, s10  }
0x155: {  	s10 =	sor.u32 s10, s7;
	s7 =	simm.s32 $0x0  }
0x156: {  	s10 =	sor.u32 $0x1000, s10;
	s13 =	sand.u32 $0x1C00, s7  }
0x157: {  	s14 =	sand.u32 $0x70, s7;
	s19 =	sadd.s32 s13, s10  }
0x158: {  	s13 =	simm.s32 $0x10;
	s14 =	sadd.s32 s14, s19  }
.LBB2_19:
0x159: {  	p0 =	sne.s32 s13, $0x3F0  }
0x15a: {  	[tilespmem:s14+$0x0] =	vst v1;
	s7 =	sadd.s32 $0x80, s7;
	s14 =	smov.u32 s13;
	s13 =	sadd.s32 $0x10, s13  }
.Ltmp12:
0x15b: {  	(pc) =	sbr.rel @p0 .LBB2_19-.Ltmp12, $4  }
0x15c: {  	_ = 	snop  }
0x15d: {  	s19 =	sand.u32 $0x1C00, s7  }
0x15e: {  	s14 =	sand.u32 $0x70, s14;
	s19 =	sadd.s32 s19, s10  }
0x15f: {  	s14 =	sadd.s32 s14, s19  }
0x160: {  	p0 =	sne.s32 s9, s8  }
.Ltmp13:
0x161: {  	_ = 	snop;
	(pc) =	sbr.rel @p0 .LBB2_18-.Ltmp13, $3  }
0x162: {  	_ =	sdelay $0x1  }
0x163: {  	s7 =	sadd.s32 $0x1, s9  }
0x164: {  	[tilespmem:s14+$0x0] =	vst v1;
	s9 =	smov.u32 s7  }
.LBB2_21:
0x165: {  	s7 =	rddreg [dreg:$0x7]  }
0x166: {  	[hbm4b:s7+s6] =	stream.linear.scatter [tilespmem:s21], [sflag:$0x5], $0x8000, $0x38;
	[tilespmem:$0x1D080] =	vst v63  }
.LBB2_22:
0x167: {  	p6 =	slt.s32 s18, $0x61  }
.Ltmp14:
0x168: {  	_ = 	snop;
	(pc) =	sbr.rel @p6 .LBB2_24-.Ltmp14, $1  }
0x169: {  	_ =	sdelay $0x3  }
0x16a: {  	s7 =	simm.s32 $0x5  }
0x16b: {  	_ =	swait.ge [sflag:s7], $0x8000  }
0x16c: {  	[sflag:s7] =	ssyncset.done $0x0  }
0x16d: {  	[sflag:s7] =	ssyncadd.s32 $0xFFFF8000  }
0x16e: {  	v7 =	vld [tilespmem:$0x980];
	_ =	sdelay $0x4  }
0x16f: {  	v8 =	vshll.u32 v7, $0x3  }
0x170: {  	v7 =	vand.u32 $0x7, v7;
	v8 =	vand.u32 $0xFFFFFFC0, v8  }
0x171: {  	v7 =	vor.u32 v7, v8  }
0x172: {  	v8 =	vperm.xlane v7, v4;
	_ =	sdelay $0x1  }
0x173: {  	v8 =	vadd.s32 v5, v8;
	_ =	sdelay $0x4  }
0x174: {  	[tilespmem:s21], [sflag:$0x2] =	stream.indirect_vreg.gather [hbm4b:s2+s6], $0x80, v8, vm0, $0xb8;
	[tilespmem:$0x1D080] =	vst v63  }
0x175: {  	s9 =	simm.s32 $0x1800;
	v7 =	vperm.xlane v7, v6  }
0x176: {  	[tilespmem:s9], [sflag:$0x2] =	stream.indirect_vreg.gather [hbm4b:s25+s6], $0x80, v8, vm0, $0xb8;
	[tilespmem:$0x1D080] =	vst v63  }
0x177: {  	s10 =	simm.s32 $0x2000;
	v7 =	vadd.s32 v5, v7  }
0x178: {  	[tilespmem:s10], [sflag:$0x2] =	stream.indirect_vreg.gather [hbm4b:s26+s6], $0x80, v8, vm0, $0xb8;
	[tilespmem:$0x1D080] =	vst v63  }
0x179: {  	s13 =	simm.s32 $0x2800  }
0x17a: {  	[tilespmem:s13], [sflag:$0x2] =	stream.indirect_vreg.gather [hbm4b:s24+s6], $0x80, v8, vm0, $0xb8;
	[tilespmem:$0x1D080] =	vst v63  }
0x17b: {  	s14 =	simm.s32 $0x3000  }
0x17c: {  	[tilespmem:s14], [sflag:$0x2] =	stream.indirect_vreg.gather [hbm4b:s2+s6], $0x80, v7, vm0, $0xb8;
	[tilespmem:$0x1D080] =	vst v63  }
0x17d: {  	s19 =	simm.s32 $0x3800  }
0x17e: {  	[tilespmem:s19], [sflag:$0x2] =	stream.indirect_vreg.gather [hbm4b:s25+s6], $0x80, v7, vm0, $0xb8;
	[tilespmem:$0x1D080] =	vst v63  }
0x17f: {  	s22 =	simm.s32 $0x4000  }
0x180: {  	[tilespmem:s22], [sflag:$0x2] =	stream.indirect_vreg.gather [hbm4b:s26+s6], $0x80, v7, vm0, $0xb8;
	[tilespmem:$0x1D080] =	vst v63  }
0x181: {  	s28 =	simm.s32 $0x4800  }
0x182: {  	[tilespmem:s28], [sflag:$0x2] =	stream.indirect_vreg.gather [hbm4b:s24+s6], $0x80, v7, vm0, $0xb8;
	[tilespmem:$0x1D080] =	vst v63  }
0x183: {  	v7 =	vld [tilespmem:$0x990];
	_ =	sdelay $0x4  }
0x184: {  	v8 =	vshll.u32 v7, $0x3  }
0x185: {  	v7 =	vand.u32 $0x7, v7;
	v8 =	vand.u32 $0xFFFFFFC0, v8  }
0x186: {  	v7 =	vor.u32 v7, v8  }
0x187: {  	v8 =	vperm.xlane v7, v4;
	_ =	sdelay $0x1  }
0x188: {  	v8 =	vadd.s32 v5, v8;
	_ =	sdelay $0x3  }
0x189: {  	s8 =	simm.s32 $0x5000  }
0x18a: {  	[tilespmem:s8], [sflag:$0x2] =	stream.indirect_vreg.gather [hbm4b:s2+s6], $0x80, v8, vm0, $0xb8;
	[tilespmem:$0x1D080] =	vst v63  }
0x18b: {  	s9 =	simm.s32 $0x5800;
	v7 =	vperm.xlane v7, v6  }
0x18c: {  	[tilespmem:s9], [sflag:$0x2] =	stream.indirect_vreg.gather [hbm4b:s25+s6], $0x80, v8, vm0, $0xb8;
	[tilespmem:$0x1D080] =	vst v63  }
0x18d: {  	s10 =	simm.s32 $0x6000;
	v7 =	vadd.s32 v5, v7  }
0x18e: {  	[tilespmem:s10], [sflag:$0x2] =	stream.indirect_vreg.gather [hbm4b:s26+s6], $0x80, v8, vm0, $0xb8;
	[tilespmem:$0x1D080] =	vst v63  }
0x18f: {  	s13 =	simm.s32 $0x6800  }
0x190: {  	[tilespmem:s13], [sflag:$0x2] =	stream.indirect_vreg.gather [hbm4b:s24+s6], $0x80, v8, vm0, $0xb8;
	[tilespmem:$0x1D080] =	vst v63  }
0x191: {  	s14 =	simm.s32 $0x7000  }
0x192: {  	[tilespmem:s14], [sflag:$0x2] =	stream.indirect_vreg.gather [hbm4b:s2+s6], $0x80, v7, vm0, $0xb8;
	[tilespmem:$0x1D080] =	vst v63  }
0x193: {  	s19 =	simm.s32 $0x7800  }
0x194: {  	[tilespmem:s19], [sflag:$0x2] =	stream.indirect_vreg.gather [hbm4b:s25+s6], $0x80, v7, vm0, $0xb8;
	[tilespmem:$0x1D080] =	vst v63  }
.Ltmp15:
0x195: {  	_ = 	snop;
	(pc) =	sbr.rel .LBB2_25-.Ltmp15, $4  }
0x196: {  	s22 =	simm.s32 $0x8000  }
0x197: {  	[tilespmem:s22], [sflag:$0x2] =	stream.indirect_vreg.gather [hbm4b:s26+s6], $0x80, v7, vm0, $0xb8;
	[tilespmem:$0x1D080] =	vst v63  }
0x198: {  	s28 =	simm.s32 $0x8800  }
0x199: {  	[tilespmem:s28], [sflag:$0x2] =	stream.indirect_vreg.gather [hbm4b:s24+s6], $0x80, v7, vm0, $0xb8;
	[tilespmem:$0x1D080] =	vst v63  }
.LBB2_24:
.Ltmp16:
0x19a: {  	(pc) =	sbr.rel @p3 .LBB2_141-.Ltmp16, $2  }
0x19b: {  	_ =	sdelay $0x2  }
0x19c: {  	p4 =	por $0x0, $0x0;
	p2 =	por $0x0, $0x0;
	p0 =	por $0x0, $0x0  }
.LBB2_25:
0x19d: {  	p0 =	sgt.u32 s18, $0x3F  }
.Ltmp17:
0x19e: {  	_ = 	snop;
	(pc) =	sbr.rel @p0 .LBB2_30-.Ltmp17, $4  }
0x19f: {  	_ = 	snop  }
0x1a0: {  	_ =	swait.ge [sflag:s15], $0x8000  }
0x1a1: {  	[sflag:s15] =	ssyncset.done $0x0  }
0x1a2: {  	[sflag:s15] =	ssyncadd.s32 $0xFFFF8000  }
0x1a3: {  	s7 =	smax.u32 s17, $0x20  }
0x1a4: {  	s8 =	sadd.s32 $0xFFFFFFE0, s7  }
.LBB2_27:
0x1a5: {  	s7 =	sshll.u32 s8, $0xA;
	s9 =	sshll.u32 s8, $0x7  }
0x1a6: {  	s7 =	sand.u32 $0x7FFFE000, s7;
	s9 =	sand.u32 $0x380, s9  }
0x1a7: {  	s9 =	sor.u32 s9, s7;
	s7 =	simm.s32 $0x0  }
0x1a8: {  	s9 =	sadd.s32 $0x9000, s9;
	s10 =	sand.u32 $0x1C00, s7  }
0x1a9: {  	s13 =	sand.u32 $0x70, s7;
	s14 =	sadd.s32 s10, s9  }
0x1aa: {  	s10 =	simm.s32 $0x10;
	s13 =	sadd.s32 s13, s14  }
.LBB2_28:
0x1ab: {  	p0 =	sne.s32 s10, $0x3F0  }
0x1ac: {  	[tilespmem:s13+$0x0] =	vst v1;
	s7 =	sadd.s32 $0x80, s7;
	s13 =	smov.u32 s10;
	s10 =	sadd.s32 $0x10, s10  }
.Ltmp18:
0x1ad: {  	(pc) =	sbr.rel @p0 .LBB2_28-.Ltmp18, $4  }
0x1ae: {  	_ = 	snop  }
0x1af: {  	s14 =	sand.u32 $0x1C00, s7  }
0x1b0: {  	s13 =	sand.u32 $0x70, s13;
	s14 =	sadd.s32 s14, s9  }
0x1b1: {  	s13 =	sadd.s32 s13, s14  }
0x1b2: {  	p0 =	slt.u32 s8, $0x1F  }
.Ltmp19:
0x1b3: {  	_ = 	snop;
	(pc) =	sbr.rel @p0 .LBB2_27-.Ltmp19, $3  }
0x1b4: {  	_ =	sdelay $0x1  }
0x1b5: {  	s7 =	sadd.s32 $0x1, s8  }
0x1b6: {  	[tilespmem:s13+$0x0] =	vst v1;
	s8 =	smov.u32 s7  }
.LBB2_30:
0x1b7: {  	p1 =	slt.s32 s18, $0x81  }
.Ltmp20:
0x1b8: {  	_ = 	snop;
	(pc) =	sbr.rel @p1 .LBB2_32-.Ltmp20, $4  }
0x1b9: {  	_ = 	snop  }
0x1ba: {  	s7 =	rddreg [dreg:$0x8];
	s8 =	simm.s32 $0x9000  }
0x1bb: {  	[hbm4b:s7+s6] =	stream.linear.scatter [tilespmem:s8], [sflag:$0x6], $0x8000, $0x38;
	[tilespmem:$0x1D080] =	vst v63  }
0x1bc: {  	s7 =	simm.s32 $0x9000  }
0x1bd: {  	s8 =	simm.s32 $0x6  }
0x1be: {  	_ =	swait.ge [sflag:s8], $0x8000  }
0x1bf: {  	[sflag:s8] =	ssyncset.done $0x0  }
0x1c0: {  	[sflag:s8] =	ssyncadd.s32 $0xFFFF8000  }
0x1c1: {  	v7 =	vld [tilespmem:$0xA00];
	_ =	sdelay $0x4  }
0x1c2: {  	v8 =	vshll.u32 v7, $0x3  }
0x1c3: {  	v7 =	vand.u32 $0x7, v7;
	v8 =	vand.u32 $0xFFFFFFC0, v8  }
0x1c4: {  	v7 =	vor.u32 v7, v8  }
0x1c5: {  	v8 =	vperm.xlane v7, v4;
	_ =	sdelay $0x1  }
0x1c6: {  	v8 =	vadd.s32 v5, v8;
	_ =	sdelay $0x4  }
0x1c7: {  	[tilespmem:s7], [sflag:$0x3] =	stream.indirect_vreg.gather [hbm4b:s2+s6], $0x80, v8, vm0, $0xb8;
	[tilespmem:$0x1D080] =	vst v63  }
0x1c8: {  	s9 =	simm.s32 $0x9800;
	v7 =	vperm.xlane v7, v6  }
0x1c9: {  	[tilespmem:s9], [sflag:$0x3] =	stream.indirect_vreg.gather [hbm4b:s25+s6], $0x80, v8, vm0, $0xb8;
	[tilespmem:$0x1D080] =	vst v63  }
0x1ca: {  	s10 =	simm.s32 $0xA000;
	v7 =	vadd.s32 v5, v7  }
0x1cb: {  	[tilespmem:s10], [sflag:$0x3] =	stream.indirect_vreg.gather [hbm4b:s26+s6], $0x80, v8, vm0, $0xb8;
	[tilespmem:$0x1D080] =	vst v63  }
0x1cc: {  	s13 =	simm.s32 $0xA800  }
0x1cd: {  	[tilespmem:s13], [sflag:$0x3] =	stream.indirect_vreg.gather [hbm4b:s24+s6], $0x80, v8, vm0, $0xb8;
	[tilespmem:$0x1D080] =	vst v63  }
0x1ce: {  	s14 =	simm.s32 $0xB000  }
0x1cf: {  	[tilespmem:s14], [sflag:$0x3] =	stream.indirect_vreg.gather [hbm4b:s2+s6], $0x80, v7, vm0, $0xb8;
	[tilespmem:$0x1D080] =	vst v63  }
0x1d0: {  	s19 =	simm.s32 $0xB800  }
0x1d1: {  	[tilespmem:s19], [sflag:$0x3] =	stream.indirect_vreg.gather [hbm4b:s25+s6], $0x80, v7, vm0, $0xb8;
	[tilespmem:$0x1D080] =	vst v63  }
0x1d2: {  	s22 =	simm.s32 $0xC000  }
0x1d3: {  	[tilespmem:s22], [sflag:$0x3] =	stream.indirect_vreg.gather [hbm4b:s26+s6], $0x80, v7, vm0, $0xb8;
	[tilespmem:$0x1D080] =	vst v63  }
0x1d4: {  	s28 =	simm.s32 $0xC800  }
0x1d5: {  	[tilespmem:s28], [sflag:$0x3] =	stream.indirect_vreg.gather [hbm4b:s24+s6], $0x80, v7, vm0, $0xb8;
	[tilespmem:$0x1D080] =	vst v63  }
0x1d6: {  	v7 =	vld [tilespmem:$0xA10];
	_ =	sdelay $0x4  }
0x1d7: {  	v8 =	vshll.u32 v7, $0x3  }
0x1d8: {  	v7 =	vand.u32 $0x7, v7;
	v8 =	vand.u32 $0xFFFFFFC0, v8  }
0x1d9: {  	v7 =	vor.u32 v7, v8  }
0x1da: {  	v8 =	vperm.xlane v7, v4;
	_ =	sdelay $0x1  }
0x1db: {  	v8 =	vadd.s32 v5, v8;
	_ =	sdelay $0x3  }
0x1dc: {  	s8 =	simm.s32 $0xD000  }
0x1dd: {  	[tilespmem:s8], [sflag:$0x3] =	stream.indirect_vreg.gather [hbm4b:s2+s6], $0x80, v8, vm0, $0xb8;
	[tilespmem:$0x1D080] =	vst v63  }
0x1de: {  	s9 =	simm.s32 $0xD800;
	v7 =	vperm.xlane v7, v6  }
0x1df: {  	[tilespmem:s9], [sflag:$0x3] =	stream.indirect_vreg.gather [hbm4b:s25+s6], $0x80, v8, vm0, $0xb8;
	[tilespmem:$0x1D080] =	vst v63  }
0x1e0: {  	s10 =	simm.s32 $0xE000;
	v7 =	vadd.s32 v5, v7  }
0x1e1: {  	[tilespmem:s10], [sflag:$0x3] =	stream.indirect_vreg.gather [hbm4b:s26+s6], $0x80, v8, vm0, $0xb8;
	[tilespmem:$0x1D080] =	vst v63  }
0x1e2: {  	s13 =	simm.s32 $0xE800  }
0x1e3: {  	[tilespmem:s13], [sflag:$0x3] =	stream.indirect_vreg.gather [hbm4b:s24+s6], $0x80, v8, vm0, $0xb8;
	[tilespmem:$0x1D080] =	vst v63  }
0x1e4: {  	s14 =	simm.s32 $0xF000  }
0x1e5: {  	[tilespmem:s14], [sflag:$0x3] =	stream.indirect_vreg.gather [hbm4b:s2+s6], $0x80, v7, vm0, $0xb8;
	[tilespmem:$0x1D080] =	vst v63  }
0x1e6: {  	s19 =	simm.s32 $0xF800  }
0x1e7: {  	[tilespmem:s19], [sflag:$0x3] =	stream.indirect_vreg.gather [hbm4b:s25+s6], $0x80, v7, vm0, $0xb8;
	[tilespmem:$0x1D080] =	vst v63  }
.Ltmp21:
0x1e8: {  	_ = 	snop;
	(pc) =	sbr.rel .LBB2_33-.Ltmp21, $4  }
0x1e9: {  	s22 =	simm.s32 $0x10000  }
0x1ea: {  	[tilespmem:s22], [sflag:$0x3] =	stream.indirect_vreg.gather [hbm4b:s26+s6], $0x80, v7, vm0, $0xb8;
	[tilespmem:$0x1D080] =	vst v63  }
0x1eb: {  	s28 =	simm.s32 $0x10800  }
0x1ec: {  	[tilespmem:s28], [sflag:$0x3] =	stream.indirect_vreg.gather [hbm4b:s24+s6], $0x80, v7, vm0, $0xb8;
	[tilespmem:$0x1D080] =	vst v63  }
.LBB2_32:
.Ltmp22:
0x1ed: {  	(pc) =	sbr.rel @p5 .LBB2_141-.Ltmp22, $2  }
0x1ee: {  	_ =	sdelay $0x2  }
0x1ef: {  	p4 =	por $0x0, $0x0;
	p2 =	por $0x0, $0x0;
	p0 =	por $0x0, $0x0  }
.LBB2_33:
0x1f0: {  	p0 =	sgt.u32 s18, $0x5F  }
.Ltmp23:
0x1f1: {  	_ = 	snop;
	(pc) =	sbr.rel @p0 .LBB2_38-.Ltmp23, $4  }
0x1f2: {  	s7 =	simm.s32 $0x4  }
0x1f3: {  	_ =	swait.ge [sflag:s7], $0x8000  }
0x1f4: {  	[sflag:s7] =	ssyncset.done $0x0  }
0x1f5: {  	[sflag:s7] =	ssyncadd.s32 $0xFFFF8000  }
0x1f6: {  	s7 =	smax.u32 s17, $0x40  }
0x1f7: {  	s7 =	smin.u32 s7, $0x60  }
0x1f8: {  	s8 =	sadd.s32 $0xFFFFFFC0, s7  }
.LBB2_35:
0x1f9: {  	s7 =	sshll.u32 s8, $0xA;
	s9 =	sshll.u32 s8, $0x7  }
0x1fa: {  	s7 =	sand.u32 $0x6000, s7;
	s9 =	sand.u32 $0x380, s9  }
0x1fb: {  	s9 =	sor.u32 s9, s7;
	s7 =	simm.s32 $0x0  }
0x1fc: {  	s9 =	sor.u32 $0x11000, s9;
	s10 =	sand.u32 $0x1C00, s7  }
0x1fd: {  	s13 =	sand.u32 $0x70, s7;
	s14 =	sadd.s32 s10, s9  }
0x1fe: {  	s10 =	simm.s32 $0x10;
	s13 =	sadd.s32 s13, s14  }
.LBB2_36:
0x1ff: {  	p0 =	sne.s32 s10, $0x3F0  }
0x200: {  	[tilespmem:s13+$0x0] =	vst v1;
	s7 =	sadd.s32 $0x80, s7;
	s13 =	smov.u32 s10;
	s10 =	sadd.s32 $0x10, s10  }
.Ltmp24:
0x201: {  	(pc) =	sbr.rel @p0 .LBB2_36-.Ltmp24, $4  }
0x202: {  	_ = 	snop  }
0x203: {  	s14 =	sand.u32 $0x1C00, s7  }
0x204: {  	s13 =	sand.u32 $0x70, s13;
	s14 =	sadd.s32 s14, s9  }
0x205: {  	s13 =	sadd.s32 s13, s14  }
0x206: {  	p0 =	slt.u32 s8, $0x1F  }
.Ltmp25:
0x207: {  	_ = 	snop;
	(pc) =	sbr.rel @p0 .LBB2_35-.Ltmp25, $3  }
0x208: {  	_ =	sdelay $0x1  }
0x209: {  	s7 =	sadd.s32 $0x1, s8  }
0x20a: {  	[tilespmem:s13+$0x0] =	vst v1;
	s8 =	smov.u32 s7  }
.LBB2_38:
0x20b: {  	p5 =	slt.s32 s18, $0xA1  }
.Ltmp26:
0x20c: {  	_ = 	snop;
	(pc) =	sbr.rel @p5 .LBB2_40-.Ltmp26, $4  }
0x20d: {  	_ = 	snop  }
0x20e: {  	s7 =	rddreg [dreg:$0x9];
	s8 =	simm.s32 $0x11000  }
0x20f: {  	[hbm4b:s7+s6] =	stream.linear.scatter [tilespmem:s8], [sflag:$0x7], $0x8000, $0x38;
	[tilespmem:$0x1D080] =	vst v63  }
0x210: {  	s7 =	simm.s32 $0x11000  }
0x211: {  	s8 =	simm.s32 $0x7  }
0x212: {  	_ =	swait.ge [sflag:s8], $0x8000  }
0x213: {  	[sflag:s8] =	ssyncset.done $0x0  }
0x214: {  	[sflag:s8] =	ssyncadd.s32 $0xFFFF8000  }
0x215: {  	v7 =	vld [tilespmem:$0xA80];
	_ =	sdelay $0x4  }
0x216: {  	v8 =	vshll.u32 v7, $0x3  }
0x217: {  	v7 =	vand.u32 $0x7, v7;
	v8 =	vand.u32 $0xFFFFFFC0, v8  }
0x218: {  	v7 =	vor.u32 v7, v8  }
0x219: {  	v8 =	vperm.xlane v7, v4;
	_ =	sdelay $0x1  }
0x21a: {  	v8 =	vadd.s32 v5, v8;
	_ =	sdelay $0x4  }
0x21b: {  	[tilespmem:s7], [sflag:$0x4] =	stream.indirect_vreg.gather [hbm4b:s2+s6], $0x80, v8, vm0, $0xb8;
	[tilespmem:$0x1D080] =	vst v63  }
0x21c: {  	s9 =	simm.s32 $0x11800;
	v7 =	vperm.xlane v7, v6  }
0x21d: {  	[tilespmem:s9], [sflag:$0x4] =	stream.indirect_vreg.gather [hbm4b:s25+s6], $0x80, v8, vm0, $0xb8;
	[tilespmem:$0x1D080] =	vst v63  }
0x21e: {  	s10 =	simm.s32 $0x12000;
	v7 =	vadd.s32 v5, v7  }
0x21f: {  	[tilespmem:s10], [sflag:$0x4] =	stream.indirect_vreg.gather [hbm4b:s26+s6], $0x80, v8, vm0, $0xb8;
	[tilespmem:$0x1D080] =	vst v63  }
0x220: {  	s13 =	simm.s32 $0x12800  }
0x221: {  	[tilespmem:s13], [sflag:$0x4] =	stream.indirect_vreg.gather [hbm4b:s24+s6], $0x80, v8, vm0, $0xb8;
	[tilespmem:$0x1D080] =	vst v63  }
0x222: {  	s14 =	simm.s32 $0x13000  }
0x223: {  	[tilespmem:s14], [sflag:$0x4] =	stream.indirect_vreg.gather [hbm4b:s2+s6], $0x80, v7, vm0, $0xb8;
	[tilespmem:$0x1D080] =	vst v63  }
0x224: {  	s19 =	simm.s32 $0x13800  }
0x225: {  	[tilespmem:s19], [sflag:$0x4] =	stream.indirect_vreg.gather [hbm4b:s25+s6], $0x80, v7, vm0, $0xb8;
	[tilespmem:$0x1D080] =	vst v63  }
0x226: {  	s22 =	simm.s32 $0x14000  }
0x227: {  	[tilespmem:s22], [sflag:$0x4] =	stream.indirect_vreg.gather [hbm4b:s26+s6], $0x80, v7, vm0, $0xb8;
	[tilespmem:$0x1D080] =	vst v63  }
0x228: {  	s28 =	simm.s32 $0x14800  }
0x229: {  	[tilespmem:s28], [sflag:$0x4] =	stream.indirect_vreg.gather [hbm4b:s24+s6], $0x80, v7, vm0, $0xb8;
	[tilespmem:$0x1D080] =	vst v63  }
0x22a: {  	v7 =	vld [tilespmem:$0xA90];
	_ =	sdelay $0x4  }
0x22b: {  	v8 =	vshll.u32 v7, $0x3  }
0x22c: {  	v7 =	vand.u32 $0x7, v7;
	v8 =	vand.u32 $0xFFFFFFC0, v8  }
0x22d: {  	v7 =	vor.u32 v7, v8  }
0x22e: {  	v8 =	vperm.xlane v7, v4;
	_ =	sdelay $0x1  }
0x22f: {  	v8 =	vadd.s32 v5, v8;
	_ =	sdelay $0x3  }
0x230: {  	s8 =	simm.s32 $0x15000  }
0x231: {  	[tilespmem:s8], [sflag:$0x4] =	stream.indirect_vreg.gather [hbm4b:s2+s6], $0x80, v8, vm0, $0xb8;
	[tilespmem:$0x1D080] =	vst v63  }
0x232: {  	s9 =	simm.s32 $0x15800;
	v7 =	vperm.xlane v7, v6  }
0x233: {  	[tilespmem:s9], [sflag:$0x4] =	stream.indirect_vreg.gather [hbm4b:s25+s6], $0x80, v8, vm0, $0xb8;
	[tilespmem:$0x1D080] =	vst v63  }
0x234: {  	s10 =	simm.s32 $0x16000;
	v7 =	vadd.s32 v5, v7  }
0x235: {  	[tilespmem:s10], [sflag:$0x4] =	stream.indirect_vreg.gather [hbm4b:s26+s6], $0x80, v8, vm0, $0xb8;
	[tilespmem:$0x1D080] =	vst v63  }
0x236: {  	s13 =	simm.s32 $0x16800  }
0x237: {  	[tilespmem:s13], [sflag:$0x4] =	stream.indirect_vreg.gather [hbm4b:s24+s6], $0x80, v8, vm0, $0xb8;
	[tilespmem:$0x1D080] =	vst v63  }
0x238: {  	s14 =	simm.s32 $0x17000  }
0x239: {  	[tilespmem:s14], [sflag:$0x4] =	stream.indirect_vreg.gather [hbm4b:s2+s6], $0x80, v7, vm0, $0xb8;
	[tilespmem:$0x1D080] =	vst v63  }
0x23a: {  	s19 =	simm.s32 $0x17800  }
0x23b: {  	[tilespmem:s19], [sflag:$0x4] =	stream.indirect_vreg.gather [hbm4b:s25+s6], $0x80, v7, vm0, $0xb8;
	[tilespmem:$0x1D080] =	vst v63  }
.Ltmp27:
0x23c: {  	_ = 	snop;
	(pc) =	sbr.rel .LBB2_41-.Ltmp27, $4  }
0x23d: {  	s22 =	simm.s32 $0x18000  }
0x23e: {  	[tilespmem:s22], [sflag:$0x4] =	stream.indirect_vreg.gather [hbm4b:s26+s6], $0x80, v7, vm0, $0xb8;
	[tilespmem:$0x1D080] =	vst v63  }
0x23f: {  	s28 =	simm.s32 $0x18800  }
0x240: {  	[tilespmem:s28], [sflag:$0x4] =	stream.indirect_vreg.gather [hbm4b:s24+s6], $0x80, v7, vm0, $0xb8;
	[tilespmem:$0x1D080] =	vst v63  }
.LBB2_40:
.Ltmp28:
0x241: {  	(pc) =	sbr.rel @p6 .LBB2_141-.Ltmp28, $2  }
0x242: {  	_ =	sdelay $0x2  }
0x243: {  	p4 =	por $0x0, $0x0;
	p2 =	por $0x0, $0x0;
	p0 =	por $0x0, $0x0  }
.LBB2_41:
0x244: {  	p0 =	sgt.u32 s18, $0x7F  }
.Ltmp29:
0x245: {  	_ = 	snop;
	(pc) =	sbr.rel @p0 .LBB2_46-.Ltmp29, $4  }
0x246: {  	_ = 	snop  }
0x247: {  	_ =	swait.ge [sflag:s23], $0x8000  }
0x248: {  	[sflag:s23] =	ssyncset.done $0x0  }
0x249: {  	[sflag:s23] =	ssyncadd.s32 $0xFFFF8000  }
0x24a: {  	s7 =	smax.u32 s17, $0x60  }
0x24b: {  	s8 =	sadd.s32 $0xFFFFFFA0, s7  }
.LBB2_43:
0x24c: {  	s7 =	sshll.u32 s8, $0xA;
	s9 =	sshll.u32 s8, $0x7  }
0x24d: {  	s7 =	sand.u32 $0x7FFFE000, s7;
	s9 =	sand.u32 $0x380, s9  }
0x24e: {  	s9 =	sor.u32 s9, s7;
	s7 =	simm.s32 $0x0  }
0x24f: {  	s9 =	sor.u32 $0x1000, s9;
	s10 =	sand.u32 $0x1C00, s7  }
0x250: {  	s13 =	sand.u32 $0x70, s7;
	s14 =	sadd.s32 s10, s9  }
0x251: {  	s10 =	simm.s32 $0x10;
	s13 =	sadd.s32 s13, s14  }
.LBB2_44:
0x252: {  	p0 =	sne.s32 s10, $0x3F0  }
0x253: {  	[tilespmem:s13+$0x0] =	vst v1;
	s7 =	sadd.s32 $0x80, s7;
	s13 =	smov.u32 s10;
	s10 =	sadd.s32 $0x10, s10  }
.Ltmp30:
0x254: {  	(pc) =	sbr.rel @p0 .LBB2_44-.Ltmp30, $4  }
0x255: {  	_ = 	snop  }
0x256: {  	s14 =	sand.u32 $0x1C00, s7  }
0x257: {  	s13 =	sand.u32 $0x70, s13;
	s14 =	sadd.s32 s14, s9  }
0x258: {  	s13 =	sadd.s32 s13, s14  }
0x259: {  	p0 =	slt.u32 s8, $0x1F  }
.Ltmp31:
0x25a: {  	_ = 	snop;
	(pc) =	sbr.rel @p0 .LBB2_43-.Ltmp31, $3  }
0x25b: {  	_ =	sdelay $0x1  }
0x25c: {  	s7 =	sadd.s32 $0x1, s8  }
0x25d: {  	[tilespmem:s13+$0x0] =	vst v1;
	s8 =	smov.u32 s7  }
.LBB2_46:
0x25e: {  	p3 =	slt.s32 s18, $0xC1  }
.Ltmp32:
0x25f: {  	_ = 	snop;
	(pc) =	sbr.rel @p3 .LBB2_48-.Ltmp32, $3  }
0x260: {  	_ =	sdelay $0x1  }
0x261: {  	s7 =	rddreg [dreg:$0xa]  }
0x262: {  	[hbm4b:s7+s6] =	stream.linear.scatter [tilespmem:s21], [sflag:$0x5], $0x8000, $0x38;
	[tilespmem:$0x1D080] =	vst v63  }
0x263: {  	s7 =	simm.s32 $0x5  }
0x264: {  	_ =	swait.ge [sflag:s7], $0x8000  }
0x265: {  	[sflag:s7] =	ssyncset.done $0x0  }
0x266: {  	[sflag:s7] =	ssyncadd.s32 $0xFFFF8000  }
0x267: {  	v7 =	vld [tilespmem:$0xB00];
	_ =	sdelay $0x4  }
0x268: {  	v8 =	vshll.u32 v7, $0x3  }
0x269: {  	v7 =	vand.u32 $0x7, v7;
	v8 =	vand.u32 $0xFFFFFFC0, v8  }
0x26a: {  	v7 =	vor.u32 v7, v8  }
0x26b: {  	v8 =	vperm.xlane v7, v4;
	_ =	sdelay $0x1  }
0x26c: {  	v8 =	vadd.s32 v5, v8;
	_ =	sdelay $0x4  }
0x26d: {  	[tilespmem:s21], [sflag:$0x2] =	stream.indirect_vreg.gather [hbm4b:s2+s6], $0x80, v8, vm0, $0xb8;
	[tilespmem:$0x1D080] =	vst v63  }
0x26e: {  	s9 =	simm.s32 $0x1800;
	v7 =	vperm.xlane v7, v6  }
0x26f: {  	[tilespmem:s9], [sflag:$0x2] =	stream.indirect_vreg.gather [hbm4b:s25+s6], $0x80, v8, vm0, $0xb8;
	[tilespmem:$0x1D080] =	vst v63  }
0x270: {  	s10 =	simm.s32 $0x2000;
	v7 =	vadd.s32 v5, v7  }
0x271: {  	[tilespmem:s10], [sflag:$0x2] =	stream.indirect_vreg.gather [hbm4b:s26+s6], $0x80, v8, vm0, $0xb8;
	[tilespmem:$0x1D080] =	vst v63  }
0x272: {  	s13 =	simm.s32 $0x2800  }
0x273: {  	[tilespmem:s13], [sflag:$0x2] =	stream.indirect_vreg.gather [hbm4b:s24+s6], $0x80, v8, vm0, $0xb8;
	[tilespmem:$0x1D080] =	vst v63  }
0x274: {  	s14 =	simm.s32 $0x3000  }
0x275: {  	[tilespmem:s14], [sflag:$0x2] =	stream.indirect_vreg.gather [hbm4b:s2+s6], $0x80, v7, vm0, $0xb8;
	[tilespmem:$0x1D080] =	vst v63  }
0x276: {  	s19 =	simm.s32 $0x3800  }
0x277: {  	[tilespmem:s19], [sflag:$0x2] =	stream.indirect_vreg.gather [hbm4b:s25+s6], $0x80, v7, vm0, $0xb8;
	[tilespmem:$0x1D080] =	vst v63  }
0x278: {  	s22 =	simm.s32 $0x4000  }
0x279: {  	[tilespmem:s22], [sflag:$0x2] =	stream.indirect_vreg.gather [hbm4b:s26+s6], $0x80, v7, vm0, $0xb8;
	[tilespmem:$0x1D080] =	vst v63  }
0x27a: {  	s28 =	simm.s32 $0x4800  }
0x27b: {  	[tilespmem:s28], [sflag:$0x2] =	stream.indirect_vreg.gather [hbm4b:s24+s6], $0x80, v7, vm0, $0xb8;
	[tilespmem:$0x1D080] =	vst v63  }
0x27c: {  	v7 =	vld [tilespmem:$0xB10];
	_ =	sdelay $0x4  }
0x27d: {  	v8 =	vshll.u32 v7, $0x3  }
0x27e: {  	v7 =	vand.u32 $0x7, v7;
	v8 =	vand.u32 $0xFFFFFFC0, v8  }
0x27f: {  	v7 =	vor.u32 v7, v8  }
0x280: {  	v8 =	vperm.xlane v7, v4;
	_ =	sdelay $0x1  }
0x281: {  	v8 =	vadd.s32 v5, v8;
	_ =	sdelay $0x3  }
0x282: {  	s8 =	simm.s32 $0x5000  }
0x283: {  	[tilespmem:s8], [sflag:$0x2] =	stream.indirect_vreg.gather [hbm4b:s2+s6], $0x80, v8, vm0, $0xb8;
	[tilespmem:$0x1D080] =	vst v63  }
0x284: {  	s9 =	simm.s32 $0x5800;
	v7 =	vperm.xlane v7, v6  }
0x285: {  	[tilespmem:s9], [sflag:$0x2] =	stream.indirect_vreg.gather [hbm4b:s25+s6], $0x80, v8, vm0, $0xb8;
	[tilespmem:$0x1D080] =	vst v63  }
0x286: {  	s10 =	simm.s32 $0x6000;
	v7 =	vadd.s32 v5, v7  }
0x287: {  	[tilespmem:s10], [sflag:$0x2] =	stream.indirect_vreg.gather [hbm4b:s26+s6], $0x80, v8, vm0, $0xb8;
	[tilespmem:$0x1D080] =	vst v63  }
0x288: {  	s13 =	simm.s32 $0x6800  }
0x289: {  	[tilespmem:s13], [sflag:$0x2] =	stream.indirect_vreg.gather [hbm4b:s24+s6], $0x80, v8, vm0, $0xb8;
	[tilespmem:$0x1D080] =	vst v63  }
0x28a: {  	s14 =	simm.s32 $0x7000  }
0x28b: {  	[tilespmem:s14], [sflag:$0x2] =	stream.indirect_vreg.gather [hbm4b:s2+s6], $0x80, v7, vm0, $0xb8;
	[tilespmem:$0x1D080] =	vst v63  }
0x28c: {  	s19 =	simm.s32 $0x7800  }
0x28d: {  	[tilespmem:s19], [sflag:$0x2] =	stream.indirect_vreg.gather [hbm4b:s25+s6], $0x80, v7, vm0, $0xb8;
	[tilespmem:$0x1D080] =	vst v63  }
.Ltmp33:
0x28e: {  	_ = 	snop;
	(pc) =	sbr.rel .LBB2_49-.Ltmp33, $4  }
0x28f: {  	s22 =	simm.s32 $0x8000  }
0x290: {  	[tilespmem:s22], [sflag:$0x2] =	stream.indirect_vreg.gather [hbm4b:s26+s6], $0x80, v7, vm0, $0xb8;
	[tilespmem:$0x1D080] =	vst v63  }
0x291: {  	s28 =	simm.s32 $0x8800  }
0x292: {  	[tilespmem:s28], [sflag:$0x2] =	stream.indirect_vreg.gather [hbm4b:s24+s6], $0x80, v7, vm0, $0xb8;
	[tilespmem:$0x1D080] =	vst v63  }
.LBB2_48:
.Ltmp34:
0x293: {  	(pc) =	sbr.rel @p1 .LBB2_141-.Ltmp34, $2  }
0x294: {  	_ =	sdelay $0x2  }
0x295: {  	p4 =	por $0x0, $0x0;
	p2 =	por $0x0, $0x0;
	p0 =	por $0x0, $0x0  }
.LBB2_49:
0x296: {  	p0 =	sgt.u32 s18, $0x9F  }
.Ltmp35:
0x297: {  	_ = 	snop;
	(pc) =	sbr.rel @p0 .LBB2_54-.Ltmp35, $4  }
0x298: {  	_ = 	snop  }
0x299: {  	_ =	swait.ge [sflag:s15], $0x8000  }
0x29a: {  	[sflag:s15] =	ssyncset.done $0x0  }
0x29b: {  	[sflag:s15] =	ssyncadd.s32 $0xFFFF8000  }
0x29c: {  	s7 =	smax.u32 s17, $0x80  }
0x29d: {  	s7 =	smin.u32 s7, $0xA0  }
0x29e: {  	s8 =	sadd.s32 $0xFFFFFF80, s7  }
.LBB2_51:
0x29f: {  	s7 =	sshll.u32 s8, $0xA;
	s9 =	sshll.u32 s8, $0x7  }
0x2a0: {  	s7 =	sand.u32 $0x6000, s7;
	s9 =	sand.u32 $0x380, s9  }
0x2a1: {  	s9 =	sor.u32 s9, s7;
	s7 =	simm.s32 $0x0  }
0x2a2: {  	s9 =	sor.u32 $0x9000, s9;
	s10 =	sand.u32 $0x1C00, s7  }
0x2a3: {  	s13 =	sand.u32 $0x70, s7;
	s14 =	sadd.s32 s10, s9  }
0x2a4: {  	s10 =	simm.s32 $0x10;
	s13 =	sadd.s32 s13, s14  }
.LBB2_52:
0x2a5: {  	p0 =	sne.s32 s10, $0x3F0  }
0x2a6: {  	[tilespmem:s13+$0x0] =	vst v1;
	s7 =	sadd.s32 $0x80, s7;
	s13 =	smov.u32 s10;
	s10 =	sadd.s32 $0x10, s10  }
.Ltmp36:
0x2a7: {  	(pc) =	sbr.rel @p0 .LBB2_52-.Ltmp36, $4  }
0x2a8: {  	_ = 	snop  }
0x2a9: {  	s14 =	sand.u32 $0x1C00, s7  }
0x2aa: {  	s13 =	sand.u32 $0x70, s13;
	s14 =	sadd.s32 s14, s9  }
0x2ab: {  	s13 =	sadd.s32 s13, s14  }
0x2ac: {  	p0 =	slt.u32 s8, $0x1F  }
.Ltmp37:
0x2ad: {  	_ = 	snop;
	(pc) =	sbr.rel @p0 .LBB2_51-.Ltmp37, $3  }
0x2ae: {  	_ =	sdelay $0x1  }
0x2af: {  	s7 =	sadd.s32 $0x1, s8  }
0x2b0: {  	[tilespmem:s13+$0x0] =	vst v1;
	s8 =	smov.u32 s7  }
.LBB2_54:
0x2b1: {  	p1 =	slt.s32 s18, $0xE1  }
.Ltmp38:
0x2b2: {  	_ = 	snop;
	(pc) =	sbr.rel @p1 .LBB2_56-.Ltmp38, $4  }
0x2b3: {  	_ = 	snop  }
0x2b4: {  	s7 =	rddreg [dreg:$0xb];
	s8 =	simm.s32 $0x9000  }
0x2b5: {  	[hbm4b:s7+s6] =	stream.linear.scatter [tilespmem:s8], [sflag:$0x6], $0x8000, $0x38;
	[tilespmem:$0x1D080] =	vst v63  }
0x2b6: {  	s7 =	simm.s32 $0x9000  }
0x2b7: {  	s8 =	simm.s32 $0x6  }
0x2b8: {  	_ =	swait.ge [sflag:s8], $0x8000  }
0x2b9: {  	[sflag:s8] =	ssyncset.done $0x0  }
0x2ba: {  	[sflag:s8] =	ssyncadd.s32 $0xFFFF8000  }
0x2bb: {  	v7 =	vld [tilespmem:$0xB80];
	_ =	sdelay $0x4  }
0x2bc: {  	v8 =	vshll.u32 v7, $0x3  }
0x2bd: {  	v7 =	vand.u32 $0x7, v7;
	v8 =	vand.u32 $0xFFFFFFC0, v8  }
0x2be: {  	v7 =	vor.u32 v7, v8  }
0x2bf: {  	v8 =	vperm.xlane v7, v4;
	_ =	sdelay $0x1  }
0x2c0: {  	v8 =	vadd.s32 v5, v8;
	_ =	sdelay $0x4  }
0x2c1: {  	[tilespmem:s7], [sflag:$0x3] =	stream.indirect_vreg.gather [hbm4b:s2+s6], $0x80, v8, vm0, $0xb8;
	[tilespmem:$0x1D080] =	vst v63  }
0x2c2: {  	s9 =	simm.s32 $0x9800;
	v7 =	vperm.xlane v7, v6  }
0x2c3: {  	[tilespmem:s9], [sflag:$0x3] =	stream.indirect_vreg.gather [hbm4b:s25+s6], $0x80, v8, vm0, $0xb8;
	[tilespmem:$0x1D080] =	vst v63  }
0x2c4: {  	s10 =	simm.s32 $0xA000;
	v7 =	vadd.s32 v5, v7  }
0x2c5: {  	[tilespmem:s10], [sflag:$0x3] =	stream.indirect_vreg.gather [hbm4b:s26+s6], $0x80, v8, vm0, $0xb8;
	[tilespmem:$0x1D080] =	vst v63  }
0x2c6: {  	s13 =	simm.s32 $0xA800  }
0x2c7: {  	[tilespmem:s13], [sflag:$0x3] =	stream.indirect_vreg.gather [hbm4b:s24+s6], $0x80, v8, vm0, $0xb8;
	[tilespmem:$0x1D080] =	vst v63  }
0x2c8: {  	s14 =	simm.s32 $0xB000  }
0x2c9: {  	[tilespmem:s14], [sflag:$0x3] =	stream.indirect_vreg.gather [hbm4b:s2+s6], $0x80, v7, vm0, $0xb8;
	[tilespmem:$0x1D080] =	vst v63  }
0x2ca: {  	s19 =	simm.s32 $0xB800  }
0x2cb: {  	[tilespmem:s19], [sflag:$0x3] =	stream.indirect_vreg.gather [hbm4b:s25+s6], $0x80, v7, vm0, $0xb8;
	[tilespmem:$0x1D080] =	vst v63  }
0x2cc: {  	s22 =	simm.s32 $0xC000  }
0x2cd: {  	[tilespmem:s22], [sflag:$0x3] =	stream.indirect_vreg.gather [hbm4b:s26+s6], $0x80, v7, vm0, $0xb8;
	[tilespmem:$0x1D080] =	vst v63  }
0x2ce: {  	s28 =	simm.s32 $0xC800  }
0x2cf: {  	[tilespmem:s28], [sflag:$0x3] =	stream.indirect_vreg.gather [hbm4b:s24+s6], $0x80, v7, vm0, $0xb8;
	[tilespmem:$0x1D080] =	vst v63  }
0x2d0: {  	v7 =	vld [tilespmem:$0xB90];
	_ =	sdelay $0x4  }
0x2d1: {  	v8 =	vshll.u32 v7, $0x3  }
0x2d2: {  	v7 =	vand.u32 $0x7, v7;
	v8 =	vand.u32 $0xFFFFFFC0, v8  }
0x2d3: {  	v7 =	vor.u32 v7, v8  }
0x2d4: {  	v8 =	vperm.xlane v7, v4;
	_ =	sdelay $0x1  }
0x2d5: {  	v8 =	vadd.s32 v5, v8;
	_ =	sdelay $0x3  }
0x2d6: {  	s8 =	simm.s32 $0xD000  }
0x2d7: {  	[tilespmem:s8], [sflag:$0x3] =	stream.indirect_vreg.gather [hbm4b:s2+s6], $0x80, v8, vm0, $0xb8;
	[tilespmem:$0x1D080] =	vst v63  }
0x2d8: {  	s9 =	simm.s32 $0xD800;
	v7 =	vperm.xlane v7, v6  }
0x2d9: {  	[tilespmem:s9], [sflag:$0x3] =	stream.indirect_vreg.gather [hbm4b:s25+s6], $0x80, v8, vm0, $0xb8;
	[tilespmem:$0x1D080] =	vst v63  }
0x2da: {  	s10 =	simm.s32 $0xE000;
	v7 =	vadd.s32 v5, v7  }
0x2db: {  	[tilespmem:s10], [sflag:$0x3] =	stream.indirect_vreg.gather [hbm4b:s26+s6], $0x80, v8, vm0, $0xb8;
	[tilespmem:$0x1D080] =	vst v63  }
0x2dc: {  	s13 =	simm.s32 $0xE800  }
0x2dd: {  	[tilespmem:s13], [sflag:$0x3] =	stream.indirect_vreg.gather [hbm4b:s24+s6], $0x80, v8, vm0, $0xb8;
	[tilespmem:$0x1D080] =	vst v63  }
0x2de: {  	s14 =	simm.s32 $0xF000  }
0x2df: {  	[tilespmem:s14], [sflag:$0x3] =	stream.indirect_vreg.gather [hbm4b:s2+s6], $0x80, v7, vm0, $0xb8;
	[tilespmem:$0x1D080] =	vst v63  }
0x2e0: {  	s19 =	simm.s32 $0xF800  }
0x2e1: {  	[tilespmem:s19], [sflag:$0x3] =	stream.indirect_vreg.gather [hbm4b:s25+s6], $0x80, v7, vm0, $0xb8;
	[tilespmem:$0x1D080] =	vst v63  }
.Ltmp39:
0x2e2: {  	_ = 	snop;
	(pc) =	sbr.rel .LBB2_57-.Ltmp39, $4  }
0x2e3: {  	s22 =	simm.s32 $0x10000  }
0x2e4: {  	[tilespmem:s22], [sflag:$0x3] =	stream.indirect_vreg.gather [hbm4b:s26+s6], $0x80, v7, vm0, $0xb8;
	[tilespmem:$0x1D080] =	vst v63  }
0x2e5: {  	s28 =	simm.s32 $0x10800  }
0x2e6: {  	[tilespmem:s28], [sflag:$0x3] =	stream.indirect_vreg.gather [hbm4b:s24+s6], $0x80, v7, vm0, $0xb8;
	[tilespmem:$0x1D080] =	vst v63  }
.LBB2_56:
.Ltmp40:
0x2e7: {  	(pc) =	sbr.rel @p5 .LBB2_141-.Ltmp40, $2  }
0x2e8: {  	_ =	sdelay $0x2  }
0x2e9: {  	p4 =	por $0x0, $0x0;
	p2 =	por $0x0, $0x0;
	p0 =	por $0x0, $0x0  }
.LBB2_57:
0x2ea: {  	p0 =	sgt.u32 s18, $0xBF  }
.Ltmp41:
0x2eb: {  	_ = 	snop;
	(pc) =	sbr.rel @p0 .LBB2_62-.Ltmp41, $4  }
0x2ec: {  	s7 =	simm.s32 $0x4  }
0x2ed: {  	_ =	swait.ge [sflag:s7], $0x8000  }
0x2ee: {  	[sflag:s7] =	ssyncset.done $0x0  }
0x2ef: {  	[sflag:s7] =	ssyncadd.s32 $0xFFFF8000  }
0x2f0: {  	s7 =	smax.u32 s17, $0xA0  }
0x2f1: {  	s7 =	smin.u32 s7, $0xC0  }
0x2f2: {  	s8 =	sadd.s32 $0xFFFFFF60, s7  }
.LBB2_59:
0x2f3: {  	s7 =	sshll.u32 s8, $0xA;
	s9 =	sshll.u32 s8, $0x7  }
0x2f4: {  	s7 =	sand.u32 $0x7FFFE000, s7;
	s9 =	sand.u32 $0x380, s9  }
0x2f5: {  	s9 =	sor.u32 s9, s7;
	s7 =	simm.s32 $0x0  }
0x2f6: {  	s9 =	sadd.s32 $0x11000, s9;
	s10 =	sand.u32 $0x1C00, s7  }
0x2f7: {  	s13 =	sand.u32 $0x70, s7;
	s14 =	sadd.s32 s10, s9  }
0x2f8: {  	s10 =	simm.s32 $0x10;
	s13 =	sadd.s32 s13, s14  }
.LBB2_60:
0x2f9: {  	p0 =	sne.s32 s10, $0x3F0  }
0x2fa: {  	[tilespmem:s13+$0x0] =	vst v1;
	s7 =	sadd.s32 $0x80, s7;
	s13 =	smov.u32 s10;
	s10 =	sadd.s32 $0x10, s10  }
.Ltmp42:
0x2fb: {  	(pc) =	sbr.rel @p0 .LBB2_60-.Ltmp42, $4  }
0x2fc: {  	_ = 	snop  }
0x2fd: {  	s14 =	sand.u32 $0x1C00, s7  }
0x2fe: {  	s13 =	sand.u32 $0x70, s13;
	s14 =	sadd.s32 s14, s9  }
0x2ff: {  	s13 =	sadd.s32 s13, s14  }
0x300: {  	p0 =	slt.u32 s8, $0x1F  }
.Ltmp43:
0x301: {  	_ = 	snop;
	(pc) =	sbr.rel @p0 .LBB2_59-.Ltmp43, $3  }
0x302: {  	_ =	sdelay $0x1  }
0x303: {  	s7 =	sadd.s32 $0x1, s8  }
0x304: {  	[tilespmem:s13+$0x0] =	vst v1;
	s8 =	smov.u32 s7  }
.LBB2_62:
0x305: {  	p5 =	slt.s32 s18, $0x101  }
.Ltmp44:
0x306: {  	_ = 	snop;
	(pc) =	sbr.rel @p5 .LBB2_64-.Ltmp44, $4  }
0x307: {  	_ = 	snop  }
0x308: {  	s7 =	rddreg [dreg:$0xc];
	s8 =	simm.s32 $0x11000  }
0x309: {  	[hbm4b:s7+s6] =	stream.linear.scatter [tilespmem:s8], [sflag:$0x7], $0x8000, $0x38;
	[tilespmem:$0x1D080] =	vst v63  }
0x30a: {  	s7 =	simm.s32 $0x11000  }
0x30b: {  	s8 =	simm.s32 $0x7  }
0x30c: {  	_ =	swait.ge [sflag:s8], $0x8000  }
0x30d: {  	[sflag:s8] =	ssyncset.done $0x0  }
0x30e: {  	[sflag:s8] =	ssyncadd.s32 $0xFFFF8000  }
0x30f: {  	v7 =	vld [tilespmem:$0xC00];
	_ =	sdelay $0x4  }
0x310: {  	v8 =	vshll.u32 v7, $0x3  }
0x311: {  	v7 =	vand.u32 $0x7, v7;
	v8 =	vand.u32 $0xFFFFFFC0, v8  }
0x312: {  	v7 =	vor.u32 v7, v8  }
0x313: {  	v8 =	vperm.xlane v7, v4;
	_ =	sdelay $0x1  }
0x314: {  	v8 =	vadd.s32 v5, v8;
	_ =	sdelay $0x4  }
0x315: {  	[tilespmem:s7], [sflag:$0x4] =	stream.indirect_vreg.gather [hbm4b:s2+s6], $0x80, v8, vm0, $0xb8;
	[tilespmem:$0x1D080] =	vst v63  }
0x316: {  	s9 =	simm.s32 $0x11800;
	v7 =	vperm.xlane v7, v6  }
0x317: {  	[tilespmem:s9], [sflag:$0x4] =	stream.indirect_vreg.gather [hbm4b:s25+s6], $0x80, v8, vm0, $0xb8;
	[tilespmem:$0x1D080] =	vst v63  }
0x318: {  	s10 =	simm.s32 $0x12000;
	v7 =	vadd.s32 v5, v7  }
0x319: {  	[tilespmem:s10], [sflag:$0x4] =	stream.indirect_vreg.gather [hbm4b:s26+s6], $0x80, v8, vm0, $0xb8;
	[tilespmem:$0x1D080] =	vst v63  }
0x31a: {  	s13 =	simm.s32 $0x12800  }
0x31b: {  	[tilespmem:s13], [sflag:$0x4] =	stream.indirect_vreg.gather [hbm4b:s24+s6], $0x80, v8, vm0, $0xb8;
	[tilespmem:$0x1D080] =	vst v63  }
0x31c: {  	s14 =	simm.s32 $0x13000  }
0x31d: {  	[tilespmem:s14], [sflag:$0x4] =	stream.indirect_vreg.gather [hbm4b:s2+s6], $0x80, v7, vm0, $0xb8;
	[tilespmem:$0x1D080] =	vst v63  }
0x31e: {  	s19 =	simm.s32 $0x13800  }
0x31f: {  	[tilespmem:s19], [sflag:$0x4] =	stream.indirect_vreg.gather [hbm4b:s25+s6], $0x80, v7, vm0, $0xb8;
	[tilespmem:$0x1D080] =	vst v63  }
0x320: {  	s22 =	simm.s32 $0x14000  }
0x321: {  	[tilespmem:s22], [sflag:$0x4] =	stream.indirect_vreg.gather [hbm4b:s26+s6], $0x80, v7, vm0, $0xb8;
	[tilespmem:$0x1D080] =	vst v63  }
0x322: {  	s28 =	simm.s32 $0x14800  }
0x323: {  	[tilespmem:s28], [sflag:$0x4] =	stream.indirect_vreg.gather [hbm4b:s24+s6], $0x80, v7, vm0, $0xb8;
	[tilespmem:$0x1D080] =	vst v63  }
0x324: {  	v7 =	vld [tilespmem:$0xC10];
	_ =	sdelay $0x4  }
0x325: {  	v8 =	vshll.u32 v7, $0x3  }
0x326: {  	v7 =	vand.u32 $0x7, v7;
	v8 =	vand.u32 $0xFFFFFFC0, v8  }
0x327: {  	v7 =	vor.u32 v7, v8  }
0x328: {  	v8 =	vperm.xlane v7, v4;
	_ =	sdelay $0x1  }
0x329: {  	v8 =	vadd.s32 v5, v8;
	_ =	sdelay $0x3  }
0x32a: {  	s8 =	simm.s32 $0x15000  }
0x32b: {  	[tilespmem:s8], [sflag:$0x4] =	stream.indirect_vreg.gather [hbm4b:s2+s6], $0x80, v8, vm0, $0xb8;
	[tilespmem:$0x1D080] =	vst v63  }
0x32c: {  	s9 =	simm.s32 $0x15800;
	v7 =	vperm.xlane v7, v6  }
0x32d: {  	[tilespmem:s9], [sflag:$0x4] =	stream.indirect_vreg.gather [hbm4b:s25+s6], $0x80, v8, vm0, $0xb8;
	[tilespmem:$0x1D080] =	vst v63  }
0x32e: {  	s10 =	simm.s32 $0x16000;
	v7 =	vadd.s32 v5, v7  }
0x32f: {  	[tilespmem:s10], [sflag:$0x4] =	stream.indirect_vreg.gather [hbm4b:s26+s6], $0x80, v8, vm0, $0xb8;
	[tilespmem:$0x1D080] =	vst v63  }
0x330: {  	s13 =	simm.s32 $0x16800  }
0x331: {  	[tilespmem:s13], [sflag:$0x4] =	stream.indirect_vreg.gather [hbm4b:s24+s6], $0x80, v8, vm0, $0xb8;
	[tilespmem:$0x1D080] =	vst v63  }
0x332: {  	s14 =	simm.s32 $0x17000  }
0x333: {  	[tilespmem:s14], [sflag:$0x4] =	stream.indirect_vreg.gather [hbm4b:s2+s6], $0x80, v7, vm0, $0xb8;
	[tilespmem:$0x1D080] =	vst v63  }
0x334: {  	s19 =	simm.s32 $0x17800  }
0x335: {  	[tilespmem:s19], [sflag:$0x4] =	stream.indirect_vreg.gather [hbm4b:s25+s6], $0x80, v7, vm0, $0xb8;
	[tilespmem:$0x1D080] =	vst v63  }
.Ltmp45:
0x336: {  	_ = 	snop;
	(pc) =	sbr.rel .LBB2_65-.Ltmp45, $4  }
0x337: {  	s22 =	simm.s32 $0x18000  }
0x338: {  	[tilespmem:s22], [sflag:$0x4] =	stream.indirect_vreg.gather [hbm4b:s26+s6], $0x80, v7, vm0, $0xb8;
	[tilespmem:$0x1D080] =	vst v63  }
0x339: {  	s28 =	simm.s32 $0x18800  }
0x33a: {  	[tilespmem:s28], [sflag:$0x4] =	stream.indirect_vreg.gather [hbm4b:s24+s6], $0x80, v7, vm0, $0xb8;
	[tilespmem:$0x1D080] =	vst v63  }
.LBB2_64:
.Ltmp46:
0x33b: {  	(pc) =	sbr.rel @p3 .LBB2_141-.Ltmp46, $2  }
0x33c: {  	_ =	sdelay $0x2  }
0x33d: {  	p4 =	por $0x0, $0x0;
	p2 =	por $0x0, $0x0;
	p0 =	por $0x0, $0x0  }
.LBB2_65:
0x33e: {  	p0 =	sgt.u32 s18, $0xDF  }
.Ltmp47:
0x33f: {  	_ = 	snop;
	(pc) =	sbr.rel @p0 .LBB2_70-.Ltmp47, $4  }
0x340: {  	_ = 	snop  }
0x341: {  	_ =	swait.ge [sflag:s23], $0x8000  }
0x342: {  	[sflag:s23] =	ssyncset.done $0x0  }
0x343: {  	[sflag:s23] =	ssyncadd.s32 $0xFFFF8000  }
0x344: {  	s7 =	smax.u32 s17, $0xC0  }
0x345: {  	s7 =	smin.u32 s7, $0xE0  }
0x346: {  	s8 =	sadd.s32 $0xFFFFFF40, s7  }
.LBB2_67:
0x347: {  	s7 =	sshll.u32 s8, $0xA;
	s9 =	sshll.u32 s8, $0x7  }
0x348: {  	s7 =	sand.u32 $0x6000, s7;
	s9 =	sand.u32 $0x380, s9  }
0x349: {  	s9 =	sor.u32 s9, s7;
	s7 =	simm.s32 $0x0  }
0x34a: {  	s9 =	sor.u32 $0x1000, s9;
	s10 =	sand.u32 $0x1C00, s7  }
0x34b: {  	s13 =	sand.u32 $0x70, s7;
	s14 =	sadd.s32 s10, s9  }
0x34c: {  	s10 =	simm.s32 $0x10;
	s13 =	sadd.s32 s13, s14  }
.LBB2_68:
0x34d: {  	p0 =	sne.s32 s10, $0x3F0  }
0x34e: {  	[tilespmem:s13+$0x0] =	vst v1;
	s7 =	sadd.s32 $0x80, s7;
	s13 =	smov.u32 s10;
	s10 =	sadd.s32 $0x10, s10  }
.Ltmp48:
0x34f: {  	(pc) =	sbr.rel @p0 .LBB2_68-.Ltmp48, $4  }
0x350: {  	_ = 	snop  }
0x351: {  	s14 =	sand.u32 $0x1C00, s7  }
0x352: {  	s13 =	sand.u32 $0x70, s13;
	s14 =	sadd.s32 s14, s9  }
0x353: {  	s13 =	sadd.s32 s13, s14  }
0x354: {  	p0 =	slt.u32 s8, $0x1F  }
.Ltmp49:
0x355: {  	_ = 	snop;
	(pc) =	sbr.rel @p0 .LBB2_67-.Ltmp49, $3  }
0x356: {  	_ =	sdelay $0x1  }
0x357: {  	s7 =	sadd.s32 $0x1, s8  }
0x358: {  	[tilespmem:s13+$0x0] =	vst v1;
	s8 =	smov.u32 s7  }
.LBB2_70:
0x359: {  	p6 =	slt.s32 s18, $0x121  }
.Ltmp50:
0x35a: {  	_ = 	snop;
	(pc) =	sbr.rel @p6 .LBB2_72-.Ltmp50, $3  }
0x35b: {  	_ =	sdelay $0x1  }
0x35c: {  	s7 =	rddreg [dreg:$0xd]  }
0x35d: {  	[hbm4b:s7+s6] =	stream.linear.scatter [tilespmem:s21], [sflag:$0x5], $0x8000, $0x38;
	[tilespmem:$0x1D080] =	vst v63  }
0x35e: {  	s7 =	simm.s32 $0x5  }
0x35f: {  	_ =	swait.ge [sflag:s7], $0x8000  }
0x360: {  	[sflag:s7] =	ssyncset.done $0x0  }
0x361: {  	[sflag:s7] =	ssyncadd.s32 $0xFFFF8000  }
0x362: {  	v7 =	vld [tilespmem:$0xC80];
	_ =	sdelay $0x4  }
0x363: {  	v8 =	vshll.u32 v7, $0x3  }
0x364: {  	v7 =	vand.u32 $0x7, v7;
	v8 =	vand.u32 $0xFFFFFFC0, v8  }
0x365: {  	v7 =	vor.u32 v7, v8  }
0x366: {  	v8 =	vperm.xlane v7, v4;
	_ =	sdelay $0x1  }
0x367: {  	v8 =	vadd.s32 v5, v8;
	_ =	sdelay $0x4  }
0x368: {  	[tilespmem:s21], [sflag:$0x2] =	stream.indirect_vreg.gather [hbm4b:s2+s6], $0x80, v8, vm0, $0xb8;
	[tilespmem:$0x1D080] =	vst v63  }
0x369: {  	s9 =	simm.s32 $0x1800;
	v7 =	vperm.xlane v7, v6  }
0x36a: {  	[tilespmem:s9], [sflag:$0x2] =	stream.indirect_vreg.gather [hbm4b:s25+s6], $0x80, v8, vm0, $0xb8;
	[tilespmem:$0x1D080] =	vst v63  }
0x36b: {  	s10 =	simm.s32 $0x2000;
	v7 =	vadd.s32 v5, v7  }
0x36c: {  	[tilespmem:s10], [sflag:$0x2] =	stream.indirect_vreg.gather [hbm4b:s26+s6], $0x80, v8, vm0, $0xb8;
	[tilespmem:$0x1D080] =	vst v63  }
0x36d: {  	s13 =	simm.s32 $0x2800  }
0x36e: {  	[tilespmem:s13], [sflag:$0x2] =	stream.indirect_vreg.gather [hbm4b:s24+s6], $0x80, v8, vm0, $0xb8;
	[tilespmem:$0x1D080] =	vst v63  }
0x36f: {  	s14 =	simm.s32 $0x3000  }
0x370: {  	[tilespmem:s14], [sflag:$0x2] =	stream.indirect_vreg.gather [hbm4b:s2+s6], $0x80, v7, vm0, $0xb8;
	[tilespmem:$0x1D080] =	vst v63  }
0x371: {  	s19 =	simm.s32 $0x3800  }
0x372: {  	[tilespmem:s19], [sflag:$0x2] =	stream.indirect_vreg.gather [hbm4b:s25+s6], $0x80, v7, vm0, $0xb8;
	[tilespmem:$0x1D080] =	vst v63  }
0x373: {  	s22 =	simm.s32 $0x4000  }
0x374: {  	[tilespmem:s22], [sflag:$0x2] =	stream.indirect_vreg.gather [hbm4b:s26+s6], $0x80, v7, vm0, $0xb8;
	[tilespmem:$0x1D080] =	vst v63  }
0x375: {  	s28 =	simm.s32 $0x4800  }
0x376: {  	[tilespmem:s28], [sflag:$0x2] =	stream.indirect_vreg.gather [hbm4b:s24+s6], $0x80, v7, vm0, $0xb8;
	[tilespmem:$0x1D080] =	vst v63  }
0x377: {  	v7 =	vld [tilespmem:$0xC90];
	_ =	sdelay $0x4  }
0x378: {  	v8 =	vshll.u32 v7, $0x3  }
0x379: {  	v7 =	vand.u32 $0x7, v7;
	v8 =	vand.u32 $0xFFFFFFC0, v8  }
0x37a: {  	v7 =	vor.u32 v7, v8  }
0x37b: {  	v8 =	vperm.xlane v7, v4;
	_ =	sdelay $0x1  }
0x37c: {  	v8 =	vadd.s32 v5, v8;
	_ =	sdelay $0x3  }
0x37d: {  	s8 =	simm.s32 $0x5000  }
0x37e: {  	[tilespmem:s8], [sflag:$0x2] =	stream.indirect_vreg.gather [hbm4b:s2+s6], $0x80, v8, vm0, $0xb8;
	[tilespmem:$0x1D080] =	vst v63  }
0x37f: {  	s9 =	simm.s32 $0x5800;
	v7 =	vperm.xlane v7, v6  }
0x380: {  	[tilespmem:s9], [sflag:$0x2] =	stream.indirect_vreg.gather [hbm4b:s25+s6], $0x80, v8, vm0, $0xb8;
	[tilespmem:$0x1D080] =	vst v63  }
0x381: {  	s10 =	simm.s32 $0x6000;
	v7 =	vadd.s32 v5, v7  }
0x382: {  	[tilespmem:s10], [sflag:$0x2] =	stream.indirect_vreg.gather [hbm4b:s26+s6], $0x80, v8, vm0, $0xb8;
	[tilespmem:$0x1D080] =	vst v63  }
0x383: {  	s13 =	simm.s32 $0x6800  }
0x384: {  	[tilespmem:s13], [sflag:$0x2] =	stream.indirect_vreg.gather [hbm4b:s24+s6], $0x80, v8, vm0, $0xb8;
	[tilespmem:$0x1D080] =	vst v63  }
0x385: {  	s14 =	simm.s32 $0x7000  }
0x386: {  	[tilespmem:s14], [sflag:$0x2] =	stream.indirect_vreg.gather [hbm4b:s2+s6], $0x80, v7, vm0, $0xb8;
	[tilespmem:$0x1D080] =	vst v63  }
0x387: {  	s19 =	simm.s32 $0x7800  }
0x388: {  	[tilespmem:s19], [sflag:$0x2] =	stream.indirect_vreg.gather [hbm4b:s25+s6], $0x80, v7, vm0, $0xb8;
	[tilespmem:$0x1D080] =	vst v63  }
.Ltmp51:
0x389: {  	_ = 	snop;
	(pc) =	sbr.rel .LBB2_73-.Ltmp51, $4  }
0x38a: {  	s22 =	simm.s32 $0x8000  }
0x38b: {  	[tilespmem:s22], [sflag:$0x2] =	stream.indirect_vreg.gather [hbm4b:s26+s6], $0x80, v7, vm0, $0xb8;
	[tilespmem:$0x1D080] =	vst v63  }
0x38c: {  	s28 =	simm.s32 $0x8800  }
0x38d: {  	[tilespmem:s28], [sflag:$0x2] =	stream.indirect_vreg.gather [hbm4b:s24+s6], $0x80, v7, vm0, $0xb8;
	[tilespmem:$0x1D080] =	vst v63  }
.LBB2_72:
.Ltmp52:
0x38e: {  	(pc) =	sbr.rel @p1 .LBB2_141-.Ltmp52, $2  }
0x38f: {  	_ =	sdelay $0x2  }
0x390: {  	p4 =	por $0x0, $0x0;
	p2 =	por $0x0, $0x0;
	p0 =	por $0x0, $0x0  }
.LBB2_73:
0x391: {  	p0 =	sgt.u32 s18, $0xFF  }
.Ltmp53:
0x392: {  	_ = 	snop;
	(pc) =	sbr.rel @p0 .LBB2_78-.Ltmp53, $4  }
0x393: {  	_ = 	snop  }
0x394: {  	_ =	swait.ge [sflag:s15], $0x8000  }
0x395: {  	[sflag:s15] =	ssyncset.done $0x0  }
0x396: {  	[sflag:s15] =	ssyncadd.s32 $0xFFFF8000  }
0x397: {  	s7 =	smax.u32 s17, $0xE0  }
0x398: {  	s8 =	sadd.s32 $0xFFFFFF20, s7  }
.LBB2_75:
0x399: {  	s7 =	sshll.u32 s8, $0xA;
	s9 =	sshll.u32 s8, $0x7  }
0x39a: {  	s7 =	sand.u32 $0x7FFFE000, s7;
	s9 =	sand.u32 $0x380, s9  }
0x39b: {  	s9 =	sor.u32 s9, s7;
	s7 =	simm.s32 $0x0  }
0x39c: {  	s9 =	sadd.s32 $0x9000, s9;
	s10 =	sand.u32 $0x1C00, s7  }
0x39d: {  	s13 =	sand.u32 $0x70, s7;
	s14 =	sadd.s32 s10, s9  }
0x39e: {  	s10 =	simm.s32 $0x10;
	s13 =	sadd.s32 s13, s14  }
.LBB2_76:
0x39f: {  	p0 =	sne.s32 s10, $0x3F0  }
0x3a0: {  	[tilespmem:s13+$0x0] =	vst v1;
	s7 =	sadd.s32 $0x80, s7;
	s13 =	smov.u32 s10;
	s10 =	sadd.s32 $0x10, s10  }
.Ltmp54:
0x3a1: {  	(pc) =	sbr.rel @p0 .LBB2_76-.Ltmp54, $4  }
0x3a2: {  	_ = 	snop  }
0x3a3: {  	s14 =	sand.u32 $0x1C00, s7  }
0x3a4: {  	s13 =	sand.u32 $0x70, s13;
	s14 =	sadd.s32 s14, s9  }
0x3a5: {  	s13 =	sadd.s32 s13, s14  }
0x3a6: {  	p0 =	slt.u32 s8, $0x1F  }
.Ltmp55:
0x3a7: {  	_ = 	snop;
	(pc) =	sbr.rel @p0 .LBB2_75-.Ltmp55, $3  }
0x3a8: {  	_ =	sdelay $0x1  }
0x3a9: {  	s7 =	sadd.s32 $0x1, s8  }
0x3aa: {  	[tilespmem:s13+$0x0] =	vst v1;
	s8 =	smov.u32 s7  }
.LBB2_78:
0x3ab: {  	p3 =	slt.s32 s18, $0x141  }
.Ltmp56:
0x3ac: {  	_ = 	snop;
	(pc) =	sbr.rel @p3 .LBB2_80-.Ltmp56, $4  }
0x3ad: {  	_ = 	snop  }
0x3ae: {  	s7 =	rddreg [dreg:$0xf];
	s8 =	simm.s32 $0x9000  }
0x3af: {  	[hbm4b:s7+s6] =	stream.linear.scatter [tilespmem:s8], [sflag:$0x6], $0x8000, $0x38;
	[tilespmem:$0x1D080] =	vst v63  }
0x3b0: {  	s7 =	simm.s32 $0x9000  }
0x3b1: {  	s8 =	simm.s32 $0x6  }
0x3b2: {  	_ =	swait.ge [sflag:s8], $0x8000  }
0x3b3: {  	[sflag:s8] =	ssyncset.done $0x0  }
0x3b4: {  	[sflag:s8] =	ssyncadd.s32 $0xFFFF8000  }
0x3b5: {  	v7 =	vld [tilespmem:$0xD00];
	_ =	sdelay $0x4  }
0x3b6: {  	v8 =	vshll.u32 v7, $0x3  }
0x3b7: {  	v7 =	vand.u32 $0x7, v7;
	v8 =	vand.u32 $0xFFFFFFC0, v8  }
0x3b8: {  	v7 =	vor.u32 v7, v8  }
0x3b9: {  	v8 =	vperm.xlane v7, v4;
	_ =	sdelay $0x1  }
0x3ba: {  	v8 =	vadd.s32 v5, v8;
	_ =	sdelay $0x4  }
0x3bb: {  	[tilespmem:s7], [sflag:$0x3] =	stream.indirect_vreg.gather [hbm4b:s2+s6], $0x80, v8, vm0, $0xb8;
	[tilespmem:$0x1D080] =	vst v63  }
0x3bc: {  	s9 =	simm.s32 $0x9800;
	v7 =	vperm.xlane v7, v6  }
0x3bd: {  	[tilespmem:s9], [sflag:$0x3] =	stream.indirect_vreg.gather [hbm4b:s25+s6], $0x80, v8, vm0, $0xb8;
	[tilespmem:$0x1D080] =	vst v63  }
0x3be: {  	s10 =	simm.s32 $0xA000;
	v7 =	vadd.s32 v5, v7  }
0x3bf: {  	[tilespmem:s10], [sflag:$0x3] =	stream.indirect_vreg.gather [hbm4b:s26+s6], $0x80, v8, vm0, $0xb8;
	[tilespmem:$0x1D080] =	vst v63  }
0x3c0: {  	s13 =	simm.s32 $0xA800  }
0x3c1: {  	[tilespmem:s13], [sflag:$0x3] =	stream.indirect_vreg.gather [hbm4b:s24+s6], $0x80, v8, vm0, $0xb8;
	[tilespmem:$0x1D080] =	vst v63  }
0x3c2: {  	s14 =	simm.s32 $0xB000  }
0x3c3: {  	[tilespmem:s14], [sflag:$0x3] =	stream.indirect_vreg.gather [hbm4b:s2+s6], $0x80, v7, vm0, $0xb8;
	[tilespmem:$0x1D080] =	vst v63  }
0x3c4: {  	s19 =	simm.s32 $0xB800  }
0x3c5: {  	[tilespmem:s19], [sflag:$0x3] =	stream.indirect_vreg.gather [hbm4b:s25+s6], $0x80, v7, vm0, $0xb8;
	[tilespmem:$0x1D080] =	vst v63  }
0x3c6: {  	s22 =	simm.s32 $0xC000  }
0x3c7: {  	[tilespmem:s22], [sflag:$0x3] =	stream.indirect_vreg.gather [hbm4b:s26+s6], $0x80, v7, vm0, $0xb8;
	[tilespmem:$0x1D080] =	vst v63  }
0x3c8: {  	s28 =	simm.s32 $0xC800  }
0x3c9: {  	[tilespmem:s28], [sflag:$0x3] =	stream.indirect_vreg.gather [hbm4b:s24+s6], $0x80, v7, vm0, $0xb8;
	[tilespmem:$0x1D080] =	vst v63  }
0x3ca: {  	v7 =	vld [tilespmem:$0xD10];
	_ =	sdelay $0x4  }
0x3cb: {  	v8 =	vshll.u32 v7, $0x3  }
0x3cc: {  	v7 =	vand.u32 $0x7, v7;
	v8 =	vand.u32 $0xFFFFFFC0, v8  }
0x3cd: {  	v7 =	vor.u32 v7, v8  }
0x3ce: {  	v8 =	vperm.xlane v7, v4;
	_ =	sdelay $0x1  }
0x3cf: {  	v8 =	vadd.s32 v5, v8;
	_ =	sdelay $0x3  }
0x3d0: {  	s8 =	simm.s32 $0xD000  }
0x3d1: {  	[tilespmem:s8], [sflag:$0x3] =	stream.indirect_vreg.gather [hbm4b:s2+s6], $0x80, v8, vm0, $0xb8;
	[tilespmem:$0x1D080] =	vst v63  }
0x3d2: {  	s9 =	simm.s32 $0xD800;
	v7 =	vperm.xlane v7, v6  }
0x3d3: {  	[tilespmem:s9], [sflag:$0x3] =	stream.indirect_vreg.gather [hbm4b:s25+s6], $0x80, v8, vm0, $0xb8;
	[tilespmem:$0x1D080] =	vst v63  }
0x3d4: {  	s10 =	simm.s32 $0xE000;
	v7 =	vadd.s32 v5, v7  }
0x3d5: {  	[tilespmem:s10], [sflag:$0x3] =	stream.indirect_vreg.gather [hbm4b:s26+s6], $0x80, v8, vm0, $0xb8;
	[tilespmem:$0x1D080] =	vst v63  }
0x3d6: {  	s13 =	simm.s32 $0xE800  }
0x3d7: {  	[tilespmem:s13], [sflag:$0x3] =	stream.indirect_vreg.gather [hbm4b:s24+s6], $0x80, v8, vm0, $0xb8;
	[tilespmem:$0x1D080] =	vst v63  }
0x3d8: {  	s14 =	simm.s32 $0xF000  }
0x3d9: {  	[tilespmem:s14], [sflag:$0x3] =	stream.indirect_vreg.gather [hbm4b:s2+s6], $0x80, v7, vm0, $0xb8;
	[tilespmem:$0x1D080] =	vst v63  }
0x3da: {  	s19 =	simm.s32 $0xF800  }
0x3db: {  	[tilespmem:s19], [sflag:$0x3] =	stream.indirect_vreg.gather [hbm4b:s25+s6], $0x80, v7, vm0, $0xb8;
	[tilespmem:$0x1D080] =	vst v63  }
.Ltmp57:
0x3dc: {  	_ = 	snop;
	(pc) =	sbr.rel .LBB2_81-.Ltmp57, $4  }
0x3dd: {  	s22 =	simm.s32 $0x10000  }
0x3de: {  	[tilespmem:s22], [sflag:$0x3] =	stream.indirect_vreg.gather [hbm4b:s26+s6], $0x80, v7, vm0, $0xb8;
	[tilespmem:$0x1D080] =	vst v63  }
0x3df: {  	s28 =	simm.s32 $0x10800  }
0x3e0: {  	[tilespmem:s28], [sflag:$0x3] =	stream.indirect_vreg.gather [hbm4b:s24+s6], $0x80, v7, vm0, $0xb8;
	[tilespmem:$0x1D080] =	vst v63  }
.LBB2_80:
.Ltmp58:
0x3e1: {  	(pc) =	sbr.rel @p5 .LBB2_141-.Ltmp58, $2  }
0x3e2: {  	_ =	sdelay $0x2  }
0x3e3: {  	p4 =	por $0x0, $0x0;
	p2 =	por $0x0, $0x0;
	p0 =	por $0x0, $0x0  }
.LBB2_81:
0x3e4: {  	p0 =	sgt.s32 s18, $0x11F  }
.Ltmp59:
0x3e5: {  	_ = 	snop;
	(pc) =	sbr.rel @p0 .LBB2_86-.Ltmp59, $4  }
0x3e6: {  	s7 =	simm.s32 $0x4  }
0x3e7: {  	_ =	swait.ge [sflag:s7], $0x8000  }
0x3e8: {  	[sflag:s7] =	ssyncset.done $0x0  }
0x3e9: {  	[sflag:s7] =	ssyncadd.s32 $0xFFFF8000  }
0x3ea: {  	s7 =	smax.u32 s17, $0x100  }
0x3eb: {  	s7 =	smin.u32 s7, $0x120  }
0x3ec: {  	s8 =	sadd.s32 $0xFFFFFF00, s7  }
.LBB2_83:
0x3ed: {  	s7 =	sshll.u32 s8, $0xA;
	s9 =	sshll.u32 s8, $0x7  }
0x3ee: {  	s7 =	sand.u32 $0x6000, s7;
	s9 =	sand.u32 $0x380, s9  }
0x3ef: {  	s9 =	sor.u32 s9, s7;
	s7 =	simm.s32 $0x0  }
0x3f0: {  	s9 =	sor.u32 $0x11000, s9;
	s10 =	sand.u32 $0x1C00, s7  }
0x3f1: {  	s13 =	sand.u32 $0x70, s7;
	s14 =	sadd.s32 s10, s9  }
0x3f2: {  	s10 =	simm.s32 $0x10;
	s13 =	sadd.s32 s13, s14  }
.LBB2_84:
0x3f3: {  	p0 =	sne.s32 s10, $0x3F0  }
0x3f4: {  	[tilespmem:s13+$0x0] =	vst v1;
	s7 =	sadd.s32 $0x80, s7;
	s13 =	smov.u32 s10;
	s10 =	sadd.s32 $0x10, s10  }
.Ltmp60:
0x3f5: {  	(pc) =	sbr.rel @p0 .LBB2_84-.Ltmp60, $4  }
0x3f6: {  	_ = 	snop  }
0x3f7: {  	s14 =	sand.u32 $0x1C00, s7  }
0x3f8: {  	s13 =	sand.u32 $0x70, s13;
	s14 =	sadd.s32 s14, s9  }
0x3f9: {  	s13 =	sadd.s32 s13, s14  }
0x3fa: {  	p0 =	slt.u32 s8, $0x1F  }
.Ltmp61:
0x3fb: {  	_ = 	snop;
	(pc) =	sbr.rel @p0 .LBB2_83-.Ltmp61, $3  }
0x3fc: {  	_ =	sdelay $0x1  }
0x3fd: {  	s7 =	sadd.s32 $0x1, s8  }
0x3fe: {  	[tilespmem:s13+$0x0] =	vst v1;
	s8 =	smov.u32 s7  }
.LBB2_86:
0x3ff: {  	p5 =	slt.s32 s18, $0x161  }
.Ltmp62:
0x400: {  	_ = 	snop;
	(pc) =	sbr.rel @p5 .LBB2_88-.Ltmp62, $4  }
0x401: {  	_ = 	snop  }
0x402: {  	s7 =	rddreg [dreg:$0x10];
	s8 =	simm.s32 $0x11000  }
0x403: {  	[hbm4b:s7+s6] =	stream.linear.scatter [tilespmem:s8], [sflag:$0x7], $0x8000, $0x38;
	[tilespmem:$0x1D080] =	vst v63  }
0x404: {  	s7 =	simm.s32 $0x11000  }
0x405: {  	s8 =	simm.s32 $0x7  }
0x406: {  	_ =	swait.ge [sflag:s8], $0x8000  }
0x407: {  	[sflag:s8] =	ssyncset.done $0x0  }
0x408: {  	[sflag:s8] =	ssyncadd.s32 $0xFFFF8000  }
0x409: {  	v7 =	vld [tilespmem:$0xD80];
	_ =	sdelay $0x4  }
0x40a: {  	v8 =	vshll.u32 v7, $0x3  }
0x40b: {  	v7 =	vand.u32 $0x7, v7;
	v8 =	vand.u32 $0xFFFFFFC0, v8  }
0x40c: {  	v7 =	vor.u32 v7, v8  }
0x40d: {  	v8 =	vperm.xlane v7, v4;
	_ =	sdelay $0x1  }
0x40e: {  	v8 =	vadd.s32 v5, v8;
	_ =	sdelay $0x4  }
0x40f: {  	[tilespmem:s7], [sflag:$0x4] =	stream.indirect_vreg.gather [hbm4b:s2+s6], $0x80, v8, vm0, $0xb8;
	[tilespmem:$0x1D080] =	vst v63  }
0x410: {  	s9 =	simm.s32 $0x11800;
	v7 =	vperm.xlane v7, v6  }
0x411: {  	[tilespmem:s9], [sflag:$0x4] =	stream.indirect_vreg.gather [hbm4b:s25+s6], $0x80, v8, vm0, $0xb8;
	[tilespmem:$0x1D080] =	vst v63  }
0x412: {  	s10 =	simm.s32 $0x12000;
	v7 =	vadd.s32 v5, v7  }
0x413: {  	[tilespmem:s10], [sflag:$0x4] =	stream.indirect_vreg.gather [hbm4b:s26+s6], $0x80, v8, vm0, $0xb8;
	[tilespmem:$0x1D080] =	vst v63  }
0x414: {  	s13 =	simm.s32 $0x12800  }
0x415: {  	[tilespmem:s13], [sflag:$0x4] =	stream.indirect_vreg.gather [hbm4b:s24+s6], $0x80, v8, vm0, $0xb8;
	[tilespmem:$0x1D080] =	vst v63  }
0x416: {  	s14 =	simm.s32 $0x13000  }
0x417: {  	[tilespmem:s14], [sflag:$0x4] =	stream.indirect_vreg.gather [hbm4b:s2+s6], $0x80, v7, vm0, $0xb8;
	[tilespmem:$0x1D080] =	vst v63  }
0x418: {  	s19 =	simm.s32 $0x13800  }
0x419: {  	[tilespmem:s19], [sflag:$0x4] =	stream.indirect_vreg.gather [hbm4b:s25+s6], $0x80, v7, vm0, $0xb8;
	[tilespmem:$0x1D080] =	vst v63  }
0x41a: {  	s22 =	simm.s32 $0x14000  }
0x41b: {  	[tilespmem:s22], [sflag:$0x4] =	stream.indirect_vreg.gather [hbm4b:s26+s6], $0x80, v7, vm0, $0xb8;
	[tilespmem:$0x1D080] =	vst v63  }
0x41c: {  	s28 =	simm.s32 $0x14800  }
0x41d: {  	[tilespmem:s28], [sflag:$0x4] =	stream.indirect_vreg.gather [hbm4b:s24+s6], $0x80, v7, vm0, $0xb8;
	[tilespmem:$0x1D080] =	vst v63  }
0x41e: {  	v7 =	vld [tilespmem:$0xD90];
	_ =	sdelay $0x4  }
0x41f: {  	v8 =	vshll.u32 v7, $0x3  }
0x420: {  	v7 =	vand.u32 $0x7, v7;
	v8 =	vand.u32 $0xFFFFFFC0, v8  }
0x421: {  	v7 =	vor.u32 v7, v8  }
0x422: {  	v8 =	vperm.xlane v7, v4;
	_ =	sdelay $0x1  }
0x423: {  	v8 =	vadd.s32 v5, v8;
	_ =	sdelay $0x3  }
0x424: {  	s8 =	simm.s32 $0x15000  }
0x425: {  	[tilespmem:s8], [sflag:$0x4] =	stream.indirect_vreg.gather [hbm4b:s2+s6], $0x80, v8, vm0, $0xb8;
	[tilespmem:$0x1D080] =	vst v63  }
0x426: {  	s9 =	simm.s32 $0x15800;
	v7 =	vperm.xlane v7, v6  }
0x427: {  	[tilespmem:s9], [sflag:$0x4] =	stream.indirect_vreg.gather [hbm4b:s25+s6], $0x80, v8, vm0, $0xb8;
	[tilespmem:$0x1D080] =	vst v63  }
0x428: {  	s10 =	simm.s32 $0x16000;
	v7 =	vadd.s32 v5, v7  }
0x429: {  	[tilespmem:s10], [sflag:$0x4] =	stream.indirect_vreg.gather [hbm4b:s26+s6], $0x80, v8, vm0, $0xb8;
	[tilespmem:$0x1D080] =	vst v63  }
0x42a: {  	s13 =	simm.s32 $0x16800  }
0x42b: {  	[tilespmem:s13], [sflag:$0x4] =	stream.indirect_vreg.gather [hbm4b:s24+s6], $0x80, v8, vm0, $0xb8;
	[tilespmem:$0x1D080] =	vst v63  }
0x42c: {  	s14 =	simm.s32 $0x17000  }
0x42d: {  	[tilespmem:s14], [sflag:$0x4] =	stream.indirect_vreg.gather [hbm4b:s2+s6], $0x80, v7, vm0, $0xb8;
	[tilespmem:$0x1D080] =	vst v63  }
0x42e: {  	s19 =	simm.s32 $0x17800  }
0x42f: {  	[tilespmem:s19], [sflag:$0x4] =	stream.indirect_vreg.gather [hbm4b:s25+s6], $0x80, v7, vm0, $0xb8;
	[tilespmem:$0x1D080] =	vst v63  }
.Ltmp63:
0x430: {  	_ = 	snop;
	(pc) =	sbr.rel .LBB2_89-.Ltmp63, $4  }
0x431: {  	s22 =	simm.s32 $0x18000  }
0x432: {  	[tilespmem:s22], [sflag:$0x4] =	stream.indirect_vreg.gather [hbm4b:s26+s6], $0x80, v7, vm0, $0xb8;
	[tilespmem:$0x1D080] =	vst v63  }
0x433: {  	s28 =	simm.s32 $0x18800  }
0x434: {  	[tilespmem:s28], [sflag:$0x4] =	stream.indirect_vreg.gather [hbm4b:s24+s6], $0x80, v7, vm0, $0xb8;
	[tilespmem:$0x1D080] =	vst v63  }
.LBB2_88:
.Ltmp64:
0x435: {  	(pc) =	sbr.rel @p6 .LBB2_141-.Ltmp64, $2  }
0x436: {  	_ =	sdelay $0x2  }
0x437: {  	p4 =	por $0x0, $0x0;
	p2 =	por $0x0, $0x0;
	p0 =	por $0x0, $0x0  }
.LBB2_89:
0x438: {  	p0 =	sgt.s32 s18, $0x13F  }
.Ltmp65:
0x439: {  	_ = 	snop;
	(pc) =	sbr.rel @p0 .LBB2_94-.Ltmp65, $4  }
0x43a: {  	_ = 	snop  }
0x43b: {  	_ =	swait.ge [sflag:s23], $0x8000  }
0x43c: {  	[sflag:s23] =	ssyncset.done $0x0  }
0x43d: {  	[sflag:s23] =	ssyncadd.s32 $0xFFFF8000  }
0x43e: {  	s7 =	smax.u32 s17, $0x120  }
0x43f: {  	s7 =	smin.u32 s7, $0x140  }
0x440: {  	s8 =	sadd.s32 $0xFFFFFEE0, s7  }
.LBB2_91:
0x441: {  	s7 =	sshll.u32 s8, $0xA;
	s9 =	sshll.u32 s8, $0x7  }
0x442: {  	s7 =	sand.u32 $0x7FFFE000, s7;
	s9 =	sand.u32 $0x380, s9  }
0x443: {  	s9 =	sor.u32 s9, s7;
	s7 =	simm.s32 $0x0  }
0x444: {  	s9 =	sor.u32 $0x1000, s9;
	s10 =	sand.u32 $0x1C00, s7  }
0x445: {  	s13 =	sand.u32 $0x70, s7;
	s14 =	sadd.s32 s10, s9  }
0x446: {  	s10 =	simm.s32 $0x10;
	s13 =	sadd.s32 s13, s14  }
.LBB2_92:
0x447: {  	p0 =	sne.s32 s10, $0x3F0  }
0x448: {  	[tilespmem:s13+$0x0] =	vst v1;
	s7 =	sadd.s32 $0x80, s7;
	s13 =	smov.u32 s10;
	s10 =	sadd.s32 $0x10, s10  }
.Ltmp66:
0x449: {  	(pc) =	sbr.rel @p0 .LBB2_92-.Ltmp66, $4  }
0x44a: {  	_ = 	snop  }
0x44b: {  	s14 =	sand.u32 $0x1C00, s7  }
0x44c: {  	s13 =	sand.u32 $0x70, s13;
	s14 =	sadd.s32 s14, s9  }
0x44d: {  	s13 =	sadd.s32 s13, s14  }
0x44e: {  	p0 =	slt.u32 s8, $0x1F  }
.Ltmp67:
0x44f: {  	_ = 	snop;
	(pc) =	sbr.rel @p0 .LBB2_91-.Ltmp67, $3  }
0x450: {  	_ =	sdelay $0x1  }
0x451: {  	s7 =	sadd.s32 $0x1, s8  }
0x452: {  	[tilespmem:s13+$0x0] =	vst v1;
	s8 =	smov.u32 s7  }
.LBB2_94:
0x453: {  	p6 =	slt.s32 s18, $0x181  }
.Ltmp68:
0x454: {  	_ = 	snop;
	(pc) =	sbr.rel @p6 .LBB2_96-.Ltmp68, $3  }
0x455: {  	_ =	sdelay $0x1  }
0x456: {  	s7 =	rddreg [dreg:$0x11]  }
0x457: {  	[hbm4b:s7+s6] =	stream.linear.scatter [tilespmem:s21], [sflag:$0x5], $0x8000, $0x38;
	[tilespmem:$0x1D080] =	vst v63  }
0x458: {  	s7 =	simm.s32 $0x5  }
0x459: {  	_ =	swait.ge [sflag:s7], $0x8000  }
0x45a: {  	[sflag:s7] =	ssyncset.done $0x0  }
0x45b: {  	[sflag:s7] =	ssyncadd.s32 $0xFFFF8000  }
0x45c: {  	v7 =	vld [tilespmem:$0xE00];
	_ =	sdelay $0x4  }
0x45d: {  	v8 =	vshll.u32 v7, $0x3  }
0x45e: {  	v7 =	vand.u32 $0x7, v7;
	v8 =	vand.u32 $0xFFFFFFC0, v8  }
0x45f: {  	v7 =	vor.u32 v7, v8  }
0x460: {  	v8 =	vperm.xlane v7, v4;
	_ =	sdelay $0x1  }
0x461: {  	v8 =	vadd.s32 v5, v8;
	_ =	sdelay $0x4  }
0x462: {  	[tilespmem:s21], [sflag:$0x2] =	stream.indirect_vreg.gather [hbm4b:s2+s6], $0x80, v8, vm0, $0xb8;
	[tilespmem:$0x1D080] =	vst v63  }
0x463: {  	s9 =	simm.s32 $0x1800;
	v7 =	vperm.xlane v7, v6  }
0x464: {  	[tilespmem:s9], [sflag:$0x2] =	stream.indirect_vreg.gather [hbm4b:s25+s6], $0x80, v8, vm0, $0xb8;
	[tilespmem:$0x1D080] =	vst v63  }
0x465: {  	s10 =	simm.s32 $0x2000;
	v7 =	vadd.s32 v5, v7  }
0x466: {  	[tilespmem:s10], [sflag:$0x2] =	stream.indirect_vreg.gather [hbm4b:s26+s6], $0x80, v8, vm0, $0xb8;
	[tilespmem:$0x1D080] =	vst v63  }
0x467: {  	s13 =	simm.s32 $0x2800  }
0x468: {  	[tilespmem:s13], [sflag:$0x2] =	stream.indirect_vreg.gather [hbm4b:s24+s6], $0x80, v8, vm0, $0xb8;
	[tilespmem:$0x1D080] =	vst v63  }
0x469: {  	s14 =	simm.s32 $0x3000  }
0x46a: {  	[tilespmem:s14], [sflag:$0x2] =	stream.indirect_vreg.gather [hbm4b:s2+s6], $0x80, v7, vm0, $0xb8;
	[tilespmem:$0x1D080] =	vst v63  }
0x46b: {  	s19 =	simm.s32 $0x3800  }
0x46c: {  	[tilespmem:s19], [sflag:$0x2] =	stream.indirect_vreg.gather [hbm4b:s25+s6], $0x80, v7, vm0, $0xb8;
	[tilespmem:$0x1D080] =	vst v63  }
0x46d: {  	s22 =	simm.s32 $0x4000  }
0x46e: {  	[tilespmem:s22], [sflag:$0x2] =	stream.indirect_vreg.gather [hbm4b:s26+s6], $0x80, v7, vm0, $0xb8;
	[tilespmem:$0x1D080] =	vst v63  }
0x46f: {  	s28 =	simm.s32 $0x4800  }
0x470: {  	[tilespmem:s28], [sflag:$0x2] =	stream.indirect_vreg.gather [hbm4b:s24+s6], $0x80, v7, vm0, $0xb8;
	[tilespmem:$0x1D080] =	vst v63  }
0x471: {  	v7 =	vld [tilespmem:$0xE10];
	_ =	sdelay $0x4  }
0x472: {  	v8 =	vshll.u32 v7, $0x3  }
0x473: {  	v7 =	vand.u32 $0x7, v7;
	v8 =	vand.u32 $0xFFFFFFC0, v8  }
0x474: {  	v7 =	vor.u32 v7, v8  }
0x475: {  	v8 =	vperm.xlane v7, v4;
	_ =	sdelay $0x1  }
0x476: {  	v8 =	vadd.s32 v5, v8;
	_ =	sdelay $0x3  }
0x477: {  	s8 =	simm.s32 $0x5000  }
0x478: {  	[tilespmem:s8], [sflag:$0x2] =	stream.indirect_vreg.gather [hbm4b:s2+s6], $0x80, v8, vm0, $0xb8;
	[tilespmem:$0x1D080] =	vst v63  }
0x479: {  	s9 =	simm.s32 $0x5800;
	v7 =	vperm.xlane v7, v6  }
0x47a: {  	[tilespmem:s9], [sflag:$0x2] =	stream.indirect_vreg.gather [hbm4b:s25+s6], $0x80, v8, vm0, $0xb8;
	[tilespmem:$0x1D080] =	vst v63  }
0x47b: {  	s10 =	simm.s32 $0x6000;
	v7 =	vadd.s32 v5, v7  }
0x47c: {  	[tilespmem:s10], [sflag:$0x2] =	stream.indirect_vreg.gather [hbm4b:s26+s6], $0x80, v8, vm0, $0xb8;
	[tilespmem:$0x1D080] =	vst v63  }
0x47d: {  	s13 =	simm.s32 $0x6800  }
0x47e: {  	[tilespmem:s13], [sflag:$0x2] =	stream.indirect_vreg.gather [hbm4b:s24+s6], $0x80, v8, vm0, $0xb8;
	[tilespmem:$0x1D080] =	vst v63  }
0x47f: {  	s14 =	simm.s32 $0x7000  }
0x480: {  	[tilespmem:s14], [sflag:$0x2] =	stream.indirect_vreg.gather [hbm4b:s2+s6], $0x80, v7, vm0, $0xb8;
	[tilespmem:$0x1D080] =	vst v63  }
0x481: {  	s19 =	simm.s32 $0x7800  }
0x482: {  	[tilespmem:s19], [sflag:$0x2] =	stream.indirect_vreg.gather [hbm4b:s25+s6], $0x80, v7, vm0, $0xb8;
	[tilespmem:$0x1D080] =	vst v63  }
.Ltmp69:
0x483: {  	_ = 	snop;
	(pc) =	sbr.rel .LBB2_97-.Ltmp69, $4  }
0x484: {  	s22 =	simm.s32 $0x8000  }
0x485: {  	[tilespmem:s22], [sflag:$0x2] =	stream.indirect_vreg.gather [hbm4b:s26+s6], $0x80, v7, vm0, $0xb8;
	[tilespmem:$0x1D080] =	vst v63  }
0x486: {  	s28 =	simm.s32 $0x8800  }
0x487: {  	[tilespmem:s28], [sflag:$0x2] =	stream.indirect_vreg.gather [hbm4b:s24+s6], $0x80, v7, vm0, $0xb8;
	[tilespmem:$0x1D080] =	vst v63  }
.LBB2_96:
.Ltmp70:
0x488: {  	(pc) =	sbr.rel @p3 .LBB2_141-.Ltmp70, $2  }
0x489: {  	_ =	sdelay $0x2  }
0x48a: {  	p4 =	por $0x0, $0x0;
	p2 =	por $0x0, $0x0;
	p0 =	por $0x0, $0x0  }
.LBB2_97:
0x48b: {  	p0 =	sgt.s32 s18, $0x15F  }
.Ltmp71:
0x48c: {  	_ = 	snop;
	(pc) =	sbr.rel @p0 .LBB2_102-.Ltmp71, $4  }
0x48d: {  	_ = 	snop  }
0x48e: {  	_ =	swait.ge [sflag:s15], $0x8000  }
0x48f: {  	[sflag:s15] =	ssyncset.done $0x0  }
0x490: {  	[sflag:s15] =	ssyncadd.s32 $0xFFFF8000  }
0x491: {  	s7 =	smax.u32 s17, $0x140  }
0x492: {  	s7 =	smin.u32 s7, $0x160  }
0x493: {  	s8 =	sadd.s32 $0xFFFFFEC0, s7  }
.LBB2_99:
0x494: {  	s7 =	sshll.u32 s8, $0xA;
	s9 =	sshll.u32 s8, $0x7  }
0x495: {  	s7 =	sand.u32 $0x6000, s7;
	s9 =	sand.u32 $0x380, s9  }
0x496: {  	s9 =	sor.u32 s9, s7;
	s7 =	simm.s32 $0x0  }
0x497: {  	s9 =	sor.u32 $0x9000, s9;
	s10 =	sand.u32 $0x1C00, s7  }
0x498: {  	s13 =	sand.u32 $0x70, s7;
	s14 =	sadd.s32 s10, s9  }
0x499: {  	s10 =	simm.s32 $0x10;
	s13 =	sadd.s32 s13, s14  }
.LBB2_100:
0x49a: {  	p0 =	sne.s32 s10, $0x3F0  }
0x49b: {  	[tilespmem:s13+$0x0] =	vst v1;
	s7 =	sadd.s32 $0x80, s7;
	s13 =	smov.u32 s10;
	s10 =	sadd.s32 $0x10, s10  }
.Ltmp72:
0x49c: {  	(pc) =	sbr.rel @p0 .LBB2_100-.Ltmp72, $4  }
0x49d: {  	_ = 	snop  }
0x49e: {  	s14 =	sand.u32 $0x1C00, s7  }
0x49f: {  	s13 =	sand.u32 $0x70, s13;
	s14 =	sadd.s32 s14, s9  }
0x4a0: {  	s13 =	sadd.s32 s13, s14  }
0x4a1: {  	p0 =	slt.u32 s8, $0x1F  }
.Ltmp73:
0x4a2: {  	_ = 	snop;
	(pc) =	sbr.rel @p0 .LBB2_99-.Ltmp73, $3  }
0x4a3: {  	_ =	sdelay $0x1  }
0x4a4: {  	s7 =	sadd.s32 $0x1, s8  }
0x4a5: {  	[tilespmem:s13+$0x0] =	vst v1;
	s8 =	smov.u32 s7  }
.LBB2_102:
0x4a6: {  	p0 =	slt.s32 s18, $0x1A1  }
.Ltmp74:
0x4a7: {  	_ = 	snop;
	(pc) =	sbr.rel @p0 .LBB2_104-.Ltmp74, $4  }
0x4a8: {  	_ = 	snop  }
0x4a9: {  	s7 =	rddreg [dreg:$0x12];
	s8 =	simm.s32 $0x9000  }
0x4aa: {  	[hbm4b:s7+s6] =	stream.linear.scatter [tilespmem:s8], [sflag:$0x6], $0x8000, $0x38;
	[tilespmem:$0x1D080] =	vst v63  }
0x4ab: {  	s7 =	simm.s32 $0x9000  }
0x4ac: {  	s8 =	simm.s32 $0x6  }
0x4ad: {  	_ =	swait.ge [sflag:s8], $0x8000  }
0x4ae: {  	[sflag:s8] =	ssyncset.done $0x0  }
0x4af: {  	[sflag:s8] =	ssyncadd.s32 $0xFFFF8000  }
0x4b0: {  	v7 =	vld [tilespmem:$0xE80];
	_ =	sdelay $0x4  }
0x4b1: {  	v8 =	vshll.u32 v7, $0x3  }
0x4b2: {  	v7 =	vand.u32 $0x7, v7;
	v8 =	vand.u32 $0xFFFFFFC0, v8  }
0x4b3: {  	v7 =	vor.u32 v7, v8  }
0x4b4: {  	v8 =	vperm.xlane v7, v4;
	_ =	sdelay $0x1  }
0x4b5: {  	v8 =	vadd.s32 v5, v8;
	_ =	sdelay $0x4  }
0x4b6: {  	[tilespmem:s7], [sflag:$0x3] =	stream.indirect_vreg.gather [hbm4b:s2+s6], $0x80, v8, vm0, $0xb8;
	[tilespmem:$0x1D080] =	vst v63  }
0x4b7: {  	s28 =	simm.s32 $0x9800;
	v7 =	vperm.xlane v7, v6  }
0x4b8: {  	[tilespmem:s28], [sflag:$0x3] =	stream.indirect_vreg.gather [hbm4b:s25+s6], $0x80, v8, vm0, $0xb8;
	[tilespmem:$0x1D080] =	vst v63  }
0x4b9: {  	s8 =	simm.s32 $0xA000;
	v7 =	vadd.s32 v5, v7  }
0x4ba: {  	[tilespmem:s8], [sflag:$0x3] =	stream.indirect_vreg.gather [hbm4b:s26+s6], $0x80, v8, vm0, $0xb8;
	[tilespmem:$0x1D080] =	vst v63  }
0x4bb: {  	s9 =	simm.s32 $0xA800  }
0x4bc: {  	[tilespmem:s9], [sflag:$0x3] =	stream.indirect_vreg.gather [hbm4b:s24+s6], $0x80, v8, vm0, $0xb8;
	[tilespmem:$0x1D080] =	vst v63  }
0x4bd: {  	s10 =	simm.s32 $0xB000  }
0x4be: {  	[tilespmem:s10], [sflag:$0x3] =	stream.indirect_vreg.gather [hbm4b:s2+s6], $0x80, v7, vm0, $0xb8;
	[tilespmem:$0x1D080] =	vst v63  }
0x4bf: {  	s13 =	simm.s32 $0xB800  }
0x4c0: {  	[tilespmem:s13], [sflag:$0x3] =	stream.indirect_vreg.gather [hbm4b:s25+s6], $0x80, v7, vm0, $0xb8;
	[tilespmem:$0x1D080] =	vst v63  }
0x4c1: {  	s14 =	simm.s32 $0xC000  }
0x4c2: {  	[tilespmem:s14], [sflag:$0x3] =	stream.indirect_vreg.gather [hbm4b:s26+s6], $0x80, v7, vm0, $0xb8;
	[tilespmem:$0x1D080] =	vst v63  }
0x4c3: {  	s22 =	simm.s32 $0xC800  }
0x4c4: {  	[tilespmem:s22], [sflag:$0x3] =	stream.indirect_vreg.gather [hbm4b:s24+s6], $0x80, v7, vm0, $0xb8;
	[tilespmem:$0x1D080] =	vst v63  }
0x4c5: {  	v7 =	vld [tilespmem:$0xE90];
	_ =	sdelay $0x4  }
0x4c6: {  	v8 =	vshll.u32 v7, $0x3  }
0x4c7: {  	v7 =	vand.u32 $0x7, v7;
	v8 =	vand.u32 $0xFFFFFFC0, v8  }
0x4c8: {  	v7 =	vor.u32 v7, v8  }
0x4c9: {  	v8 =	vperm.xlane v7, v4;
	_ =	sdelay $0x1  }
0x4ca: {  	v8 =	vadd.s32 v5, v8;
	_ =	sdelay $0x3  }
0x4cb: {  	s28 =	simm.s32 $0xD000  }
0x4cc: {  	[tilespmem:s28], [sflag:$0x3] =	stream.indirect_vreg.gather [hbm4b:s2+s6], $0x80, v8, vm0, $0xb8;
	[tilespmem:$0x1D080] =	vst v63  }
0x4cd: {  	s8 =	simm.s32 $0xD800;
	v7 =	vperm.xlane v7, v6  }
0x4ce: {  	[tilespmem:s8], [sflag:$0x3] =	stream.indirect_vreg.gather [hbm4b:s25+s6], $0x80, v8, vm0, $0xb8;
	[tilespmem:$0x1D080] =	vst v63  }
0x4cf: {  	s9 =	simm.s32 $0xE000;
	v7 =	vadd.s32 v5, v7  }
0x4d0: {  	[tilespmem:s9], [sflag:$0x3] =	stream.indirect_vreg.gather [hbm4b:s26+s6], $0x80, v8, vm0, $0xb8;
	[tilespmem:$0x1D080] =	vst v63  }
0x4d1: {  	s10 =	simm.s32 $0xE800  }
0x4d2: {  	[tilespmem:s10], [sflag:$0x3] =	stream.indirect_vreg.gather [hbm4b:s24+s6], $0x80, v8, vm0, $0xb8;
	[tilespmem:$0x1D080] =	vst v63  }
0x4d3: {  	s13 =	simm.s32 $0xF000  }
0x4d4: {  	[tilespmem:s13], [sflag:$0x3] =	stream.indirect_vreg.gather [hbm4b:s2+s6], $0x80, v7, vm0, $0xb8;
	[tilespmem:$0x1D080] =	vst v63  }
0x4d5: {  	s14 =	simm.s32 $0xF800  }
0x4d6: {  	[tilespmem:s14], [sflag:$0x3] =	stream.indirect_vreg.gather [hbm4b:s25+s6], $0x80, v7, vm0, $0xb8;
	[tilespmem:$0x1D080] =	vst v63  }
.Ltmp75:
0x4d7: {  	_ = 	snop;
	(pc) =	sbr.rel .LBB2_105-.Ltmp75, $4  }
0x4d8: {  	s22 =	simm.s32 $0x10000  }
0x4d9: {  	[tilespmem:s22], [sflag:$0x3] =	stream.indirect_vreg.gather [hbm4b:s26+s6], $0x80, v7, vm0, $0xb8;
	[tilespmem:$0x1D080] =	vst v63  }
0x4da: {  	s19 =	simm.s32 $0x9000;
	s28 =	simm.s32 $0x10800  }
0x4db: {  	[tilespmem:s28], [sflag:$0x3] =	stream.indirect_vreg.gather [hbm4b:s24+s6], $0x80, v7, vm0, $0xb8;
	[tilespmem:$0x1D080] =	vst v63  }
.LBB2_104:
.Ltmp76:
0x4dc: {  	(pc) =	sbr.rel @p5 .LBB2_141-.Ltmp76, $3  }
0x4dd: {  	_ =	sdelay $0x1  }
0x4de: {  	s19 =	simm.s32 $0x9000  }
0x4df: {  	p4 =	por $0x0, $0x0;
	p2 =	por $0x0, $0x0;
	p0 =	por $0x0, $0x0  }
.LBB2_105:
0x4e0: {  	p0 =	sgt.s32 s18, $0x17F  }
.Ltmp77:
0x4e1: {  	_ = 	snop;
	(pc) =	sbr.rel @p0 .LBB2_110-.Ltmp77, $4  }
0x4e2: {  	s7 =	simm.s32 $0x4  }
0x4e3: {  	_ =	swait.ge [sflag:s7], $0x8000  }
0x4e4: {  	[sflag:s7] =	ssyncset.done $0x0  }
0x4e5: {  	[sflag:s7] =	ssyncadd.s32 $0xFFFF8000  }
0x4e6: {  	s7 =	smax.u32 s17, $0x160  }
0x4e7: {  	s7 =	smin.u32 s7, $0x180  }
0x4e8: {  	s8 =	sadd.s32 $0xFFFFFEA0, s7  }
.LBB2_107:
0x4e9: {  	s7 =	sshll.u32 s8, $0xA;
	s9 =	sshll.u32 s8, $0x7  }
0x4ea: {  	s7 =	sand.u32 $0x7FFFE000, s7;
	s9 =	sand.u32 $0x380, s9  }
0x4eb: {  	s9 =	sor.u32 s9, s7;
	s7 =	simm.s32 $0x0  }
0x4ec: {  	s9 =	sadd.s32 $0x11000, s9;
	s10 =	sand.u32 $0x1C00, s7  }
0x4ed: {  	s13 =	sand.u32 $0x70, s7;
	s14 =	sadd.s32 s10, s9  }
0x4ee: {  	s10 =	simm.s32 $0x10;
	s13 =	sadd.s32 s13, s14  }
.LBB2_108:
0x4ef: {  	p0 =	sne.s32 s10, $0x3F0  }
0x4f0: {  	[tilespmem:s13+$0x0] =	vst v1;
	s7 =	sadd.s32 $0x80, s7;
	s13 =	smov.u32 s10;
	s10 =	sadd.s32 $0x10, s10  }
.Ltmp78:
0x4f1: {  	(pc) =	sbr.rel @p0 .LBB2_108-.Ltmp78, $4  }
0x4f2: {  	_ = 	snop  }
0x4f3: {  	s14 =	sand.u32 $0x1C00, s7  }
0x4f4: {  	s13 =	sand.u32 $0x70, s13;
	s14 =	sadd.s32 s14, s9  }
0x4f5: {  	s13 =	sadd.s32 s13, s14  }
0x4f6: {  	p0 =	slt.u32 s8, $0x1F  }
.Ltmp79:
0x4f7: {  	_ = 	snop;
	(pc) =	sbr.rel @p0 .LBB2_107-.Ltmp79, $3  }
0x4f8: {  	_ =	sdelay $0x1  }
0x4f9: {  	s7 =	sadd.s32 $0x1, s8  }
0x4fa: {  	[tilespmem:s13+$0x0] =	vst v1;
	s8 =	smov.u32 s7  }
.LBB2_110:
0x4fb: {  	p0 =	slt.s32 s18, $0x1C1  }
.Ltmp80:
0x4fc: {  	_ = 	snop;
	(pc) =	sbr.rel @p0 .LBB2_112-.Ltmp80, $4  }
0x4fd: {  	_ = 	snop  }
0x4fe: {  	s7 =	rddreg [dreg:$0x13];
	s8 =	simm.s32 $0x11000  }
0x4ff: {  	[hbm4b:s7+s6] =	stream.linear.scatter [tilespmem:s8], [sflag:$0x7], $0x8000, $0x38;
	[tilespmem:$0x1D080] =	vst v63  }
0x500: {  	s7 =	simm.s32 $0x11000  }
0x501: {  	s8 =	simm.s32 $0x7  }
0x502: {  	_ =	swait.ge [sflag:s8], $0x8000  }
0x503: {  	[sflag:s8] =	ssyncset.done $0x0  }
0x504: {  	[sflag:s8] =	ssyncadd.s32 $0xFFFF8000  }
0x505: {  	v7 =	vld [tilespmem:$0xF00];
	_ =	sdelay $0x4  }
0x506: {  	v8 =	vshll.u32 v7, $0x3  }
0x507: {  	v7 =	vand.u32 $0x7, v7;
	v8 =	vand.u32 $0xFFFFFFC0, v8  }
0x508: {  	v7 =	vor.u32 v7, v8  }
0x509: {  	v8 =	vperm.xlane v7, v4;
	_ =	sdelay $0x1  }
0x50a: {  	v8 =	vadd.s32 v5, v8;
	_ =	sdelay $0x4  }
0x50b: {  	[tilespmem:s7], [sflag:$0x4] =	stream.indirect_vreg.gather [hbm4b:s2+s6], $0x80, v8, vm0, $0xb8;
	[tilespmem:$0x1D080] =	vst v63  }
0x50c: {  	s13 =	simm.s32 $0x11800;
	v7 =	vperm.xlane v7, v6  }
0x50d: {  	[tilespmem:s13], [sflag:$0x4] =	stream.indirect_vreg.gather [hbm4b:s25+s6], $0x80, v8, vm0, $0xb8;
	[tilespmem:$0x1D080] =	vst v63  }
0x50e: {  	s14 =	simm.s32 $0x12000;
	v7 =	vadd.s32 v5, v7  }
0x50f: {  	[tilespmem:s14], [sflag:$0x4] =	stream.indirect_vreg.gather [hbm4b:s26+s6], $0x80, v8, vm0, $0xb8;
	[tilespmem:$0x1D080] =	vst v63  }
0x510: {  	s28 =	simm.s32 $0x12800  }
0x511: {  	[tilespmem:s28], [sflag:$0x4] =	stream.indirect_vreg.gather [hbm4b:s24+s6], $0x80, v8, vm0, $0xb8;
	[tilespmem:$0x1D080] =	vst v63  }
0x512: {  	s8 =	simm.s32 $0x13000  }
0x513: {  	[tilespmem:s8], [sflag:$0x4] =	stream.indirect_vreg.gather [hbm4b:s2+s6], $0x80, v7, vm0, $0xb8;
	[tilespmem:$0x1D080] =	vst v63  }
0x514: {  	s9 =	simm.s32 $0x13800  }
0x515: {  	[tilespmem:s9], [sflag:$0x4] =	stream.indirect_vreg.gather [hbm4b:s25+s6], $0x80, v7, vm0, $0xb8;
	[tilespmem:$0x1D080] =	vst v63  }
0x516: {  	s10 =	simm.s32 $0x14000  }
0x517: {  	[tilespmem:s10], [sflag:$0x4] =	stream.indirect_vreg.gather [hbm4b:s26+s6], $0x80, v7, vm0, $0xb8;
	[tilespmem:$0x1D080] =	vst v63  }
0x518: {  	s13 =	simm.s32 $0x14800  }
0x519: {  	[tilespmem:s13], [sflag:$0x4] =	stream.indirect_vreg.gather [hbm4b:s24+s6], $0x80, v7, vm0, $0xb8;
	[tilespmem:$0x1D080] =	vst v63  }
0x51a: {  	v7 =	vld [tilespmem:$0xF10];
	_ =	sdelay $0x4  }
0x51b: {  	v8 =	vshll.u32 v7, $0x3  }
0x51c: {  	v7 =	vand.u32 $0x7, v7;
	v8 =	vand.u32 $0xFFFFFFC0, v8  }
0x51d: {  	v7 =	vor.u32 v7, v8  }
0x51e: {  	v8 =	vperm.xlane v7, v4;
	_ =	sdelay $0x1  }
0x51f: {  	v8 =	vadd.s32 v5, v8;
	_ =	sdelay $0x3  }
0x520: {  	s14 =	simm.s32 $0x15000  }
0x521: {  	[tilespmem:s14], [sflag:$0x4] =	stream.indirect_vreg.gather [hbm4b:s2+s6], $0x80, v8, vm0, $0xb8;
	[tilespmem:$0x1D080] =	vst v63  }
0x522: {  	s28 =	simm.s32 $0x15800;
	v7 =	vperm.xlane v7, v6  }
0x523: {  	[tilespmem:s28], [sflag:$0x4] =	stream.indirect_vreg.gather [hbm4b:s25+s6], $0x80, v8, vm0, $0xb8;
	[tilespmem:$0x1D080] =	vst v63  }
0x524: {  	s8 =	simm.s32 $0x16000;
	v7 =	vadd.s32 v5, v7  }
0x525: {  	[tilespmem:s8], [sflag:$0x4] =	stream.indirect_vreg.gather [hbm4b:s26+s6], $0x80, v8, vm0, $0xb8;
	[tilespmem:$0x1D080] =	vst v63  }
0x526: {  	s9 =	simm.s32 $0x16800  }
0x527: {  	[tilespmem:s9], [sflag:$0x4] =	stream.indirect_vreg.gather [hbm4b:s24+s6], $0x80, v8, vm0, $0xb8;
	[tilespmem:$0x1D080] =	vst v63  }
0x528: {  	s10 =	simm.s32 $0x17000  }
0x529: {  	[tilespmem:s10], [sflag:$0x4] =	stream.indirect_vreg.gather [hbm4b:s2+s6], $0x80, v7, vm0, $0xb8;
	[tilespmem:$0x1D080] =	vst v63  }
0x52a: {  	s13 =	simm.s32 $0x17800  }
0x52b: {  	[tilespmem:s13], [sflag:$0x4] =	stream.indirect_vreg.gather [hbm4b:s25+s6], $0x80, v7, vm0, $0xb8;
	[tilespmem:$0x1D080] =	vst v63  }
.Ltmp81:
0x52c: {  	_ = 	snop;
	(pc) =	sbr.rel .LBB2_113-.Ltmp81, $4  }
0x52d: {  	s14 =	simm.s32 $0x18000  }
0x52e: {  	[tilespmem:s14], [sflag:$0x4] =	stream.indirect_vreg.gather [hbm4b:s26+s6], $0x80, v7, vm0, $0xb8;
	[tilespmem:$0x1D080] =	vst v63  }
0x52f: {  	s22 =	simm.s32 $0x11000;
	p2 =	por $0x1, $0x1;
	s28 =	simm.s32 $0x18800  }
0x530: {  	[tilespmem:s28], [sflag:$0x4] =	stream.indirect_vreg.gather [hbm4b:s24+s6], $0x80, v7, vm0, $0xb8;
	[tilespmem:$0x1D080] =	vst v63  }
.LBB2_112:
.Ltmp82:
0x531: {  	(pc) =	sbr.rel @p6 .LBB2_141-.Ltmp82, $3  }
0x532: {  	_ =	sdelay $0x1  }
0x533: {  	s22 =	simm.s32 $0x11000  }
0x534: {  	p2 =	por $0x0, $0x0;
	p4 =	por $0x0, $0x0;
	p0 =	por $0x0, $0x0  }
.LBB2_113:
0x535: {  	p0 =	sgt.s32 s18, $0x19F  }
.Ltmp83:
0x536: {  	_ = 	snop;
	(pc) =	sbr.rel @p0 .LBB2_118-.Ltmp83, $4  }
0x537: {  	_ = 	snop  }
0x538: {  	_ =	swait.ge [sflag:s23], $0x8000  }
0x539: {  	[sflag:s23] =	ssyncset.done $0x0  }
0x53a: {  	[sflag:s23] =	ssyncadd.s32 $0xFFFF8000  }
0x53b: {  	s7 =	smax.u32 s17, $0x180  }
0x53c: {  	s7 =	smin.u32 s7, $0x1A0  }
0x53d: {  	s8 =	sadd.s32 $0xFFFFFE80, s7  }
.LBB2_115:
0x53e: {  	s7 =	sshll.u32 s8, $0xA;
	s9 =	sshll.u32 s8, $0x7  }
0x53f: {  	s7 =	sand.u32 $0x6000, s7;
	s9 =	sand.u32 $0x380, s9  }
0x540: {  	s9 =	sor.u32 s9, s7;
	s7 =	simm.s32 $0x0  }
0x541: {  	s9 =	sor.u32 $0x1000, s9;
	s10 =	sand.u32 $0x1C00, s7  }
0x542: {  	s13 =	sand.u32 $0x70, s7;
	s14 =	sadd.s32 s10, s9  }
0x543: {  	s10 =	simm.s32 $0x10;
	s13 =	sadd.s32 s13, s14  }
.LBB2_116:
0x544: {  	p0 =	sne.s32 s10, $0x3F0  }
0x545: {  	[tilespmem:s13+$0x0] =	vst v1;
	s7 =	sadd.s32 $0x80, s7;
	s13 =	smov.u32 s10;
	s10 =	sadd.s32 $0x10, s10  }
.Ltmp84:
0x546: {  	(pc) =	sbr.rel @p0 .LBB2_116-.Ltmp84, $4  }
0x547: {  	_ = 	snop  }
0x548: {  	s14 =	sand.u32 $0x1C00, s7  }
0x549: {  	s13 =	sand.u32 $0x70, s13;
	s14 =	sadd.s32 s14, s9  }
0x54a: {  	s13 =	sadd.s32 s13, s14  }
0x54b: {  	p0 =	slt.u32 s8, $0x1F  }
.Ltmp85:
0x54c: {  	_ = 	snop;
	(pc) =	sbr.rel @p0 .LBB2_115-.Ltmp85, $3  }
0x54d: {  	_ =	sdelay $0x1  }
0x54e: {  	s7 =	sadd.s32 $0x1, s8  }
0x54f: {  	[tilespmem:s13+$0x0] =	vst v1;
	s8 =	smov.u32 s7  }
.LBB2_118:
0x550: {  	p0 =	slt.s32 s18, $0x1E1  }
.Ltmp86:
0x551: {  	_ = 	snop;
	(pc) =	sbr.rel @p0 .LBB2_120-.Ltmp86, $3  }
0x552: {  	_ =	sdelay $0x1  }
0x553: {  	s7 =	rddreg [dreg:$0x14]  }
0x554: {  	[hbm4b:s7+s6] =	stream.linear.scatter [tilespmem:s21], [sflag:$0x5], $0x8000, $0x38;
	[tilespmem:$0x1D080] =	vst v63  }
0x555: {  	s7 =	simm.s32 $0x5  }
0x556: {  	_ =	swait.ge [sflag:s7], $0x8000  }
0x557: {  	[sflag:s7] =	ssyncset.done $0x0  }
0x558: {  	[sflag:s7] =	ssyncadd.s32 $0xFFFF8000  }
0x559: {  	v7 =	vld [tilespmem:$0xF80];
	_ =	sdelay $0x4  }
0x55a: {  	v8 =	vshll.u32 v7, $0x3  }
0x55b: {  	v7 =	vand.u32 $0x7, v7;
	v8 =	vand.u32 $0xFFFFFFC0, v8  }
0x55c: {  	v7 =	vor.u32 v7, v8  }
0x55d: {  	v8 =	vperm.xlane v7, v4;
	_ =	sdelay $0x1  }
0x55e: {  	v8 =	vadd.s32 v5, v8;
	_ =	sdelay $0x4  }
0x55f: {  	[tilespmem:s21], [sflag:$0x2] =	stream.indirect_vreg.gather [hbm4b:s2+s6], $0x80, v8, vm0, $0xb8;
	[tilespmem:$0x1D080] =	vst v63  }
0x560: {  	s13 =	simm.s32 $0x1800;
	v7 =	vperm.xlane v7, v6  }
0x561: {  	[tilespmem:s13], [sflag:$0x2] =	stream.indirect_vreg.gather [hbm4b:s25+s6], $0x80, v8, vm0, $0xb8;
	[tilespmem:$0x1D080] =	vst v63  }
0x562: {  	s14 =	simm.s32 $0x2000;
	v7 =	vadd.s32 v5, v7  }
0x563: {  	[tilespmem:s14], [sflag:$0x2] =	stream.indirect_vreg.gather [hbm4b:s26+s6], $0x80, v8, vm0, $0xb8;
	[tilespmem:$0x1D080] =	vst v63  }
0x564: {  	s28 =	simm.s32 $0x2800  }
0x565: {  	[tilespmem:s28], [sflag:$0x2] =	stream.indirect_vreg.gather [hbm4b:s24+s6], $0x80, v8, vm0, $0xb8;
	[tilespmem:$0x1D080] =	vst v63  }
0x566: {  	s8 =	simm.s32 $0x3000  }
0x567: {  	[tilespmem:s8], [sflag:$0x2] =	stream.indirect_vreg.gather [hbm4b:s2+s6], $0x80, v7, vm0, $0xb8;
	[tilespmem:$0x1D080] =	vst v63  }
0x568: {  	s9 =	simm.s32 $0x3800  }
0x569: {  	[tilespmem:s9], [sflag:$0x2] =	stream.indirect_vreg.gather [hbm4b:s25+s6], $0x80, v7, vm0, $0xb8;
	[tilespmem:$0x1D080] =	vst v63  }
0x56a: {  	s10 =	simm.s32 $0x4000  }
0x56b: {  	[tilespmem:s10], [sflag:$0x2] =	stream.indirect_vreg.gather [hbm4b:s26+s6], $0x80, v7, vm0, $0xb8;
	[tilespmem:$0x1D080] =	vst v63  }
0x56c: {  	s13 =	simm.s32 $0x4800  }
0x56d: {  	[tilespmem:s13], [sflag:$0x2] =	stream.indirect_vreg.gather [hbm4b:s24+s6], $0x80, v7, vm0, $0xb8;
	[tilespmem:$0x1D080] =	vst v63  }
0x56e: {  	v7 =	vld [tilespmem:$0xF90];
	_ =	sdelay $0x4  }
0x56f: {  	v8 =	vshll.u32 v7, $0x3  }
0x570: {  	v7 =	vand.u32 $0x7, v7;
	v8 =	vand.u32 $0xFFFFFFC0, v8  }
0x571: {  	v7 =	vor.u32 v7, v8  }
0x572: {  	v8 =	vperm.xlane v7, v4;
	_ =	sdelay $0x1  }
0x573: {  	v8 =	vadd.s32 v5, v8;
	_ =	sdelay $0x3  }
0x574: {  	s14 =	simm.s32 $0x5000  }
0x575: {  	[tilespmem:s14], [sflag:$0x2] =	stream.indirect_vreg.gather [hbm4b:s2+s6], $0x80, v8, vm0, $0xb8;
	[tilespmem:$0x1D080] =	vst v63  }
0x576: {  	s28 =	simm.s32 $0x5800;
	v7 =	vperm.xlane v7, v6  }
0x577: {  	[tilespmem:s28], [sflag:$0x2] =	stream.indirect_vreg.gather [hbm4b:s25+s6], $0x80, v8, vm0, $0xb8;
	[tilespmem:$0x1D080] =	vst v63  }
0x578: {  	s8 =	simm.s32 $0x6000;
	v7 =	vadd.s32 v5, v7  }
0x579: {  	[tilespmem:s8], [sflag:$0x2] =	stream.indirect_vreg.gather [hbm4b:s26+s6], $0x80, v8, vm0, $0xb8;
	[tilespmem:$0x1D080] =	vst v63  }
0x57a: {  	s9 =	simm.s32 $0x6800  }
0x57b: {  	[tilespmem:s9], [sflag:$0x2] =	stream.indirect_vreg.gather [hbm4b:s24+s6], $0x80, v8, vm0, $0xb8;
	[tilespmem:$0x1D080] =	vst v63  }
0x57c: {  	s10 =	simm.s32 $0x7000  }
0x57d: {  	[tilespmem:s10], [sflag:$0x2] =	stream.indirect_vreg.gather [hbm4b:s2+s6], $0x80, v7, vm0, $0xb8;
	[tilespmem:$0x1D080] =	vst v63  }
0x57e: {  	s13 =	simm.s32 $0x7800  }
0x57f: {  	[tilespmem:s13], [sflag:$0x2] =	stream.indirect_vreg.gather [hbm4b:s25+s6], $0x80, v7, vm0, $0xb8;
	[tilespmem:$0x1D080] =	vst v63  }
.Ltmp87:
0x580: {  	_ = 	snop;
	(pc) =	sbr.rel .LBB2_121-.Ltmp87, $4  }
0x581: {  	s14 =	simm.s32 $0x8000  }
0x582: {  	[tilespmem:s14], [sflag:$0x2] =	stream.indirect_vreg.gather [hbm4b:s26+s6], $0x80, v7, vm0, $0xb8;
	[tilespmem:$0x1D080] =	vst v63  }
0x583: {  	p1 =	por $0x1, $0x1;
	s28 =	simm.s32 $0x8800  }
0x584: {  	[tilespmem:s28], [sflag:$0x2] =	stream.indirect_vreg.gather [hbm4b:s24+s6], $0x80, v7, vm0, $0xb8;
	[tilespmem:$0x1D080] =	vst v63  }
.LBB2_120:
0x585: {  	p0 =	sgt.s32 s18, $0x1A0  }
.Ltmp88:
0x586: {  	_ = 	snop;
	(pc) =	sbr.rel @!p0 .LBB2_128-.Ltmp88, $2  }
0x587: {  	_ =	sdelay $0x2  }
0x588: {  	p1 =	por $0x0, $0x0  }
.LBB2_121:
0x589: {  	p0 =	sgt.s32 s18, $0x1BF  }
.Ltmp89:
0x58a: {  	_ = 	snop;
	(pc) =	sbr.rel @p0 .LBB2_126-.Ltmp89, $4  }
0x58b: {  	_ = 	snop  }
0x58c: {  	_ =	swait.ge [sflag:s15], $0x8000  }
0x58d: {  	[sflag:s15] =	ssyncset.done $0x0  }
0x58e: {  	[sflag:s15] =	ssyncadd.s32 $0xFFFF8000  }
0x58f: {  	s7 =	smax.u32 s17, $0x1A0  }
0x590: {  	s7 =	smin.u32 s7, $0x1C0  }
0x591: {  	s8 =	sadd.s32 $0xFFFFFE60, s7  }
.LBB2_123:
0x592: {  	s7 =	sshll.u32 s8, $0xA;
	s9 =	sshll.u32 s8, $0x7  }
0x593: {  	s7 =	sand.u32 $0x7FFFE000, s7;
	s9 =	sand.u32 $0x380, s9  }
0x594: {  	s9 =	sor.u32 s9, s7;
	s7 =	simm.s32 $0x0  }
0x595: {  	s9 =	sadd.s32 $0x9000, s9;
	s10 =	sand.u32 $0x1C00, s7  }
0x596: {  	s13 =	sand.u32 $0x70, s7;
	s14 =	sadd.s32 s10, s9  }
0x597: {  	s10 =	simm.s32 $0x10;
	s13 =	sadd.s32 s13, s14  }
.LBB2_124:
0x598: {  	p0 =	sne.s32 s10, $0x3F0  }
0x599: {  	[tilespmem:s13+$0x0] =	vst v1;
	s7 =	sadd.s32 $0x80, s7;
	s13 =	smov.u32 s10;
	s10 =	sadd.s32 $0x10, s10  }
.Ltmp90:
0x59a: {  	(pc) =	sbr.rel @p0 .LBB2_124-.Ltmp90, $4  }
0x59b: {  	_ = 	snop  }
0x59c: {  	s14 =	sand.u32 $0x1C00, s7  }
0x59d: {  	s13 =	sand.u32 $0x70, s13;
	s14 =	sadd.s32 s14, s9  }
0x59e: {  	s13 =	sadd.s32 s13, s14  }
0x59f: {  	p0 =	slt.u32 s8, $0x1F  }
.Ltmp91:
0x5a0: {  	_ = 	snop;
	(pc) =	sbr.rel @p0 .LBB2_123-.Ltmp91, $3  }
0x5a1: {  	_ =	sdelay $0x1  }
0x5a2: {  	s7 =	sadd.s32 $0x1, s8  }
0x5a3: {  	[tilespmem:s13+$0x0] =	vst v1;
	s8 =	smov.u32 s7  }
.LBB2_126:
.Ltmp92:
0x5a4: {  	(pc) =	sbr.rel @!p2 .LBB2_127-.Ltmp92, $3  }
0x5a5: {  	_ =	sdelay $0x1  }
0x5a6: {  	s7 =	rddreg [dreg:$0x15];
	p4 =	por $0x1, $0x1  }
0x5a7: {  	[hbm4b:s7+s6] =	stream.linear.scatter [tilespmem:s19], [sflag:$0x6], $0x8000, $0x38;
	[tilespmem:$0x1D080] =	vst v63  }
.LBB2_129:
0x5a8: {  	p0 =	sgt.s32 s18, $0x1DF  }
.Ltmp93:
0x5a9: {  	_ = 	snop;
	(pc) =	sbr.rel @p0 .LBB2_134-.Ltmp93, $4  }
0x5aa: {  	s7 =	simm.s32 $0x4  }
0x5ab: {  	_ =	swait.ge [sflag:s7], $0x8000  }
0x5ac: {  	[sflag:s7] =	ssyncset.done $0x0  }
0x5ad: {  	[sflag:s7] =	ssyncadd.s32 $0xFFFF8000  }
0x5ae: {  	s7 =	smax.u32 s17, $0x1C0  }
0x5af: {  	s7 =	smin.u32 s7, $0x1E0  }
0x5b0: {  	s8 =	sadd.s32 $0xFFFFFE40, s7  }
.LBB2_131:
0x5b1: {  	s7 =	sshll.u32 s8, $0xA;
	s9 =	sshll.u32 s8, $0x7  }
0x5b2: {  	s7 =	sand.u32 $0x6000, s7;
	s9 =	sand.u32 $0x380, s9  }
0x5b3: {  	s9 =	sor.u32 s9, s7;
	s7 =	simm.s32 $0x0  }
0x5b4: {  	s9 =	sor.u32 $0x11000, s9;
	s10 =	sand.u32 $0x1C00, s7  }
0x5b5: {  	s13 =	sand.u32 $0x70, s7;
	s14 =	sadd.s32 s10, s9  }
0x5b6: {  	s10 =	simm.s32 $0x10;
	s13 =	sadd.s32 s13, s14  }
.LBB2_132:
0x5b7: {  	p0 =	sne.s32 s10, $0x3F0  }
0x5b8: {  	[tilespmem:s13+$0x0] =	vst v1;
	s7 =	sadd.s32 $0x80, s7;
	s13 =	smov.u32 s10;
	s10 =	sadd.s32 $0x10, s10  }
.Ltmp94:
0x5b9: {  	(pc) =	sbr.rel @p0 .LBB2_132-.Ltmp94, $4  }
0x5ba: {  	_ = 	snop  }
0x5bb: {  	s14 =	sand.u32 $0x1C00, s7  }
0x5bc: {  	s13 =	sand.u32 $0x70, s13;
	s14 =	sadd.s32 s14, s9  }
0x5bd: {  	s13 =	sadd.s32 s13, s14  }
0x5be: {  	p0 =	slt.u32 s8, $0x1F  }
.Ltmp95:
0x5bf: {  	_ = 	snop;
	(pc) =	sbr.rel @p0 .LBB2_131-.Ltmp95, $3  }
0x5c0: {  	_ =	sdelay $0x1  }
0x5c1: {  	s7 =	sadd.s32 $0x1, s8  }
0x5c2: {  	[tilespmem:s13+$0x0] =	vst v1;
	s8 =	smov.u32 s7  }
.LBB2_134:
.Ltmp96:
0x5c3: {  	(pc) =	sbr.rel @!p1 .LBB2_141-.Ltmp96, $4  }
.Ltmp97:
0x5c4: {  	(pc) =	sbr.rel @p1 .LBB2_135-.Ltmp97, $4  }
0x5c5: {  	_ = 	snop  }
0x5c6: {  	s7 =	rddreg [dreg:$0x16];
	p0 =	por $0x0, $0x0;
	p2 =	por $0x1, $0x1  }
0x5c7: {  	[hbm4b:s7+s6] =	stream.linear.scatter [tilespmem:s22], [sflag:$0x7], $0x8000, $0x38;
	[tilespmem:$0x1D080] =	vst v63  }
0x5c8: {  	_ = 	snop  }
.LBB2_128:
.Ltmp98:
0x5c9: {  	(pc) =	sbr.rel @p2 .LBB2_129-.Ltmp98, $2  }
0x5ca: {  	s7 =	sld [smem:$0x7FC];
	_ =	sdelay $0x2  }
0x5cb: {  	p4 =	por $0x0, $0x0;
	p1 =	seq.s32 s7, $0x1  }
.LBB2_127:
.Ltmp99:
0x5cc: {  	(pc) =	sbr.rel @!p1 .LBB2_141-.Ltmp99, $2  }
0x5cd: {  	_ =	sdelay $0x2  }
0x5ce: {  	p2 =	por $0x0, $0x0;
	p0 =	por $0x0, $0x0  }
.LBB2_135:
0x5cf: {  	p0 =	sgt.s32 s18, $0x1FF  }
.Ltmp100:
0x5d0: {  	_ = 	snop;
	(pc) =	sbr.rel @p0 .LBB2_140-.Ltmp100, $4  }
0x5d1: {  	_ = 	snop  }
0x5d2: {  	_ =	swait.ge [sflag:s23], $0x8000  }
0x5d3: {  	[sflag:s23] =	ssyncset.done $0x0  }
0x5d4: {  	[sflag:s23] =	ssyncadd.s32 $0xFFFF8000  }
0x5d5: {  	s7 =	smax.u32 s17, $0x1E0  }
0x5d6: {  	s7 =	smin.u32 s7, $0x200  }
0x5d7: {  	s8 =	sadd.s32 $0xFFFFFE20, s7  }
.LBB2_137:
0x5d8: {  	s7 =	sshll.u32 s8, $0xA;
	s9 =	sshll.u32 s8, $0x7  }
0x5d9: {  	s7 =	sand.u32 $0x7FFFE000, s7;
	s9 =	sand.u32 $0x380, s9  }
0x5da: {  	s9 =	sor.u32 s9, s7;
	s7 =	simm.s32 $0x0  }
0x5db: {  	s9 =	sor.u32 $0x1000, s9;
	s10 =	sand.u32 $0x1C00, s7  }
0x5dc: {  	s13 =	sand.u32 $0x70, s7;
	s14 =	sadd.s32 s10, s9  }
0x5dd: {  	s10 =	simm.s32 $0x10;
	s13 =	sadd.s32 s13, s14  }
.LBB2_138:
0x5de: {  	p0 =	sne.s32 s10, $0x3F0  }
0x5df: {  	[tilespmem:s13+$0x0] =	vst v1;
	s7 =	sadd.s32 $0x80, s7;
	s13 =	smov.u32 s10;
	s10 =	sadd.s32 $0x10, s10  }
.Ltmp101:
0x5e0: {  	(pc) =	sbr.rel @p0 .LBB2_138-.Ltmp101, $4  }
0x5e1: {  	_ = 	snop  }
0x5e2: {  	s14 =	sand.u32 $0x1C00, s7  }
0x5e3: {  	s13 =	sand.u32 $0x70, s13;
	s14 =	sadd.s32 s14, s9  }
0x5e4: {  	s13 =	sadd.s32 s13, s14  }
0x5e5: {  	p0 =	slt.u32 s8, $0x1F  }
.Ltmp102:
0x5e6: {  	_ = 	snop;
	(pc) =	sbr.rel @p0 .LBB2_137-.Ltmp102, $3  }
0x5e7: {  	_ =	sdelay $0x1  }
0x5e8: {  	s7 =	sadd.s32 $0x1, s8  }
0x5e9: {  	[tilespmem:s13+$0x0] =	vst v1;
	s8 =	smov.u32 s7  }
.LBB2_140:
0x5ea: {  	s7 =	rddreg [dreg:$0x17];
	p0 =	por $0x1, $0x1  }
0x5eb: {  	[hbm4b:s7+s6] =	stream.linear.scatter [tilespmem:s21], [sflag:$0x5], $0x8000, $0x38;
	[tilespmem:$0x1D080] =	vst v63  }
.LBB2_141:
0x5ec: {  	p1 =	sgt.s32 s18, $0x60  }
0x5ed: {  	p3 =	seq.s32 @!p1 s16, $0x0  }
0x5ee: {  	p1 =	por p3, p1  }
0x5ef: {  	s7 =	simm.s32 @!p1 $0x5  }
0x5f0: {  	s8 =	sadd.s32 $0xFFFFFFDF, s18;
	_ =	swait.ge @!p1 [sflag:s7], $0x8000  }
0x5f1: {  	p3 =	sgt.u32 s8, $0x5F;
	[sflag:s7] =	ssyncset.done @!p1 $0x0  }
0x5f2: {  	[sflag:s7] =	ssyncadd.s32 @!p1 $0xFFFF8000;
	s7 =	simm.s32 @!p3 $0x6  }
0x5f3: {  	s21 =	sadd.s32 $0xFFFFFFBF, s18;
	_ =	swait.ge @!p3 [sflag:s7], $0x8000  }
0x5f4: {  	p1 =	sgt.u32 s21, $0x5F;
	[sflag:s7] =	ssyncset.done @!p3 $0x0  }
0x5f5: {  	[sflag:s7] =	ssyncadd.s32 @!p3 $0xFFFF8000;
	s7 =	simm.s32 @!p1 $0x7  }
0x5f6: {  	s22 =	sadd.s32 $0xFFFFFF9F, s18;
	_ =	swait.ge @!p1 [sflag:s7], $0x8000  }
0x5f7: {  	p3 =	sgt.u32 s22, $0x5F;
	[sflag:s7] =	ssyncset.done @!p1 $0x0  }
0x5f8: {  	[sflag:s7] =	ssyncadd.s32 @!p1 $0xFFFF8000;
	s7 =	simm.s32 @!p3 $0x5  }
0x5f9: {  	s28 =	sadd.s32 $0xFFFFFF7F, s18;
	_ =	swait.ge @!p3 [sflag:s7], $0x8000  }
0x5fa: {  	p1 =	sgt.u32 s28, $0x5F;
	[sflag:s7] =	ssyncset.done @!p3 $0x0  }
0x5fb: {  	[sflag:s7] =	ssyncadd.s32 @!p3 $0xFFFF8000;
	s7 =	simm.s32 @!p1 $0x6  }
0x5fc: {  	s9 =	sadd.s32 $0xFFFFFF5F, s18;
	_ =	swait.ge @!p1 [sflag:s7], $0x8000  }
0x5fd: {  	p3 =	sgt.u32 s9, $0x5F;
	[sflag:s7] =	ssyncset.done @!p1 $0x0  }
0x5fe: {  	[sflag:s7] =	ssyncadd.s32 @!p1 $0xFFFF8000;
	s7 =	simm.s32 @!p3 $0x7  }
0x5ff: {  	s10 =	sadd.s32 $0xFFFFFF3F, s18;
	_ =	swait.ge @!p3 [sflag:s7], $0x8000  }
0x600: {  	p1 =	sgt.u32 s10, $0x5F;
	[sflag:s7] =	ssyncset.done @!p3 $0x0  }
0x601: {  	[sflag:s7] =	ssyncadd.s32 @!p3 $0xFFFF8000;
	s7 =	simm.s32 @!p1 $0x5  }
0x602: {  	s13 =	sadd.s32 $0xFFFFFF1F, s18;
	_ =	swait.ge @!p1 [sflag:s7], $0x8000  }
0x603: {  	p3 =	sgt.u32 s13, $0x5F;
	[sflag:s7] =	ssyncset.done @!p1 $0x0  }
0x604: {  	[sflag:s7] =	ssyncadd.s32 @!p1 $0xFFFF8000;
	s7 =	simm.s32 @!p3 $0x6  }
0x605: {  	s14 =	sadd.s32 $0xFFFFFEFF, s18;
	_ =	swait.ge @!p3 [sflag:s7], $0x8000  }
0x606: {  	p1 =	sgt.u32 s14, $0x5F;
	[sflag:s7] =	ssyncset.done @!p3 $0x0  }
0x607: {  	[sflag:s7] =	ssyncadd.s32 @!p3 $0xFFFF8000;
	s7 =	simm.s32 @!p1 $0x7  }
0x608: {  	s17 =	sadd.s32 $0xFFFFFEDF, s18;
	_ =	swait.ge @!p1 [sflag:s7], $0x8000  }
0x609: {  	p3 =	sgt.u32 s17, $0x5F;
	[sflag:s7] =	ssyncset.done @!p1 $0x0  }
0x60a: {  	[sflag:s7] =	ssyncadd.s32 @!p1 $0xFFFF8000;
	s7 =	simm.s32 @!p3 $0x5  }
0x60b: {  	s19 =	sadd.s32 $0xFFFFFEBF, s18;
	_ =	swait.ge @!p3 [sflag:s7], $0x8000  }
0x60c: {  	p1 =	sgt.u32 s19, $0x5F;
	[sflag:s7] =	ssyncset.done @!p3 $0x0  }
0x60d: {  	[sflag:s7] =	ssyncadd.s32 @!p3 $0xFFFF8000;
	s7 =	simm.s32 @!p1 $0x6  }
0x60e: {  	s21 =	sadd.s32 $0xFFFFFE9F, s18;
	_ =	swait.ge @!p1 [sflag:s7], $0x8000  }
0x60f: {  	p3 =	sgt.u32 s21, $0x5F;
	[sflag:s7] =	ssyncset.done @!p1 $0x0  }
0x610: {  	[sflag:s7] =	ssyncadd.s32 @!p1 $0xFFFF8000;
	s7 =	simm.s32 @!p3 $0x7  }
0x611: {  	s22 =	sadd.s32 $0xFFFFFE7F, s18;
	_ =	swait.ge @!p3 [sflag:s7], $0x8000  }
0x612: {  	p1 =	sgt.u32 s22, $0x5F;
	[sflag:s7] =	ssyncset.done @!p3 $0x0  }
0x613: {  	[sflag:s7] =	ssyncadd.s32 @!p3 $0xFFFF8000;
	s7 =	simm.s32 @!p1 $0x5  }
0x614: {  	_ =	swait.ge @!p1 [sflag:s7], $0x8000  }
0x615: {  	[sflag:s7] =	ssyncset.done @!p1 $0x0  }
0x616: {  	[sflag:s7] =	ssyncadd.s32 @!p1 $0xFFFF8000;
	s7 =	simm.s32 @p4 $0x6  }
0x617: {  	_ =	swait.ge @p4 [sflag:s7], $0x8000  }
0x618: {  	[sflag:s7] =	ssyncset.done @p4 $0x0  }
0x619: {  	[sflag:s7] =	ssyncadd.s32 @p4 $0xFFFF8000;
	s7 =	simm.s32 @p2 $0x7  }
0x61a: {  	_ =	swait.ge @p2 [sflag:s7], $0x8000  }
0x61b: {  	[sflag:s7] =	ssyncset.done @p2 $0x0  }
0x61c: {  	[sflag:s7] =	ssyncadd.s32 @p2 $0xFFFF8000;
	s7 =	simm.s32 @p0 $0x5  }
0x61d: {  	_ =	swait.ge @p0 [sflag:s7], $0x8000  }
0x61e: {  	s28 =	sld [smem:$0x7FC];
	_ =	sdelay $0x1  }
0x61f: {  	[sflag:s7] =	ssyncset.done @p0 $0x0  }
0x620: {  	[sflag:s7] =	ssyncadd.s32 @p0 $0xFFFF8000;
	p0 =	seq.s32 s28, $0x1  }
.Ltmp103:
0x621: {  	_ = 	snop;
	(pc) =	sbr.rel @p0 .LBB2_145-.Ltmp103, $1  }
0x622: {  	_ =	sdelay $0x3  }
0x623: {  	s7 =	smax.u32 s16, $0x4  }
0x624: {  	s7 =	ssub.s32 s11, s7  }
0x625: {  	s7 =	sadd.s32 $0x1, s7  }
0x626: {  	p0 =	sne.s32 s7, $0x1  }
.Ltmp104:
0x627: {  	_ =	swait.ge [sflag:s12], $0x4000;
	(pc) =	sbr.rel @!p0 .LBB2_144-.Ltmp104, $4  }
0x628: {  	[sflag:s12] =	ssyncset.done $0x0  }
0x629: {  	[sflag:s12] =	ssyncadd.s32 $0xFFFFC000  }
0x62a: {  	_ =	swait.ge [sflag:s12], $0x4000  }
0x62b: {  	s7 =	sadd.s32 $0xFFFFFFFF, s7;
	[sflag:s12] =	ssyncset.done $0x0  }
.LBB2_143:
0x62c: {  	p0 =	sne.s32 s7, $0x1;
	s7 =	sadd.s32 $0xFFFFFFFF, s7;
	[sflag:s12] =	ssyncadd.s32 $0xFFFFC000  }
.Ltmp105:
0x62d: {  	_ =	swait.ge [sflag:s12], $0x4000;
	(pc) =	sbr.rel @p0 .LBB2_143-.Ltmp105, $4  }
0x62e: {  	[sflag:s12] =	ssyncset.done $0x0  }
0x62f: {  	[sflag:s12] =	ssyncadd.s32 $0xFFFFC000  }
0x630: {  	_ =	swait.ge [sflag:s12], $0x4000  }
0x631: {  	[sflag:s12] =	ssyncset.done $0x0  }
.Ltmp106:
0x632: {  	_ = 	snop;
	(pc) =	sbr.rel .LBB2_144-.Ltmp106, $1  }
0x633: {  	_ =	sdelay $0x3  }
.LBB2_146:
0x634: {  	_ =	sfence.sel $0x180000  }
0x635: {  	[bflag:$0x0] =	sbarrier.arrive $0xFFFF  }
0x636: {  	_ =	strace $0x90000047  }
0x637: {  	s0 =	stileid.u32;
	[bflag:$0x2] =	sbarrier.arrive $0xFFFF  }
0x638: {  	p0 =	sne.s32 s0, $0x0;
	s0 =	rddreg [dreg:$0x4]  }
0x639: {  	s0 =	sadd.s32 @!p0 $0x100000, s0  }
0x63a: {  	[sflag:s0] =	ssyncadd.tile.s32 @!p0 $0x1;
	_ =	shalt  }
.Lfunc_end2:
_tile_overlayer_lowered:
.L_overlay_start_2:
0x63b: {  	(tag) =	ssettag $0x2  }
0x63c: {  	s0 =	rddreg [dreg:$0x0];
	s2 =	stileid.u32  }
0x63d: {  	s1 =	rddreg [dreg:$0x1];
	p0 =	sne.s32 s2, $0x0  }
0x63e: {  	s3 =	rddreg [dreg:$0x2];
	[bflag:$0x3] =	sbarrier.arrive $0xFFFF;
	s2 =	simm.s32 @!p0 $0x1C09  }
0x63f: {  	[timem:s3], [sflag:s2] =	dma.local @!p0 [hbm:s0], s1  }
0x640: {  	s0 =	simm.s32 @!p0 $0x9  }
0x641: {  	_ =	swait.ge @!p0 [sflag:s0], s1  }
0x642: {  	s1 =	ssub.s32 @!p0 $0x0, s1;
	[sflag:s0] =	ssyncset.done @!p0 $0x0  }
0x643: {  	[sflag:s0] =	ssyncadd.s32 @!p0 s1  }
0x644: {  	[bflag:$0x3] =	sbarrier.arrive $0xFFFF  }
0x645: {  	_ =	shalt  }

</sc_bundles>
